<compile_context>
chip_gen: v7x
topology: tpu7x:2x2x1
jax: 0.10.2.dev20260603
libtpu: 0.0.44.dev20260713+nightly
codegen_flags: <defaults>
</compile_context>

<pallas_src>
import functools

import jax
import jax.numpy as jnp
from jax import lax
from jax.experimental import pallas as pl
from jax.experimental.pallas import tpu as pltpu
from jax.experimental.pallas import tpu_sc as plsc

_N = 10000
_E = 320000
_F = 128
_H = 128
_C = 10
_G = 128

_NC = 2
_NS = 16
_CH = 128
_ROWS = _E // _CH
_CPT = 80
_CPL = _ROWS - 31 * _CPT
_NRT = 632
_NRL = _N - 15 * _NRT

_HF = 64
_RB = 1000
_NB = _N // _RB


def _copy_node_rows(s, src_at, dst_at):
    @pl.when(s < _NS - 1)
    def _():
        pltpu.sync_copy(src_at(s * _NRT, _NRT), dst_at(s * _NRT, _NRT))

    @pl.when(s == _NS - 1)
    def _():
        pltpu.sync_copy(src_at(15 * _NRT, _NRL), dst_at(15 * _NRT, _NRL))


def _load_chunk_rows(hbm_rows, vmem_rows, wid):
    @pl.when(wid < _NC * _NS - 1)
    def _():
        pltpu.sync_copy(hbm_rows.at[pl.ds(wid * _CPT, _CPT)], vmem_rows)

    @pl.when(wid == _NC * _NS - 1)
    def _():
        pltpu.sync_copy(hbm_rows.at[pl.ds(31 * _CPT, _CPL)],
                        vmem_rows.at[pl.ds(0, _CPL)])


def _deg_part_body(dst_rows, zeros16, ones16, out, didx, ones_v, acc):
    c = lax.axis_index("c")
    s = lax.axis_index("s")
    wid = c * _NS + s
    nch = jnp.where(wid == _NC * _NS - 1, _CPL, _CPT)
    _copy_node_rows(s, lambda o, n: zeros16.at[pl.ds(o, n)],
                    lambda o, n: acc.at[pl.ds(o, n)])
    pltpu.sync_copy(ones16, ones_v)
    _load_chunk_rows(dst_rows, didx, wid)
    plsc.subcore_barrier()

    def body(j, carry):
        pltpu.sync_copy(ones_v, acc.at[didx.at[j]], add=True)
        return carry

    lax.fori_loop(0, nch, body, 0)
    plsc.subcore_barrier()
    _copy_node_rows(s, lambda o, n: acc.at[pl.ds(o, n)],
                    lambda o, n: out.at[c, pl.ds(o, n)])


def _prop_body(hs_lo, hs_hi, src_rows, dst_rows, zerosHf, out_lo, out_hi,
               sidx, didx, bufa, bufb, sema, semb, ssa, ssb, acc):
    c = lax.axis_index("c")
    s = lax.axis_index("s")
    wid = c * _NS + s
    nch = jnp.where(wid == _NC * _NS - 1, _CPL, _CPT)

    _load_chunk_rows(src_rows, sidx, wid)
    _load_chunk_rows(dst_rows, didx, wid)

    for hs, out in ((hs_lo, out_lo), (hs_hi, out_hi)):
        @pl.when(c == 0)
        def _():
            _copy_node_rows(s, lambda o, n: hs.at[pl.ds(o, n)],
                            lambda o, n: acc.at[pl.ds(o, n)])

        @pl.when(c == 1)
        def _():
            _copy_node_rows(s, lambda o, n: zerosHf.at[pl.ds(o, n)],
                            lambda o, n: acc.at[pl.ds(o, n)])

        plsc.subcore_barrier()

        pltpu.async_copy(hs.at[sidx.at[0]], bufa, sema)
        pltpu.async_copy(hs.at[sidx.at[1]], bufb, semb)

        def body(i, carry):
            j = 2 * i
            pltpu.make_async_copy(hs.at[sidx.at[j]], bufa, sema).wait()
            pltpu.async_copy(bufa, acc.at[didx.at[j]], ssa, add=True)
            pltpu.make_async_copy(hs.at[sidx.at[j + 1]], bufb, semb).wait()
            pltpu.async_copy(bufb, acc.at[didx.at[j + 1]], ssb, add=True)
            ja = jnp.minimum(j + 2, nch - 1)
            jb = jnp.minimum(j + 3, nch - 1)
            pltpu.make_async_copy(bufa, acc.at[didx.at[j]], ssa).wait()
            pltpu.async_copy(hs.at[sidx.at[ja]], bufa, sema)
            pltpu.make_async_copy(bufb, acc.at[didx.at[j + 1]], ssb).wait()
            pltpu.async_copy(hs.at[sidx.at[jb]], bufb, semb)
            return carry

        lax.fori_loop(0, nch // 2, body, 0)
        pltpu.make_async_copy(hs.at[sidx.at[0]], bufa, sema).wait()
        pltpu.make_async_copy(hs.at[sidx.at[0]], bufb, semb).wait()
        plsc.subcore_barrier()
        _copy_node_rows(s, lambda o, n: acc.at[pl.ds(o, n)],
                        lambda o, n: out.at[c, pl.ds(o, n)])


@functools.cache
def _sc_kernels():
    mesh = plsc.VectorSubcoreMesh(core_axis_name="c", subcore_axis_name="s",
                                  num_cores=_NC, num_subcores=_NS)
    deg_part = pl.kernel(
        _deg_part_body,
        compiler_params=pltpu.CompilerParams(use_tc_tiling_on_sc=False),
        out_type=jax.ShapeDtypeStruct((_NC, _N, 16), jnp.float32),
        mesh=mesh,
        scratch_types=[
            pltpu.VMEM((_CPT, _CH), jnp.int32),
            pltpu.VMEM((_CH, 16), jnp.float32),
            pltpu.VMEM_SHARED((_N, 16), jnp.float32),
        ],
    )
    prop = pl.kernel(
        _prop_body,
        compiler_params=pltpu.CompilerParams(use_tc_tiling_on_sc=False),
        out_type=[jax.ShapeDtypeStruct((_NC, _N, _HF), jnp.float32),
                  jax.ShapeDtypeStruct((_NC, _N, _HF), jnp.float32)],
        mesh=mesh,
        scratch_types=[
            pltpu.VMEM((_CPT, _CH), jnp.int32),
            pltpu.VMEM((_CPT, _CH), jnp.int32),
            pltpu.VMEM((_CH, _HF), jnp.float32),
            pltpu.VMEM((_CH, _HF), jnp.float32),
            pltpu.SemaphoreType.DMA,
            pltpu.SemaphoreType.DMA,
            pltpu.SemaphoreType.DMA,
            pltpu.SemaphoreType.DMA,
            pltpu.VMEM_SHARED((_N, _HF), jnp.float32),
        ],
    )
    return deg_part, prop



def _dinv_from_parts(dp_ref):
    dp = dp_ref[0] + dp_ref[1]
    deg = jnp.sum(dp, axis=1, keepdims=True) * (1.0 / 16.0) + 1.0
    return lax.rsqrt(deg)


def _k1_body(x_ref, w_ref, dp_ref, lo_ref, hi_ref):
    dinv = _dinv_from_parts(dp_ref)
    hs = jnp.dot(x_ref[...], w_ref[...],
                 preferred_element_type=jnp.float32) * dinv
    lo_ref[...] = hs[:, :_HF]
    hi_ref[...] = hs[:, _HF:]


def _u_from_parts(plo_ref, phi_ref, dinv):
    return jnp.concatenate(
        [plo_ref[0] + plo_ref[1], phi_ref[0] + phi_ref[1]], axis=-1) * dinv


def _k3a_body(plo_ref, phi_ref, dp_ref, b1_ref, g_ref, beta_ref, out_ref):
    i = pl.program_id(0)
    dinv = _dinv_from_parts(dp_ref)
    u = _u_from_parts(plo_ref, phi_ref, dinv) + b1_ref[...]

    @pl.when(i == 0)
    def _():
        out_ref[...] = jnp.zeros_like(out_ref)

    out_ref[0:1, :] += jnp.sum(u, axis=0, keepdims=True)
    out_ref[1:2, :] += jnp.sum(u * u, axis=0, keepdims=True)

    @pl.when(i == _NB - 1)
    def _():
        mu = out_ref[0:1, :] * (1.0 / _N)
        var = out_ref[1:2, :] * (1.0 / _N) - mu * mu
        scale = g_ref[...] * lax.rsqrt(var + 1e-5)
        shift = beta_ref[...] - mu * scale
        out_ref[0:1, :] = scale
        out_ref[1:2, :] = shift


def _k3b_body(plo_ref, phi_ref, dp_ref, b1_ref, ss_ref, w2_ref,
              lo_ref, hi_ref):
    dinv = _dinv_from_parts(dp_ref)
    u = _u_from_parts(plo_ref, phi_ref, dinv) + b1_ref[...]
    v = jnp.maximum(u * ss_ref[0:1, :] + ss_ref[1:2, :], 0.0)
    hs2 = jnp.dot(v, w2_ref[...],
                  preferred_element_type=jnp.float32) * dinv
    lo_ref[...] = hs2[:, :_HF]
    hi_ref[...] = hs2[:, _HF:]


def _k5_body(plo_ref, phi_ref, dp_ref, b2_ref, bat_ref, wc_ref, bc_ref,
             out_ref, g_ref, gacc, cacc):
    i = pl.program_id(0)
    dinv = _dinv_from_parts(dp_ref)
    u2 = _u_from_parts(plo_ref, phi_ref, dinv) + b2_ref[...]
    bid = bat_ref[0]
    iota = lax.broadcasted_iota(jnp.int32, (_G, _RB), 0).astype(jnp.float32)
    oh = jnp.where(iota == bid, 1.0, 0.0)

    @pl.when(i == 0)
    def _():
        gacc[...] = jnp.zeros_like(gacc)
        cacc[...] = jnp.zeros_like(cacc)

    gacc[...] += jnp.dot(oh, u2, preferred_element_type=jnp.float32)
    cacc[...] = cacc[...] + jnp.sum(oh, axis=1, keepdims=True)

    @pl.when(i == _NB - 1)
    def _():
        gg = gacc[...] / jnp.maximum(cacc[...], 1.0)
        g_ref[...] = gg
        logits = jnp.dot(gg, wc_ref[...],
                         preferred_element_type=jnp.float32) + bc_ref[...]
        m = jnp.max(logits, axis=1, keepdims=True)
        lse = jnp.log(jnp.sum(jnp.exp(logits - m), axis=1, keepdims=True)) + m
        out_ref[...] = logits - lse


def _rows(i):
    return (i, 0)


def _rows3(i):
    return (0, i, 0)


def _const2(i):
    return (0, 0)


def kernel(x, edge_index, batch, W1, b1, gamma1, beta1, W2, b2, Wc, bc):
    f32 = jnp.float32
    src_rows = edge_index[0].reshape(_ROWS, _CH)
    dst_rows = edge_index[1].reshape(_ROWS, _CH)
    zeros16 = jnp.zeros((_N, 16), f32)
    zerosHf = jnp.zeros((_N, _HF), f32)
    ones16 = jnp.ones((_CH, 16), f32)
    batch_f = batch.astype(f32).reshape(_NB, 1, _RB)
    b1r = b1.reshape(1, _H)
    g1r = gamma1.reshape(1, _H)
    be1r = beta1.reshape(1, _H)
    b2r = b2.reshape(1, _H)
    bcr = bc.reshape(1, _C)

    deg_part, prop = _sc_kernels()
    degp = deg_part(dst_rows, zeros16, ones16)

    hs1 = pl.pallas_call(
        _k1_body,
        grid=(_NB,),
        in_specs=[pl.BlockSpec((_RB, _F), _rows),
                  pl.BlockSpec((_F, _H), _const2),
                  pl.BlockSpec((_NC, _RB, 16), _rows3)],
        out_specs=[pl.BlockSpec((_RB, _HF), _rows),
                   pl.BlockSpec((_RB, _HF), _rows)],
        out_shape=[jax.ShapeDtypeStruct((_N, _HF), f32),
                   jax.ShapeDtypeStruct((_N, _HF), f32)],
    )(x, W1, degp)

    p1lo, p1hi = prop(hs1[0], hs1[1], src_rows, dst_rows, zerosHf)

    ss = pl.pallas_call(
        _k3a_body,
        grid=(_NB,),
        in_specs=[pl.BlockSpec((_NC, _RB, _HF), _rows3),
                  pl.BlockSpec((_NC, _RB, _HF), _rows3),
                  pl.BlockSpec((_NC, _RB, 16), _rows3),
                  pl.BlockSpec((1, _H), _const2),
                  pl.BlockSpec((1, _H), _const2),
                  pl.BlockSpec((1, _H), _const2)],
        out_specs=pl.BlockSpec((2, _H), _const2),
        out_shape=jax.ShapeDtypeStruct((2, _H), f32),
    )(p1lo, p1hi, degp, b1r, g1r, be1r)

    hs2 = pl.pallas_call(
        _k3b_body,
        grid=(_NB,),
        in_specs=[pl.BlockSpec((_NC, _RB, _HF), _rows3),
                  pl.BlockSpec((_NC, _RB, _HF), _rows3),
                  pl.BlockSpec((_NC, _RB, 16), _rows3),
                  pl.BlockSpec((1, _H), _const2),
                  pl.BlockSpec((2, _H), _const2),
                  pl.BlockSpec((_H, _H), _const2)],
        out_specs=[pl.BlockSpec((_RB, _HF), _rows),
                   pl.BlockSpec((_RB, _HF), _rows)],
        out_shape=[jax.ShapeDtypeStruct((_N, _HF), f32),
                   jax.ShapeDtypeStruct((_N, _HF), f32)],
    )(p1lo, p1hi, degp, b1r, ss, W2)

    p2lo, p2hi = prop(hs2[0], hs2[1], src_rows, dst_rows, zerosHf)

    out, g = pl.pallas_call(
        _k5_body,
        grid=(_NB,),
        in_specs=[pl.BlockSpec((_NC, _RB, _HF), _rows3),
                  pl.BlockSpec((_NC, _RB, _HF), _rows3),
                  pl.BlockSpec((_NC, _RB, 16), _rows3),
                  pl.BlockSpec((1, _H), _const2),
                  pl.BlockSpec((1, 1, _RB), lambda i: (i, 0, 0)),
                  pl.BlockSpec((_H, _C), _const2),
                  pl.BlockSpec((1, _C), _const2)],
        out_specs=[pl.BlockSpec((_G, _C), _const2),
                   pl.BlockSpec((_G, _H), _const2)],
        out_shape=[jax.ShapeDtypeStruct((_G, _C), f32),
                   jax.ShapeDtypeStruct((_G, _H), f32)],
        scratch_shapes=[pltpu.VMEM((_G, _H), f32),
                        pltpu.VMEM((_G, _H), f32)],
    )(p2lo, p2hi, degp, b2r, batch_f, Wc, bcr)

    return (out, g)

# --- scband reference (transcript-rebuilt; emitter-appended) ---
"""Pipeline reference for scband-pure-net-3058016714895 (READ-ONLY COPY).

The authoritative reference and input builder live on the scoring server;
editing this copy changes nothing except your own understanding.
"""

import jax, jax.numpy as jnp
import numpy as np

N = 10000
E = 320000
F = 128
H = 128
C = 10
G = 128


def _gcn_conv(x, src, dst, W, b, n_nodes):
    h = x @ W
    loop = jnp.arange(n_nodes, dtype=src.dtype)
    s = jnp.concatenate([src, loop])
    d = jnp.concatenate([dst, loop])
    deg = jnp.zeros((n_nodes,), jnp.float32).at[d].add(1.0)
    dinv = jnp.where(deg > 0, jax.lax.rsqrt(jnp.maximum(deg, 1e-12)), 0.0)
    norm = dinv[s] * dinv[d]
    msg = h[s] * norm[:, None]
    out = jnp.zeros((n_nodes, h.shape[1]), jnp.float32).at[d].add(msg)
    return out + b


def setup_inputs(seed: int = 0):
    key = jax.random.key(seed)
    ks = jax.random.split(key, 8)
    x = jax.random.normal(ks[0], (N, F), jnp.float32)
    edge_index = jax.random.randint(ks[1], (2, E), 0, N, jnp.int32)
    batch = jnp.sort(jax.random.randint(ks[2], (N,), 0, G, jnp.int32))
    W1 = jax.random.normal(ks[3], (F, H), jnp.float32) * (1.0 / np.sqrt(F))
    b1 = jnp.zeros((H,), jnp.float32)
    gamma1 = jnp.ones((H,), jnp.float32)
    beta1 = jnp.zeros((H,), jnp.float32)
    W2 = jax.random.normal(ks[4], (H, H), jnp.float32) * (1.0 / np.sqrt(H))
    b2 = jnp.zeros((H,), jnp.float32)
    Wc = jax.random.normal(ks[5], (H, C), jnp.float32) * (1.0 / np.sqrt(H))
    bc = jnp.zeros((C,), jnp.float32)
    return {"x": x, "edge_index": edge_index, "batch": batch, "W1": W1, "b1": b1,
            "gamma1": gamma1, "beta1": beta1, "W2": W2, "b2": b2, "Wc": Wc, "bc": bc}


def reference(x, edge_index, batch, W1, b1, gamma1, beta1, W2, b2, Wc, bc):
    src = edge_index[0]
    dst = edge_index[1]
    # GCN layer 1
    h = _gcn_conv(x, src, dst, W1, b1, N)
    # BatchNorm (training-style batch stats) + ReLU; dropout is identity in eval
    mu = jnp.mean(h, axis=0)
    var = jnp.var(h, axis=0)
    h = (h - mu) * jax.lax.rsqrt(var + 1e-5) * gamma1 + beta1
    h = jax.nn.relu(h)
    # GCN layer 2 (output layer of the backbone, no activation)
    h = _gcn_conv(h, src, dst, W2, b2, N)
    # global mean pool over graphs
    g = jax.ops.segment_sum(h, batch, num_segments=G)
    cnt = jax.ops.segment_sum(jnp.ones((N,), jnp.float32), batch, num_segments=G)
    g = g / jnp.clip(cnt, 1.0)[:, None]
    logits = g @ Wc + bc
    out = jax.nn.log_softmax(logits, axis=1)
    return (out, g)

if __name__ == "__main__":
    import jax
    _d = setup_inputs()
    print(jax.jit(kernel)(*tuple(_d.values())))

</pallas_src>

<mosaic_0001>
#map = affine_map<(d0, d1) -> (0, 0)>
#map1 = affine_map<(d0, d1) -> (0, 0, 0)>
module attributes {stable_mosaic.version = 14 : i64} {
  func.func @_deg_part_body(%arg0: i32, %arg1: i32, %arg2: memref<2500x128xi32, #tpu.memory_space<hbm>>, %arg3: memref<10000x16xf32, #tpu.memory_space<hbm>>, %arg4: memref<128x16xf32, #tpu.memory_space<hbm>>, %arg5: memref<2x10000x16xf32, #tpu.memory_space<hbm>>, %arg6: memref<80x128xi32, #tpu.memory_space<vmem>>, %arg7: memref<128x16xf32, #tpu.memory_space<vmem>>, %arg8: memref<10000x16xf32, #tpu.memory_space<vmem_shared>>) attributes {dimension_semantics = [#tpu.dimension_semantics<core_parallel>, #tpu.dimension_semantics<subcore_parallel>], iteration_bounds = array<i64: 2, 16>, scalar_prefetch = 0 : i64, scratch_operands = 3 : i64, tpu.core_type = #tpu.core_type<sc_vector_subcore>, window_params = [{transform_indices = #map}, {transform_indices = #map}, {transform_indices = #map}, {transform_indices = #map1}]} {
    %mul3A = arith.constant 16 : i32
    %mul3A_0 = arith.muli %arg0, %mul3A : i32
    %add3A = arith.addi %mul3A_0, %arg1 : i32
    %eq3A = arith.constant 31 : i32
    %eq3A_1 = arith.cmpi eq, %add3A, %eq3A : i32
    %jit3A = arith.constant 20 : i32
    %jit3A_2 = arith.constant 80 : i32
    %select_n3A = arith.select %eq3A_1, %jit3A, %jit3A_2 : i32
    %lt3A = arith.constant 15 : i32
    %lt3A_3 = arith.cmpi slt, %arg1, %lt3A : i32
    %convert_element_type3A = arith.extui %lt3A_3 : i1 to i32
    %cond3A = arith.constant 0 : i32
    %cond3A_4 = arith.cmpi ne, %convert_element_type3A, %cond3A : i32
    scf.if %cond3A_4 {
      %mul3A_40 = arith.constant 632 : i32
      %mul3A_41 = arith.muli %arg1, %mul3A_40 : i32
      %mul3A_42 = arith.constant 632 : i32
      %mul3A_43 = arith.muli %arg1, %mul3A_42 : i32
      "tpu.region"() ({
        %run_scoped3A = tpu.sem_alloc : memref<!tpu.dma_semaphore, #tpu.memory_space<semaphore_mem>>
        %dma_start3A = arith.constant 0 : i32
        %dma_start3A_44 = tpu.memref_slice %arg8[%mul3A_43, %dma_start3A] : memref<10000x16xf32, #tpu.memory_space<vmem_shared>> -> memref<632x16xf32, #tpu.memory_space<vmem_shared>>
        %dma_start3A_45 = arith.constant 0 : i32
        %dma_start3A_46 = tpu.memref_slice %arg3[%mul3A_41, %dma_start3A_45] : memref<10000x16xf32, #tpu.memory_space<hbm>> -> memref<632x16xf32, #tpu.memory_space<hbm>>
        tpu.enqueue_dma source(%dma_start3A_46 : memref<632x16xf32, #tpu.memory_space<hbm>>) target(%dma_start3A_44 : memref<632x16xf32, #tpu.memory_space<vmem_shared>>) target_semaphore(%run_scoped3A : memref<!tpu.dma_semaphore, #tpu.memory_space<semaphore_mem>>)
        %dma_wait3A = arith.constant 0 : i32
        %dma_wait3A_47 = tpu.memref_slice %arg8[%mul3A_43, %dma_wait3A] : memref<10000x16xf32, #tpu.memory_space<vmem_shared>> -> memref<632x16xf32, #tpu.memory_space<vmem_shared>>
        %dma_wait3A_48 = arith.constant 0 : i32
        %dma_wait3A_49 = tpu.memref_slice %arg3[%mul3A_41, %dma_wait3A_48] : memref<10000x16xf32, #tpu.memory_space<hbm>> -> memref<632x16xf32, #tpu.memory_space<hbm>>
        tpu.wait_dma2 semaphore(%run_scoped3A : memref<!tpu.dma_semaphore, #tpu.memory_space<semaphore_mem>>) src(%dma_wait3A_49 : memref<632x16xf32, #tpu.memory_space<hbm>>) dst(%dma_wait3A_47 : memref<632x16xf32, #tpu.memory_space<vmem_shared>>)
        tpu.yield
      }) : () -> ()
    } else {
    }
    %eq3A_5 = arith.constant 15 : i32
    %eq3A_6 = arith.cmpi eq, %arg1, %eq3A_5 : i32
    %convert_element_type3A_7 = arith.extui %eq3A_6 : i1 to i32
    %cond3A_8 = arith.constant 0 : i32
    %cond3A_9 = arith.cmpi ne, %convert_element_type3A_7, %cond3A_8 : i32
    scf.if %cond3A_9 {
      "tpu.region"() ({
        %run_scoped3A = tpu.sem_alloc : memref<!tpu.dma_semaphore, #tpu.memory_space<semaphore_mem>>
        %dma_start3A = arith.constant 9480 : i32
        %dma_start3A_40 = arith.constant 0 : i32
        %dma_start3A_41 = tpu.memref_slice %arg8[%dma_start3A, %dma_start3A_40] : memref<10000x16xf32, #tpu.memory_space<vmem_shared>> -> memref<520x16xf32, #tpu.memory_space<vmem_shared>>
        %dma_start3A_42 = arith.constant 9480 : i32
        %dma_start3A_43 = arith.constant 0 : i32
        %dma_start3A_44 = tpu.memref_slice %arg3[%dma_start3A_42, %dma_start3A_43] : memref<10000x16xf32, #tpu.memory_space<hbm>> -> memref<520x16xf32, #tpu.memory_space<hbm>>
        tpu.enqueue_dma source(%dma_start3A_44 : memref<520x16xf32, #tpu.memory_space<hbm>>) target(%dma_start3A_41 : memref<520x16xf32, #tpu.memory_space<vmem_shared>>) target_semaphore(%run_scoped3A : memref<!tpu.dma_semaphore, #tpu.memory_space<semaphore_mem>>)
        %dma_wait3A = arith.constant 9480 : i32
        %dma_wait3A_45 = arith.constant 0 : i32
        %dma_wait3A_46 = tpu.memref_slice %arg8[%dma_wait3A, %dma_wait3A_45] : memref<10000x16xf32, #tpu.memory_space<vmem_shared>> -> memref<520x16xf32, #tpu.memory_space<vmem_shared>>
        %dma_wait3A_47 = arith.constant 9480 : i32
        %dma_wait3A_48 = arith.constant 0 : i32
        %dma_wait3A_49 = tpu.memref_slice %arg3[%dma_wait3A_47, %dma_wait3A_48] : memref<10000x16xf32, #tpu.memory_space<hbm>> -> memref<520x16xf32, #tpu.memory_space<hbm>>
        tpu.wait_dma2 semaphore(%run_scoped3A : memref<!tpu.dma_semaphore, #tpu.memory_space<semaphore_mem>>) src(%dma_wait3A_49 : memref<520x16xf32, #tpu.memory_space<hbm>>) dst(%dma_wait3A_46 : memref<520x16xf32, #tpu.memory_space<vmem_shared>>)
        tpu.yield
      }) : () -> ()
    } else {
    }
    "tpu.region"() ({
      %run_scoped3A = tpu.sem_alloc : memref<!tpu.dma_semaphore, #tpu.memory_space<semaphore_mem>>
      tpu.enqueue_dma source(%arg4 : memref<128x16xf32, #tpu.memory_space<hbm>>) target(%arg7 : memref<128x16xf32, #tpu.memory_space<vmem>>) target_semaphore(%run_scoped3A : memref<!tpu.dma_semaphore, #tpu.memory_space<semaphore_mem>>)
      tpu.wait_dma2 semaphore(%run_scoped3A : memref<!tpu.dma_semaphore, #tpu.memory_space<semaphore_mem>>) src(%arg4 : memref<128x16xf32, #tpu.memory_space<hbm>>) dst(%arg7 : memref<128x16xf32, #tpu.memory_space<vmem>>)
      tpu.yield
    }) : () -> ()
    %lt3A_10 = arith.constant 31 : i32
    %lt3A_11 = arith.cmpi slt, %add3A, %lt3A_10 : i32
    %convert_element_type3A_12 = arith.extui %lt3A_11 : i1 to i32
    %cond3A_13 = arith.constant 0 : i32
    %cond3A_14 = arith.cmpi ne, %convert_element_type3A_12, %cond3A_13 : i32
    scf.if %cond3A_14 {
      %mul3A_40 = arith.constant 80 : i32
      %mul3A_41 = arith.muli %add3A, %mul3A_40 : i32
      "tpu.region"() ({
        %run_scoped3A = tpu.sem_alloc : memref<!tpu.dma_semaphore, #tpu.memory_space<semaphore_mem>>
        %dma_start3A = arith.constant 0 : i32
        %dma_start3A_42 = tpu.memref_slice %arg2[%mul3A_41, %dma_start3A] : memref<2500x128xi32, #tpu.memory_space<hbm>> -> memref<80x128xi32, #tpu.memory_space<hbm>>
        %dma_start3A_43 = arith.constant 0 : i32
        %dma_start3A_44 = tpu.memref_slice %arg2[%mul3A_41, %dma_start3A_43] : memref<2500x128xi32, #tpu.memory_space<hbm>> -> memref<80x128xi32, #tpu.memory_space<hbm>>
        tpu.enqueue_dma source(%dma_start3A_44 : memref<80x128xi32, #tpu.memory_space<hbm>>) target(%arg6 : memref<80x128xi32, #tpu.memory_space<vmem>>) target_semaphore(%run_scoped3A : memref<!tpu.dma_semaphore, #tpu.memory_space<semaphore_mem>>)
        %dma_wait3A = arith.constant 0 : i32
        %dma_wait3A_45 = tpu.memref_slice %arg2[%mul3A_41, %dma_wait3A] : memref<2500x128xi32, #tpu.memory_space<hbm>> -> memref<80x128xi32, #tpu.memory_space<hbm>>
        %dma_wait3A_46 = arith.constant 0 : i32
        %dma_wait3A_47 = tpu.memref_slice %arg2[%mul3A_41, %dma_wait3A_46] : memref<2500x128xi32, #tpu.memory_space<hbm>> -> memref<80x128xi32, #tpu.memory_space<hbm>>
        tpu.wait_dma2 semaphore(%run_scoped3A : memref<!tpu.dma_semaphore, #tpu.memory_space<semaphore_mem>>) src(%dma_wait3A_47 : memref<80x128xi32, #tpu.memory_space<hbm>>) dst(%arg6 : memref<80x128xi32, #tpu.memory_space<vmem>>)
        tpu.yield
      }) : () -> ()
    } else {
    }
    %eq3A_15 = arith.constant 31 : i32
    %eq3A_16 = arith.cmpi eq, %add3A, %eq3A_15 : i32
    %convert_element_type3A_17 = arith.extui %eq3A_16 : i1 to i32
    %cond3A_18 = arith.constant 0 : i32
    %cond3A_19 = arith.cmpi ne, %convert_element_type3A_17, %cond3A_18 : i32
    scf.if %cond3A_19 {
      "tpu.region"() ({
        %run_scoped3A = tpu.sem_alloc : memref<!tpu.dma_semaphore, #tpu.memory_space<semaphore_mem>>
        %dma_start3A = arith.constant 0 : i32
        %dma_start3A_40 = arith.constant 0 : i32
        %dma_start3A_41 = tpu.memref_slice %arg6[%dma_start3A, %dma_start3A_40] : memref<80x128xi32, #tpu.memory_space<vmem>> -> memref<20x128xi32, #tpu.memory_space<vmem>>
        %dma_start3A_42 = arith.constant 2480 : i32
        %dma_start3A_43 = arith.constant 0 : i32
        %dma_start3A_44 = tpu.memref_slice %arg2[%dma_start3A_42, %dma_start3A_43] : memref<2500x128xi32, #tpu.memory_space<hbm>> -> memref<20x128xi32, #tpu.memory_space<hbm>>
        %dma_start3A_45 = arith.constant 0 : i32
        %dma_start3A_46 = arith.constant 0 : i32
        %dma_start3A_47 = tpu.memref_slice %arg6[%dma_start3A_45, %dma_start3A_46] : memref<80x128xi32, #tpu.memory_space<vmem>> -> memref<20x128xi32, #tpu.memory_space<vmem>>
        %dma_start3A_48 = arith.constant 2480 : i32
        %dma_start3A_49 = arith.constant 0 : i32
        %dma_start3A_50 = tpu.memref_slice %arg2[%dma_start3A_48, %dma_start3A_49] : memref<2500x128xi32, #tpu.memory_space<hbm>> -> memref<20x128xi32, #tpu.memory_space<hbm>>
        tpu.enqueue_dma source(%dma_start3A_50 : memref<20x128xi32, #tpu.memory_space<hbm>>) target(%dma_start3A_47 : memref<20x128xi32, #tpu.memory_space<vmem>>) target_semaphore(%run_scoped3A : memref<!tpu.dma_semaphore, #tpu.memory_space<semaphore_mem>>)
        %dma_wait3A = arith.constant 0 : i32
        %dma_wait3A_51 = arith.constant 0 : i32
        %dma_wait3A_52 = tpu.memref_slice %arg6[%dma_wait3A, %dma_wait3A_51] : memref<80x128xi32, #tpu.memory_space<vmem>> -> memref<20x128xi32, #tpu.memory_space<vmem>>
        %dma_wait3A_53 = arith.constant 2480 : i32
        %dma_wait3A_54 = arith.constant 0 : i32
        %dma_wait3A_55 = tpu.memref_slice %arg2[%dma_wait3A_53, %dma_wait3A_54] : memref<2500x128xi32, #tpu.memory_space<hbm>> -> memref<20x128xi32, #tpu.memory_space<hbm>>
        %dma_wait3A_56 = arith.constant 0 : i32
        %dma_wait3A_57 = arith.constant 0 : i32
        %dma_wait3A_58 = tpu.memref_slice %arg6[%dma_wait3A_56, %dma_wait3A_57] : memref<80x128xi32, #tpu.memory_space<vmem>> -> memref<20x128xi32, #tpu.memory_space<vmem>>
        %dma_wait3A_59 = arith.constant 2480 : i32
        %dma_wait3A_60 = arith.constant 0 : i32
        %dma_wait3A_61 = tpu.memref_slice %arg2[%dma_wait3A_59, %dma_wait3A_60] : memref<2500x128xi32, #tpu.memory_space<hbm>> -> memref<20x128xi32, #tpu.memory_space<hbm>>
        tpu.wait_dma2 semaphore(%run_scoped3A : memref<!tpu.dma_semaphore, #tpu.memory_space<semaphore_mem>>) src(%dma_wait3A_61 : memref<20x128xi32, #tpu.memory_space<hbm>>) dst(%dma_wait3A_58 : memref<20x128xi32, #tpu.memory_space<vmem>>)
        tpu.yield
      }) : () -> ()
    } else {
    }
    %barrier3A = arith.constant 0 : index
    tpu.barrier barrier_id(%barrier3A)
    %while3A = arith.constant 0 : i32
    %while3A_20 = arith.constant 0 : i32
    %while3A_21 = arith.subi %select_n3A, %while3A_20 : i32
    %while3A_22 = arith.addi %while3A_20, %while3A_21 : i32
    %while3A_23 = arith.constant 1 : i32
    %while3A_24 = arith.divsi %while3A_21, %while3A_23 : i32
    %while3A_25 = arith.muli %while3A_24, %while3A_23 : i32
    %while3A_26 = arith.addi %while3A_20, %while3A_25 : i32
    %while3A_27 = arith.constant 1 : i32
    scf.for %while3A_40 = %while3A_20 to %while3A_26 step %while3A_27  : i32 {
      "tpu.region"() ({
        %run_scoped3A = tpu.sem_alloc : memref<!tpu.dma_semaphore, #tpu.memory_space<semaphore_mem>>
        %dma_start3A = arith.constant 0 : i32
        %dma_start3A_41 = tpu.memref_slice %arg6[%while3A_40, %dma_start3A] : memref<80x128xi32, #tpu.memory_space<vmem>> -> memref<1x128xi32, #tpu.memory_space<vmem>>
        %dma_start3A_42 = tpu.memref_squeeze %dma_start3A_41 : memref<1x128xi32, #tpu.memory_space<vmem>> -> memref<128xi32, #tpu.memory_space<vmem>>
        %dma_start3A_43 = arith.constant 0 : i32
        %dma_start3A_44 = arith.constant 0 : i32
        %dma_start3A_45 = tpu.memref_slice %arg8[%dma_start3A_43, %dma_start3A_44] : memref<10000x16xf32, #tpu.memory_space<vmem_shared>> -> memref<10000x16xf32, #tpu.memory_space<vmem_shared>>
        tpu.enqueue_indirect_dma source(%arg7 : memref<128x16xf32, #tpu.memory_space<vmem>>) target(%dma_start3A_45 : memref<10000x16xf32, #tpu.memory_space<vmem_shared>>) offsets(%dma_start3A_42 : memref<128xi32, #tpu.memory_space<vmem>>) semaphore(%run_scoped3A : memref<!tpu.dma_semaphore, #tpu.memory_space<semaphore_mem>>) {add = true}
        %dma_wait3A = arith.constant 0 : i32
        %dma_wait3A_46 = tpu.memref_slice %arg6[%while3A_40, %dma_wait3A] : memref<80x128xi32, #tpu.memory_space<vmem>> -> memref<1x128xi32, #tpu.memory_space<vmem>>
        %dma_wait3A_47 = tpu.memref_squeeze %dma_wait3A_46 : memref<1x128xi32, #tpu.memory_space<vmem>> -> memref<128xi32, #tpu.memory_space<vmem>>
        %dma_wait3A_48 = arith.constant 0 : i32
        %dma_wait3A_49 = arith.constant 0 : i32
        %dma_wait3A_50 = tpu.memref_slice %arg8[%dma_wait3A_48, %dma_wait3A_49] : memref<10000x16xf32, #tpu.memory_space<vmem_shared>> -> memref<10000x16xf32, #tpu.memory_space<vmem_shared>>
        tpu.wait_indirect_dma semaphore(%run_scoped3A : memref<!tpu.dma_semaphore, #tpu.memory_space<semaphore_mem>>) src(%arg7 : memref<128x16xf32, #tpu.memory_space<vmem>>) dst(%dma_wait3A_50 : memref<10000x16xf32, #tpu.memory_space<vmem_shared>>)
        tpu.yield
      }) : () -> ()
    }
    %while3A_28 = arith.constant 1 : i32
    scf.for %while3A_40 = %while3A_26 to %while3A_22 step %while3A_28  : i32 {
      "tpu.region"() ({
        %run_scoped3A = tpu.sem_alloc : memref<!tpu.dma_semaphore, #tpu.memory_space<semaphore_mem>>
        %dma_start3A = arith.constant 0 : i32
        %dma_start3A_41 = tpu.memref_slice %arg6[%while3A_40, %dma_start3A] : memref<80x128xi32, #tpu.memory_space<vmem>> -> memref<1x128xi32, #tpu.memory_space<vmem>>
        %dma_start3A_42 = tpu.memref_squeeze %dma_start3A_41 : memref<1x128xi32, #tpu.memory_space<vmem>> -> memref<128xi32, #tpu.memory_space<vmem>>
        %dma_start3A_43 = arith.constant 0 : i32
        %dma_start3A_44 = arith.constant 0 : i32
        %dma_start3A_45 = tpu.memref_slice %arg8[%dma_start3A_43, %dma_start3A_44] : memref<10000x16xf32, #tpu.memory_space<vmem_shared>> -> memref<10000x16xf32, #tpu.memory_space<vmem_shared>>
        tpu.enqueue_indirect_dma source(%arg7 : memref<128x16xf32, #tpu.memory_space<vmem>>) target(%dma_start3A_45 : memref<10000x16xf32, #tpu.memory_space<vmem_shared>>) offsets(%dma_start3A_42 : memref<128xi32, #tpu.memory_space<vmem>>) semaphore(%run_scoped3A : memref<!tpu.dma_semaphore, #tpu.memory_space<semaphore_mem>>) {add = true}
        %dma_wait3A = arith.constant 0 : i32
        %dma_wait3A_46 = tpu.memref_slice %arg6[%while3A_40, %dma_wait3A] : memref<80x128xi32, #tpu.memory_space<vmem>> -> memref<1x128xi32, #tpu.memory_space<vmem>>
        %dma_wait3A_47 = tpu.memref_squeeze %dma_wait3A_46 : memref<1x128xi32, #tpu.memory_space<vmem>> -> memref<128xi32, #tpu.memory_space<vmem>>
        %dma_wait3A_48 = arith.constant 0 : i32
        %dma_wait3A_49 = arith.constant 0 : i32
        %dma_wait3A_50 = tpu.memref_slice %arg8[%dma_wait3A_48, %dma_wait3A_49] : memref<10000x16xf32, #tpu.memory_space<vmem_shared>> -> memref<10000x16xf32, #tpu.memory_space<vmem_shared>>
        tpu.wait_indirect_dma semaphore(%run_scoped3A : memref<!tpu.dma_semaphore, #tpu.memory_space<semaphore_mem>>) src(%arg7 : memref<128x16xf32, #tpu.memory_space<vmem>>) dst(%dma_wait3A_50 : memref<10000x16xf32, #tpu.memory_space<vmem_shared>>)
        tpu.yield
      }) : () -> ()
    }
    %barrier3A_29 = arith.constant 0 : index
    tpu.barrier barrier_id(%barrier3A_29)
    %lt3A_30 = arith.constant 15 : i32
    %lt3A_31 = arith.cmpi slt, %arg1, %lt3A_30 : i32
    %convert_element_type3A_32 = arith.extui %lt3A_31 : i1 to i32
    %cond3A_33 = arith.constant 0 : i32
    %cond3A_34 = arith.cmpi ne, %convert_element_type3A_32, %cond3A_33 : i32
    scf.if %cond3A_34 {
      %mul3A_40 = arith.constant 632 : i32
      %mul3A_41 = arith.muli %arg1, %mul3A_40 : i32
      %mul3A_42 = arith.constant 632 : i32
      %mul3A_43 = arith.muli %arg1, %mul3A_42 : i32
      "tpu.region"() ({
        %run_scoped3A = tpu.sem_alloc : memref<!tpu.dma_semaphore, #tpu.memory_space<semaphore_mem>>
        %dma_start3A = arith.constant 0 : i32
        %dma_start3A_44 = tpu.memref_slice %arg5[%arg0, %mul3A_43, %dma_start3A] : memref<2x10000x16xf32, #tpu.memory_space<hbm>> -> memref<1x632x16xf32, #tpu.memory_space<hbm>>
        %dma_start3A_45 = tpu.memref_squeeze %dma_start3A_44 : memref<1x632x16xf32, #tpu.memory_space<hbm>> -> memref<632x16xf32, #tpu.memory_space<hbm>>
        %dma_start3A_46 = arith.constant 0 : i32
        %dma_start3A_47 = tpu.memref_slice %arg8[%mul3A_41, %dma_start3A_46] : memref<10000x16xf32, #tpu.memory_space<vmem_shared>> -> memref<632x16xf32, #tpu.memory_space<vmem_shared>>
        tpu.enqueue_dma source(%dma_start3A_47 : memref<632x16xf32, #tpu.memory_space<vmem_shared>>) target(%dma_start3A_45 : memref<632x16xf32, #tpu.memory_space<hbm>>) target_semaphore(%run_scoped3A : memref<!tpu.dma_semaphore, #tpu.memory_space<semaphore_mem>>)
        %dma_wait3A = arith.constant 0 : i32
        %dma_wait3A_48 = tpu.memref_slice %arg5[%arg0, %mul3A_43, %dma_wait3A] : memref<2x10000x16xf32, #tpu.memory_space<hbm>> -> memref<1x632x16xf32, #tpu.memory_space<hbm>>
        %dma_wait3A_49 = tpu.memref_squeeze %dma_wait3A_48 : memref<1x632x16xf32, #tpu.memory_space<hbm>> -> memref<632x16xf32, #tpu.memory_space<hbm>>
        %dma_wait3A_50 = arith.constant 0 : i32
        %dma_wait3A_51 = tpu.memref_slice %arg8[%mul3A_41, %dma_wait3A_50] : memref<10000x16xf32, #tpu.memory_space<vmem_shared>> -> memref<632x16xf32, #tpu.memory_space<vmem_shared>>
        tpu.wait_dma2 semaphore(%run_scoped3A : memref<!tpu.dma_semaphore, #tpu.memory_space<semaphore_mem>>) src(%dma_wait3A_51 : memref<632x16xf32, #tpu.memory_space<vmem_shared>>) dst(%dma_wait3A_49 : memref<632x16xf32, #tpu.memory_space<hbm>>)
        tpu.yield
      }) : () -> ()
    } else {
    }
    %eq3A_35 = arith.constant 15 : i32
    %eq3A_36 = arith.cmpi eq, %arg1, %eq3A_35 : i32
    %convert_element_type3A_37 = arith.extui %eq3A_36 : i1 to i32
    %cond3A_38 = arith.constant 0 : i32
    %cond3A_39 = arith.cmpi ne, %convert_element_type3A_37, %cond3A_38 : i32
    scf.if %cond3A_39 {
      "tpu.region"() ({
        %run_scoped3A = tpu.sem_alloc : memref<!tpu.dma_semaphore, #tpu.memory_space<semaphore_mem>>
        %dma_start3A = arith.constant 9480 : i32
        %dma_start3A_40 = arith.constant 0 : i32
        %dma_start3A_41 = tpu.memref_slice %arg5[%arg0, %dma_start3A, %dma_start3A_40] : memref<2x10000x16xf32, #tpu.memory_space<hbm>> -> memref<1x520x16xf32, #tpu.memory_space<hbm>>
        %dma_start3A_42 = tpu.memref_squeeze %dma_start3A_41 : memref<1x520x16xf32, #tpu.memory_space<hbm>> -> memref<520x16xf32, #tpu.memory_space<hbm>>
        %dma_start3A_43 = arith.constant 9480 : i32
        %dma_start3A_44 = arith.constant 0 : i32
        %dma_start3A_45 = tpu.memref_slice %arg8[%dma_start3A_43, %dma_start3A_44] : memref<10000x16xf32, #tpu.memory_space<vmem_shared>> -> memref<520x16xf32, #tpu.memory_space<vmem_shared>>
        tpu.enqueue_dma source(%dma_start3A_45 : memref<520x16xf32, #tpu.memory_space<vmem_shared>>) target(%dma_start3A_42 : memref<520x16xf32, #tpu.memory_space<hbm>>) target_semaphore(%run_scoped3A : memref<!tpu.dma_semaphore, #tpu.memory_space<semaphore_mem>>)
        %dma_wait3A = arith.constant 9480 : i32
        %dma_wait3A_46 = arith.constant 0 : i32
        %dma_wait3A_47 = tpu.memref_slice %arg5[%arg0, %dma_wait3A, %dma_wait3A_46] : memref<2x10000x16xf32, #tpu.memory_space<hbm>> -> memref<1x520x16xf32, #tpu.memory_space<hbm>>
        %dma_wait3A_48 = tpu.memref_squeeze %dma_wait3A_47 : memref<1x520x16xf32, #tpu.memory_space<hbm>> -> memref<520x16xf32, #tpu.memory_space<hbm>>
        %dma_wait3A_49 = arith.constant 9480 : i32
        %dma_wait3A_50 = arith.constant 0 : i32
        %dma_wait3A_51 = tpu.memref_slice %arg8[%dma_wait3A_49, %dma_wait3A_50] : memref<10000x16xf32, #tpu.memory_space<vmem_shared>> -> memref<520x16xf32, #tpu.memory_space<vmem_shared>>
        tpu.wait_dma2 semaphore(%run_scoped3A : memref<!tpu.dma_semaphore, #tpu.memory_space<semaphore_mem>>) src(%dma_wait3A_51 : memref<520x16xf32, #tpu.memory_space<vmem_shared>>) dst(%dma_wait3A_48 : memref<520x16xf32, #tpu.memory_space<hbm>>)
        tpu.yield
      }) : () -> ()
    } else {
    }
    return
  }
}

#map = affine_map<(d0, d1) -> (0, 0)>
#map1 = affine_map<(d0, d1) -> (0, 0, 0)>
module attributes {stable_mosaic.version = 14 : i64} {
  func.func @_prop_body(%arg0: i32, %arg1: i32, %arg2: memref<10000x64xf32, #tpu.memory_space<hbm>>, %arg3: memref<10000x64xf32, #tpu.memory_space<hbm>>, %arg4: memref<2500x128xi32, #tpu.memory_space<hbm>>, %arg5: memref<2500x128xi32, #tpu.memory_space<hbm>>, %arg6: memref<10000x64xf32, #tpu.memory_space<hbm>>, %arg7: memref<2x10000x64xf32, #tpu.memory_space<hbm>>, %arg8: memref<2x10000x64xf32, #tpu.memory_space<hbm>>, %arg9: memref<80x128xi32, #tpu.memory_space<vmem>>, %arg10: memref<80x128xi32, #tpu.memory_space<vmem>>, %arg11: memref<128x64xf32, #tpu.memory_space<vmem>>, %arg12: memref<128x64xf32, #tpu.memory_space<vmem>>, %arg13: memref<!tpu.dma_semaphore, #tpu.memory_space<semaphore_mem>>, %arg14: memref<!tpu.dma_semaphore, #tpu.memory_space<semaphore_mem>>, %arg15: memref<!tpu.dma_semaphore, #tpu.memory_space<semaphore_mem>>, %arg16: memref<!tpu.dma_semaphore, #tpu.memory_space<semaphore_mem>>, %arg17: memref<10000x64xf32, #tpu.memory_space<vmem_shared>>) attributes {dimension_semantics = [#tpu.dimension_semantics<core_parallel>, #tpu.dimension_semantics<subcore_parallel>], iteration_bounds = array<i64: 2, 16>, scalar_prefetch = 0 : i64, scratch_operands = 9 : i64, tpu.core_type = #tpu.core_type<sc_vector_subcore>, window_params = [{transform_indices = #map}, {transform_indices = #map}, {transform_indices = #map}, {transform_indices = #map}, {transform_indices = #map}, {transform_indices = #map1}, {transform_indices = #map1}]} {
    %mul3A = arith.constant 16 : i32
    %mul3A_0 = arith.muli %arg0, %mul3A : i32
    %add3A = arith.addi %mul3A_0, %arg1 : i32
    %eq3A = arith.constant 31 : i32
    %eq3A_1 = arith.cmpi eq, %add3A, %eq3A : i32
    %jit3A = arith.constant 20 : i32
    %jit3A_2 = arith.constant 80 : i32
    %select_n3A = arith.select %eq3A_1, %jit3A, %jit3A_2 : i32
    %lt3A = arith.constant 31 : i32
    %lt3A_3 = arith.cmpi slt, %add3A, %lt3A : i32
    %convert_element_type3A = arith.extui %lt3A_3 : i1 to i32
    %cond3A = arith.constant 0 : i32
    %cond3A_4 = arith.cmpi ne, %convert_element_type3A, %cond3A : i32
    scf.if %cond3A_4 {
      %mul3A_178 = arith.constant 80 : i32
      %mul3A_179 = arith.muli %add3A, %mul3A_178 : i32
      "tpu.region"() ({
        %run_scoped3A = tpu.sem_alloc : memref<!tpu.dma_semaphore, #tpu.memory_space<semaphore_mem>>
        %dma_start3A_180 = arith.constant 0 : i32
        %dma_start3A_181 = tpu.memref_slice %arg4[%mul3A_179, %dma_start3A_180] : memref<2500x128xi32, #tpu.memory_space<hbm>> -> memref<80x128xi32, #tpu.memory_space<hbm>>
        %dma_start3A_182 = arith.constant 0 : i32
        %dma_start3A_183 = tpu.memref_slice %arg4[%mul3A_179, %dma_start3A_182] : memref<2500x128xi32, #tpu.memory_space<hbm>> -> memref<80x128xi32, #tpu.memory_space<hbm>>
        tpu.enqueue_dma source(%dma_start3A_183 : memref<80x128xi32, #tpu.memory_space<hbm>>) target(%arg9 : memref<80x128xi32, #tpu.memory_space<vmem>>) target_semaphore(%run_scoped3A : memref<!tpu.dma_semaphore, #tpu.memory_space<semaphore_mem>>)
        %dma_wait3A_184 = arith.constant 0 : i32
        %dma_wait3A_185 = tpu.memref_slice %arg4[%mul3A_179, %dma_wait3A_184] : memref<2500x128xi32, #tpu.memory_space<hbm>> -> memref<80x128xi32, #tpu.memory_space<hbm>>
        %dma_wait3A_186 = arith.constant 0 : i32
        %dma_wait3A_187 = tpu.memref_slice %arg4[%mul3A_179, %dma_wait3A_186] : memref<2500x128xi32, #tpu.memory_space<hbm>> -> memref<80x128xi32, #tpu.memory_space<hbm>>
        tpu.wait_dma2 semaphore(%run_scoped3A : memref<!tpu.dma_semaphore, #tpu.memory_space<semaphore_mem>>) src(%dma_wait3A_187 : memref<80x128xi32, #tpu.memory_space<hbm>>) dst(%arg9 : memref<80x128xi32, #tpu.memory_space<vmem>>)
        tpu.yield
      }) : () -> ()
    } else {
    }
    %eq3A_5 = arith.constant 31 : i32
    %eq3A_6 = arith.cmpi eq, %add3A, %eq3A_5 : i32
    %convert_element_type3A_7 = arith.extui %eq3A_6 : i1 to i32
    %cond3A_8 = arith.constant 0 : i32
    %cond3A_9 = arith.cmpi ne, %convert_element_type3A_7, %cond3A_8 : i32
    scf.if %cond3A_9 {
      "tpu.region"() ({
        %run_scoped3A = tpu.sem_alloc : memref<!tpu.dma_semaphore, #tpu.memory_space<semaphore_mem>>
        %dma_start3A_178 = arith.constant 0 : i32
        %dma_start3A_179 = arith.constant 0 : i32
        %dma_start3A_180 = tpu.memref_slice %arg9[%dma_start3A_178, %dma_start3A_179] : memref<80x128xi32, #tpu.memory_space<vmem>> -> memref<20x128xi32, #tpu.memory_space<vmem>>
        %dma_start3A_181 = arith.constant 2480 : i32
        %dma_start3A_182 = arith.constant 0 : i32
        %dma_start3A_183 = tpu.memref_slice %arg4[%dma_start3A_181, %dma_start3A_182] : memref<2500x128xi32, #tpu.memory_space<hbm>> -> memref<20x128xi32, #tpu.memory_space<hbm>>
        %dma_start3A_184 = arith.constant 0 : i32
        %dma_start3A_185 = arith.constant 0 : i32
        %dma_start3A_186 = tpu.memref_slice %arg9[%dma_start3A_184, %dma_start3A_185] : memref<80x128xi32, #tpu.memory_space<vmem>> -> memref<20x128xi32, #tpu.memory_space<vmem>>
        %dma_start3A_187 = arith.constant 2480 : i32
        %dma_start3A_188 = arith.constant 0 : i32
        %dma_start3A_189 = tpu.memref_slice %arg4[%dma_start3A_187, %dma_start3A_188] : memref<2500x128xi32, #tpu.memory_space<hbm>> -> memref<20x128xi32, #tpu.memory_space<hbm>>
        tpu.enqueue_dma source(%dma_start3A_189 : memref<20x128xi32, #tpu.memory_space<hbm>>) target(%dma_start3A_186 : memref<20x128xi32, #tpu.memory_space<vmem>>) target_semaphore(%run_scoped3A : memref<!tpu.dma_semaphore, #tpu.memory_space<semaphore_mem>>)
        %dma_wait3A_190 = arith.constant 0 : i32
        %dma_wait3A_191 = arith.constant 0 : i32
        %dma_wait3A_192 = tpu.memref_slice %arg9[%dma_wait3A_190, %dma_wait3A_191] : memref<80x128xi32, #tpu.memory_space<vmem>> -> memref<20x128xi32, #tpu.memory_space<vmem>>
        %dma_wait3A_193 = arith.constant 2480 : i32
        %dma_wait3A_194 = arith.constant 0 : i32
        %dma_wait3A_195 = tpu.memref_slice %arg4[%dma_wait3A_193, %dma_wait3A_194] : memref<2500x128xi32, #tpu.memory_space<hbm>> -> memref<20x128xi32, #tpu.memory_space<hbm>>
        %dma_wait3A_196 = arith.constant 0 : i32
        %dma_wait3A_197 = arith.constant 0 : i32
        %dma_wait3A_198 = tpu.memref_slice %arg9[%dma_wait3A_196, %dma_wait3A_197] : memref<80x128xi32, #tpu.memory_space<vmem>> -> memref<20x128xi32, #tpu.memory_space<vmem>>
        %dma_wait3A_199 = arith.constant 2480 : i32
        %dma_wait3A_200 = arith.constant 0 : i32
        %dma_wait3A_201 = tpu.memref_slice %arg4[%dma_wait3A_199, %dma_wait3A_200] : memref<2500x128xi32, #tpu.memory_space<hbm>> -> memref<20x128xi32, #tpu.memory_space<hbm>>
        tpu.wait_dma2 semaphore(%run_scoped3A : memref<!tpu.dma_semaphore, #tpu.memory_space<semaphore_mem>>) src(%dma_wait3A_201 : memref<20x128xi32, #tpu.memory_space<hbm>>) dst(%dma_wait3A_198 : memref<20x128xi32, #tpu.memory_space<vmem>>)
        tpu.yield
      }) : () -> ()
    } else {
    }
    %lt3A_10 = arith.constant 31 : i32
    %lt3A_11 = arith.cmpi slt, %add3A, %lt3A_10 : i32
    %convert_element_type3A_12 = arith.extui %lt3A_11 : i1 to i32
    %cond3A_13 = arith.constant 0 : i32
    %cond3A_14 = arith.cmpi ne, %convert_element_type3A_12, %cond3A_13 : i32
    scf.if %cond3A_14 {
      %mul3A_178 = arith.constant 80 : i32
      %mul3A_179 = arith.muli %add3A, %mul3A_178 : i32
      "tpu.region"() ({
        %run_scoped3A = tpu.sem_alloc : memref<!tpu.dma_semaphore, #tpu.memory_space<semaphore_mem>>
        %dma_start3A_180 = arith.constant 0 : i32
        %dma_start3A_181 = tpu.memref_slice %arg5[%mul3A_179, %dma_start3A_180] : memref<2500x128xi32, #tpu.memory_space<hbm>> -> memref<80x128xi32, #tpu.memory_space<hbm>>
        %dma_start3A_182 = arith.constant 0 : i32
        %dma_start3A_183 = tpu.memref_slice %arg5[%mul3A_179, %dma_start3A_182] : memref<2500x128xi32, #tpu.memory_space<hbm>> -> memref<80x128xi32, #tpu.memory_space<hbm>>
        tpu.enqueue_dma source(%dma_start3A_183 : memref<80x128xi32, #tpu.memory_space<hbm>>) target(%arg10 : memref<80x128xi32, #tpu.memory_space<vmem>>) target_semaphore(%run_scoped3A : memref<!tpu.dma_semaphore, #tpu.memory_space<semaphore_mem>>)
        %dma_wait3A_184 = arith.constant 0 : i32
        %dma_wait3A_185 = tpu.memref_slice %arg5[%mul3A_179, %dma_wait3A_184] : memref<2500x128xi32, #tpu.memory_space<hbm>> -> memref<80x128xi32, #tpu.memory_space<hbm>>
        %dma_wait3A_186 = arith.constant 0 : i32
        %dma_wait3A_187 = tpu.memref_slice %arg5[%mul3A_179, %dma_wait3A_186] : memref<2500x128xi32, #tpu.memory_space<hbm>> -> memref<80x128xi32, #tpu.memory_space<hbm>>
        tpu.wait_dma2 semaphore(%run_scoped3A : memref<!tpu.dma_semaphore, #tpu.memory_space<semaphore_mem>>) src(%dma_wait3A_187 : memref<80x128xi32, #tpu.memory_space<hbm>>) dst(%arg10 : memref<80x128xi32, #tpu.memory_space<vmem>>)
        tpu.yield
      }) : () -> ()
    } else {
    }
    %eq3A_15 = arith.constant 31 : i32
    %eq3A_16 = arith.cmpi eq, %add3A, %eq3A_15 : i32
    %convert_element_type3A_17 = arith.extui %eq3A_16 : i1 to i32
    %cond3A_18 = arith.constant 0 : i32
    %cond3A_19 = arith.cmpi ne, %convert_element_type3A_17, %cond3A_18 : i32
    scf.if %cond3A_19 {
      "tpu.region"() ({
        %run_scoped3A = tpu.sem_alloc : memref<!tpu.dma_semaphore, #tpu.memory_space<semaphore_mem>>
        %dma_start3A_178 = arith.constant 0 : i32
        %dma_start3A_179 = arith.constant 0 : i32
        %dma_start3A_180 = tpu.memref_slice %arg10[%dma_start3A_178, %dma_start3A_179] : memref<80x128xi32, #tpu.memory_space<vmem>> -> memref<20x128xi32, #tpu.memory_space<vmem>>
        %dma_start3A_181 = arith.constant 2480 : i32
        %dma_start3A_182 = arith.constant 0 : i32
        %dma_start3A_183 = tpu.memref_slice %arg5[%dma_start3A_181, %dma_start3A_182] : memref<2500x128xi32, #tpu.memory_space<hbm>> -> memref<20x128xi32, #tpu.memory_space<hbm>>
        %dma_start3A_184 = arith.constant 0 : i32
        %dma_start3A_185 = arith.constant 0 : i32
        %dma_start3A_186 = tpu.memref_slice %arg10[%dma_start3A_184, %dma_start3A_185] : memref<80x128xi32, #tpu.memory_space<vmem>> -> memref<20x128xi32, #tpu.memory_space<vmem>>
        %dma_start3A_187 = arith.constant 2480 : i32
        %dma_start3A_188 = arith.constant 0 : i32
        %dma_start3A_189 = tpu.memref_slice %arg5[%dma_start3A_187, %dma_start3A_188] : memref<2500x128xi32, #tpu.memory_space<hbm>> -> memref<20x128xi32, #tpu.memory_space<hbm>>
        tpu.enqueue_dma source(%dma_start3A_189 : memref<20x128xi32, #tpu.memory_space<hbm>>) target(%dma_start3A_186 : memref<20x128xi32, #tpu.memory_space<vmem>>) target_semaphore(%run_scoped3A : memref<!tpu.dma_semaphore, #tpu.memory_space<semaphore_mem>>)
        %dma_wait3A_190 = arith.constant 0 : i32
        %dma_wait3A_191 = arith.constant 0 : i32
        %dma_wait3A_192 = tpu.memref_slice %arg10[%dma_wait3A_190, %dma_wait3A_191] : memref<80x128xi32, #tpu.memory_space<vmem>> -> memref<20x128xi32, #tpu.memory_space<vmem>>
        %dma_wait3A_193 = arith.constant 2480 : i32
        %dma_wait3A_194 = arith.constant 0 : i32
        %dma_wait3A_195 = tpu.memref_slice %arg5[%dma_wait3A_193, %dma_wait3A_194] : memref<2500x128xi32, #tpu.memory_space<hbm>> -> memref<20x128xi32, #tpu.memory_space<hbm>>
        %dma_wait3A_196 = arith.constant 0 : i32
        %dma_wait3A_197 = arith.constant 0 : i32
        %dma_wait3A_198 = tpu.memref_slice %arg10[%dma_wait3A_196, %dma_wait3A_197] : memref<80x128xi32, #tpu.memory_space<vmem>> -> memref<20x128xi32, #tpu.memory_space<vmem>>
        %dma_wait3A_199 = arith.constant 2480 : i32
        %dma_wait3A_200 = arith.constant 0 : i32
        %dma_wait3A_201 = tpu.memref_slice %arg5[%dma_wait3A_199, %dma_wait3A_200] : memref<2500x128xi32, #tpu.memory_space<hbm>> -> memref<20x128xi32, #tpu.memory_space<hbm>>
        tpu.wait_dma2 semaphore(%run_scoped3A : memref<!tpu.dma_semaphore, #tpu.memory_space<semaphore_mem>>) src(%dma_wait3A_201 : memref<20x128xi32, #tpu.memory_space<hbm>>) dst(%dma_wait3A_198 : memref<20x128xi32, #tpu.memory_space<vmem>>)
        tpu.yield
      }) : () -> ()
    } else {
    }
    %eq3A_20 = arith.constant 0 : i32
    %eq3A_21 = arith.cmpi eq, %arg0, %eq3A_20 : i32
    %convert_element_type3A_22 = arith.extui %eq3A_21 : i1 to i32
    %cond3A_23 = arith.constant 0 : i32
    %cond3A_24 = arith.cmpi ne, %convert_element_type3A_22, %cond3A_23 : i32
    scf.if %cond3A_24 {
      %lt3A_178 = arith.constant 15 : i32
      %lt3A_179 = arith.cmpi slt, %arg1, %lt3A_178 : i32
      %convert_element_type3A_180 = arith.extui %lt3A_179 : i1 to i32
      %cond3A_181 = arith.constant 0 : i32
      %cond3A_182 = arith.cmpi ne, %convert_element_type3A_180, %cond3A_181 : i32
      scf.if %cond3A_182 {
        %mul3A_188 = arith.constant 632 : i32
        %mul3A_189 = arith.muli %arg1, %mul3A_188 : i32
        %mul3A_190 = arith.constant 632 : i32
        %mul3A_191 = arith.muli %arg1, %mul3A_190 : i32
        "tpu.region"() ({
          %run_scoped3A = tpu.sem_alloc : memref<!tpu.dma_semaphore, #tpu.memory_space<semaphore_mem>>
          %dma_start3A_192 = arith.constant 0 : i32
          %dma_start3A_193 = tpu.memref_slice %arg17[%mul3A_191, %dma_start3A_192] : memref<10000x64xf32, #tpu.memory_space<vmem_shared>> -> memref<632x64xf32, #tpu.memory_space<vmem_shared>>
          %dma_start3A_194 = arith.constant 0 : i32
          %dma_start3A_195 = tpu.memref_slice %arg2[%mul3A_189, %dma_start3A_194] : memref<10000x64xf32, #tpu.memory_space<hbm>> -> memref<632x64xf32, #tpu.memory_space<hbm>>
          tpu.enqueue_dma source(%dma_start3A_195 : memref<632x64xf32, #tpu.memory_space<hbm>>) target(%dma_start3A_193 : memref<632x64xf32, #tpu.memory_space<vmem_shared>>) target_semaphore(%run_scoped3A : memref<!tpu.dma_semaphore, #tpu.memory_space<semaphore_mem>>)
          %dma_wait3A_196 = arith.constant 0 : i32
          %dma_wait3A_197 = tpu.memref_slice %arg17[%mul3A_191, %dma_wait3A_196] : memref<10000x64xf32, #tpu.memory_space<vmem_shared>> -> memref<632x64xf32, #tpu.memory_space<vmem_shared>>
          %dma_wait3A_198 = arith.constant 0 : i32
          %dma_wait3A_199 = tpu.memref_slice %arg2[%mul3A_189, %dma_wait3A_198] : memref<10000x64xf32, #tpu.memory_space<hbm>> -> memref<632x64xf32, #tpu.memory_space<hbm>>
          tpu.wait_dma2 semaphore(%run_scoped3A : memref<!tpu.dma_semaphore, #tpu.memory_space<semaphore_mem>>) src(%dma_wait3A_199 : memref<632x64xf32, #tpu.memory_space<hbm>>) dst(%dma_wait3A_197 : memref<632x64xf32, #tpu.memory_space<vmem_shared>>)
          tpu.yield
        }) : () -> ()
      } else {
      }
      %eq3A_183 = arith.constant 15 : i32
      %eq3A_184 = arith.cmpi eq, %arg1, %eq3A_183 : i32
      %convert_element_type3A_185 = arith.extui %eq3A_184 : i1 to i32
      %cond3A_186 = arith.constant 0 : i32
      %cond3A_187 = arith.cmpi ne, %convert_element_type3A_185, %cond3A_186 : i32
      scf.if %cond3A_187 {
        "tpu.region"() ({
          %run_scoped3A = tpu.sem_alloc : memref<!tpu.dma_semaphore, #tpu.memory_space<semaphore_mem>>
          %dma_start3A_188 = arith.constant 9480 : i32
          %dma_start3A_189 = arith.constant 0 : i32
          %dma_start3A_190 = tpu.memref_slice %arg17[%dma_start3A_188, %dma_start3A_189] : memref<10000x64xf32, #tpu.memory_space<vmem_shared>> -> memref<520x64xf32, #tpu.memory_space<vmem_shared>>
          %dma_start3A_191 = arith.constant 9480 : i32
          %dma_start3A_192 = arith.constant 0 : i32
          %dma_start3A_193 = tpu.memref_slice %arg2[%dma_start3A_191, %dma_start3A_192] : memref<10000x64xf32, #tpu.memory_space<hbm>> -> memref<520x64xf32, #tpu.memory_space<hbm>>
          tpu.enqueue_dma source(%dma_start3A_193 : memref<520x64xf32, #tpu.memory_space<hbm>>) target(%dma_start3A_190 : memref<520x64xf32, #tpu.memory_space<vmem_shared>>) target_semaphore(%run_scoped3A : memref<!tpu.dma_semaphore, #tpu.memory_space<semaphore_mem>>)
          %dma_wait3A_194 = arith.constant 9480 : i32
          %dma_wait3A_195 = arith.constant 0 : i32
          %dma_wait3A_196 = tpu.memref_slice %arg17[%dma_wait3A_194, %dma_wait3A_195] : memref<10000x64xf32, #tpu.memory_space<vmem_shared>> -> memref<520x64xf32, #tpu.memory_space<vmem_shared>>
          %dma_wait3A_197 = arith.constant 9480 : i32
          %dma_wait3A_198 = arith.constant 0 : i32
          %dma_wait3A_199 = tpu.memref_slice %arg2[%dma_wait3A_197, %dma_wait3A_198] : memref<10000x64xf32, #tpu.memory_space<hbm>> -> memref<520x64xf32, #tpu.memory_space<hbm>>
          tpu.wait_dma2 semaphore(%run_scoped3A : memref<!tpu.dma_semaphore, #tpu.memory_space<semaphore_mem>>) src(%dma_wait3A_199 : memref<520x64xf32, #tpu.memory_space<hbm>>) dst(%dma_wait3A_196 : memref<520x64xf32, #tpu.memory_space<vmem_shared>>)
          tpu.yield
        }) : () -> ()
      } else {
      }
    } else {
    }
    %eq3A_25 = arith.constant 1 : i32
    %eq3A_26 = arith.cmpi eq, %arg0, %eq3A_25 : i32
    %convert_element_type3A_27 = arith.extui %eq3A_26 : i1 to i32
    %cond3A_28 = arith.constant 0 : i32
    %cond3A_29 = arith.cmpi ne, %convert_element_type3A_27, %cond3A_28 : i32
    scf.if %cond3A_29 {
      %lt3A_178 = arith.constant 15 : i32
      %lt3A_179 = arith.cmpi slt, %arg1, %lt3A_178 : i32
      %convert_element_type3A_180 = arith.extui %lt3A_179 : i1 to i32
      %cond3A_181 = arith.constant 0 : i32
      %cond3A_182 = arith.cmpi ne, %convert_element_type3A_180, %cond3A_181 : i32
      scf.if %cond3A_182 {
        %mul3A_188 = arith.constant 632 : i32
        %mul3A_189 = arith.muli %arg1, %mul3A_188 : i32
        %mul3A_190 = arith.constant 632 : i32
        %mul3A_191 = arith.muli %arg1, %mul3A_190 : i32
        "tpu.region"() ({
          %run_scoped3A = tpu.sem_alloc : memref<!tpu.dma_semaphore, #tpu.memory_space<semaphore_mem>>
          %dma_start3A_192 = arith.constant 0 : i32
          %dma_start3A_193 = tpu.memref_slice %arg17[%mul3A_191, %dma_start3A_192] : memref<10000x64xf32, #tpu.memory_space<vmem_shared>> -> memref<632x64xf32, #tpu.memory_space<vmem_shared>>
          %dma_start3A_194 = arith.constant 0 : i32
          %dma_start3A_195 = tpu.memref_slice %arg6[%mul3A_189, %dma_start3A_194] : memref<10000x64xf32, #tpu.memory_space<hbm>> -> memref<632x64xf32, #tpu.memory_space<hbm>>
          tpu.enqueue_dma source(%dma_start3A_195 : memref<632x64xf32, #tpu.memory_space<hbm>>) target(%dma_start3A_193 : memref<632x64xf32, #tpu.memory_space<vmem_shared>>) target_semaphore(%run_scoped3A : memref<!tpu.dma_semaphore, #tpu.memory_space<semaphore_mem>>)
          %dma_wait3A_196 = arith.constant 0 : i32
          %dma_wait3A_197 = tpu.memref_slice %arg17[%mul3A_191, %dma_wait3A_196] : memref<10000x64xf32, #tpu.memory_space<vmem_shared>> -> memref<632x64xf32, #tpu.memory_space<vmem_shared>>
          %dma_wait3A_198 = arith.constant 0 : i32
          %dma_wait3A_199 = tpu.memref_slice %arg6[%mul3A_189, %dma_wait3A_198] : memref<10000x64xf32, #tpu.memory_space<hbm>> -> memref<632x64xf32, #tpu.memory_space<hbm>>
          tpu.wait_dma2 semaphore(%run_scoped3A : memref<!tpu.dma_semaphore, #tpu.memory_space<semaphore_mem>>) src(%dma_wait3A_199 : memref<632x64xf32, #tpu.memory_space<hbm>>) dst(%dma_wait3A_197 : memref<632x64xf32, #tpu.memory_space<vmem_shared>>)
          tpu.yield
        }) : () -> ()
      } else {
      }
      %eq3A_183 = arith.constant 15 : i32
      %eq3A_184 = arith.cmpi eq, %arg1, %eq3A_183 : i32
      %convert_element_type3A_185 = arith.extui %eq3A_184 : i1 to i32
      %cond3A_186 = arith.constant 0 : i32
      %cond3A_187 = arith.cmpi ne, %convert_element_type3A_185, %cond3A_186 : i32
      scf.if %cond3A_187 {
        "tpu.region"() ({
          %run_scoped3A = tpu.sem_alloc : memref<!tpu.dma_semaphore, #tpu.memory_space<semaphore_mem>>
          %dma_start3A_188 = arith.constant 9480 : i32
          %dma_start3A_189 = arith.constant 0 : i32
          %dma_start3A_190 = tpu.memref_slice %arg17[%dma_start3A_188, %dma_start3A_189] : memref<10000x64xf32, #tpu.memory_space<vmem_shared>> -> memref<520x64xf32, #tpu.memory_space<vmem_shared>>
          %dma_start3A_191 = arith.constant 9480 : i32
          %dma_start3A_192 = arith.constant 0 : i32
          %dma_start3A_193 = tpu.memref_slice %arg6[%dma_start3A_191, %dma_start3A_192] : memref<10000x64xf32, #tpu.memory_space<hbm>> -> memref<520x64xf32, #tpu.memory_space<hbm>>
          tpu.enqueue_dma source(%dma_start3A_193 : memref<520x64xf32, #tpu.memory_space<hbm>>) target(%dma_start3A_190 : memref<520x64xf32, #tpu.memory_space<vmem_shared>>) target_semaphore(%run_scoped3A : memref<!tpu.dma_semaphore, #tpu.memory_space<semaphore_mem>>)
          %dma_wait3A_194 = arith.constant 9480 : i32
          %dma_wait3A_195 = arith.constant 0 : i32
          %dma_wait3A_196 = tpu.memref_slice %arg17[%dma_wait3A_194, %dma_wait3A_195] : memref<10000x64xf32, #tpu.memory_space<vmem_shared>> -> memref<520x64xf32, #tpu.memory_space<vmem_shared>>
          %dma_wait3A_197 = arith.constant 9480 : i32
          %dma_wait3A_198 = arith.constant 0 : i32
          %dma_wait3A_199 = tpu.memref_slice %arg6[%dma_wait3A_197, %dma_wait3A_198] : memref<10000x64xf32, #tpu.memory_space<hbm>> -> memref<520x64xf32, #tpu.memory_space<hbm>>
          tpu.wait_dma2 semaphore(%run_scoped3A : memref<!tpu.dma_semaphore, #tpu.memory_space<semaphore_mem>>) src(%dma_wait3A_199 : memref<520x64xf32, #tpu.memory_space<hbm>>) dst(%dma_wait3A_196 : memref<520x64xf32, #tpu.memory_space<vmem_shared>>)
          tpu.yield
        }) : () -> ()
      } else {
      }
    } else {
    }
    %barrier3A = arith.constant 0 : index
    tpu.barrier barrier_id(%barrier3A)
    %dma_start3A = arith.constant 0 : i32
    %dma_start3A_30 = arith.constant 0 : i32
    %dma_start3A_31 = tpu.memref_slice %arg9[%dma_start3A, %dma_start3A_30] : memref<80x128xi32, #tpu.memory_space<vmem>> -> memref<1x128xi32, #tpu.memory_space<vmem>>
    %dma_start3A_32 = tpu.memref_squeeze %dma_start3A_31 : memref<1x128xi32, #tpu.memory_space<vmem>> -> memref<128xi32, #tpu.memory_space<vmem>>
    %dma_start3A_33 = arith.constant 0 : i32
    %dma_start3A_34 = arith.constant 0 : i32
    %dma_start3A_35 = tpu.memref_slice %arg2[%dma_start3A_33, %dma_start3A_34] : memref<10000x64xf32, #tpu.memory_space<hbm>> -> memref<10000x64xf32, #tpu.memory_space<hbm>>
    tpu.enqueue_indirect_dma source(%dma_start3A_35 : memref<10000x64xf32, #tpu.memory_space<hbm>>) target(%arg11 : memref<128x64xf32, #tpu.memory_space<vmem>>) offsets(%dma_start3A_32 : memref<128xi32, #tpu.memory_space<vmem>>) semaphore(%arg13 : memref<!tpu.dma_semaphore, #tpu.memory_space<semaphore_mem>>)
    %dma_start3A_36 = arith.constant 1 : i32
    %dma_start3A_37 = arith.constant 0 : i32
    %dma_start3A_38 = tpu.memref_slice %arg9[%dma_start3A_36, %dma_start3A_37] : memref<80x128xi32, #tpu.memory_space<vmem>> -> memref<1x128xi32, #tpu.memory_space<vmem>>
    %dma_start3A_39 = tpu.memref_squeeze %dma_start3A_38 : memref<1x128xi32, #tpu.memory_space<vmem>> -> memref<128xi32, #tpu.memory_space<vmem>>
    %dma_start3A_40 = arith.constant 0 : i32
    %dma_start3A_41 = arith.constant 0 : i32
    %dma_start3A_42 = tpu.memref_slice %arg2[%dma_start3A_40, %dma_start3A_41] : memref<10000x64xf32, #tpu.memory_space<hbm>> -> memref<10000x64xf32, #tpu.memory_space<hbm>>
    tpu.enqueue_indirect_dma source(%dma_start3A_42 : memref<10000x64xf32, #tpu.memory_space<hbm>>) target(%arg12 : memref<128x64xf32, #tpu.memory_space<vmem>>) offsets(%dma_start3A_39 : memref<128xi32, #tpu.memory_space<vmem>>) semaphore(%arg14 : memref<!tpu.dma_semaphore, #tpu.memory_space<semaphore_mem>>)
    %jit3A_43 = arith.constant 2 : i32
    %div3A = arith.divsi %select_n3A, %jit3A_43 : i32
    %sign3A = arith.constant 0 : i32
    %sign3A_44 = arith.cmpi sgt, %select_n3A, %sign3A : i32
    %sign3A_45 = arith.extui %sign3A_44 : i1 to i32
    %sign3A_46 = arith.constant 0 : i32
    %sign3A_47 = arith.cmpi slt, %select_n3A, %sign3A_46 : i32
    %sign3A_48 = arith.extui %sign3A_47 : i1 to i32
    %sign3A_49 = arith.subi %sign3A_45, %sign3A_48 : i32
    %sign3A_50 = arith.constant 0 : i32
    %sign3A_51 = arith.cmpi sgt, %jit3A_43, %sign3A_50 : i32
    %sign3A_52 = arith.extui %sign3A_51 : i1 to i32
    %sign3A_53 = arith.constant 0 : i32
    %sign3A_54 = arith.cmpi slt, %jit3A_43, %sign3A_53 : i32
    %sign3A_55 = arith.extui %sign3A_54 : i1 to i32
    %sign3A_56 = arith.subi %sign3A_52, %sign3A_55 : i32
    %ne3A = arith.cmpi ne, %sign3A_49, %sign3A_56 : i32
    %rem3A = arith.remsi %select_n3A, %jit3A_43 : i32
    %ne3A_57 = arith.constant 0 : i32
    %ne3A_58 = arith.cmpi ne, %rem3A, %ne3A_57 : i32
    %and3A = arith.andi %ne3A, %ne3A_58 : i1
    %sub3A = arith.constant 1 : i32
    %sub3A_59 = arith.subi %div3A, %sub3A : i32
    %select_n3A_60 = arith.select %and3A, %sub3A_59, %div3A : i32
    %while3A = arith.constant 0 : i32
    %while3A_61 = arith.constant 0 : i32
    %while3A_62 = arith.subi %select_n3A_60, %while3A_61 : i32
    %while3A_63 = arith.addi %while3A_61, %while3A_62 : i32
    %while3A_64 = arith.constant 1 : i32
    %while3A_65 = arith.divsi %while3A_62, %while3A_64 : i32
    %while3A_66 = arith.muli %while3A_65, %while3A_64 : i32
    %while3A_67 = arith.addi %while3A_61, %while3A_66 : i32
    %while3A_68 = arith.constant 1 : i32
    scf.for %while3A_178 = %while3A_61 to %while3A_67 step %while3A_68  : i32 {
      %mul3A_179 = arith.constant 2 : i32
      %mul3A_180 = arith.muli %mul3A_179, %while3A_178 : i32
      %dma_wait3A_181 = arith.constant 0 : i32
      %dma_wait3A_182 = tpu.memref_slice %arg9[%mul3A_180, %dma_wait3A_181] : memref<80x128xi32, #tpu.memory_space<vmem>> -> memref<1x128xi32, #tpu.memory_space<vmem>>
      %dma_wait3A_183 = tpu.memref_squeeze %dma_wait3A_182 : memref<1x128xi32, #tpu.memory_space<vmem>> -> memref<128xi32, #tpu.memory_space<vmem>>
      %dma_wait3A_184 = arith.constant 0 : i32
      %dma_wait3A_185 = arith.constant 0 : i32
      %dma_wait3A_186 = tpu.memref_slice %arg2[%dma_wait3A_184, %dma_wait3A_185] : memref<10000x64xf32, #tpu.memory_space<hbm>> -> memref<10000x64xf32, #tpu.memory_space<hbm>>
      tpu.wait_indirect_dma semaphore(%arg13 : memref<!tpu.dma_semaphore, #tpu.memory_space<semaphore_mem>>) src(%dma_wait3A_186 : memref<10000x64xf32, #tpu.memory_space<hbm>>) dst(%arg11 : memref<128x64xf32, #tpu.memory_space<vmem>>)
      %dma_start3A_187 = arith.constant 0 : i32
      %dma_start3A_188 = tpu.memref_slice %arg10[%mul3A_180, %dma_start3A_187] : memref<80x128xi32, #tpu.memory_space<vmem>> -> memref<1x128xi32, #tpu.memory_space<vmem>>
      %dma_start3A_189 = tpu.memref_squeeze %dma_start3A_188 : memref<1x128xi32, #tpu.memory_space<vmem>> -> memref<128xi32, #tpu.memory_space<vmem>>
      %dma_start3A_190 = arith.constant 0 : i32
      %dma_start3A_191 = arith.constant 0 : i32
      %dma_start3A_192 = tpu.memref_slice %arg17[%dma_start3A_190, %dma_start3A_191] : memref<10000x64xf32, #tpu.memory_space<vmem_shared>> -> memref<10000x64xf32, #tpu.memory_space<vmem_shared>>
      tpu.enqueue_indirect_dma source(%arg11 : memref<128x64xf32, #tpu.memory_space<vmem>>) target(%dma_start3A_192 : memref<10000x64xf32, #tpu.memory_space<vmem_shared>>) offsets(%dma_start3A_189 : memref<128xi32, #tpu.memory_space<vmem>>) semaphore(%arg15 : memref<!tpu.dma_semaphore, #tpu.memory_space<semaphore_mem>>) {add = true}
      %add3A_193 = arith.constant 1 : i32
      %add3A_194 = arith.addi %mul3A_180, %add3A_193 : i32
      %dma_wait3A_195 = arith.constant 0 : i32
      %dma_wait3A_196 = tpu.memref_slice %arg9[%add3A_194, %dma_wait3A_195] : memref<80x128xi32, #tpu.memory_space<vmem>> -> memref<1x128xi32, #tpu.memory_space<vmem>>
      %dma_wait3A_197 = tpu.memref_squeeze %dma_wait3A_196 : memref<1x128xi32, #tpu.memory_space<vmem>> -> memref<128xi32, #tpu.memory_space<vmem>>
      %dma_wait3A_198 = arith.constant 0 : i32
      %dma_wait3A_199 = arith.constant 0 : i32
      %dma_wait3A_200 = tpu.memref_slice %arg2[%dma_wait3A_198, %dma_wait3A_199] : memref<10000x64xf32, #tpu.memory_space<hbm>> -> memref<10000x64xf32, #tpu.memory_space<hbm>>
      tpu.wait_indirect_dma semaphore(%arg14 : memref<!tpu.dma_semaphore, #tpu.memory_space<semaphore_mem>>) src(%dma_wait3A_200 : memref<10000x64xf32, #tpu.memory_space<hbm>>) dst(%arg12 : memref<128x64xf32, #tpu.memory_space<vmem>>)
      %add3A_201 = arith.constant 1 : i32
      %add3A_202 = arith.addi %mul3A_180, %add3A_201 : i32
      %dma_start3A_203 = arith.constant 0 : i32
      %dma_start3A_204 = tpu.memref_slice %arg10[%add3A_202, %dma_start3A_203] : memref<80x128xi32, #tpu.memory_space<vmem>> -> memref<1x128xi32, #tpu.memory_space<vmem>>
      %dma_start3A_205 = tpu.memref_squeeze %dma_start3A_204 : memref<1x128xi32, #tpu.memory_space<vmem>> -> memref<128xi32, #tpu.memory_space<vmem>>
      %dma_start3A_206 = arith.constant 0 : i32
      %dma_start3A_207 = arith.constant 0 : i32
      %dma_start3A_208 = tpu.memref_slice %arg17[%dma_start3A_206, %dma_start3A_207] : memref<10000x64xf32, #tpu.memory_space<vmem_shared>> -> memref<10000x64xf32, #tpu.memory_space<vmem_shared>>
      tpu.enqueue_indirect_dma source(%arg12 : memref<128x64xf32, #tpu.memory_space<vmem>>) target(%dma_start3A_208 : memref<10000x64xf32, #tpu.memory_space<vmem_shared>>) offsets(%dma_start3A_205 : memref<128xi32, #tpu.memory_space<vmem>>) semaphore(%arg16 : memref<!tpu.dma_semaphore, #tpu.memory_space<semaphore_mem>>) {add = true}
      %add3A_209 = arith.constant 2 : i32
      %add3A_210 = arith.addi %mul3A_180, %add3A_209 : i32
      %sub3A_211 = arith.constant 1 : i32
      %sub3A_212 = arith.subi %select_n3A, %sub3A_211 : i32
      %min3A = arith.minsi %add3A_210, %sub3A_212 : i32
      %add3A_213 = arith.constant 3 : i32
      %add3A_214 = arith.addi %mul3A_180, %add3A_213 : i32
      %sub3A_215 = arith.constant 1 : i32
      %sub3A_216 = arith.subi %select_n3A, %sub3A_215 : i32
      %min3A_217 = arith.minsi %add3A_214, %sub3A_216 : i32
      %dma_wait3A_218 = arith.constant 0 : i32
      %dma_wait3A_219 = tpu.memref_slice %arg10[%mul3A_180, %dma_wait3A_218] : memref<80x128xi32, #tpu.memory_space<vmem>> -> memref<1x128xi32, #tpu.memory_space<vmem>>
      %dma_wait3A_220 = tpu.memref_squeeze %dma_wait3A_219 : memref<1x128xi32, #tpu.memory_space<vmem>> -> memref<128xi32, #tpu.memory_space<vmem>>
      %dma_wait3A_221 = arith.constant 0 : i32
      %dma_wait3A_222 = arith.constant 0 : i32
      %dma_wait3A_223 = tpu.memref_slice %arg17[%dma_wait3A_221, %dma_wait3A_222] : memref<10000x64xf32, #tpu.memory_space<vmem_shared>> -> memref<10000x64xf32, #tpu.memory_space<vmem_shared>>
      tpu.wait_indirect_dma semaphore(%arg15 : memref<!tpu.dma_semaphore, #tpu.memory_space<semaphore_mem>>) src(%arg11 : memref<128x64xf32, #tpu.memory_space<vmem>>) dst(%dma_wait3A_223 : memref<10000x64xf32, #tpu.memory_space<vmem_shared>>)
      %dma_start3A_224 = arith.constant 0 : i32
      %dma_start3A_225 = tpu.memref_slice %arg9[%min3A, %dma_start3A_224] : memref<80x128xi32, #tpu.memory_space<vmem>> -> memref<1x128xi32, #tpu.memory_space<vmem>>
      %dma_start3A_226 = tpu.memref_squeeze %dma_start3A_225 : memref<1x128xi32, #tpu.memory_space<vmem>> -> memref<128xi32, #tpu.memory_space<vmem>>
      %dma_start3A_227 = arith.constant 0 : i32
      %dma_start3A_228 = arith.constant 0 : i32
      %dma_start3A_229 = tpu.memref_slice %arg2[%dma_start3A_227, %dma_start3A_228] : memref<10000x64xf32, #tpu.memory_space<hbm>> -> memref<10000x64xf32, #tpu.memory_space<hbm>>
      tpu.enqueue_indirect_dma source(%dma_start3A_229 : memref<10000x64xf32, #tpu.memory_space<hbm>>) target(%arg11 : memref<128x64xf32, #tpu.memory_space<vmem>>) offsets(%dma_start3A_226 : memref<128xi32, #tpu.memory_space<vmem>>) semaphore(%arg13 : memref<!tpu.dma_semaphore, #tpu.memory_space<semaphore_mem>>)
      %add3A_230 = arith.constant 1 : i32
      %add3A_231 = arith.addi %mul3A_180, %add3A_230 : i32
      %dma_wait3A_232 = arith.constant 0 : i32
      %dma_wait3A_233 = tpu.memref_slice %arg10[%add3A_231, %dma_wait3A_232] : memref<80x128xi32, #tpu.memory_space<vmem>> -> memref<1x128xi32, #tpu.memory_space<vmem>>
      %dma_wait3A_234 = tpu.memref_squeeze %dma_wait3A_233 : memref<1x128xi32, #tpu.memory_space<vmem>> -> memref<128xi32, #tpu.memory_space<vmem>>
      %dma_wait3A_235 = arith.constant 0 : i32
      %dma_wait3A_236 = arith.constant 0 : i32
      %dma_wait3A_237 = tpu.memref_slice %arg17[%dma_wait3A_235, %dma_wait3A_236] : memref<10000x64xf32, #tpu.memory_space<vmem_shared>> -> memref<10000x64xf32, #tpu.memory_space<vmem_shared>>
      tpu.wait_indirect_dma semaphore(%arg16 : memref<!tpu.dma_semaphore, #tpu.memory_space<semaphore_mem>>) src(%arg12 : memref<128x64xf32, #tpu.memory_space<vmem>>) dst(%dma_wait3A_237 : memref<10000x64xf32, #tpu.memory_space<vmem_shared>>)
      %dma_start3A_238 = arith.constant 0 : i32
      %dma_start3A_239 = tpu.memref_slice %arg9[%min3A_217, %dma_start3A_238] : memref<80x128xi32, #tpu.memory_space<vmem>> -> memref<1x128xi32, #tpu.memory_space<vmem>>
      %dma_start3A_240 = tpu.memref_squeeze %dma_start3A_239 : memref<1x128xi32, #tpu.memory_space<vmem>> -> memref<128xi32, #tpu.memory_space<vmem>>
      %dma_start3A_241 = arith.constant 0 : i32
      %dma_start3A_242 = arith.constant 0 : i32
      %dma_start3A_243 = tpu.memref_slice %arg2[%dma_start3A_241, %dma_start3A_242] : memref<10000x64xf32, #tpu.memory_space<hbm>> -> memref<10000x64xf32, #tpu.memory_space<hbm>>
      tpu.enqueue_indirect_dma source(%dma_start3A_243 : memref<10000x64xf32, #tpu.memory_space<hbm>>) target(%arg12 : memref<128x64xf32, #tpu.memory_space<vmem>>) offsets(%dma_start3A_240 : memref<128xi32, #tpu.memory_space<vmem>>) semaphore(%arg14 : memref<!tpu.dma_semaphore, #tpu.memory_space<semaphore_mem>>)
    }
    %while3A_69 = arith.constant 1 : i32
    scf.for %while3A_178 = %while3A_67 to %while3A_63 step %while3A_69  : i32 {
      %mul3A_179 = arith.constant 2 : i32
      %mul3A_180 = arith.muli %mul3A_179, %while3A_178 : i32
      %dma_wait3A_181 = arith.constant 0 : i32
      %dma_wait3A_182 = tpu.memref_slice %arg9[%mul3A_180, %dma_wait3A_181] : memref<80x128xi32, #tpu.memory_space<vmem>> -> memref<1x128xi32, #tpu.memory_space<vmem>>
      %dma_wait3A_183 = tpu.memref_squeeze %dma_wait3A_182 : memref<1x128xi32, #tpu.memory_space<vmem>> -> memref<128xi32, #tpu.memory_space<vmem>>
      %dma_wait3A_184 = arith.constant 0 : i32
      %dma_wait3A_185 = arith.constant 0 : i32
      %dma_wait3A_186 = tpu.memref_slice %arg2[%dma_wait3A_184, %dma_wait3A_185] : memref<10000x64xf32, #tpu.memory_space<hbm>> -> memref<10000x64xf32, #tpu.memory_space<hbm>>
      tpu.wait_indirect_dma semaphore(%arg13 : memref<!tpu.dma_semaphore, #tpu.memory_space<semaphore_mem>>) src(%dma_wait3A_186 : memref<10000x64xf32, #tpu.memory_space<hbm>>) dst(%arg11 : memref<128x64xf32, #tpu.memory_space<vmem>>)
      %dma_start3A_187 = arith.constant 0 : i32
      %dma_start3A_188 = tpu.memref_slice %arg10[%mul3A_180, %dma_start3A_187] : memref<80x128xi32, #tpu.memory_space<vmem>> -> memref<1x128xi32, #tpu.memory_space<vmem>>
      %dma_start3A_189 = tpu.memref_squeeze %dma_start3A_188 : memref<1x128xi32, #tpu.memory_space<vmem>> -> memref<128xi32, #tpu.memory_space<vmem>>
      %dma_start3A_190 = arith.constant 0 : i32
      %dma_start3A_191 = arith.constant 0 : i32
      %dma_start3A_192 = tpu.memref_slice %arg17[%dma_start3A_190, %dma_start3A_191] : memref<10000x64xf32, #tpu.memory_space<vmem_shared>> -> memref<10000x64xf32, #tpu.memory_space<vmem_shared>>
      tpu.enqueue_indirect_dma source(%arg11 : memref<128x64xf32, #tpu.memory_space<vmem>>) target(%dma_start3A_192 : memref<10000x64xf32, #tpu.memory_space<vmem_shared>>) offsets(%dma_start3A_189 : memref<128xi32, #tpu.memory_space<vmem>>) semaphore(%arg15 : memref<!tpu.dma_semaphore, #tpu.memory_space<semaphore_mem>>) {add = true}
      %add3A_193 = arith.constant 1 : i32
      %add3A_194 = arith.addi %mul3A_180, %add3A_193 : i32
      %dma_wait3A_195 = arith.constant 0 : i32
      %dma_wait3A_196 = tpu.memref_slice %arg9[%add3A_194, %dma_wait3A_195] : memref<80x128xi32, #tpu.memory_space<vmem>> -> memref<1x128xi32, #tpu.memory_space<vmem>>
      %dma_wait3A_197 = tpu.memref_squeeze %dma_wait3A_196 : memref<1x128xi32, #tpu.memory_space<vmem>> -> memref<128xi32, #tpu.memory_space<vmem>>
      %dma_wait3A_198 = arith.constant 0 : i32
      %dma_wait3A_199 = arith.constant 0 : i32
      %dma_wait3A_200 = tpu.memref_slice %arg2[%dma_wait3A_198, %dma_wait3A_199] : memref<10000x64xf32, #tpu.memory_space<hbm>> -> memref<10000x64xf32, #tpu.memory_space<hbm>>
      tpu.wait_indirect_dma semaphore(%arg14 : memref<!tpu.dma_semaphore, #tpu.memory_space<semaphore_mem>>) src(%dma_wait3A_200 : memref<10000x64xf32, #tpu.memory_space<hbm>>) dst(%arg12 : memref<128x64xf32, #tpu.memory_space<vmem>>)
      %add3A_201 = arith.constant 1 : i32
      %add3A_202 = arith.addi %mul3A_180, %add3A_201 : i32
      %dma_start3A_203 = arith.constant 0 : i32
      %dma_start3A_204 = tpu.memref_slice %arg10[%add3A_202, %dma_start3A_203] : memref<80x128xi32, #tpu.memory_space<vmem>> -> memref<1x128xi32, #tpu.memory_space<vmem>>
      %dma_start3A_205 = tpu.memref_squeeze %dma_start3A_204 : memref<1x128xi32, #tpu.memory_space<vmem>> -> memref<128xi32, #tpu.memory_space<vmem>>
      %dma_start3A_206 = arith.constant 0 : i32
      %dma_start3A_207 = arith.constant 0 : i32
      %dma_start3A_208 = tpu.memref_slice %arg17[%dma_start3A_206, %dma_start3A_207] : memref<10000x64xf32, #tpu.memory_space<vmem_shared>> -> memref<10000x64xf32, #tpu.memory_space<vmem_shared>>
      tpu.enqueue_indirect_dma source(%arg12 : memref<128x64xf32, #tpu.memory_space<vmem>>) target(%dma_start3A_208 : memref<10000x64xf32, #tpu.memory_space<vmem_shared>>) offsets(%dma_start3A_205 : memref<128xi32, #tpu.memory_space<vmem>>) semaphore(%arg16 : memref<!tpu.dma_semaphore, #tpu.memory_space<semaphore_mem>>) {add = true}
      %add3A_209 = arith.constant 2 : i32
      %add3A_210 = arith.addi %mul3A_180, %add3A_209 : i32
      %sub3A_211 = arith.constant 1 : i32
      %sub3A_212 = arith.subi %select_n3A, %sub3A_211 : i32
      %min3A = arith.minsi %add3A_210, %sub3A_212 : i32
      %add3A_213 = arith.constant 3 : i32
      %add3A_214 = arith.addi %mul3A_180, %add3A_213 : i32
      %sub3A_215 = arith.constant 1 : i32
      %sub3A_216 = arith.subi %select_n3A, %sub3A_215 : i32
      %min3A_217 = arith.minsi %add3A_214, %sub3A_216 : i32
      %dma_wait3A_218 = arith.constant 0 : i32
      %dma_wait3A_219 = tpu.memref_slice %arg10[%mul3A_180, %dma_wait3A_218] : memref<80x128xi32, #tpu.memory_space<vmem>> -> memref<1x128xi32, #tpu.memory_space<vmem>>
      %dma_wait3A_220 = tpu.memref_squeeze %dma_wait3A_219 : memref<1x128xi32, #tpu.memory_space<vmem>> -> memref<128xi32, #tpu.memory_space<vmem>>
      %dma_wait3A_221 = arith.constant 0 : i32
      %dma_wait3A_222 = arith.constant 0 : i32
      %dma_wait3A_223 = tpu.memref_slice %arg17[%dma_wait3A_221, %dma_wait3A_222] : memref<10000x64xf32, #tpu.memory_space<vmem_shared>> -> memref<10000x64xf32, #tpu.memory_space<vmem_shared>>
      tpu.wait_indirect_dma semaphore(%arg15 : memref<!tpu.dma_semaphore, #tpu.memory_space<semaphore_mem>>) src(%arg11 : memref<128x64xf32, #tpu.memory_space<vmem>>) dst(%dma_wait3A_223 : memref<10000x64xf32, #tpu.memory_space<vmem_shared>>)
      %dma_start3A_224 = arith.constant 0 : i32
      %dma_start3A_225 = tpu.memref_slice %arg9[%min3A, %dma_start3A_224] : memref<80x128xi32, #tpu.memory_space<vmem>> -> memref<1x128xi32, #tpu.memory_space<vmem>>
      %dma_start3A_226 = tpu.memref_squeeze %dma_start3A_225 : memref<1x128xi32, #tpu.memory_space<vmem>> -> memref<128xi32, #tpu.memory_space<vmem>>
      %dma_start3A_227 = arith.constant 0 : i32
      %dma_start3A_228 = arith.constant 0 : i32
      %dma_start3A_229 = tpu.memref_slice %arg2[%dma_start3A_227, %dma_start3A_228] : memref<10000x64xf32, #tpu.memory_space<hbm>> -> memref<10000x64xf32, #tpu.memory_space<hbm>>
      tpu.enqueue_indirect_dma source(%dma_start3A_229 : memref<10000x64xf32, #tpu.memory_space<hbm>>) target(%arg11 : memref<128x64xf32, #tpu.memory_space<vmem>>) offsets(%dma_start3A_226 : memref<128xi32, #tpu.memory_space<vmem>>) semaphore(%arg13 : memref<!tpu.dma_semaphore, #tpu.memory_space<semaphore_mem>>)
      %add3A_230 = arith.constant 1 : i32
      %add3A_231 = arith.addi %mul3A_180, %add3A_230 : i32
      %dma_wait3A_232 = arith.constant 0 : i32
      %dma_wait3A_233 = tpu.memref_slice %arg10[%add3A_231, %dma_wait3A_232] : memref<80x128xi32, #tpu.memory_space<vmem>> -> memref<1x128xi32, #tpu.memory_space<vmem>>
      %dma_wait3A_234 = tpu.memref_squeeze %dma_wait3A_233 : memref<1x128xi32, #tpu.memory_space<vmem>> -> memref<128xi32, #tpu.memory_space<vmem>>
      %dma_wait3A_235 = arith.constant 0 : i32
      %dma_wait3A_236 = arith.constant 0 : i32
      %dma_wait3A_237 = tpu.memref_slice %arg17[%dma_wait3A_235, %dma_wait3A_236] : memref<10000x64xf32, #tpu.memory_space<vmem_shared>> -> memref<10000x64xf32, #tpu.memory_space<vmem_shared>>
      tpu.wait_indirect_dma semaphore(%arg16 : memref<!tpu.dma_semaphore, #tpu.memory_space<semaphore_mem>>) src(%arg12 : memref<128x64xf32, #tpu.memory_space<vmem>>) dst(%dma_wait3A_237 : memref<10000x64xf32, #tpu.memory_space<vmem_shared>>)
      %dma_start3A_238 = arith.constant 0 : i32
      %dma_start3A_239 = tpu.memref_slice %arg9[%min3A_217, %dma_start3A_238] : memref<80x128xi32, #tpu.memory_space<vmem>> -> memref<1x128xi32, #tpu.memory_space<vmem>>
      %dma_start3A_240 = tpu.memref_squeeze %dma_start3A_239 : memref<1x128xi32, #tpu.memory_space<vmem>> -> memref<128xi32, #tpu.memory_space<vmem>>
      %dma_start3A_241 = arith.constant 0 : i32
      %dma_start3A_242 = arith.constant 0 : i32
      %dma_start3A_243 = tpu.memref_slice %arg2[%dma_start3A_241, %dma_start3A_242] : memref<10000x64xf32, #tpu.memory_space<hbm>> -> memref<10000x64xf32, #tpu.memory_space<hbm>>
      tpu.enqueue_indirect_dma source(%dma_start3A_243 : memref<10000x64xf32, #tpu.memory_space<hbm>>) target(%arg12 : memref<128x64xf32, #tpu.memory_space<vmem>>) offsets(%dma_start3A_240 : memref<128xi32, #tpu.memory_space<vmem>>) semaphore(%arg14 : memref<!tpu.dma_semaphore, #tpu.memory_space<semaphore_mem>>)
    }
    %dma_wait3A = arith.constant 0 : i32
    %dma_wait3A_70 = arith.constant 0 : i32
    %dma_wait3A_71 = tpu.memref_slice %arg9[%dma_wait3A, %dma_wait3A_70] : memref<80x128xi32, #tpu.memory_space<vmem>> -> memref<1x128xi32, #tpu.memory_space<vmem>>
    %dma_wait3A_72 = tpu.memref_squeeze %dma_wait3A_71 : memref<1x128xi32, #tpu.memory_space<vmem>> -> memref<128xi32, #tpu.memory_space<vmem>>
    %dma_wait3A_73 = arith.constant 0 : i32
    %dma_wait3A_74 = arith.constant 0 : i32
    %dma_wait3A_75 = tpu.memref_slice %arg2[%dma_wait3A_73, %dma_wait3A_74] : memref<10000x64xf32, #tpu.memory_space<hbm>> -> memref<10000x64xf32, #tpu.memory_space<hbm>>
    tpu.wait_indirect_dma semaphore(%arg13 : memref<!tpu.dma_semaphore, #tpu.memory_space<semaphore_mem>>) src(%dma_wait3A_75 : memref<10000x64xf32, #tpu.memory_space<hbm>>) dst(%arg11 : memref<128x64xf32, #tpu.memory_space<vmem>>)
    %dma_wait3A_76 = arith.constant 0 : i32
    %dma_wait3A_77 = arith.constant 0 : i32
    %dma_wait3A_78 = tpu.memref_slice %arg9[%dma_wait3A_76, %dma_wait3A_77] : memref<80x128xi32, #tpu.memory_space<vmem>> -> memref<1x128xi32, #tpu.memory_space<vmem>>
    %dma_wait3A_79 = tpu.memref_squeeze %dma_wait3A_78 : memref<1x128xi32, #tpu.memory_space<vmem>> -> memref<128xi32, #tpu.memory_space<vmem>>
    %dma_wait3A_80 = arith.constant 0 : i32
    %dma_wait3A_81 = arith.constant 0 : i32
    %dma_wait3A_82 = tpu.memref_slice %arg2[%dma_wait3A_80, %dma_wait3A_81] : memref<10000x64xf32, #tpu.memory_space<hbm>> -> memref<10000x64xf32, #tpu.memory_space<hbm>>
    tpu.wait_indirect_dma semaphore(%arg14 : memref<!tpu.dma_semaphore, #tpu.memory_space<semaphore_mem>>) src(%dma_wait3A_82 : memref<10000x64xf32, #tpu.memory_space<hbm>>) dst(%arg12 : memref<128x64xf32, #tpu.memory_space<vmem>>)
    %barrier3A_83 = arith.constant 0 : index
    tpu.barrier barrier_id(%barrier3A_83)
    %lt3A_84 = arith.constant 15 : i32
    %lt3A_85 = arith.cmpi slt, %arg1, %lt3A_84 : i32
    %convert_element_type3A_86 = arith.extui %lt3A_85 : i1 to i32
    %cond3A_87 = arith.constant 0 : i32
    %cond3A_88 = arith.cmpi ne, %convert_element_type3A_86, %cond3A_87 : i32
    scf.if %cond3A_88 {
      %mul3A_178 = arith.constant 632 : i32
      %mul3A_179 = arith.muli %arg1, %mul3A_178 : i32
      %mul3A_180 = arith.constant 632 : i32
      %mul3A_181 = arith.muli %arg1, %mul3A_180 : i32
      "tpu.region"() ({
        %run_scoped3A = tpu.sem_alloc : memref<!tpu.dma_semaphore, #tpu.memory_space<semaphore_mem>>
        %dma_start3A_182 = arith.constant 0 : i32
        %dma_start3A_183 = tpu.memref_slice %arg7[%arg0, %mul3A_181, %dma_start3A_182] : memref<2x10000x64xf32, #tpu.memory_space<hbm>> -> memref<1x632x64xf32, #tpu.memory_space<hbm>>
        %dma_start3A_184 = tpu.memref_squeeze %dma_start3A_183 : memref<1x632x64xf32, #tpu.memory_space<hbm>> -> memref<632x64xf32, #tpu.memory_space<hbm>>
        %dma_start3A_185 = arith.constant 0 : i32
        %dma_start3A_186 = tpu.memref_slice %arg17[%mul3A_179, %dma_start3A_185] : memref<10000x64xf32, #tpu.memory_space<vmem_shared>> -> memref<632x64xf32, #tpu.memory_space<vmem_shared>>
        tpu.enqueue_dma source(%dma_start3A_186 : memref<632x64xf32, #tpu.memory_space<vmem_shared>>) target(%dma_start3A_184 : memref<632x64xf32, #tpu.memory_space<hbm>>) target_semaphore(%run_scoped3A : memref<!tpu.dma_semaphore, #tpu.memory_space<semaphore_mem>>)
        %dma_wait3A_187 = arith.constant 0 : i32
        %dma_wait3A_188 = tpu.memref_slice %arg7[%arg0, %mul3A_181, %dma_wait3A_187] : memref<2x10000x64xf32, #tpu.memory_space<hbm>> -> memref<1x632x64xf32, #tpu.memory_space<hbm>>
        %dma_wait3A_189 = tpu.memref_squeeze %dma_wait3A_188 : memref<1x632x64xf32, #tpu.memory_space<hbm>> -> memref<632x64xf32, #tpu.memory_space<hbm>>
        %dma_wait3A_190 = arith.constant 0 : i32
        %dma_wait3A_191 = tpu.memref_slice %arg17[%mul3A_179, %dma_wait3A_190] : memref<10000x64xf32, #tpu.memory_space<vmem_shared>> -> memref<632x64xf32, #tpu.memory_space<vmem_shared>>
        tpu.wait_dma2 semaphore(%run_scoped3A : memref<!tpu.dma_semaphore, #tpu.memory_space<semaphore_mem>>) src(%dma_wait3A_191 : memref<632x64xf32, #tpu.memory_space<vmem_shared>>) dst(%dma_wait3A_189 : memref<632x64xf32, #tpu.memory_space<hbm>>)
        tpu.yield
      }) : () -> ()
    } else {
    }
    %eq3A_89 = arith.constant 15 : i32
    %eq3A_90 = arith.cmpi eq, %arg1, %eq3A_89 : i32
    %convert_element_type3A_91 = arith.extui %eq3A_90 : i1 to i32
    %cond3A_92 = arith.constant 0 : i32
    %cond3A_93 = arith.cmpi ne, %convert_element_type3A_91, %cond3A_92 : i32
    scf.if %cond3A_93 {
      "tpu.region"() ({
        %run_scoped3A = tpu.sem_alloc : memref<!tpu.dma_semaphore, #tpu.memory_space<semaphore_mem>>
        %dma_start3A_178 = arith.constant 9480 : i32
        %dma_start3A_179 = arith.constant 0 : i32
        %dma_start3A_180 = tpu.memref_slice %arg7[%arg0, %dma_start3A_178, %dma_start3A_179] : memref<2x10000x64xf32, #tpu.memory_space<hbm>> -> memref<1x520x64xf32, #tpu.memory_space<hbm>>
        %dma_start3A_181 = tpu.memref_squeeze %dma_start3A_180 : memref<1x520x64xf32, #tpu.memory_space<hbm>> -> memref<520x64xf32, #tpu.memory_space<hbm>>
        %dma_start3A_182 = arith.constant 9480 : i32
        %dma_start3A_183 = arith.constant 0 : i32
        %dma_start3A_184 = tpu.memref_slice %arg17[%dma_start3A_182, %dma_start3A_183] : memref<10000x64xf32, #tpu.memory_space<vmem_shared>> -> memref<520x64xf32, #tpu.memory_space<vmem_shared>>
        tpu.enqueue_dma source(%dma_start3A_184 : memref<520x64xf32, #tpu.memory_space<vmem_shared>>) target(%dma_start3A_181 : memref<520x64xf32, #tpu.memory_space<hbm>>) target_semaphore(%run_scoped3A : memref<!tpu.dma_semaphore, #tpu.memory_space<semaphore_mem>>)
        %dma_wait3A_185 = arith.constant 9480 : i32
        %dma_wait3A_186 = arith.constant 0 : i32
        %dma_wait3A_187 = tpu.memref_slice %arg7[%arg0, %dma_wait3A_185, %dma_wait3A_186] : memref<2x10000x64xf32, #tpu.memory_space<hbm>> -> memref<1x520x64xf32, #tpu.memory_space<hbm>>
        %dma_wait3A_188 = tpu.memref_squeeze %dma_wait3A_187 : memref<1x520x64xf32, #tpu.memory_space<hbm>> -> memref<520x64xf32, #tpu.memory_space<hbm>>
        %dma_wait3A_189 = arith.constant 9480 : i32
        %dma_wait3A_190 = arith.constant 0 : i32
        %dma_wait3A_191 = tpu.memref_slice %arg17[%dma_wait3A_189, %dma_wait3A_190] : memref<10000x64xf32, #tpu.memory_space<vmem_shared>> -> memref<520x64xf32, #tpu.memory_space<vmem_shared>>
        tpu.wait_dma2 semaphore(%run_scoped3A : memref<!tpu.dma_semaphore, #tpu.memory_space<semaphore_mem>>) src(%dma_wait3A_191 : memref<520x64xf32, #tpu.memory_space<vmem_shared>>) dst(%dma_wait3A_188 : memref<520x64xf32, #tpu.memory_space<hbm>>)
        tpu.yield
      }) : () -> ()
    } else {
    }
    %eq3A_94 = arith.constant 0 : i32
    %eq3A_95 = arith.cmpi eq, %arg0, %eq3A_94 : i32
    %convert_element_type3A_96 = arith.extui %eq3A_95 : i1 to i32
    %cond3A_97 = arith.constant 0 : i32
    %cond3A_98 = arith.cmpi ne, %convert_element_type3A_96, %cond3A_97 : i32
    scf.if %cond3A_98 {
      %lt3A_178 = arith.constant 15 : i32
      %lt3A_179 = arith.cmpi slt, %arg1, %lt3A_178 : i32
      %convert_element_type3A_180 = arith.extui %lt3A_179 : i1 to i32
      %cond3A_181 = arith.constant 0 : i32
      %cond3A_182 = arith.cmpi ne, %convert_element_type3A_180, %cond3A_181 : i32
      scf.if %cond3A_182 {
        %mul3A_188 = arith.constant 632 : i32
        %mul3A_189 = arith.muli %arg1, %mul3A_188 : i32
        %mul3A_190 = arith.constant 632 : i32
        %mul3A_191 = arith.muli %arg1, %mul3A_190 : i32
        "tpu.region"() ({
          %run_scoped3A = tpu.sem_alloc : memref<!tpu.dma_semaphore, #tpu.memory_space<semaphore_mem>>
          %dma_start3A_192 = arith.constant 0 : i32
          %dma_start3A_193 = tpu.memref_slice %arg17[%mul3A_191, %dma_start3A_192] : memref<10000x64xf32, #tpu.memory_space<vmem_shared>> -> memref<632x64xf32, #tpu.memory_space<vmem_shared>>
          %dma_start3A_194 = arith.constant 0 : i32
          %dma_start3A_195 = tpu.memref_slice %arg3[%mul3A_189, %dma_start3A_194] : memref<10000x64xf32, #tpu.memory_space<hbm>> -> memref<632x64xf32, #tpu.memory_space<hbm>>
          tpu.enqueue_dma source(%dma_start3A_195 : memref<632x64xf32, #tpu.memory_space<hbm>>) target(%dma_start3A_193 : memref<632x64xf32, #tpu.memory_space<vmem_shared>>) target_semaphore(%run_scoped3A : memref<!tpu.dma_semaphore, #tpu.memory_space<semaphore_mem>>)
          %dma_wait3A_196 = arith.constant 0 : i32
          %dma_wait3A_197 = tpu.memref_slice %arg17[%mul3A_191, %dma_wait3A_196] : memref<10000x64xf32, #tpu.memory_space<vmem_shared>> -> memref<632x64xf32, #tpu.memory_space<vmem_shared>>
          %dma_wait3A_198 = arith.constant 0 : i32
          %dma_wait3A_199 = tpu.memref_slice %arg3[%mul3A_189, %dma_wait3A_198] : memref<10000x64xf32, #tpu.memory_space<hbm>> -> memref<632x64xf32, #tpu.memory_space<hbm>>
          tpu.wait_dma2 semaphore(%run_scoped3A : memref<!tpu.dma_semaphore, #tpu.memory_space<semaphore_mem>>) src(%dma_wait3A_199 : memref<632x64xf32, #tpu.memory_space<hbm>>) dst(%dma_wait3A_197 : memref<632x64xf32, #tpu.memory_space<vmem_shared>>)
          tpu.yield
        }) : () -> ()
      } else {
      }
      %eq3A_183 = arith.constant 15 : i32
      %eq3A_184 = arith.cmpi eq, %arg1, %eq3A_183 : i32
      %convert_element_type3A_185 = arith.extui %eq3A_184 : i1 to i32
      %cond3A_186 = arith.constant 0 : i32
      %cond3A_187 = arith.cmpi ne, %convert_element_type3A_185, %cond3A_186 : i32
      scf.if %cond3A_187 {
        "tpu.region"() ({
          %run_scoped3A = tpu.sem_alloc : memref<!tpu.dma_semaphore, #tpu.memory_space<semaphore_mem>>
          %dma_start3A_188 = arith.constant 9480 : i32
          %dma_start3A_189 = arith.constant 0 : i32
          %dma_start3A_190 = tpu.memref_slice %arg17[%dma_start3A_188, %dma_start3A_189] : memref<10000x64xf32, #tpu.memory_space<vmem_shared>> -> memref<520x64xf32, #tpu.memory_space<vmem_shared>>
          %dma_start3A_191 = arith.constant 9480 : i32
          %dma_start3A_192 = arith.constant 0 : i32
          %dma_start3A_193 = tpu.memref_slice %arg3[%dma_start3A_191, %dma_start3A_192] : memref<10000x64xf32, #tpu.memory_space<hbm>> -> memref<520x64xf32, #tpu.memory_space<hbm>>
          tpu.enqueue_dma source(%dma_start3A_193 : memref<520x64xf32, #tpu.memory_space<hbm>>) target(%dma_start3A_190 : memref<520x64xf32, #tpu.memory_space<vmem_shared>>) target_semaphore(%run_scoped3A : memref<!tpu.dma_semaphore, #tpu.memory_space<semaphore_mem>>)
          %dma_wait3A_194 = arith.constant 9480 : i32
          %dma_wait3A_195 = arith.constant 0 : i32
          %dma_wait3A_196 = tpu.memref_slice %arg17[%dma_wait3A_194, %dma_wait3A_195] : memref<10000x64xf32, #tpu.memory_space<vmem_shared>> -> memref<520x64xf32, #tpu.memory_space<vmem_shared>>
          %dma_wait3A_197 = arith.constant 9480 : i32
          %dma_wait3A_198 = arith.constant 0 : i32
          %dma_wait3A_199 = tpu.memref_slice %arg3[%dma_wait3A_197, %dma_wait3A_198] : memref<10000x64xf32, #tpu.memory_space<hbm>> -> memref<520x64xf32, #tpu.memory_space<hbm>>
          tpu.wait_dma2 semaphore(%run_scoped3A : memref<!tpu.dma_semaphore, #tpu.memory_space<semaphore_mem>>) src(%dma_wait3A_199 : memref<520x64xf32, #tpu.memory_space<hbm>>) dst(%dma_wait3A_196 : memref<520x64xf32, #tpu.memory_space<vmem_shared>>)
          tpu.yield
        }) : () -> ()
      } else {
      }
    } else {
    }
    %eq3A_99 = arith.constant 1 : i32
    %eq3A_100 = arith.cmpi eq, %arg0, %eq3A_99 : i32
    %convert_element_type3A_101 = arith.extui %eq3A_100 : i1 to i32
    %cond3A_102 = arith.constant 0 : i32
    %cond3A_103 = arith.cmpi ne, %convert_element_type3A_101, %cond3A_102 : i32
    scf.if %cond3A_103 {
      %lt3A_178 = arith.constant 15 : i32
      %lt3A_179 = arith.cmpi slt, %arg1, %lt3A_178 : i32
      %convert_element_type3A_180 = arith.extui %lt3A_179 : i1 to i32
      %cond3A_181 = arith.constant 0 : i32
      %cond3A_182 = arith.cmpi ne, %convert_element_type3A_180, %cond3A_181 : i32
      scf.if %cond3A_182 {
        %mul3A_188 = arith.constant 632 : i32
        %mul3A_189 = arith.muli %arg1, %mul3A_188 : i32
        %mul3A_190 = arith.constant 632 : i32
        %mul3A_191 = arith.muli %arg1, %mul3A_190 : i32
        "tpu.region"() ({
          %run_scoped3A = tpu.sem_alloc : memref<!tpu.dma_semaphore, #tpu.memory_space<semaphore_mem>>
          %dma_start3A_192 = arith.constant 0 : i32
          %dma_start3A_193 = tpu.memref_slice %arg17[%mul3A_191, %dma_start3A_192] : memref<10000x64xf32, #tpu.memory_space<vmem_shared>> -> memref<632x64xf32, #tpu.memory_space<vmem_shared>>
          %dma_start3A_194 = arith.constant 0 : i32
          %dma_start3A_195 = tpu.memref_slice %arg6[%mul3A_189, %dma_start3A_194] : memref<10000x64xf32, #tpu.memory_space<hbm>> -> memref<632x64xf32, #tpu.memory_space<hbm>>
          tpu.enqueue_dma source(%dma_start3A_195 : memref<632x64xf32, #tpu.memory_space<hbm>>) target(%dma_start3A_193 : memref<632x64xf32, #tpu.memory_space<vmem_shared>>) target_semaphore(%run_scoped3A : memref<!tpu.dma_semaphore, #tpu.memory_space<semaphore_mem>>)
          %dma_wait3A_196 = arith.constant 0 : i32
          %dma_wait3A_197 = tpu.memref_slice %arg17[%mul3A_191, %dma_wait3A_196] : memref<10000x64xf32, #tpu.memory_space<vmem_shared>> -> memref<632x64xf32, #tpu.memory_space<vmem_shared>>
          %dma_wait3A_198 = arith.constant 0 : i32
          %dma_wait3A_199 = tpu.memref_slice %arg6[%mul3A_189, %dma_wait3A_198] : memref<10000x64xf32, #tpu.memory_space<hbm>> -> memref<632x64xf32, #tpu.memory_space<hbm>>
          tpu.wait_dma2 semaphore(%run_scoped3A : memref<!tpu.dma_semaphore, #tpu.memory_space<semaphore_mem>>) src(%dma_wait3A_199 : memref<632x64xf32, #tpu.memory_space<hbm>>) dst(%dma_wait3A_197 : memref<632x64xf32, #tpu.memory_space<vmem_shared>>)
          tpu.yield
        }) : () -> ()
      } else {
      }
      %eq3A_183 = arith.constant 15 : i32
      %eq3A_184 = arith.cmpi eq, %arg1, %eq3A_183 : i32
      %convert_element_type3A_185 = arith.extui %eq3A_184 : i1 to i32
      %cond3A_186 = arith.constant 0 : i32
      %cond3A_187 = arith.cmpi ne, %convert_element_type3A_185, %cond3A_186 : i32
      scf.if %cond3A_187 {
        "tpu.region"() ({
          %run_scoped3A = tpu.sem_alloc : memref<!tpu.dma_semaphore, #tpu.memory_space<semaphore_mem>>
          %dma_start3A_188 = arith.constant 9480 : i32
          %dma_start3A_189 = arith.constant 0 : i32
          %dma_start3A_190 = tpu.memref_slice %arg17[%dma_start3A_188, %dma_start3A_189] : memref<10000x64xf32, #tpu.memory_space<vmem_shared>> -> memref<520x64xf32, #tpu.memory_space<vmem_shared>>
          %dma_start3A_191 = arith.constant 9480 : i32
          %dma_start3A_192 = arith.constant 0 : i32
          %dma_start3A_193 = tpu.memref_slice %arg6[%dma_start3A_191, %dma_start3A_192] : memref<10000x64xf32, #tpu.memory_space<hbm>> -> memref<520x64xf32, #tpu.memory_space<hbm>>
          tpu.enqueue_dma source(%dma_start3A_193 : memref<520x64xf32, #tpu.memory_space<hbm>>) target(%dma_start3A_190 : memref<520x64xf32, #tpu.memory_space<vmem_shared>>) target_semaphore(%run_scoped3A : memref<!tpu.dma_semaphore, #tpu.memory_space<semaphore_mem>>)
          %dma_wait3A_194 = arith.constant 9480 : i32
          %dma_wait3A_195 = arith.constant 0 : i32
          %dma_wait3A_196 = tpu.memref_slice %arg17[%dma_wait3A_194, %dma_wait3A_195] : memref<10000x64xf32, #tpu.memory_space<vmem_shared>> -> memref<520x64xf32, #tpu.memory_space<vmem_shared>>
          %dma_wait3A_197 = arith.constant 9480 : i32
          %dma_wait3A_198 = arith.constant 0 : i32
          %dma_wait3A_199 = tpu.memref_slice %arg6[%dma_wait3A_197, %dma_wait3A_198] : memref<10000x64xf32, #tpu.memory_space<hbm>> -> memref<520x64xf32, #tpu.memory_space<hbm>>
          tpu.wait_dma2 semaphore(%run_scoped3A : memref<!tpu.dma_semaphore, #tpu.memory_space<semaphore_mem>>) src(%dma_wait3A_199 : memref<520x64xf32, #tpu.memory_space<hbm>>) dst(%dma_wait3A_196 : memref<520x64xf32, #tpu.memory_space<vmem_shared>>)
          tpu.yield
        }) : () -> ()
      } else {
      }
    } else {
    }
    %barrier3A_104 = arith.constant 0 : index
    tpu.barrier barrier_id(%barrier3A_104)
    %dma_start3A_105 = arith.constant 0 : i32
    %dma_start3A_106 = arith.constant 0 : i32
    %dma_start3A_107 = tpu.memref_slice %arg9[%dma_start3A_105, %dma_start3A_106] : memref<80x128xi32, #tpu.memory_space<vmem>> -> memref<1x128xi32, #tpu.memory_space<vmem>>
    %dma_start3A_108 = tpu.memref_squeeze %dma_start3A_107 : memref<1x128xi32, #tpu.memory_space<vmem>> -> memref<128xi32, #tpu.memory_space<vmem>>
    %dma_start3A_109 = arith.constant 0 : i32
    %dma_start3A_110 = arith.constant 0 : i32
    %dma_start3A_111 = tpu.memref_slice %arg3[%dma_start3A_109, %dma_start3A_110] : memref<10000x64xf32, #tpu.memory_space<hbm>> -> memref<10000x64xf32, #tpu.memory_space<hbm>>
    tpu.enqueue_indirect_dma source(%dma_start3A_111 : memref<10000x64xf32, #tpu.memory_space<hbm>>) target(%arg11 : memref<128x64xf32, #tpu.memory_space<vmem>>) offsets(%dma_start3A_108 : memref<128xi32, #tpu.memory_space<vmem>>) semaphore(%arg13 : memref<!tpu.dma_semaphore, #tpu.memory_space<semaphore_mem>>)
    %dma_start3A_112 = arith.constant 1 : i32
    %dma_start3A_113 = arith.constant 0 : i32
    %dma_start3A_114 = tpu.memref_slice %arg9[%dma_start3A_112, %dma_start3A_113] : memref<80x128xi32, #tpu.memory_space<vmem>> -> memref<1x128xi32, #tpu.memory_space<vmem>>
    %dma_start3A_115 = tpu.memref_squeeze %dma_start3A_114 : memref<1x128xi32, #tpu.memory_space<vmem>> -> memref<128xi32, #tpu.memory_space<vmem>>
    %dma_start3A_116 = arith.constant 0 : i32
    %dma_start3A_117 = arith.constant 0 : i32
    %dma_start3A_118 = tpu.memref_slice %arg3[%dma_start3A_116, %dma_start3A_117] : memref<10000x64xf32, #tpu.memory_space<hbm>> -> memref<10000x64xf32, #tpu.memory_space<hbm>>
    tpu.enqueue_indirect_dma source(%dma_start3A_118 : memref<10000x64xf32, #tpu.memory_space<hbm>>) target(%arg12 : memref<128x64xf32, #tpu.memory_space<vmem>>) offsets(%dma_start3A_115 : memref<128xi32, #tpu.memory_space<vmem>>) semaphore(%arg14 : memref<!tpu.dma_semaphore, #tpu.memory_space<semaphore_mem>>)
    %jit3A_119 = arith.constant 2 : i32
    %div3A_120 = arith.divsi %select_n3A, %jit3A_119 : i32
    %sign3A_121 = arith.constant 0 : i32
    %sign3A_122 = arith.cmpi sgt, %select_n3A, %sign3A_121 : i32
    %sign3A_123 = arith.extui %sign3A_122 : i1 to i32
    %sign3A_124 = arith.constant 0 : i32
    %sign3A_125 = arith.cmpi slt, %select_n3A, %sign3A_124 : i32
    %sign3A_126 = arith.extui %sign3A_125 : i1 to i32
    %sign3A_127 = arith.subi %sign3A_123, %sign3A_126 : i32
    %sign3A_128 = arith.constant 0 : i32
    %sign3A_129 = arith.cmpi sgt, %jit3A_119, %sign3A_128 : i32
    %sign3A_130 = arith.extui %sign3A_129 : i1 to i32
    %sign3A_131 = arith.constant 0 : i32
    %sign3A_132 = arith.cmpi slt, %jit3A_119, %sign3A_131 : i32
    %sign3A_133 = arith.extui %sign3A_132 : i1 to i32
    %sign3A_134 = arith.subi %sign3A_130, %sign3A_133 : i32
    %ne3A_135 = arith.cmpi ne, %sign3A_127, %sign3A_134 : i32
    %rem3A_136 = arith.remsi %select_n3A, %jit3A_119 : i32
    %ne3A_137 = arith.constant 0 : i32
    %ne3A_138 = arith.cmpi ne, %rem3A_136, %ne3A_137 : i32
    %and3A_139 = arith.andi %ne3A_135, %ne3A_138 : i1
    %sub3A_140 = arith.constant 1 : i32
    %sub3A_141 = arith.subi %div3A_120, %sub3A_140 : i32
    %select_n3A_142 = arith.select %and3A_139, %sub3A_141, %div3A_120 : i32
    %while3A_143 = arith.constant 0 : i32
    %while3A_144 = arith.constant 0 : i32
    %while3A_145 = arith.subi %select_n3A_142, %while3A_144 : i32
    %while3A_146 = arith.addi %while3A_144, %while3A_145 : i32
    %while3A_147 = arith.constant 1 : i32
    %while3A_148 = arith.divsi %while3A_145, %while3A_147 : i32
    %while3A_149 = arith.muli %while3A_148, %while3A_147 : i32
    %while3A_150 = arith.addi %while3A_144, %while3A_149 : i32
    %while3A_151 = arith.constant 1 : i32
    scf.for %while3A_178 = %while3A_144 to %while3A_150 step %while3A_151  : i32 {
      %mul3A_179 = arith.constant 2 : i32
      %mul3A_180 = arith.muli %mul3A_179, %while3A_178 : i32
      %dma_wait3A_181 = arith.constant 0 : i32
      %dma_wait3A_182 = tpu.memref_slice %arg9[%mul3A_180, %dma_wait3A_181] : memref<80x128xi32, #tpu.memory_space<vmem>> -> memref<1x128xi32, #tpu.memory_space<vmem>>
      %dma_wait3A_183 = tpu.memref_squeeze %dma_wait3A_182 : memref<1x128xi32, #tpu.memory_space<vmem>> -> memref<128xi32, #tpu.memory_space<vmem>>
      %dma_wait3A_184 = arith.constant 0 : i32
      %dma_wait3A_185 = arith.constant 0 : i32
      %dma_wait3A_186 = tpu.memref_slice %arg3[%dma_wait3A_184, %dma_wait3A_185] : memref<10000x64xf32, #tpu.memory_space<hbm>> -> memref<10000x64xf32, #tpu.memory_space<hbm>>
      tpu.wait_indirect_dma semaphore(%arg13 : memref<!tpu.dma_semaphore, #tpu.memory_space<semaphore_mem>>) src(%dma_wait3A_186 : memref<10000x64xf32, #tpu.memory_space<hbm>>) dst(%arg11 : memref<128x64xf32, #tpu.memory_space<vmem>>)
      %dma_start3A_187 = arith.constant 0 : i32
      %dma_start3A_188 = tpu.memref_slice %arg10[%mul3A_180, %dma_start3A_187] : memref<80x128xi32, #tpu.memory_space<vmem>> -> memref<1x128xi32, #tpu.memory_space<vmem>>
      %dma_start3A_189 = tpu.memref_squeeze %dma_start3A_188 : memref<1x128xi32, #tpu.memory_space<vmem>> -> memref<128xi32, #tpu.memory_space<vmem>>
      %dma_start3A_190 = arith.constant 0 : i32
      %dma_start3A_191 = arith.constant 0 : i32
      %dma_start3A_192 = tpu.memref_slice %arg17[%dma_start3A_190, %dma_start3A_191] : memref<10000x64xf32, #tpu.memory_space<vmem_shared>> -> memref<10000x64xf32, #tpu.memory_space<vmem_shared>>
      tpu.enqueue_indirect_dma source(%arg11 : memref<128x64xf32, #tpu.memory_space<vmem>>) target(%dma_start3A_192 : memref<10000x64xf32, #tpu.memory_space<vmem_shared>>) offsets(%dma_start3A_189 : memref<128xi32, #tpu.memory_space<vmem>>) semaphore(%arg15 : memref<!tpu.dma_semaphore, #tpu.memory_space<semaphore_mem>>) {add = true}
      %add3A_193 = arith.constant 1 : i32
      %add3A_194 = arith.addi %mul3A_180, %add3A_193 : i32
      %dma_wait3A_195 = arith.constant 0 : i32
      %dma_wait3A_196 = tpu.memref_slice %arg9[%add3A_194, %dma_wait3A_195] : memref<80x128xi32, #tpu.memory_space<vmem>> -> memref<1x128xi32, #tpu.memory_space<vmem>>
      %dma_wait3A_197 = tpu.memref_squeeze %dma_wait3A_196 : memref<1x128xi32, #tpu.memory_space<vmem>> -> memref<128xi32, #tpu.memory_space<vmem>>
      %dma_wait3A_198 = arith.constant 0 : i32
      %dma_wait3A_199 = arith.constant 0 : i32
      %dma_wait3A_200 = tpu.memref_slice %arg3[%dma_wait3A_198, %dma_wait3A_199] : memref<10000x64xf32, #tpu.memory_space<hbm>> -> memref<10000x64xf32, #tpu.memory_space<hbm>>
      tpu.wait_indirect_dma semaphore(%arg14 : memref<!tpu.dma_semaphore, #tpu.memory_space<semaphore_mem>>) src(%dma_wait3A_200 : memref<10000x64xf32, #tpu.memory_space<hbm>>) dst(%arg12 : memref<128x64xf32, #tpu.memory_space<vmem>>)
      %add3A_201 = arith.constant 1 : i32
      %add3A_202 = arith.addi %mul3A_180, %add3A_201 : i32
      %dma_start3A_203 = arith.constant 0 : i32
      %dma_start3A_204 = tpu.memref_slice %arg10[%add3A_202, %dma_start3A_203] : memref<80x128xi32, #tpu.memory_space<vmem>> -> memref<1x128xi32, #tpu.memory_space<vmem>>
      %dma_start3A_205 = tpu.memref_squeeze %dma_start3A_204 : memref<1x128xi32, #tpu.memory_space<vmem>> -> memref<128xi32, #tpu.memory_space<vmem>>
      %dma_start3A_206 = arith.constant 0 : i32
      %dma_start3A_207 = arith.constant 0 : i32
      %dma_start3A_208 = tpu.memref_slice %arg17[%dma_start3A_206, %dma_start3A_207] : memref<10000x64xf32, #tpu.memory_space<vmem_shared>> -> memref<10000x64xf32, #tpu.memory_space<vmem_shared>>
      tpu.enqueue_indirect_dma source(%arg12 : memref<128x64xf32, #tpu.memory_space<vmem>>) target(%dma_start3A_208 : memref<10000x64xf32, #tpu.memory_space<vmem_shared>>) offsets(%dma_start3A_205 : memref<128xi32, #tpu.memory_space<vmem>>) semaphore(%arg16 : memref<!tpu.dma_semaphore, #tpu.memory_space<semaphore_mem>>) {add = true}
      %add3A_209 = arith.constant 2 : i32
      %add3A_210 = arith.addi %mul3A_180, %add3A_209 : i32
      %sub3A_211 = arith.constant 1 : i32
      %sub3A_212 = arith.subi %select_n3A, %sub3A_211 : i32
      %min3A = arith.minsi %add3A_210, %sub3A_212 : i32
      %add3A_213 = arith.constant 3 : i32
      %add3A_214 = arith.addi %mul3A_180, %add3A_213 : i32
      %sub3A_215 = arith.constant 1 : i32
      %sub3A_216 = arith.subi %select_n3A, %sub3A_215 : i32
      %min3A_217 = arith.minsi %add3A_214, %sub3A_216 : i32
      %dma_wait3A_218 = arith.constant 0 : i32
      %dma_wait3A_219 = tpu.memref_slice %arg10[%mul3A_180, %dma_wait3A_218] : memref<80x128xi32, #tpu.memory_space<vmem>> -> memref<1x128xi32, #tpu.memory_space<vmem>>
      %dma_wait3A_220 = tpu.memref_squeeze %dma_wait3A_219 : memref<1x128xi32, #tpu.memory_space<vmem>> -> memref<128xi32, #tpu.memory_space<vmem>>
      %dma_wait3A_221 = arith.constant 0 : i32
      %dma_wait3A_222 = arith.constant 0 : i32
      %dma_wait3A_223 = tpu.memref_slice %arg17[%dma_wait3A_221, %dma_wait3A_222] : memref<10000x64xf32, #tpu.memory_space<vmem_shared>> -> memref<10000x64xf32, #tpu.memory_space<vmem_shared>>
      tpu.wait_indirect_dma semaphore(%arg15 : memref<!tpu.dma_semaphore, #tpu.memory_space<semaphore_mem>>) src(%arg11 : memref<128x64xf32, #tpu.memory_space<vmem>>) dst(%dma_wait3A_223 : memref<10000x64xf32, #tpu.memory_space<vmem_shared>>)
      %dma_start3A_224 = arith.constant 0 : i32
      %dma_start3A_225 = tpu.memref_slice %arg9[%min3A, %dma_start3A_224] : memref<80x128xi32, #tpu.memory_space<vmem>> -> memref<1x128xi32, #tpu.memory_space<vmem>>
      %dma_start3A_226 = tpu.memref_squeeze %dma_start3A_225 : memref<1x128xi32, #tpu.memory_space<vmem>> -> memref<128xi32, #tpu.memory_space<vmem>>
      %dma_start3A_227 = arith.constant 0 : i32
      %dma_start3A_228 = arith.constant 0 : i32
      %dma_start3A_229 = tpu.memref_slice %arg3[%dma_start3A_227, %dma_start3A_228] : memref<10000x64xf32, #tpu.memory_space<hbm>> -> memref<10000x64xf32, #tpu.memory_space<hbm>>
      tpu.enqueue_indirect_dma source(%dma_start3A_229 : memref<10000x64xf32, #tpu.memory_space<hbm>>) target(%arg11 : memref<128x64xf32, #tpu.memory_space<vmem>>) offsets(%dma_start3A_226 : memref<128xi32, #tpu.memory_space<vmem>>) semaphore(%arg13 : memref<!tpu.dma_semaphore, #tpu.memory_space<semaphore_mem>>)
      %add3A_230 = arith.constant 1 : i32
      %add3A_231 = arith.addi %mul3A_180, %add3A_230 : i32
      %dma_wait3A_232 = arith.constant 0 : i32
      %dma_wait3A_233 = tpu.memref_slice %arg10[%add3A_231, %dma_wait3A_232] : memref<80x128xi32, #tpu.memory_space<vmem>> -> memref<1x128xi32, #tpu.memory_space<vmem>>
      %dma_wait3A_234 = tpu.memref_squeeze %dma_wait3A_233 : memref<1x128xi32, #tpu.memory_space<vmem>> -> memref<128xi32, #tpu.memory_space<vmem>>
      %dma_wait3A_235 = arith.constant 0 : i32
      %dma_wait3A_236 = arith.constant 0 : i32
      %dma_wait3A_237 = tpu.memref_slice %arg17[%dma_wait3A_235, %dma_wait3A_236] : memref<10000x64xf32, #tpu.memory_space<vmem_shared>> -> memref<10000x64xf32, #tpu.memory_space<vmem_shared>>
      tpu.wait_indirect_dma semaphore(%arg16 : memref<!tpu.dma_semaphore, #tpu.memory_space<semaphore_mem>>) src(%arg12 : memref<128x64xf32, #tpu.memory_space<vmem>>) dst(%dma_wait3A_237 : memref<10000x64xf32, #tpu.memory_space<vmem_shared>>)
      %dma_start3A_238 = arith.constant 0 : i32
      %dma_start3A_239 = tpu.memref_slice %arg9[%min3A_217, %dma_start3A_238] : memref<80x128xi32, #tpu.memory_space<vmem>> -> memref<1x128xi32, #tpu.memory_space<vmem>>
      %dma_start3A_240 = tpu.memref_squeeze %dma_start3A_239 : memref<1x128xi32, #tpu.memory_space<vmem>> -> memref<128xi32, #tpu.memory_space<vmem>>
      %dma_start3A_241 = arith.constant 0 : i32
      %dma_start3A_242 = arith.constant 0 : i32
      %dma_start3A_243 = tpu.memref_slice %arg3[%dma_start3A_241, %dma_start3A_242] : memref<10000x64xf32, #tpu.memory_space<hbm>> -> memref<10000x64xf32, #tpu.memory_space<hbm>>
      tpu.enqueue_indirect_dma source(%dma_start3A_243 : memref<10000x64xf32, #tpu.memory_space<hbm>>) target(%arg12 : memref<128x64xf32, #tpu.memory_space<vmem>>) offsets(%dma_start3A_240 : memref<128xi32, #tpu.memory_space<vmem>>) semaphore(%arg14 : memref<!tpu.dma_semaphore, #tpu.memory_space<semaphore_mem>>)
    }
    %while3A_152 = arith.constant 1 : i32
    scf.for %while3A_178 = %while3A_150 to %while3A_146 step %while3A_152  : i32 {
      %mul3A_179 = arith.constant 2 : i32
      %mul3A_180 = arith.muli %mul3A_179, %while3A_178 : i32
      %dma_wait3A_181 = arith.constant 0 : i32
      %dma_wait3A_182 = tpu.memref_slice %arg9[%mul3A_180, %dma_wait3A_181] : memref<80x128xi32, #tpu.memory_space<vmem>> -> memref<1x128xi32, #tpu.memory_space<vmem>>
      %dma_wait3A_183 = tpu.memref_squeeze %dma_wait3A_182 : memref<1x128xi32, #tpu.memory_space<vmem>> -> memref<128xi32, #tpu.memory_space<vmem>>
      %dma_wait3A_184 = arith.constant 0 : i32
      %dma_wait3A_185 = arith.constant 0 : i32
      %dma_wait3A_186 = tpu.memref_slice %arg3[%dma_wait3A_184, %dma_wait3A_185] : memref<10000x64xf32, #tpu.memory_space<hbm>> -> memref<10000x64xf32, #tpu.memory_space<hbm>>
      tpu.wait_indirect_dma semaphore(%arg13 : memref<!tpu.dma_semaphore, #tpu.memory_space<semaphore_mem>>) src(%dma_wait3A_186 : memref<10000x64xf32, #tpu.memory_space<hbm>>) dst(%arg11 : memref<128x64xf32, #tpu.memory_space<vmem>>)
      %dma_start3A_187 = arith.constant 0 : i32
      %dma_start3A_188 = tpu.memref_slice %arg10[%mul3A_180, %dma_start3A_187] : memref<80x128xi32, #tpu.memory_space<vmem>> -> memref<1x128xi32, #tpu.memory_space<vmem>>
      %dma_start3A_189 = tpu.memref_squeeze %dma_start3A_188 : memref<1x128xi32, #tpu.memory_space<vmem>> -> memref<128xi32, #tpu.memory_space<vmem>>
      %dma_start3A_190 = arith.constant 0 : i32
      %dma_start3A_191 = arith.constant 0 : i32
      %dma_start3A_192 = tpu.memref_slice %arg17[%dma_start3A_190, %dma_start3A_191] : memref<10000x64xf32, #tpu.memory_space<vmem_shared>> -> memref<10000x64xf32, #tpu.memory_space<vmem_shared>>
      tpu.enqueue_indirect_dma source(%arg11 : memref<128x64xf32, #tpu.memory_space<vmem>>) target(%dma_start3A_192 : memref<10000x64xf32, #tpu.memory_space<vmem_shared>>) offsets(%dma_start3A_189 : memref<128xi32, #tpu.memory_space<vmem>>) semaphore(%arg15 : memref<!tpu.dma_semaphore, #tpu.memory_space<semaphore_mem>>) {add = true}
      %add3A_193 = arith.constant 1 : i32
      %add3A_194 = arith.addi %mul3A_180, %add3A_193 : i32
      %dma_wait3A_195 = arith.constant 0 : i32
      %dma_wait3A_196 = tpu.memref_slice %arg9[%add3A_194, %dma_wait3A_195] : memref<80x128xi32, #tpu.memory_space<vmem>> -> memref<1x128xi32, #tpu.memory_space<vmem>>
      %dma_wait3A_197 = tpu.memref_squeeze %dma_wait3A_196 : memref<1x128xi32, #tpu.memory_space<vmem>> -> memref<128xi32, #tpu.memory_space<vmem>>
      %dma_wait3A_198 = arith.constant 0 : i32
      %dma_wait3A_199 = arith.constant 0 : i32
      %dma_wait3A_200 = tpu.memref_slice %arg3[%dma_wait3A_198, %dma_wait3A_199] : memref<10000x64xf32, #tpu.memory_space<hbm>> -> memref<10000x64xf32, #tpu.memory_space<hbm>>
      tpu.wait_indirect_dma semaphore(%arg14 : memref<!tpu.dma_semaphore, #tpu.memory_space<semaphore_mem>>) src(%dma_wait3A_200 : memref<10000x64xf32, #tpu.memory_space<hbm>>) dst(%arg12 : memref<128x64xf32, #tpu.memory_space<vmem>>)
      %add3A_201 = arith.constant 1 : i32
      %add3A_202 = arith.addi %mul3A_180, %add3A_201 : i32
      %dma_start3A_203 = arith.constant 0 : i32
      %dma_start3A_204 = tpu.memref_slice %arg10[%add3A_202, %dma_start3A_203] : memref<80x128xi32, #tpu.memory_space<vmem>> -> memref<1x128xi32, #tpu.memory_space<vmem>>
      %dma_start3A_205 = tpu.memref_squeeze %dma_start3A_204 : memref<1x128xi32, #tpu.memory_space<vmem>> -> memref<128xi32, #tpu.memory_space<vmem>>
      %dma_start3A_206 = arith.constant 0 : i32
      %dma_start3A_207 = arith.constant 0 : i32
      %dma_start3A_208 = tpu.memref_slice %arg17[%dma_start3A_206, %dma_start3A_207] : memref<10000x64xf32, #tpu.memory_space<vmem_shared>> -> memref<10000x64xf32, #tpu.memory_space<vmem_shared>>
      tpu.enqueue_indirect_dma source(%arg12 : memref<128x64xf32, #tpu.memory_space<vmem>>) target(%dma_start3A_208 : memref<10000x64xf32, #tpu.memory_space<vmem_shared>>) offsets(%dma_start3A_205 : memref<128xi32, #tpu.memory_space<vmem>>) semaphore(%arg16 : memref<!tpu.dma_semaphore, #tpu.memory_space<semaphore_mem>>) {add = true}
      %add3A_209 = arith.constant 2 : i32
      %add3A_210 = arith.addi %mul3A_180, %add3A_209 : i32
      %sub3A_211 = arith.constant 1 : i32
      %sub3A_212 = arith.subi %select_n3A, %sub3A_211 : i32
      %min3A = arith.minsi %add3A_210, %sub3A_212 : i32
      %add3A_213 = arith.constant 3 : i32
      %add3A_214 = arith.addi %mul3A_180, %add3A_213 : i32
      %sub3A_215 = arith.constant 1 : i32
      %sub3A_216 = arith.subi %select_n3A, %sub3A_215 : i32
      %min3A_217 = arith.minsi %add3A_214, %sub3A_216 : i32
      %dma_wait3A_218 = arith.constant 0 : i32
      %dma_wait3A_219 = tpu.memref_slice %arg10[%mul3A_180, %dma_wait3A_218] : memref<80x128xi32, #tpu.memory_space<vmem>> -> memref<1x128xi32, #tpu.memory_space<vmem>>
      %dma_wait3A_220 = tpu.memref_squeeze %dma_wait3A_219 : memref<1x128xi32, #tpu.memory_space<vmem>> -> memref<128xi32, #tpu.memory_space<vmem>>
      %dma_wait3A_221 = arith.constant 0 : i32
      %dma_wait3A_222 = arith.constant 0 : i32
      %dma_wait3A_223 = tpu.memref_slice %arg17[%dma_wait3A_221, %dma_wait3A_222] : memref<10000x64xf32, #tpu.memory_space<vmem_shared>> -> memref<10000x64xf32, #tpu.memory_space<vmem_shared>>
      tpu.wait_indirect_dma semaphore(%arg15 : memref<!tpu.dma_semaphore, #tpu.memory_space<semaphore_mem>>) src(%arg11 : memref<128x64xf32, #tpu.memory_space<vmem>>) dst(%dma_wait3A_223 : memref<10000x64xf32, #tpu.memory_space<vmem_shared>>)
      %dma_start3A_224 = arith.constant 0 : i32
      %dma_start3A_225 = tpu.memref_slice %arg9[%min3A, %dma_start3A_224] : memref<80x128xi32, #tpu.memory_space<vmem>> -> memref<1x128xi32, #tpu.memory_space<vmem>>
      %dma_start3A_226 = tpu.memref_squeeze %dma_start3A_225 : memref<1x128xi32, #tpu.memory_space<vmem>> -> memref<128xi32, #tpu.memory_space<vmem>>
      %dma_start3A_227 = arith.constant 0 : i32
      %dma_start3A_228 = arith.constant 0 : i32
      %dma_start3A_229 = tpu.memref_slice %arg3[%dma_start3A_227, %dma_start3A_228] : memref<10000x64xf32, #tpu.memory_space<hbm>> -> memref<10000x64xf32, #tpu.memory_space<hbm>>
      tpu.enqueue_indirect_dma source(%dma_start3A_229 : memref<10000x64xf32, #tpu.memory_space<hbm>>) target(%arg11 : memref<128x64xf32, #tpu.memory_space<vmem>>) offsets(%dma_start3A_226 : memref<128xi32, #tpu.memory_space<vmem>>) semaphore(%arg13 : memref<!tpu.dma_semaphore, #tpu.memory_space<semaphore_mem>>)
      %add3A_230 = arith.constant 1 : i32
      %add3A_231 = arith.addi %mul3A_180, %add3A_230 : i32
      %dma_wait3A_232 = arith.constant 0 : i32
      %dma_wait3A_233 = tpu.memref_slice %arg10[%add3A_231, %dma_wait3A_232] : memref<80x128xi32, #tpu.memory_space<vmem>> -> memref<1x128xi32, #tpu.memory_space<vmem>>
      %dma_wait3A_234 = tpu.memref_squeeze %dma_wait3A_233 : memref<1x128xi32, #tpu.memory_space<vmem>> -> memref<128xi32, #tpu.memory_space<vmem>>
      %dma_wait3A_235 = arith.constant 0 : i32
      %dma_wait3A_236 = arith.constant 0 : i32
      %dma_wait3A_237 = tpu.memref_slice %arg17[%dma_wait3A_235, %dma_wait3A_236] : memref<10000x64xf32, #tpu.memory_space<vmem_shared>> -> memref<10000x64xf32, #tpu.memory_space<vmem_shared>>
      tpu.wait_indirect_dma semaphore(%arg16 : memref<!tpu.dma_semaphore, #tpu.memory_space<semaphore_mem>>) src(%arg12 : memref<128x64xf32, #tpu.memory_space<vmem>>) dst(%dma_wait3A_237 : memref<10000x64xf32, #tpu.memory_space<vmem_shared>>)
      %dma_start3A_238 = arith.constant 0 : i32
      %dma_start3A_239 = tpu.memref_slice %arg9[%min3A_217, %dma_start3A_238] : memref<80x128xi32, #tpu.memory_space<vmem>> -> memref<1x128xi32, #tpu.memory_space<vmem>>
      %dma_start3A_240 = tpu.memref_squeeze %dma_start3A_239 : memref<1x128xi32, #tpu.memory_space<vmem>> -> memref<128xi32, #tpu.memory_space<vmem>>
      %dma_start3A_241 = arith.constant 0 : i32
      %dma_start3A_242 = arith.constant 0 : i32
      %dma_start3A_243 = tpu.memref_slice %arg3[%dma_start3A_241, %dma_start3A_242] : memref<10000x64xf32, #tpu.memory_space<hbm>> -> memref<10000x64xf32, #tpu.memory_space<hbm>>
      tpu.enqueue_indirect_dma source(%dma_start3A_243 : memref<10000x64xf32, #tpu.memory_space<hbm>>) target(%arg12 : memref<128x64xf32, #tpu.memory_space<vmem>>) offsets(%dma_start3A_240 : memref<128xi32, #tpu.memory_space<vmem>>) semaphore(%arg14 : memref<!tpu.dma_semaphore, #tpu.memory_space<semaphore_mem>>)
    }
    %dma_wait3A_153 = arith.constant 0 : i32
    %dma_wait3A_154 = arith.constant 0 : i32
    %dma_wait3A_155 = tpu.memref_slice %arg9[%dma_wait3A_153, %dma_wait3A_154] : memref<80x128xi32, #tpu.memory_space<vmem>> -> memref<1x128xi32, #tpu.memory_space<vmem>>
    %dma_wait3A_156 = tpu.memref_squeeze %dma_wait3A_155 : memref<1x128xi32, #tpu.memory_space<vmem>> -> memref<128xi32, #tpu.memory_space<vmem>>
    %dma_wait3A_157 = arith.constant 0 : i32
    %dma_wait3A_158 = arith.constant 0 : i32
    %dma_wait3A_159 = tpu.memref_slice %arg3[%dma_wait3A_157, %dma_wait3A_158] : memref<10000x64xf32, #tpu.memory_space<hbm>> -> memref<10000x64xf32, #tpu.memory_space<hbm>>
    tpu.wait_indirect_dma semaphore(%arg13 : memref<!tpu.dma_semaphore, #tpu.memory_space<semaphore_mem>>) src(%dma_wait3A_159 : memref<10000x64xf32, #tpu.memory_space<hbm>>) dst(%arg11 : memref<128x64xf32, #tpu.memory_space<vmem>>)
    %dma_wait3A_160 = arith.constant 0 : i32
    %dma_wait3A_161 = arith.constant 0 : i32
    %dma_wait3A_162 = tpu.memref_slice %arg9[%dma_wait3A_160, %dma_wait3A_161] : memref<80x128xi32, #tpu.memory_space<vmem>> -> memref<1x128xi32, #tpu.memory_space<vmem>>
    %dma_wait3A_163 = tpu.memref_squeeze %dma_wait3A_162 : memref<1x128xi32, #tpu.memory_space<vmem>> -> memref<128xi32, #tpu.memory_space<vmem>>
    %dma_wait3A_164 = arith.constant 0 : i32
    %dma_wait3A_165 = arith.constant 0 : i32
    %dma_wait3A_166 = tpu.memref_slice %arg3[%dma_wait3A_164, %dma_wait3A_165] : memref<10000x64xf32, #tpu.memory_space<hbm>> -> memref<10000x64xf32, #tpu.memory_space<hbm>>
    tpu.wait_indirect_dma semaphore(%arg14 : memref<!tpu.dma_semaphore, #tpu.memory_space<semaphore_mem>>) src(%dma_wait3A_166 : memref<10000x64xf32, #tpu.memory_space<hbm>>) dst(%arg12 : memref<128x64xf32, #tpu.memory_space<vmem>>)
    %barrier3A_167 = arith.constant 0 : index
    tpu.barrier barrier_id(%barrier3A_167)
    %lt3A_168 = arith.constant 15 : i32
    %lt3A_169 = arith.cmpi slt, %arg1, %lt3A_168 : i32
    %convert_element_type3A_170 = arith.extui %lt3A_169 : i1 to i32
    %cond3A_171 = arith.constant 0 : i32
    %cond3A_172 = arith.cmpi ne, %convert_element_type3A_170, %cond3A_171 : i32
    scf.if %cond3A_172 {
      %mul3A_178 = arith.constant 632 : i32
      %mul3A_179 = arith.muli %arg1, %mul3A_178 : i32
      %mul3A_180 = arith.constant 632 : i32
      %mul3A_181 = arith.muli %arg1, %mul3A_180 : i32
      "tpu.region"() ({
        %run_scoped3A = tpu.sem_alloc : memref<!tpu.dma_semaphore, #tpu.memory_space<semaphore_mem>>
        %dma_start3A_182 = arith.constant 0 : i32
        %dma_start3A_183 = tpu.memref_slice %arg8[%arg0, %mul3A_181, %dma_start3A_182] : memref<2x10000x64xf32, #tpu.memory_space<hbm>> -> memref<1x632x64xf32, #tpu.memory_space<hbm>>
        %dma_start3A_184 = tpu.memref_squeeze %dma_start3A_183 : memref<1x632x64xf32, #tpu.memory_space<hbm>> -> memref<632x64xf32, #tpu.memory_space<hbm>>
        %dma_start3A_185 = arith.constant 0 : i32
        %dma_start3A_186 = tpu.memref_slice %arg17[%mul3A_179, %dma_start3A_185] : memref<10000x64xf32, #tpu.memory_space<vmem_shared>> -> memref<632x64xf32, #tpu.memory_space<vmem_shared>>
        tpu.enqueue_dma source(%dma_start3A_186 : memref<632x64xf32, #tpu.memory_space<vmem_shared>>) target(%dma_start3A_184 : memref<632x64xf32, #tpu.memory_space<hbm>>) target_semaphore(%run_scoped3A : memref<!tpu.dma_semaphore, #tpu.memory_space<semaphore_mem>>)
        %dma_wait3A_187 = arith.constant 0 : i32
        %dma_wait3A_188 = tpu.memref_slice %arg8[%arg0, %mul3A_181, %dma_wait3A_187] : memref<2x10000x64xf32, #tpu.memory_space<hbm>> -> memref<1x632x64xf32, #tpu.memory_space<hbm>>
        %dma_wait3A_189 = tpu.memref_squeeze %dma_wait3A_188 : memref<1x632x64xf32, #tpu.memory_space<hbm>> -> memref<632x64xf32, #tpu.memory_space<hbm>>
        %dma_wait3A_190 = arith.constant 0 : i32
        %dma_wait3A_191 = tpu.memref_slice %arg17[%mul3A_179, %dma_wait3A_190] : memref<10000x64xf32, #tpu.memory_space<vmem_shared>> -> memref<632x64xf32, #tpu.memory_space<vmem_shared>>
        tpu.wait_dma2 semaphore(%run_scoped3A : memref<!tpu.dma_semaphore, #tpu.memory_space<semaphore_mem>>) src(%dma_wait3A_191 : memref<632x64xf32, #tpu.memory_space<vmem_shared>>) dst(%dma_wait3A_189 : memref<632x64xf32, #tpu.memory_space<hbm>>)
        tpu.yield
      }) : () -> ()
    } else {
    }
    %eq3A_173 = arith.constant 15 : i32
    %eq3A_174 = arith.cmpi eq, %arg1, %eq3A_173 : i32
    %convert_element_type3A_175 = arith.extui %eq3A_174 : i1 to i32
    %cond3A_176 = arith.constant 0 : i32
    %cond3A_177 = arith.cmpi ne, %convert_element_type3A_175, %cond3A_176 : i32
    scf.if %cond3A_177 {
      "tpu.region"() ({
        %run_scoped3A = tpu.sem_alloc : memref<!tpu.dma_semaphore, #tpu.memory_space<semaphore_mem>>
        %dma_start3A_178 = arith.constant 9480 : i32
        %dma_start3A_179 = arith.constant 0 : i32
        %dma_start3A_180 = tpu.memref_slice %arg8[%arg0, %dma_start3A_178, %dma_start3A_179] : memref<2x10000x64xf32, #tpu.memory_space<hbm>> -> memref<1x520x64xf32, #tpu.memory_space<hbm>>
        %dma_start3A_181 = tpu.memref_squeeze %dma_start3A_180 : memref<1x520x64xf32, #tpu.memory_space<hbm>> -> memref<520x64xf32, #tpu.memory_space<hbm>>
        %dma_start3A_182 = arith.constant 9480 : i32
        %dma_start3A_183 = arith.constant 0 : i32
        %dma_start3A_184 = tpu.memref_slice %arg17[%dma_start3A_182, %dma_start3A_183] : memref<10000x64xf32, #tpu.memory_space<vmem_shared>> -> memref<520x64xf32, #tpu.memory_space<vmem_shared>>
        tpu.enqueue_dma source(%dma_start3A_184 : memref<520x64xf32, #tpu.memory_space<vmem_shared>>) target(%dma_start3A_181 : memref<520x64xf32, #tpu.memory_space<hbm>>) target_semaphore(%run_scoped3A : memref<!tpu.dma_semaphore, #tpu.memory_space<semaphore_mem>>)
        %dma_wait3A_185 = arith.constant 9480 : i32
        %dma_wait3A_186 = arith.constant 0 : i32
        %dma_wait3A_187 = tpu.memref_slice %arg8[%arg0, %dma_wait3A_185, %dma_wait3A_186] : memref<2x10000x64xf32, #tpu.memory_space<hbm>> -> memref<1x520x64xf32, #tpu.memory_space<hbm>>
        %dma_wait3A_188 = tpu.memref_squeeze %dma_wait3A_187 : memref<1x520x64xf32, #tpu.memory_space<hbm>> -> memref<520x64xf32, #tpu.memory_space<hbm>>
        %dma_wait3A_189 = arith.constant 9480 : i32
        %dma_wait3A_190 = arith.constant 0 : i32
        %dma_wait3A_191 = tpu.memref_slice %arg17[%dma_wait3A_189, %dma_wait3A_190] : memref<10000x64xf32, #tpu.memory_space<vmem_shared>> -> memref<520x64xf32, #tpu.memory_space<vmem_shared>>
        tpu.wait_dma2 semaphore(%run_scoped3A : memref<!tpu.dma_semaphore, #tpu.memory_space<semaphore_mem>>) src(%dma_wait3A_191 : memref<520x64xf32, #tpu.memory_space<vmem_shared>>) dst(%dma_wait3A_188 : memref<520x64xf32, #tpu.memory_space<hbm>>)
        tpu.yield
      }) : () -> ()
    } else {
    }
    return
  }
}

#map = affine_map<(d0, d1) -> (0, 0)>
#map1 = affine_map<(d0, d1) -> (0, 0, 0)>
module attributes {stable_mosaic.version = 14 : i64} {
  func.func @_prop_body(%arg0: i32, %arg1: i32, %arg2: memref<10000x64xf32, #tpu.memory_space<hbm>>, %arg3: memref<10000x64xf32, #tpu.memory_space<hbm>>, %arg4: memref<2500x128xi32, #tpu.memory_space<hbm>>, %arg5: memref<2500x128xi32, #tpu.memory_space<hbm>>, %arg6: memref<10000x64xf32, #tpu.memory_space<hbm>>, %arg7: memref<2x10000x64xf32, #tpu.memory_space<hbm>>, %arg8: memref<2x10000x64xf32, #tpu.memory_space<hbm>>, %arg9: memref<80x128xi32, #tpu.memory_space<vmem>>, %arg10: memref<80x128xi32, #tpu.memory_space<vmem>>, %arg11: memref<128x64xf32, #tpu.memory_space<vmem>>, %arg12: memref<128x64xf32, #tpu.memory_space<vmem>>, %arg13: memref<!tpu.dma_semaphore, #tpu.memory_space<semaphore_mem>>, %arg14: memref<!tpu.dma_semaphore, #tpu.memory_space<semaphore_mem>>, %arg15: memref<!tpu.dma_semaphore, #tpu.memory_space<semaphore_mem>>, %arg16: memref<!tpu.dma_semaphore, #tpu.memory_space<semaphore_mem>>, %arg17: memref<10000x64xf32, #tpu.memory_space<vmem_shared>>) attributes {dimension_semantics = [#tpu.dimension_semantics<core_parallel>, #tpu.dimension_semantics<subcore_parallel>], iteration_bounds = array<i64: 2, 16>, scalar_prefetch = 0 : i64, scratch_operands = 9 : i64, tpu.core_type = #tpu.core_type<sc_vector_subcore>, window_params = [{transform_indices = #map}, {transform_indices = #map}, {transform_indices = #map}, {transform_indices = #map}, {transform_indices = #map}, {transform_indices = #map1}, {transform_indices = #map1}]} {
    %mul3A = arith.constant 16 : i32
    %mul3A_0 = arith.muli %arg0, %mul3A : i32
    %add3A = arith.addi %mul3A_0, %arg1 : i32
    %eq3A = arith.constant 31 : i32
    %eq3A_1 = arith.cmpi eq, %add3A, %eq3A : i32
    %jit3A = arith.constant 20 : i32
    %jit3A_2 = arith.constant 80 : i32
    %select_n3A = arith.select %eq3A_1, %jit3A, %jit3A_2 : i32
    %lt3A = arith.constant 31 : i32
    %lt3A_3 = arith.cmpi slt, %add3A, %lt3A : i32
    %convert_element_type3A = arith.extui %lt3A_3 : i1 to i32
    %cond3A = arith.constant 0 : i32
    %cond3A_4 = arith.cmpi ne, %convert_element_type3A, %cond3A : i32
    scf.if %cond3A_4 {
      %mul3A_178 = arith.constant 80 : i32
      %mul3A_179 = arith.muli %add3A, %mul3A_178 : i32
      "tpu.region"() ({
        %run_scoped3A = tpu.sem_alloc : memref<!tpu.dma_semaphore, #tpu.memory_space<semaphore_mem>>
        %dma_start3A_180 = arith.constant 0 : i32
        %dma_start3A_181 = tpu.memref_slice %arg4[%mul3A_179, %dma_start3A_180] : memref<2500x128xi32, #tpu.memory_space<hbm>> -> memref<80x128xi32, #tpu.memory_space<hbm>>
        %dma_start3A_182 = arith.constant 0 : i32
        %dma_start3A_183 = tpu.memref_slice %arg4[%mul3A_179, %dma_start3A_182] : memref<2500x128xi32, #tpu.memory_space<hbm>> -> memref<80x128xi32, #tpu.memory_space<hbm>>
        tpu.enqueue_dma source(%dma_start3A_183 : memref<80x128xi32, #tpu.memory_space<hbm>>) target(%arg9 : memref<80x128xi32, #tpu.memory_space<vmem>>) target_semaphore(%run_scoped3A : memref<!tpu.dma_semaphore, #tpu.memory_space<semaphore_mem>>)
        %dma_wait3A_184 = arith.constant 0 : i32
        %dma_wait3A_185 = tpu.memref_slice %arg4[%mul3A_179, %dma_wait3A_184] : memref<2500x128xi32, #tpu.memory_space<hbm>> -> memref<80x128xi32, #tpu.memory_space<hbm>>
        %dma_wait3A_186 = arith.constant 0 : i32
        %dma_wait3A_187 = tpu.memref_slice %arg4[%mul3A_179, %dma_wait3A_186] : memref<2500x128xi32, #tpu.memory_space<hbm>> -> memref<80x128xi32, #tpu.memory_space<hbm>>
        tpu.wait_dma2 semaphore(%run_scoped3A : memref<!tpu.dma_semaphore, #tpu.memory_space<semaphore_mem>>) src(%dma_wait3A_187 : memref<80x128xi32, #tpu.memory_space<hbm>>) dst(%arg9 : memref<80x128xi32, #tpu.memory_space<vmem>>)
        tpu.yield
      }) : () -> ()
    } else {
    }
    %eq3A_5 = arith.constant 31 : i32
    %eq3A_6 = arith.cmpi eq, %add3A, %eq3A_5 : i32
    %convert_element_type3A_7 = arith.extui %eq3A_6 : i1 to i32
    %cond3A_8 = arith.constant 0 : i32
    %cond3A_9 = arith.cmpi ne, %convert_element_type3A_7, %cond3A_8 : i32
    scf.if %cond3A_9 {
      "tpu.region"() ({
        %run_scoped3A = tpu.sem_alloc : memref<!tpu.dma_semaphore, #tpu.memory_space<semaphore_mem>>
        %dma_start3A_178 = arith.constant 0 : i32
        %dma_start3A_179 = arith.constant 0 : i32
        %dma_start3A_180 = tpu.memref_slice %arg9[%dma_start3A_178, %dma_start3A_179] : memref<80x128xi32, #tpu.memory_space<vmem>> -> memref<20x128xi32, #tpu.memory_space<vmem>>
        %dma_start3A_181 = arith.constant 2480 : i32
        %dma_start3A_182 = arith.constant 0 : i32
        %dma_start3A_183 = tpu.memref_slice %arg4[%dma_start3A_181, %dma_start3A_182] : memref<2500x128xi32, #tpu.memory_space<hbm>> -> memref<20x128xi32, #tpu.memory_space<hbm>>
        %dma_start3A_184 = arith.constant 0 : i32
        %dma_start3A_185 = arith.constant 0 : i32
        %dma_start3A_186 = tpu.memref_slice %arg9[%dma_start3A_184, %dma_start3A_185] : memref<80x128xi32, #tpu.memory_space<vmem>> -> memref<20x128xi32, #tpu.memory_space<vmem>>
        %dma_start3A_187 = arith.constant 2480 : i32
        %dma_start3A_188 = arith.constant 0 : i32
        %dma_start3A_189 = tpu.memref_slice %arg4[%dma_start3A_187, %dma_start3A_188] : memref<2500x128xi32, #tpu.memory_space<hbm>> -> memref<20x128xi32, #tpu.memory_space<hbm>>
        tpu.enqueue_dma source(%dma_start3A_189 : memref<20x128xi32, #tpu.memory_space<hbm>>) target(%dma_start3A_186 : memref<20x128xi32, #tpu.memory_space<vmem>>) target_semaphore(%run_scoped3A : memref<!tpu.dma_semaphore, #tpu.memory_space<semaphore_mem>>)
        %dma_wait3A_190 = arith.constant 0 : i32
        %dma_wait3A_191 = arith.constant 0 : i32
        %dma_wait3A_192 = tpu.memref_slice %arg9[%dma_wait3A_190, %dma_wait3A_191] : memref<80x128xi32, #tpu.memory_space<vmem>> -> memref<20x128xi32, #tpu.memory_space<vmem>>
        %dma_wait3A_193 = arith.constant 2480 : i32
        %dma_wait3A_194 = arith.constant 0 : i32
        %dma_wait3A_195 = tpu.memref_slice %arg4[%dma_wait3A_193, %dma_wait3A_194] : memref<2500x128xi32, #tpu.memory_space<hbm>> -> memref<20x128xi32, #tpu.memory_space<hbm>>
        %dma_wait3A_196 = arith.constant 0 : i32
        %dma_wait3A_197 = arith.constant 0 : i32
        %dma_wait3A_198 = tpu.memref_slice %arg9[%dma_wait3A_196, %dma_wait3A_197] : memref<80x128xi32, #tpu.memory_space<vmem>> -> memref<20x128xi32, #tpu.memory_space<vmem>>
        %dma_wait3A_199 = arith.constant 2480 : i32
        %dma_wait3A_200 = arith.constant 0 : i32
        %dma_wait3A_201 = tpu.memref_slice %arg4[%dma_wait3A_199, %dma_wait3A_200] : memref<2500x128xi32, #tpu.memory_space<hbm>> -> memref<20x128xi32, #tpu.memory_space<hbm>>
        tpu.wait_dma2 semaphore(%run_scoped3A : memref<!tpu.dma_semaphore, #tpu.memory_space<semaphore_mem>>) src(%dma_wait3A_201 : memref<20x128xi32, #tpu.memory_space<hbm>>) dst(%dma_wait3A_198 : memref<20x128xi32, #tpu.memory_space<vmem>>)
        tpu.yield
      }) : () -> ()
    } else {
    }
    %lt3A_10 = arith.constant 31 : i32
    %lt3A_11 = arith.cmpi slt, %add3A, %lt3A_10 : i32
    %convert_element_type3A_12 = arith.extui %lt3A_11 : i1 to i32
    %cond3A_13 = arith.constant 0 : i32
    %cond3A_14 = arith.cmpi ne, %convert_element_type3A_12, %cond3A_13 : i32
    scf.if %cond3A_14 {
      %mul3A_178 = arith.constant 80 : i32
      %mul3A_179 = arith.muli %add3A, %mul3A_178 : i32
      "tpu.region"() ({
        %run_scoped3A = tpu.sem_alloc : memref<!tpu.dma_semaphore, #tpu.memory_space<semaphore_mem>>
        %dma_start3A_180 = arith.constant 0 : i32
        %dma_start3A_181 = tpu.memref_slice %arg5[%mul3A_179, %dma_start3A_180] : memref<2500x128xi32, #tpu.memory_space<hbm>> -> memref<80x128xi32, #tpu.memory_space<hbm>>
        %dma_start3A_182 = arith.constant 0 : i32
        %dma_start3A_183 = tpu.memref_slice %arg5[%mul3A_179, %dma_start3A_182] : memref<2500x128xi32, #tpu.memory_space<hbm>> -> memref<80x128xi32, #tpu.memory_space<hbm>>
        tpu.enqueue_dma source(%dma_start3A_183 : memref<80x128xi32, #tpu.memory_space<hbm>>) target(%arg10 : memref<80x128xi32, #tpu.memory_space<vmem>>) target_semaphore(%run_scoped3A : memref<!tpu.dma_semaphore, #tpu.memory_space<semaphore_mem>>)
        %dma_wait3A_184 = arith.constant 0 : i32
        %dma_wait3A_185 = tpu.memref_slice %arg5[%mul3A_179, %dma_wait3A_184] : memref<2500x128xi32, #tpu.memory_space<hbm>> -> memref<80x128xi32, #tpu.memory_space<hbm>>
        %dma_wait3A_186 = arith.constant 0 : i32
        %dma_wait3A_187 = tpu.memref_slice %arg5[%mul3A_179, %dma_wait3A_186] : memref<2500x128xi32, #tpu.memory_space<hbm>> -> memref<80x128xi32, #tpu.memory_space<hbm>>
        tpu.wait_dma2 semaphore(%run_scoped3A : memref<!tpu.dma_semaphore, #tpu.memory_space<semaphore_mem>>) src(%dma_wait3A_187 : memref<80x128xi32, #tpu.memory_space<hbm>>) dst(%arg10 : memref<80x128xi32, #tpu.memory_space<vmem>>)
        tpu.yield
      }) : () -> ()
    } else {
    }
    %eq3A_15 = arith.constant 31 : i32
    %eq3A_16 = arith.cmpi eq, %add3A, %eq3A_15 : i32
    %convert_element_type3A_17 = arith.extui %eq3A_16 : i1 to i32
    %cond3A_18 = arith.constant 0 : i32
    %cond3A_19 = arith.cmpi ne, %convert_element_type3A_17, %cond3A_18 : i32
    scf.if %cond3A_19 {
      "tpu.region"() ({
        %run_scoped3A = tpu.sem_alloc : memref<!tpu.dma_semaphore, #tpu.memory_space<semaphore_mem>>
        %dma_start3A_178 = arith.constant 0 : i32
        %dma_start3A_179 = arith.constant 0 : i32
        %dma_start3A_180 = tpu.memref_slice %arg10[%dma_start3A_178, %dma_start3A_179] : memref<80x128xi32, #tpu.memory_space<vmem>> -> memref<20x128xi32, #tpu.memory_space<vmem>>
        %dma_start3A_181 = arith.constant 2480 : i32
        %dma_start3A_182 = arith.constant 0 : i32
        %dma_start3A_183 = tpu.memref_slice %arg5[%dma_start3A_181, %dma_start3A_182] : memref<2500x128xi32, #tpu.memory_space<hbm>> -> memref<20x128xi32, #tpu.memory_space<hbm>>
        %dma_start3A_184 = arith.constant 0 : i32
        %dma_start3A_185 = arith.constant 0 : i32
        %dma_start3A_186 = tpu.memref_slice %arg10[%dma_start3A_184, %dma_start3A_185] : memref<80x128xi32, #tpu.memory_space<vmem>> -> memref<20x128xi32, #tpu.memory_space<vmem>>
        %dma_start3A_187 = arith.constant 2480 : i32
        %dma_start3A_188 = arith.constant 0 : i32
        %dma_start3A_189 = tpu.memref_slice %arg5[%dma_start3A_187, %dma_start3A_188] : memref<2500x128xi32, #tpu.memory_space<hbm>> -> memref<20x128xi32, #tpu.memory_space<hbm>>
        tpu.enqueue_dma source(%dma_start3A_189 : memref<20x128xi32, #tpu.memory_space<hbm>>) target(%dma_start3A_186 : memref<20x128xi32, #tpu.memory_space<vmem>>) target_semaphore(%run_scoped3A : memref<!tpu.dma_semaphore, #tpu.memory_space<semaphore_mem>>)
        %dma_wait3A_190 = arith.constant 0 : i32
        %dma_wait3A_191 = arith.constant 0 : i32
        %dma_wait3A_192 = tpu.memref_slice %arg10[%dma_wait3A_190, %dma_wait3A_191] : memref<80x128xi32, #tpu.memory_space<vmem>> -> memref<20x128xi32, #tpu.memory_space<vmem>>
        %dma_wait3A_193 = arith.constant 2480 : i32
        %dma_wait3A_194 = arith.constant 0 : i32
        %dma_wait3A_195 = tpu.memref_slice %arg5[%dma_wait3A_193, %dma_wait3A_194] : memref<2500x128xi32, #tpu.memory_space<hbm>> -> memref<20x128xi32, #tpu.memory_space<hbm>>
        %dma_wait3A_196 = arith.constant 0 : i32
        %dma_wait3A_197 = arith.constant 0 : i32
        %dma_wait3A_198 = tpu.memref_slice %arg10[%dma_wait3A_196, %dma_wait3A_197] : memref<80x128xi32, #tpu.memory_space<vmem>> -> memref<20x128xi32, #tpu.memory_space<vmem>>
        %dma_wait3A_199 = arith.constant 2480 : i32
        %dma_wait3A_200 = arith.constant 0 : i32
        %dma_wait3A_201 = tpu.memref_slice %arg5[%dma_wait3A_199, %dma_wait3A_200] : memref<2500x128xi32, #tpu.memory_space<hbm>> -> memref<20x128xi32, #tpu.memory_space<hbm>>
        tpu.wait_dma2 semaphore(%run_scoped3A : memref<!tpu.dma_semaphore, #tpu.memory_space<semaphore_mem>>) src(%dma_wait3A_201 : memref<20x128xi32, #tpu.memory_space<hbm>>) dst(%dma_wait3A_198 : memref<20x128xi32, #tpu.memory_space<vmem>>)
        tpu.yield
      }) : () -> ()
    } else {
    }
    %eq3A_20 = arith.constant 0 : i32
    %eq3A_21 = arith.cmpi eq, %arg0, %eq3A_20 : i32
    %convert_element_type3A_22 = arith.extui %eq3A_21 : i1 to i32
    %cond3A_23 = arith.constant 0 : i32
    %cond3A_24 = arith.cmpi ne, %convert_element_type3A_22, %cond3A_23 : i32
    scf.if %cond3A_24 {
      %lt3A_178 = arith.constant 15 : i32
      %lt3A_179 = arith.cmpi slt, %arg1, %lt3A_178 : i32
      %convert_element_type3A_180 = arith.extui %lt3A_179 : i1 to i32
      %cond3A_181 = arith.constant 0 : i32
      %cond3A_182 = arith.cmpi ne, %convert_element_type3A_180, %cond3A_181 : i32
      scf.if %cond3A_182 {
        %mul3A_188 = arith.constant 632 : i32
        %mul3A_189 = arith.muli %arg1, %mul3A_188 : i32
        %mul3A_190 = arith.constant 632 : i32
        %mul3A_191 = arith.muli %arg1, %mul3A_190 : i32
        "tpu.region"() ({
          %run_scoped3A = tpu.sem_alloc : memref<!tpu.dma_semaphore, #tpu.memory_space<semaphore_mem>>
          %dma_start3A_192 = arith.constant 0 : i32
          %dma_start3A_193 = tpu.memref_slice %arg17[%mul3A_191, %dma_start3A_192] : memref<10000x64xf32, #tpu.memory_space<vmem_shared>> -> memref<632x64xf32, #tpu.memory_space<vmem_shared>>
          %dma_start3A_194 = arith.constant 0 : i32
          %dma_start3A_195 = tpu.memref_slice %arg2[%mul3A_189, %dma_start3A_194] : memref<10000x64xf32, #tpu.memory_space<hbm>> -> memref<632x64xf32, #tpu.memory_space<hbm>>
          tpu.enqueue_dma source(%dma_start3A_195 : memref<632x64xf32, #tpu.memory_space<hbm>>) target(%dma_start3A_193 : memref<632x64xf32, #tpu.memory_space<vmem_shared>>) target_semaphore(%run_scoped3A : memref<!tpu.dma_semaphore, #tpu.memory_space<semaphore_mem>>)
          %dma_wait3A_196 = arith.constant 0 : i32
          %dma_wait3A_197 = tpu.memref_slice %arg17[%mul3A_191, %dma_wait3A_196] : memref<10000x64xf32, #tpu.memory_space<vmem_shared>> -> memref<632x64xf32, #tpu.memory_space<vmem_shared>>
          %dma_wait3A_198 = arith.constant 0 : i32
          %dma_wait3A_199 = tpu.memref_slice %arg2[%mul3A_189, %dma_wait3A_198] : memref<10000x64xf32, #tpu.memory_space<hbm>> -> memref<632x64xf32, #tpu.memory_space<hbm>>
          tpu.wait_dma2 semaphore(%run_scoped3A : memref<!tpu.dma_semaphore, #tpu.memory_space<semaphore_mem>>) src(%dma_wait3A_199 : memref<632x64xf32, #tpu.memory_space<hbm>>) dst(%dma_wait3A_197 : memref<632x64xf32, #tpu.memory_space<vmem_shared>>)
          tpu.yield
        }) : () -> ()
      } else {
      }
      %eq3A_183 = arith.constant 15 : i32
      %eq3A_184 = arith.cmpi eq, %arg1, %eq3A_183 : i32
      %convert_element_type3A_185 = arith.extui %eq3A_184 : i1 to i32
      %cond3A_186 = arith.constant 0 : i32
      %cond3A_187 = arith.cmpi ne, %convert_element_type3A_185, %cond3A_186 : i32
      scf.if %cond3A_187 {
        "tpu.region"() ({
          %run_scoped3A = tpu.sem_alloc : memref<!tpu.dma_semaphore, #tpu.memory_space<semaphore_mem>>
          %dma_start3A_188 = arith.constant 9480 : i32
          %dma_start3A_189 = arith.constant 0 : i32
          %dma_start3A_190 = tpu.memref_slice %arg17[%dma_start3A_188, %dma_start3A_189] : memref<10000x64xf32, #tpu.memory_space<vmem_shared>> -> memref<520x64xf32, #tpu.memory_space<vmem_shared>>
          %dma_start3A_191 = arith.constant 9480 : i32
          %dma_start3A_192 = arith.constant 0 : i32
          %dma_start3A_193 = tpu.memref_slice %arg2[%dma_start3A_191, %dma_start3A_192] : memref<10000x64xf32, #tpu.memory_space<hbm>> -> memref<520x64xf32, #tpu.memory_space<hbm>>
          tpu.enqueue_dma source(%dma_start3A_193 : memref<520x64xf32, #tpu.memory_space<hbm>>) target(%dma_start3A_190 : memref<520x64xf32, #tpu.memory_space<vmem_shared>>) target_semaphore(%run_scoped3A : memref<!tpu.dma_semaphore, #tpu.memory_space<semaphore_mem>>)
          %dma_wait3A_194 = arith.constant 9480 : i32
          %dma_wait3A_195 = arith.constant 0 : i32
          %dma_wait3A_196 = tpu.memref_slice %arg17[%dma_wait3A_194, %dma_wait3A_195] : memref<10000x64xf32, #tpu.memory_space<vmem_shared>> -> memref<520x64xf32, #tpu.memory_space<vmem_shared>>
          %dma_wait3A_197 = arith.constant 9480 : i32
          %dma_wait3A_198 = arith.constant 0 : i32
          %dma_wait3A_199 = tpu.memref_slice %arg2[%dma_wait3A_197, %dma_wait3A_198] : memref<10000x64xf32, #tpu.memory_space<hbm>> -> memref<520x64xf32, #tpu.memory_space<hbm>>
          tpu.wait_dma2 semaphore(%run_scoped3A : memref<!tpu.dma_semaphore, #tpu.memory_space<semaphore_mem>>) src(%dma_wait3A_199 : memref<520x64xf32, #tpu.memory_space<hbm>>) dst(%dma_wait3A_196 : memref<520x64xf32, #tpu.memory_space<vmem_shared>>)
          tpu.yield
        }) : () -> ()
      } else {
      }
    } else {
    }
    %eq3A_25 = arith.constant 1 : i32
    %eq3A_26 = arith.cmpi eq, %arg0, %eq3A_25 : i32
    %convert_element_type3A_27 = arith.extui %eq3A_26 : i1 to i32
    %cond3A_28 = arith.constant 0 : i32
    %cond3A_29 = arith.cmpi ne, %convert_element_type3A_27, %cond3A_28 : i32
    scf.if %cond3A_29 {
      %lt3A_178 = arith.constant 15 : i32
      %lt3A_179 = arith.cmpi slt, %arg1, %lt3A_178 : i32
      %convert_element_type3A_180 = arith.extui %lt3A_179 : i1 to i32
      %cond3A_181 = arith.constant 0 : i32
      %cond3A_182 = arith.cmpi ne, %convert_element_type3A_180, %cond3A_181 : i32
      scf.if %cond3A_182 {
        %mul3A_188 = arith.constant 632 : i32
        %mul3A_189 = arith.muli %arg1, %mul3A_188 : i32
        %mul3A_190 = arith.constant 632 : i32
        %mul3A_191 = arith.muli %arg1, %mul3A_190 : i32
        "tpu.region"() ({
          %run_scoped3A = tpu.sem_alloc : memref<!tpu.dma_semaphore, #tpu.memory_space<semaphore_mem>>
          %dma_start3A_192 = arith.constant 0 : i32
          %dma_start3A_193 = tpu.memref_slice %arg17[%mul3A_191, %dma_start3A_192] : memref<10000x64xf32, #tpu.memory_space<vmem_shared>> -> memref<632x64xf32, #tpu.memory_space<vmem_shared>>
          %dma_start3A_194 = arith.constant 0 : i32
          %dma_start3A_195 = tpu.memref_slice %arg6[%mul3A_189, %dma_start3A_194] : memref<10000x64xf32, #tpu.memory_space<hbm>> -> memref<632x64xf32, #tpu.memory_space<hbm>>
          tpu.enqueue_dma source(%dma_start3A_195 : memref<632x64xf32, #tpu.memory_space<hbm>>) target(%dma_start3A_193 : memref<632x64xf32, #tpu.memory_space<vmem_shared>>) target_semaphore(%run_scoped3A : memref<!tpu.dma_semaphore, #tpu.memory_space<semaphore_mem>>)
          %dma_wait3A_196 = arith.constant 0 : i32
          %dma_wait3A_197 = tpu.memref_slice %arg17[%mul3A_191, %dma_wait3A_196] : memref<10000x64xf32, #tpu.memory_space<vmem_shared>> -> memref<632x64xf32, #tpu.memory_space<vmem_shared>>
          %dma_wait3A_198 = arith.constant 0 : i32
          %dma_wait3A_199 = tpu.memref_slice %arg6[%mul3A_189, %dma_wait3A_198] : memref<10000x64xf32, #tpu.memory_space<hbm>> -> memref<632x64xf32, #tpu.memory_space<hbm>>
          tpu.wait_dma2 semaphore(%run_scoped3A : memref<!tpu.dma_semaphore, #tpu.memory_space<semaphore_mem>>) src(%dma_wait3A_199 : memref<632x64xf32, #tpu.memory_space<hbm>>) dst(%dma_wait3A_197 : memref<632x64xf32, #tpu.memory_space<vmem_shared>>)
          tpu.yield
        }) : () -> ()
      } else {
      }
      %eq3A_183 = arith.constant 15 : i32
      %eq3A_184 = arith.cmpi eq, %arg1, %eq3A_183 : i32
      %convert_element_type3A_185 = arith.extui %eq3A_184 : i1 to i32
      %cond3A_186 = arith.constant 0 : i32
      %cond3A_187 = arith.cmpi ne, %convert_element_type3A_185, %cond3A_186 : i32
      scf.if %cond3A_187 {
        "tpu.region"() ({
          %run_scoped3A = tpu.sem_alloc : memref<!tpu.dma_semaphore, #tpu.memory_space<semaphore_mem>>
          %dma_start3A_188 = arith.constant 9480 : i32
          %dma_start3A_189 = arith.constant 0 : i32
          %dma_start3A_190 = tpu.memref_slice %arg17[%dma_start3A_188, %dma_start3A_189] : memref<10000x64xf32, #tpu.memory_space<vmem_shared>> -> memref<520x64xf32, #tpu.memory_space<vmem_shared>>
          %dma_start3A_191 = arith.constant 9480 : i32
          %dma_start3A_192 = arith.constant 0 : i32
          %dma_start3A_193 = tpu.memref_slice %arg6[%dma_start3A_191, %dma_start3A_192] : memref<10000x64xf32, #tpu.memory_space<hbm>> -> memref<520x64xf32, #tpu.memory_space<hbm>>
          tpu.enqueue_dma source(%dma_start3A_193 : memref<520x64xf32, #tpu.memory_space<hbm>>) target(%dma_start3A_190 : memref<520x64xf32, #tpu.memory_space<vmem_shared>>) target_semaphore(%run_scoped3A : memref<!tpu.dma_semaphore, #tpu.memory_space<semaphore_mem>>)
          %dma_wait3A_194 = arith.constant 9480 : i32
          %dma_wait3A_195 = arith.constant 0 : i32
          %dma_wait3A_196 = tpu.memref_slice %arg17[%dma_wait3A_194, %dma_wait3A_195] : memref<10000x64xf32, #tpu.memory_space<vmem_shared>> -> memref<520x64xf32, #tpu.memory_space<vmem_shared>>
          %dma_wait3A_197 = arith.constant 9480 : i32
          %dma_wait3A_198 = arith.constant 0 : i32
          %dma_wait3A_199 = tpu.memref_slice %arg6[%dma_wait3A_197, %dma_wait3A_198] : memref<10000x64xf32, #tpu.memory_space<hbm>> -> memref<520x64xf32, #tpu.memory_space<hbm>>
          tpu.wait_dma2 semaphore(%run_scoped3A : memref<!tpu.dma_semaphore, #tpu.memory_space<semaphore_mem>>) src(%dma_wait3A_199 : memref<520x64xf32, #tpu.memory_space<hbm>>) dst(%dma_wait3A_196 : memref<520x64xf32, #tpu.memory_space<vmem_shared>>)
          tpu.yield
        }) : () -> ()
      } else {
      }
    } else {
    }
    %barrier3A = arith.constant 0 : index
    tpu.barrier barrier_id(%barrier3A)
    %dma_start3A = arith.constant 0 : i32
    %dma_start3A_30 = arith.constant 0 : i32
    %dma_start3A_31 = tpu.memref_slice %arg9[%dma_start3A, %dma_start3A_30] : memref<80x128xi32, #tpu.memory_space<vmem>> -> memref<1x128xi32, #tpu.memory_space<vmem>>
    %dma_start3A_32 = tpu.memref_squeeze %dma_start3A_31 : memref<1x128xi32, #tpu.memory_space<vmem>> -> memref<128xi32, #tpu.memory_space<vmem>>
    %dma_start3A_33 = arith.constant 0 : i32
    %dma_start3A_34 = arith.constant 0 : i32
    %dma_start3A_35 = tpu.memref_slice %arg2[%dma_start3A_33, %dma_start3A_34] : memref<10000x64xf32, #tpu.memory_space<hbm>> -> memref<10000x64xf32, #tpu.memory_space<hbm>>
    tpu.enqueue_indirect_dma source(%dma_start3A_35 : memref<10000x64xf32, #tpu.memory_space<hbm>>) target(%arg11 : memref<128x64xf32, #tpu.memory_space<vmem>>) offsets(%dma_start3A_32 : memref<128xi32, #tpu.memory_space<vmem>>) semaphore(%arg13 : memref<!tpu.dma_semaphore, #tpu.memory_space<semaphore_mem>>)
    %dma_start3A_36 = arith.constant 1 : i32
    %dma_start3A_37 = arith.constant 0 : i32
    %dma_start3A_38 = tpu.memref_slice %arg9[%dma_start3A_36, %dma_start3A_37] : memref<80x128xi32, #tpu.memory_space<vmem>> -> memref<1x128xi32, #tpu.memory_space<vmem>>
    %dma_start3A_39 = tpu.memref_squeeze %dma_start3A_38 : memref<1x128xi32, #tpu.memory_space<vmem>> -> memref<128xi32, #tpu.memory_space<vmem>>
    %dma_start3A_40 = arith.constant 0 : i32
    %dma_start3A_41 = arith.constant 0 : i32
    %dma_start3A_42 = tpu.memref_slice %arg2[%dma_start3A_40, %dma_start3A_41] : memref<10000x64xf32, #tpu.memory_space<hbm>> -> memref<10000x64xf32, #tpu.memory_space<hbm>>
    tpu.enqueue_indirect_dma source(%dma_start3A_42 : memref<10000x64xf32, #tpu.memory_space<hbm>>) target(%arg12 : memref<128x64xf32, #tpu.memory_space<vmem>>) offsets(%dma_start3A_39 : memref<128xi32, #tpu.memory_space<vmem>>) semaphore(%arg14 : memref<!tpu.dma_semaphore, #tpu.memory_space<semaphore_mem>>)
    %jit3A_43 = arith.constant 2 : i32
    %div3A = arith.divsi %select_n3A, %jit3A_43 : i32
    %sign3A = arith.constant 0 : i32
    %sign3A_44 = arith.cmpi sgt, %select_n3A, %sign3A : i32
    %sign3A_45 = arith.extui %sign3A_44 : i1 to i32
    %sign3A_46 = arith.constant 0 : i32
    %sign3A_47 = arith.cmpi slt, %select_n3A, %sign3A_46 : i32
    %sign3A_48 = arith.extui %sign3A_47 : i1 to i32
    %sign3A_49 = arith.subi %sign3A_45, %sign3A_48 : i32
    %sign3A_50 = arith.constant 0 : i32
    %sign3A_51 = arith.cmpi sgt, %jit3A_43, %sign3A_50 : i32
    %sign3A_52 = arith.extui %sign3A_51 : i1 to i32
    %sign3A_53 = arith.constant 0 : i32
    %sign3A_54 = arith.cmpi slt, %jit3A_43, %sign3A_53 : i32
    %sign3A_55 = arith.extui %sign3A_54 : i1 to i32
    %sign3A_56 = arith.subi %sign3A_52, %sign3A_55 : i32
    %ne3A = arith.cmpi ne, %sign3A_49, %sign3A_56 : i32
    %rem3A = arith.remsi %select_n3A, %jit3A_43 : i32
    %ne3A_57 = arith.constant 0 : i32
    %ne3A_58 = arith.cmpi ne, %rem3A, %ne3A_57 : i32
    %and3A = arith.andi %ne3A, %ne3A_58 : i1
    %sub3A = arith.constant 1 : i32
    %sub3A_59 = arith.subi %div3A, %sub3A : i32
    %select_n3A_60 = arith.select %and3A, %sub3A_59, %div3A : i32
    %while3A = arith.constant 0 : i32
    %while3A_61 = arith.constant 0 : i32
    %while3A_62 = arith.subi %select_n3A_60, %while3A_61 : i32
    %while3A_63 = arith.addi %while3A_61, %while3A_62 : i32
    %while3A_64 = arith.constant 1 : i32
    %while3A_65 = arith.divsi %while3A_62, %while3A_64 : i32
    %while3A_66 = arith.muli %while3A_65, %while3A_64 : i32
    %while3A_67 = arith.addi %while3A_61, %while3A_66 : i32
    %while3A_68 = arith.constant 1 : i32
    scf.for %while3A_178 = %while3A_61 to %while3A_67 step %while3A_68  : i32 {
      %mul3A_179 = arith.constant 2 : i32
      %mul3A_180 = arith.muli %mul3A_179, %while3A_178 : i32
      %dma_wait3A_181 = arith.constant 0 : i32
      %dma_wait3A_182 = tpu.memref_slice %arg9[%mul3A_180, %dma_wait3A_181] : memref<80x128xi32, #tpu.memory_space<vmem>> -> memref<1x128xi32, #tpu.memory_space<vmem>>
      %dma_wait3A_183 = tpu.memref_squeeze %dma_wait3A_182 : memref<1x128xi32, #tpu.memory_space<vmem>> -> memref<128xi32, #tpu.memory_space<vmem>>
      %dma_wait3A_184 = arith.constant 0 : i32
      %dma_wait3A_185 = arith.constant 0 : i32
      %dma_wait3A_186 = tpu.memref_slice %arg2[%dma_wait3A_184, %dma_wait3A_185] : memref<10000x64xf32, #tpu.memory_space<hbm>> -> memref<10000x64xf32, #tpu.memory_space<hbm>>
      tpu.wait_indirect_dma semaphore(%arg13 : memref<!tpu.dma_semaphore, #tpu.memory_space<semaphore_mem>>) src(%dma_wait3A_186 : memref<10000x64xf32, #tpu.memory_space<hbm>>) dst(%arg11 : memref<128x64xf32, #tpu.memory_space<vmem>>)
      %dma_start3A_187 = arith.constant 0 : i32
      %dma_start3A_188 = tpu.memref_slice %arg10[%mul3A_180, %dma_start3A_187] : memref<80x128xi32, #tpu.memory_space<vmem>> -> memref<1x128xi32, #tpu.memory_space<vmem>>
      %dma_start3A_189 = tpu.memref_squeeze %dma_start3A_188 : memref<1x128xi32, #tpu.memory_space<vmem>> -> memref<128xi32, #tpu.memory_space<vmem>>
      %dma_start3A_190 = arith.constant 0 : i32
      %dma_start3A_191 = arith.constant 0 : i32
      %dma_start3A_192 = tpu.memref_slice %arg17[%dma_start3A_190, %dma_start3A_191] : memref<10000x64xf32, #tpu.memory_space<vmem_shared>> -> memref<10000x64xf32, #tpu.memory_space<vmem_shared>>
      tpu.enqueue_indirect_dma source(%arg11 : memref<128x64xf32, #tpu.memory_space<vmem>>) target(%dma_start3A_192 : memref<10000x64xf32, #tpu.memory_space<vmem_shared>>) offsets(%dma_start3A_189 : memref<128xi32, #tpu.memory_space<vmem>>) semaphore(%arg15 : memref<!tpu.dma_semaphore, #tpu.memory_space<semaphore_mem>>) {add = true}
      %add3A_193 = arith.constant 1 : i32
      %add3A_194 = arith.addi %mul3A_180, %add3A_193 : i32
      %dma_wait3A_195 = arith.constant 0 : i32
      %dma_wait3A_196 = tpu.memref_slice %arg9[%add3A_194, %dma_wait3A_195] : memref<80x128xi32, #tpu.memory_space<vmem>> -> memref<1x128xi32, #tpu.memory_space<vmem>>
      %dma_wait3A_197 = tpu.memref_squeeze %dma_wait3A_196 : memref<1x128xi32, #tpu.memory_space<vmem>> -> memref<128xi32, #tpu.memory_space<vmem>>
      %dma_wait3A_198 = arith.constant 0 : i32
      %dma_wait3A_199 = arith.constant 0 : i32
      %dma_wait3A_200 = tpu.memref_slice %arg2[%dma_wait3A_198, %dma_wait3A_199] : memref<10000x64xf32, #tpu.memory_space<hbm>> -> memref<10000x64xf32, #tpu.memory_space<hbm>>
      tpu.wait_indirect_dma semaphore(%arg14 : memref<!tpu.dma_semaphore, #tpu.memory_space<semaphore_mem>>) src(%dma_wait3A_200 : memref<10000x64xf32, #tpu.memory_space<hbm>>) dst(%arg12 : memref<128x64xf32, #tpu.memory_space<vmem>>)
      %add3A_201 = arith.constant 1 : i32
      %add3A_202 = arith.addi %mul3A_180, %add3A_201 : i32
      %dma_start3A_203 = arith.constant 0 : i32
      %dma_start3A_204 = tpu.memref_slice %arg10[%add3A_202, %dma_start3A_203] : memref<80x128xi32, #tpu.memory_space<vmem>> -> memref<1x128xi32, #tpu.memory_space<vmem>>
      %dma_start3A_205 = tpu.memref_squeeze %dma_start3A_204 : memref<1x128xi32, #tpu.memory_space<vmem>> -> memref<128xi32, #tpu.memory_space<vmem>>
      %dma_start3A_206 = arith.constant 0 : i32
      %dma_start3A_207 = arith.constant 0 : i32
      %dma_start3A_208 = tpu.memref_slice %arg17[%dma_start3A_206, %dma_start3A_207] : memref<10000x64xf32, #tpu.memory_space<vmem_shared>> -> memref<10000x64xf32, #tpu.memory_space<vmem_shared>>
      tpu.enqueue_indirect_dma source(%arg12 : memref<128x64xf32, #tpu.memory_space<vmem>>) target(%dma_start3A_208 : memref<10000x64xf32, #tpu.memory_space<vmem_shared>>) offsets(%dma_start3A_205 : memref<128xi32, #tpu.memory_space<vmem>>) semaphore(%arg16 : memref<!tpu.dma_semaphore, #tpu.memory_space<semaphore_mem>>) {add = true}
      %add3A_209 = arith.constant 2 : i32
      %add3A_210 = arith.addi %mul3A_180, %add3A_209 : i32
      %sub3A_211 = arith.constant 1 : i32
      %sub3A_212 = arith.subi %select_n3A, %sub3A_211 : i32
      %min3A = arith.minsi %add3A_210, %sub3A_212 : i32
      %add3A_213 = arith.constant 3 : i32
      %add3A_214 = arith.addi %mul3A_180, %add3A_213 : i32
      %sub3A_215 = arith.constant 1 : i32
      %sub3A_216 = arith.subi %select_n3A, %sub3A_215 : i32
      %min3A_217 = arith.minsi %add3A_214, %sub3A_216 : i32
      %dma_wait3A_218 = arith.constant 0 : i32
      %dma_wait3A_219 = tpu.memref_slice %arg10[%mul3A_180, %dma_wait3A_218] : memref<80x128xi32, #tpu.memory_space<vmem>> -> memref<1x128xi32, #tpu.memory_space<vmem>>
      %dma_wait3A_220 = tpu.memref_squeeze %dma_wait3A_219 : memref<1x128xi32, #tpu.memory_space<vmem>> -> memref<128xi32, #tpu.memory_space<vmem>>
      %dma_wait3A_221 = arith.constant 0 : i32
      %dma_wait3A_222 = arith.constant 0 : i32
      %dma_wait3A_223 = tpu.memref_slice %arg17[%dma_wait3A_221, %dma_wait3A_222] : memref<10000x64xf32, #tpu.memory_space<vmem_shared>> -> memref<10000x64xf32, #tpu.memory_space<vmem_shared>>
      tpu.wait_indirect_dma semaphore(%arg15 : memref<!tpu.dma_semaphore, #tpu.memory_space<semaphore_mem>>) src(%arg11 : memref<128x64xf32, #tpu.memory_space<vmem>>) dst(%dma_wait3A_223 : memref<10000x64xf32, #tpu.memory_space<vmem_shared>>)
      %dma_start3A_224 = arith.constant 0 : i32
      %dma_start3A_225 = tpu.memref_slice %arg9[%min3A, %dma_start3A_224] : memref<80x128xi32, #tpu.memory_space<vmem>> -> memref<1x128xi32, #tpu.memory_space<vmem>>
      %dma_start3A_226 = tpu.memref_squeeze %dma_start3A_225 : memref<1x128xi32, #tpu.memory_space<vmem>> -> memref<128xi32, #tpu.memory_space<vmem>>
      %dma_start3A_227 = arith.constant 0 : i32
      %dma_start3A_228 = arith.constant 0 : i32
      %dma_start3A_229 = tpu.memref_slice %arg2[%dma_start3A_227, %dma_start3A_228] : memref<10000x64xf32, #tpu.memory_space<hbm>> -> memref<10000x64xf32, #tpu.memory_space<hbm>>
      tpu.enqueue_indirect_dma source(%dma_start3A_229 : memref<10000x64xf32, #tpu.memory_space<hbm>>) target(%arg11 : memref<128x64xf32, #tpu.memory_space<vmem>>) offsets(%dma_start3A_226 : memref<128xi32, #tpu.memory_space<vmem>>) semaphore(%arg13 : memref<!tpu.dma_semaphore, #tpu.memory_space<semaphore_mem>>)
      %add3A_230 = arith.constant 1 : i32
      %add3A_231 = arith.addi %mul3A_180, %add3A_230 : i32
      %dma_wait3A_232 = arith.constant 0 : i32
      %dma_wait3A_233 = tpu.memref_slice %arg10[%add3A_231, %dma_wait3A_232] : memref<80x128xi32, #tpu.memory_space<vmem>> -> memref<1x128xi32, #tpu.memory_space<vmem>>
      %dma_wait3A_234 = tpu.memref_squeeze %dma_wait3A_233 : memref<1x128xi32, #tpu.memory_space<vmem>> -> memref<128xi32, #tpu.memory_space<vmem>>
      %dma_wait3A_235 = arith.constant 0 : i32
      %dma_wait3A_236 = arith.constant 0 : i32
      %dma_wait3A_237 = tpu.memref_slice %arg17[%dma_wait3A_235, %dma_wait3A_236] : memref<10000x64xf32, #tpu.memory_space<vmem_shared>> -> memref<10000x64xf32, #tpu.memory_space<vmem_shared>>
      tpu.wait_indirect_dma semaphore(%arg16 : memref<!tpu.dma_semaphore, #tpu.memory_space<semaphore_mem>>) src(%arg12 : memref<128x64xf32, #tpu.memory_space<vmem>>) dst(%dma_wait3A_237 : memref<10000x64xf32, #tpu.memory_space<vmem_shared>>)
      %dma_start3A_238 = arith.constant 0 : i32
      %dma_start3A_239 = tpu.memref_slice %arg9[%min3A_217, %dma_start3A_238] : memref<80x128xi32, #tpu.memory_space<vmem>> -> memref<1x128xi32, #tpu.memory_space<vmem>>
      %dma_start3A_240 = tpu.memref_squeeze %dma_start3A_239 : memref<1x128xi32, #tpu.memory_space<vmem>> -> memref<128xi32, #tpu.memory_space<vmem>>
      %dma_start3A_241 = arith.constant 0 : i32
      %dma_start3A_242 = arith.constant 0 : i32
      %dma_start3A_243 = tpu.memref_slice %arg2[%dma_start3A_241, %dma_start3A_242] : memref<10000x64xf32, #tpu.memory_space<hbm>> -> memref<10000x64xf32, #tpu.memory_space<hbm>>
      tpu.enqueue_indirect_dma source(%dma_start3A_243 : memref<10000x64xf32, #tpu.memory_space<hbm>>) target(%arg12 : memref<128x64xf32, #tpu.memory_space<vmem>>) offsets(%dma_start3A_240 : memref<128xi32, #tpu.memory_space<vmem>>) semaphore(%arg14 : memref<!tpu.dma_semaphore, #tpu.memory_space<semaphore_mem>>)
    }
    %while3A_69 = arith.constant 1 : i32
    scf.for %while3A_178 = %while3A_67 to %while3A_63 step %while3A_69  : i32 {
      %mul3A_179 = arith.constant 2 : i32
      %mul3A_180 = arith.muli %mul3A_179, %while3A_178 : i32
      %dma_wait3A_181 = arith.constant 0 : i32
      %dma_wait3A_182 = tpu.memref_slice %arg9[%mul3A_180, %dma_wait3A_181] : memref<80x128xi32, #tpu.memory_space<vmem>> -> memref<1x128xi32, #tpu.memory_space<vmem>>
      %dma_wait3A_183 = tpu.memref_squeeze %dma_wait3A_182 : memref<1x128xi32, #tpu.memory_space<vmem>> -> memref<128xi32, #tpu.memory_space<vmem>>
      %dma_wait3A_184 = arith.constant 0 : i32
      %dma_wait3A_185 = arith.constant 0 : i32
      %dma_wait3A_186 = tpu.memref_slice %arg2[%dma_wait3A_184, %dma_wait3A_185] : memref<10000x64xf32, #tpu.memory_space<hbm>> -> memref<10000x64xf32, #tpu.memory_space<hbm>>
      tpu.wait_indirect_dma semaphore(%arg13 : memref<!tpu.dma_semaphore, #tpu.memory_space<semaphore_mem>>) src(%dma_wait3A_186 : memref<10000x64xf32, #tpu.memory_space<hbm>>) dst(%arg11 : memref<128x64xf32, #tpu.memory_space<vmem>>)
      %dma_start3A_187 = arith.constant 0 : i32
      %dma_start3A_188 = tpu.memref_slice %arg10[%mul3A_180, %dma_start3A_187] : memref<80x128xi32, #tpu.memory_space<vmem>> -> memref<1x128xi32, #tpu.memory_space<vmem>>
      %dma_start3A_189 = tpu.memref_squeeze %dma_start3A_188 : memref<1x128xi32, #tpu.memory_space<vmem>> -> memref<128xi32, #tpu.memory_space<vmem>>
      %dma_start3A_190 = arith.constant 0 : i32
      %dma_start3A_191 = arith.constant 0 : i32
      %dma_start3A_192 = tpu.memref_slice %arg17[%dma_start3A_190, %dma_start3A_191] : memref<10000x64xf32, #tpu.memory_space<vmem_shared>> -> memref<10000x64xf32, #tpu.memory_space<vmem_shared>>
      tpu.enqueue_indirect_dma source(%arg11 : memref<128x64xf32, #tpu.memory_space<vmem>>) target(%dma_start3A_192 : memref<10000x64xf32, #tpu.memory_space<vmem_shared>>) offsets(%dma_start3A_189 : memref<128xi32, #tpu.memory_space<vmem>>) semaphore(%arg15 : memref<!tpu.dma_semaphore, #tpu.memory_space<semaphore_mem>>) {add = true}
      %add3A_193 = arith.constant 1 : i32
      %add3A_194 = arith.addi %mul3A_180, %add3A_193 : i32
      %dma_wait3A_195 = arith.constant 0 : i32
      %dma_wait3A_196 = tpu.memref_slice %arg9[%add3A_194, %dma_wait3A_195] : memref<80x128xi32, #tpu.memory_space<vmem>> -> memref<1x128xi32, #tpu.memory_space<vmem>>
      %dma_wait3A_197 = tpu.memref_squeeze %dma_wait3A_196 : memref<1x128xi32, #tpu.memory_space<vmem>> -> memref<128xi32, #tpu.memory_space<vmem>>
      %dma_wait3A_198 = arith.constant 0 : i32
      %dma_wait3A_199 = arith.constant 0 : i32
      %dma_wait3A_200 = tpu.memref_slice %arg2[%dma_wait3A_198, %dma_wait3A_199] : memref<10000x64xf32, #tpu.memory_space<hbm>> -> memref<10000x64xf32, #tpu.memory_space<hbm>>
      tpu.wait_indirect_dma semaphore(%arg14 : memref<!tpu.dma_semaphore, #tpu.memory_space<semaphore_mem>>) src(%dma_wait3A_200 : memref<10000x64xf32, #tpu.memory_space<hbm>>) dst(%arg12 : memref<128x64xf32, #tpu.memory_space<vmem>>)
      %add3A_201 = arith.constant 1 : i32
      %add3A_202 = arith.addi %mul3A_180, %add3A_201 : i32
      %dma_start3A_203 = arith.constant 0 : i32
      %dma_start3A_204 = tpu.memref_slice %arg10[%add3A_202, %dma_start3A_203] : memref<80x128xi32, #tpu.memory_space<vmem>> -> memref<1x128xi32, #tpu.memory_space<vmem>>
      %dma_start3A_205 = tpu.memref_squeeze %dma_start3A_204 : memref<1x128xi32, #tpu.memory_space<vmem>> -> memref<128xi32, #tpu.memory_space<vmem>>
      %dma_start3A_206 = arith.constant 0 : i32
      %dma_start3A_207 = arith.constant 0 : i32
      %dma_start3A_208 = tpu.memref_slice %arg17[%dma_start3A_206, %dma_start3A_207] : memref<10000x64xf32, #tpu.memory_space<vmem_shared>> -> memref<10000x64xf32, #tpu.memory_space<vmem_shared>>
      tpu.enqueue_indirect_dma source(%arg12 : memref<128x64xf32, #tpu.memory_space<vmem>>) target(%dma_start3A_208 : memref<10000x64xf32, #tpu.memory_space<vmem_shared>>) offsets(%dma_start3A_205 : memref<128xi32, #tpu.memory_space<vmem>>) semaphore(%arg16 : memref<!tpu.dma_semaphore, #tpu.memory_space<semaphore_mem>>) {add = true}
      %add3A_209 = arith.constant 2 : i32
      %add3A_210 = arith.addi %mul3A_180, %add3A_209 : i32
      %sub3A_211 = arith.constant 1 : i32
      %sub3A_212 = arith.subi %select_n3A, %sub3A_211 : i32
      %min3A = arith.minsi %add3A_210, %sub3A_212 : i32
      %add3A_213 = arith.constant 3 : i32
      %add3A_214 = arith.addi %mul3A_180, %add3A_213 : i32
      %sub3A_215 = arith.constant 1 : i32
      %sub3A_216 = arith.subi %select_n3A, %sub3A_215 : i32
      %min3A_217 = arith.minsi %add3A_214, %sub3A_216 : i32
      %dma_wait3A_218 = arith.constant 0 : i32
      %dma_wait3A_219 = tpu.memref_slice %arg10[%mul3A_180, %dma_wait3A_218] : memref<80x128xi32, #tpu.memory_space<vmem>> -> memref<1x128xi32, #tpu.memory_space<vmem>>
      %dma_wait3A_220 = tpu.memref_squeeze %dma_wait3A_219 : memref<1x128xi32, #tpu.memory_space<vmem>> -> memref<128xi32, #tpu.memory_space<vmem>>
      %dma_wait3A_221 = arith.constant 0 : i32
      %dma_wait3A_222 = arith.constant 0 : i32
      %dma_wait3A_223 = tpu.memref_slice %arg17[%dma_wait3A_221, %dma_wait3A_222] : memref<10000x64xf32, #tpu.memory_space<vmem_shared>> -> memref<10000x64xf32, #tpu.memory_space<vmem_shared>>
      tpu.wait_indirect_dma semaphore(%arg15 : memref<!tpu.dma_semaphore, #tpu.memory_space<semaphore_mem>>) src(%arg11 : memref<128x64xf32, #tpu.memory_space<vmem>>) dst(%dma_wait3A_223 : memref<10000x64xf32, #tpu.memory_space<vmem_shared>>)
      %dma_start3A_224 = arith.constant 0 : i32
      %dma_start3A_225 = tpu.memref_slice %arg9[%min3A, %dma_start3A_224] : memref<80x128xi32, #tpu.memory_space<vmem>> -> memref<1x128xi32, #tpu.memory_space<vmem>>
      %dma_start3A_226 = tpu.memref_squeeze %dma_start3A_225 : memref<1x128xi32, #tpu.memory_space<vmem>> -> memref<128xi32, #tpu.memory_space<vmem>>
      %dma_start3A_227 = arith.constant 0 : i32
      %dma_start3A_228 = arith.constant 0 : i32
      %dma_start3A_229 = tpu.memref_slice %arg2[%dma_start3A_227, %dma_start3A_228] : memref<10000x64xf32, #tpu.memory_space<hbm>> -> memref<10000x64xf32, #tpu.memory_space<hbm>>
      tpu.enqueue_indirect_dma source(%dma_start3A_229 : memref<10000x64xf32, #tpu.memory_space<hbm>>) target(%arg11 : memref<128x64xf32, #tpu.memory_space<vmem>>) offsets(%dma_start3A_226 : memref<128xi32, #tpu.memory_space<vmem>>) semaphore(%arg13 : memref<!tpu.dma_semaphore, #tpu.memory_space<semaphore_mem>>)
      %add3A_230 = arith.constant 1 : i32
      %add3A_231 = arith.addi %mul3A_180, %add3A_230 : i32
      %dma_wait3A_232 = arith.constant 0 : i32
      %dma_wait3A_233 = tpu.memref_slice %arg10[%add3A_231, %dma_wait3A_232] : memref<80x128xi32, #tpu.memory_space<vmem>> -> memref<1x128xi32, #tpu.memory_space<vmem>>
      %dma_wait3A_234 = tpu.memref_squeeze %dma_wait3A_233 : memref<1x128xi32, #tpu.memory_space<vmem>> -> memref<128xi32, #tpu.memory_space<vmem>>
      %dma_wait3A_235 = arith.constant 0 : i32
      %dma_wait3A_236 = arith.constant 0 : i32
      %dma_wait3A_237 = tpu.memref_slice %arg17[%dma_wait3A_235, %dma_wait3A_236] : memref<10000x64xf32, #tpu.memory_space<vmem_shared>> -> memref<10000x64xf32, #tpu.memory_space<vmem_shared>>
      tpu.wait_indirect_dma semaphore(%arg16 : memref<!tpu.dma_semaphore, #tpu.memory_space<semaphore_mem>>) src(%arg12 : memref<128x64xf32, #tpu.memory_space<vmem>>) dst(%dma_wait3A_237 : memref<10000x64xf32, #tpu.memory_space<vmem_shared>>)
      %dma_start3A_238 = arith.constant 0 : i32
      %dma_start3A_239 = tpu.memref_slice %arg9[%min3A_217, %dma_start3A_238] : memref<80x128xi32, #tpu.memory_space<vmem>> -> memref<1x128xi32, #tpu.memory_space<vmem>>
      %dma_start3A_240 = tpu.memref_squeeze %dma_start3A_239 : memref<1x128xi32, #tpu.memory_space<vmem>> -> memref<128xi32, #tpu.memory_space<vmem>>
      %dma_start3A_241 = arith.constant 0 : i32
      %dma_start3A_242 = arith.constant 0 : i32
      %dma_start3A_243 = tpu.memref_slice %arg2[%dma_start3A_241, %dma_start3A_242] : memref<10000x64xf32, #tpu.memory_space<hbm>> -> memref<10000x64xf32, #tpu.memory_space<hbm>>
      tpu.enqueue_indirect_dma source(%dma_start3A_243 : memref<10000x64xf32, #tpu.memory_space<hbm>>) target(%arg12 : memref<128x64xf32, #tpu.memory_space<vmem>>) offsets(%dma_start3A_240 : memref<128xi32, #tpu.memory_space<vmem>>) semaphore(%arg14 : memref<!tpu.dma_semaphore, #tpu.memory_space<semaphore_mem>>)
    }
    %dma_wait3A = arith.constant 0 : i32
    %dma_wait3A_70 = arith.constant 0 : i32
    %dma_wait3A_71 = tpu.memref_slice %arg9[%dma_wait3A, %dma_wait3A_70] : memref<80x128xi32, #tpu.memory_space<vmem>> -> memref<1x128xi32, #tpu.memory_space<vmem>>
    %dma_wait3A_72 = tpu.memref_squeeze %dma_wait3A_71 : memref<1x128xi32, #tpu.memory_space<vmem>> -> memref<128xi32, #tpu.memory_space<vmem>>
    %dma_wait3A_73 = arith.constant 0 : i32
    %dma_wait3A_74 = arith.constant 0 : i32
    %dma_wait3A_75 = tpu.memref_slice %arg2[%dma_wait3A_73, %dma_wait3A_74] : memref<10000x64xf32, #tpu.memory_space<hbm>> -> memref<10000x64xf32, #tpu.memory_space<hbm>>
    tpu.wait_indirect_dma semaphore(%arg13 : memref<!tpu.dma_semaphore, #tpu.memory_space<semaphore_mem>>) src(%dma_wait3A_75 : memref<10000x64xf32, #tpu.memory_space<hbm>>) dst(%arg11 : memref<128x64xf32, #tpu.memory_space<vmem>>)
    %dma_wait3A_76 = arith.constant 0 : i32
    %dma_wait3A_77 = arith.constant 0 : i32
    %dma_wait3A_78 = tpu.memref_slice %arg9[%dma_wait3A_76, %dma_wait3A_77] : memref<80x128xi32, #tpu.memory_space<vmem>> -> memref<1x128xi32, #tpu.memory_space<vmem>>
    %dma_wait3A_79 = tpu.memref_squeeze %dma_wait3A_78 : memref<1x128xi32, #tpu.memory_space<vmem>> -> memref<128xi32, #tpu.memory_space<vmem>>
    %dma_wait3A_80 = arith.constant 0 : i32
    %dma_wait3A_81 = arith.constant 0 : i32
    %dma_wait3A_82 = tpu.memref_slice %arg2[%dma_wait3A_80, %dma_wait3A_81] : memref<10000x64xf32, #tpu.memory_space<hbm>> -> memref<10000x64xf32, #tpu.memory_space<hbm>>
    tpu.wait_indirect_dma semaphore(%arg14 : memref<!tpu.dma_semaphore, #tpu.memory_space<semaphore_mem>>) src(%dma_wait3A_82 : memref<10000x64xf32, #tpu.memory_space<hbm>>) dst(%arg12 : memref<128x64xf32, #tpu.memory_space<vmem>>)
    %barrier3A_83 = arith.constant 0 : index
    tpu.barrier barrier_id(%barrier3A_83)
    %lt3A_84 = arith.constant 15 : i32
    %lt3A_85 = arith.cmpi slt, %arg1, %lt3A_84 : i32
    %convert_element_type3A_86 = arith.extui %lt3A_85 : i1 to i32
    %cond3A_87 = arith.constant 0 : i32
    %cond3A_88 = arith.cmpi ne, %convert_element_type3A_86, %cond3A_87 : i32
    scf.if %cond3A_88 {
      %mul3A_178 = arith.constant 632 : i32
      %mul3A_179 = arith.muli %arg1, %mul3A_178 : i32
      %mul3A_180 = arith.constant 632 : i32
      %mul3A_181 = arith.muli %arg1, %mul3A_180 : i32
      "tpu.region"() ({
        %run_scoped3A = tpu.sem_alloc : memref<!tpu.dma_semaphore, #tpu.memory_space<semaphore_mem>>
        %dma_start3A_182 = arith.constant 0 : i32
        %dma_start3A_183 = tpu.memref_slice %arg7[%arg0, %mul3A_181, %dma_start3A_182] : memref<2x10000x64xf32, #tpu.memory_space<hbm>> -> memref<1x632x64xf32, #tpu.memory_space<hbm>>
        %dma_start3A_184 = tpu.memref_squeeze %dma_start3A_183 : memref<1x632x64xf32, #tpu.memory_space<hbm>> -> memref<632x64xf32, #tpu.memory_space<hbm>>
        %dma_start3A_185 = arith.constant 0 : i32
        %dma_start3A_186 = tpu.memref_slice %arg17[%mul3A_179, %dma_start3A_185] : memref<10000x64xf32, #tpu.memory_space<vmem_shared>> -> memref<632x64xf32, #tpu.memory_space<vmem_shared>>
        tpu.enqueue_dma source(%dma_start3A_186 : memref<632x64xf32, #tpu.memory_space<vmem_shared>>) target(%dma_start3A_184 : memref<632x64xf32, #tpu.memory_space<hbm>>) target_semaphore(%run_scoped3A : memref<!tpu.dma_semaphore, #tpu.memory_space<semaphore_mem>>)
        %dma_wait3A_187 = arith.constant 0 : i32
        %dma_wait3A_188 = tpu.memref_slice %arg7[%arg0, %mul3A_181, %dma_wait3A_187] : memref<2x10000x64xf32, #tpu.memory_space<hbm>> -> memref<1x632x64xf32, #tpu.memory_space<hbm>>
        %dma_wait3A_189 = tpu.memref_squeeze %dma_wait3A_188 : memref<1x632x64xf32, #tpu.memory_space<hbm>> -> memref<632x64xf32, #tpu.memory_space<hbm>>
        %dma_wait3A_190 = arith.constant 0 : i32
        %dma_wait3A_191 = tpu.memref_slice %arg17[%mul3A_179, %dma_wait3A_190] : memref<10000x64xf32, #tpu.memory_space<vmem_shared>> -> memref<632x64xf32, #tpu.memory_space<vmem_shared>>
        tpu.wait_dma2 semaphore(%run_scoped3A : memref<!tpu.dma_semaphore, #tpu.memory_space<semaphore_mem>>) src(%dma_wait3A_191 : memref<632x64xf32, #tpu.memory_space<vmem_shared>>) dst(%dma_wait3A_189 : memref<632x64xf32, #tpu.memory_space<hbm>>)
        tpu.yield
      }) : () -> ()
    } else {
    }
    %eq3A_89 = arith.constant 15 : i32
    %eq3A_90 = arith.cmpi eq, %arg1, %eq3A_89 : i32
    %convert_element_type3A_91 = arith.extui %eq3A_90 : i1 to i32
    %cond3A_92 = arith.constant 0 : i32
    %cond3A_93 = arith.cmpi ne, %convert_element_type3A_91, %cond3A_92 : i32
    scf.if %cond3A_93 {
      "tpu.region"() ({
        %run_scoped3A = tpu.sem_alloc : memref<!tpu.dma_semaphore, #tpu.memory_space<semaphore_mem>>
        %dma_start3A_178 = arith.constant 9480 : i32
        %dma_start3A_179 = arith.constant 0 : i32
        %dma_start3A_180 = tpu.memref_slice %arg7[%arg0, %dma_start3A_178, %dma_start3A_179] : memref<2x10000x64xf32, #tpu.memory_space<hbm>> -> memref<1x520x64xf32, #tpu.memory_space<hbm>>
        %dma_start3A_181 = tpu.memref_squeeze %dma_start3A_180 : memref<1x520x64xf32, #tpu.memory_space<hbm>> -> memref<520x64xf32, #tpu.memory_space<hbm>>
        %dma_start3A_182 = arith.constant 9480 : i32
        %dma_start3A_183 = arith.constant 0 : i32
        %dma_start3A_184 = tpu.memref_slice %arg17[%dma_start3A_182, %dma_start3A_183] : memref<10000x64xf32, #tpu.memory_space<vmem_shared>> -> memref<520x64xf32, #tpu.memory_space<vmem_shared>>
        tpu.enqueue_dma source(%dma_start3A_184 : memref<520x64xf32, #tpu.memory_space<vmem_shared>>) target(%dma_start3A_181 : memref<520x64xf32, #tpu.memory_space<hbm>>) target_semaphore(%run_scoped3A : memref<!tpu.dma_semaphore, #tpu.memory_space<semaphore_mem>>)
        %dma_wait3A_185 = arith.constant 9480 : i32
        %dma_wait3A_186 = arith.constant 0 : i32
        %dma_wait3A_187 = tpu.memref_slice %arg7[%arg0, %dma_wait3A_185, %dma_wait3A_186] : memref<2x10000x64xf32, #tpu.memory_space<hbm>> -> memref<1x520x64xf32, #tpu.memory_space<hbm>>
        %dma_wait3A_188 = tpu.memref_squeeze %dma_wait3A_187 : memref<1x520x64xf32, #tpu.memory_space<hbm>> -> memref<520x64xf32, #tpu.memory_space<hbm>>
        %dma_wait3A_189 = arith.constant 9480 : i32
        %dma_wait3A_190 = arith.constant 0 : i32
        %dma_wait3A_191 = tpu.memref_slice %arg17[%dma_wait3A_189, %dma_wait3A_190] : memref<10000x64xf32, #tpu.memory_space<vmem_shared>> -> memref<520x64xf32, #tpu.memory_space<vmem_shared>>
        tpu.wait_dma2 semaphore(%run_scoped3A : memref<!tpu.dma_semaphore, #tpu.memory_space<semaphore_mem>>) src(%dma_wait3A_191 : memref<520x64xf32, #tpu.memory_space<vmem_shared>>) dst(%dma_wait3A_188 : memref<520x64xf32, #tpu.memory_space<hbm>>)
        tpu.yield
      }) : () -> ()
    } else {
    }
    %eq3A_94 = arith.constant 0 : i32
    %eq3A_95 = arith.cmpi eq, %arg0, %eq3A_94 : i32
    %convert_element_type3A_96 = arith.extui %eq3A_95 : i1 to i32
    %cond3A_97 = arith.constant 0 : i32
    %cond3A_98 = arith.cmpi ne, %convert_element_type3A_96, %cond3A_97 : i32
    scf.if %cond3A_98 {
      %lt3A_178 = arith.constant 15 : i32
      %lt3A_179 = arith.cmpi slt, %arg1, %lt3A_178 : i32
      %convert_element_type3A_180 = arith.extui %lt3A_179 : i1 to i32
      %cond3A_181 = arith.constant 0 : i32
      %cond3A_182 = arith.cmpi ne, %convert_element_type3A_180, %cond3A_181 : i32
      scf.if %cond3A_182 {
        %mul3A_188 = arith.constant 632 : i32
        %mul3A_189 = arith.muli %arg1, %mul3A_188 : i32
        %mul3A_190 = arith.constant 632 : i32
        %mul3A_191 = arith.muli %arg1, %mul3A_190 : i32
        "tpu.region"() ({
          %run_scoped3A = tpu.sem_alloc : memref<!tpu.dma_semaphore, #tpu.memory_space<semaphore_mem>>
          %dma_start3A_192 = arith.constant 0 : i32
          %dma_start3A_193 = tpu.memref_slice %arg17[%mul3A_191, %dma_start3A_192] : memref<10000x64xf32, #tpu.memory_space<vmem_shared>> -> memref<632x64xf32, #tpu.memory_space<vmem_shared>>
          %dma_start3A_194 = arith.constant 0 : i32
          %dma_start3A_195 = tpu.memref_slice %arg3[%mul3A_189, %dma_start3A_194] : memref<10000x64xf32, #tpu.memory_space<hbm>> -> memref<632x64xf32, #tpu.memory_space<hbm>>
          tpu.enqueue_dma source(%dma_start3A_195 : memref<632x64xf32, #tpu.memory_space<hbm>>) target(%dma_start3A_193 : memref<632x64xf32, #tpu.memory_space<vmem_shared>>) target_semaphore(%run_scoped3A : memref<!tpu.dma_semaphore, #tpu.memory_space<semaphore_mem>>)
          %dma_wait3A_196 = arith.constant 0 : i32
          %dma_wait3A_197 = tpu.memref_slice %arg17[%mul3A_191, %dma_wait3A_196] : memref<10000x64xf32, #tpu.memory_space<vmem_shared>> -> memref<632x64xf32, #tpu.memory_space<vmem_shared>>
          %dma_wait3A_198 = arith.constant 0 : i32
          %dma_wait3A_199 = tpu.memref_slice %arg3[%mul3A_189, %dma_wait3A_198] : memref<10000x64xf32, #tpu.memory_space<hbm>> -> memref<632x64xf32, #tpu.memory_space<hbm>>
          tpu.wait_dma2 semaphore(%run_scoped3A : memref<!tpu.dma_semaphore, #tpu.memory_space<semaphore_mem>>) src(%dma_wait3A_199 : memref<632x64xf32, #tpu.memory_space<hbm>>) dst(%dma_wait3A_197 : memref<632x64xf32, #tpu.memory_space<vmem_shared>>)
          tpu.yield
        }) : () -> ()
      } else {
      }
      %eq3A_183 = arith.constant 15 : i32
      %eq3A_184 = arith.cmpi eq, %arg1, %eq3A_183 : i32
      %convert_element_type3A_185 = arith.extui %eq3A_184 : i1 to i32
      %cond3A_186 = arith.constant 0 : i32
      %cond3A_187 = arith.cmpi ne, %convert_element_type3A_185, %cond3A_186 : i32
      scf.if %cond3A_187 {
        "tpu.region"() ({
          %run_scoped3A = tpu.sem_alloc : memref<!tpu.dma_semaphore, #tpu.memory_space<semaphore_mem>>
          %dma_start3A_188 = arith.constant 9480 : i32
          %dma_start3A_189 = arith.constant 0 : i32
          %dma_start3A_190 = tpu.memref_slice %arg17[%dma_start3A_188, %dma_start3A_189] : memref<10000x64xf32, #tpu.memory_space<vmem_shared>> -> memref<520x64xf32, #tpu.memory_space<vmem_shared>>
          %dma_start3A_191 = arith.constant 9480 : i32
          %dma_start3A_192 = arith.constant 0 : i32
          %dma_start3A_193 = tpu.memref_slice %arg3[%dma_start3A_191, %dma_start3A_192] : memref<10000x64xf32, #tpu.memory_space<hbm>> -> memref<520x64xf32, #tpu.memory_space<hbm>>
          tpu.enqueue_dma source(%dma_start3A_193 : memref<520x64xf32, #tpu.memory_space<hbm>>) target(%dma_start3A_190 : memref<520x64xf32, #tpu.memory_space<vmem_shared>>) target_semaphore(%run_scoped3A : memref<!tpu.dma_semaphore, #tpu.memory_space<semaphore_mem>>)
          %dma_wait3A_194 = arith.constant 9480 : i32
          %dma_wait3A_195 = arith.constant 0 : i32
          %dma_wait3A_196 = tpu.memref_slice %arg17[%dma_wait3A_194, %dma_wait3A_195] : memref<10000x64xf32, #tpu.memory_space<vmem_shared>> -> memref<520x64xf32, #tpu.memory_space<vmem_shared>>
          %dma_wait3A_197 = arith.constant 9480 : i32
          %dma_wait3A_198 = arith.constant 0 : i32
          %dma_wait3A_199 = tpu.memref_slice %arg3[%dma_wait3A_197, %dma_wait3A_198] : memref<10000x64xf32, #tpu.memory_space<hbm>> -> memref<520x64xf32, #tpu.memory_space<hbm>>
          tpu.wait_dma2 semaphore(%run_scoped3A : memref<!tpu.dma_semaphore, #tpu.memory_space<semaphore_mem>>) src(%dma_wait3A_199 : memref<520x64xf32, #tpu.memory_space<hbm>>) dst(%dma_wait3A_196 : memref<520x64xf32, #tpu.memory_space<vmem_shared>>)
          tpu.yield
        }) : () -> ()
      } else {
      }
    } else {
    }
    %eq3A_99 = arith.constant 1 : i32
    %eq3A_100 = arith.cmpi eq, %arg0, %eq3A_99 : i32
    %convert_element_type3A_101 = arith.extui %eq3A_100 : i1 to i32
    %cond3A_102 = arith.constant 0 : i32
    %cond3A_103 = arith.cmpi ne, %convert_element_type3A_101, %cond3A_102 : i32
    scf.if %cond3A_103 {
      %lt3A_178 = arith.constant 15 : i32
      %lt3A_179 = arith.cmpi slt, %arg1, %lt3A_178 : i32
      %convert_element_type3A_180 = arith.extui %lt3A_179 : i1 to i32
      %cond3A_181 = arith.constant 0 : i32
      %cond3A_182 = arith.cmpi ne, %convert_element_type3A_180, %cond3A_181 : i32
      scf.if %cond3A_182 {
        %mul3A_188 = arith.constant 632 : i32
        %mul3A_189 = arith.muli %arg1, %mul3A_188 : i32
        %mul3A_190 = arith.constant 632 : i32
        %mul3A_191 = arith.muli %arg1, %mul3A_190 : i32
        "tpu.region"() ({
          %run_scoped3A = tpu.sem_alloc : memref<!tpu.dma_semaphore, #tpu.memory_space<semaphore_mem>>
          %dma_start3A_192 = arith.constant 0 : i32
          %dma_start3A_193 = tpu.memref_slice %arg17[%mul3A_191, %dma_start3A_192] : memref<10000x64xf32, #tpu.memory_space<vmem_shared>> -> memref<632x64xf32, #tpu.memory_space<vmem_shared>>
          %dma_start3A_194 = arith.constant 0 : i32
          %dma_start3A_195 = tpu.memref_slice %arg6[%mul3A_189, %dma_start3A_194] : memref<10000x64xf32, #tpu.memory_space<hbm>> -> memref<632x64xf32, #tpu.memory_space<hbm>>
          tpu.enqueue_dma source(%dma_start3A_195 : memref<632x64xf32, #tpu.memory_space<hbm>>) target(%dma_start3A_193 : memref<632x64xf32, #tpu.memory_space<vmem_shared>>) target_semaphore(%run_scoped3A : memref<!tpu.dma_semaphore, #tpu.memory_space<semaphore_mem>>)
          %dma_wait3A_196 = arith.constant 0 : i32
          %dma_wait3A_197 = tpu.memref_slice %arg17[%mul3A_191, %dma_wait3A_196] : memref<10000x64xf32, #tpu.memory_space<vmem_shared>> -> memref<632x64xf32, #tpu.memory_space<vmem_shared>>
          %dma_wait3A_198 = arith.constant 0 : i32
          %dma_wait3A_199 = tpu.memref_slice %arg6[%mul3A_189, %dma_wait3A_198] : memref<10000x64xf32, #tpu.memory_space<hbm>> -> memref<632x64xf32, #tpu.memory_space<hbm>>
          tpu.wait_dma2 semaphore(%run_scoped3A : memref<!tpu.dma_semaphore, #tpu.memory_space<semaphore_mem>>) src(%dma_wait3A_199 : memref<632x64xf32, #tpu.memory_space<hbm>>) dst(%dma_wait3A_197 : memref<632x64xf32, #tpu.memory_space<vmem_shared>>)
          tpu.yield
        }) : () -> ()
      } else {
      }
      %eq3A_183 = arith.constant 15 : i32
      %eq3A_184 = arith.cmpi eq, %arg1, %eq3A_183 : i32
      %convert_element_type3A_185 = arith.extui %eq3A_184 : i1 to i32
      %cond3A_186 = arith.constant 0 : i32
      %cond3A_187 = arith.cmpi ne, %convert_element_type3A_185, %cond3A_186 : i32
      scf.if %cond3A_187 {
        "tpu.region"() ({
          %run_scoped3A = tpu.sem_alloc : memref<!tpu.dma_semaphore, #tpu.memory_space<semaphore_mem>>
          %dma_start3A_188 = arith.constant 9480 : i32
          %dma_start3A_189 = arith.constant 0 : i32
          %dma_start3A_190 = tpu.memref_slice %arg17[%dma_start3A_188, %dma_start3A_189] : memref<10000x64xf32, #tpu.memory_space<vmem_shared>> -> memref<520x64xf32, #tpu.memory_space<vmem_shared>>
          %dma_start3A_191 = arith.constant 9480 : i32
          %dma_start3A_192 = arith.constant 0 : i32
          %dma_start3A_193 = tpu.memref_slice %arg6[%dma_start3A_191, %dma_start3A_192] : memref<10000x64xf32, #tpu.memory_space<hbm>> -> memref<520x64xf32, #tpu.memory_space<hbm>>
          tpu.enqueue_dma source(%dma_start3A_193 : memref<520x64xf32, #tpu.memory_space<hbm>>) target(%dma_start3A_190 : memref<520x64xf32, #tpu.memory_space<vmem_shared>>) target_semaphore(%run_scoped3A : memref<!tpu.dma_semaphore, #tpu.memory_space<semaphore_mem>>)
          %dma_wait3A_194 = arith.constant 9480 : i32
          %dma_wait3A_195 = arith.constant 0 : i32
          %dma_wait3A_196 = tpu.memref_slice %arg17[%dma_wait3A_194, %dma_wait3A_195] : memref<10000x64xf32, #tpu.memory_space<vmem_shared>> -> memref<520x64xf32, #tpu.memory_space<vmem_shared>>
          %dma_wait3A_197 = arith.constant 9480 : i32
          %dma_wait3A_198 = arith.constant 0 : i32
          %dma_wait3A_199 = tpu.memref_slice %arg6[%dma_wait3A_197, %dma_wait3A_198] : memref<10000x64xf32, #tpu.memory_space<hbm>> -> memref<520x64xf32, #tpu.memory_space<hbm>>
          tpu.wait_dma2 semaphore(%run_scoped3A : memref<!tpu.dma_semaphore, #tpu.memory_space<semaphore_mem>>) src(%dma_wait3A_199 : memref<520x64xf32, #tpu.memory_space<hbm>>) dst(%dma_wait3A_196 : memref<520x64xf32, #tpu.memory_space<vmem_shared>>)
          tpu.yield
        }) : () -> ()
      } else {
      }
    } else {
    }
    %barrier3A_104 = arith.constant 0 : index
    tpu.barrier barrier_id(%barrier3A_104)
    %dma_start3A_105 = arith.constant 0 : i32
    %dma_start3A_106 = arith.constant 0 : i32
    %dma_start3A_107 = tpu.memref_slice %arg9[%dma_start3A_105, %dma_start3A_106] : memref<80x128xi32, #tpu.memory_space<vmem>> -> memref<1x128xi32, #tpu.memory_space<vmem>>
    %dma_start3A_108 = tpu.memref_squeeze %dma_start3A_107 : memref<1x128xi32, #tpu.memory_space<vmem>> -> memref<128xi32, #tpu.memory_space<vmem>>
    %dma_start3A_109 = arith.constant 0 : i32
    %dma_start3A_110 = arith.constant 0 : i32
    %dma_start3A_111 = tpu.memref_slice %arg3[%dma_start3A_109, %dma_start3A_110] : memref<10000x64xf32, #tpu.memory_space<hbm>> -> memref<10000x64xf32, #tpu.memory_space<hbm>>
    tpu.enqueue_indirect_dma source(%dma_start3A_111 : memref<10000x64xf32, #tpu.memory_space<hbm>>) target(%arg11 : memref<128x64xf32, #tpu.memory_space<vmem>>) offsets(%dma_start3A_108 : memref<128xi32, #tpu.memory_space<vmem>>) semaphore(%arg13 : memref<!tpu.dma_semaphore, #tpu.memory_space<semaphore_mem>>)
    %dma_start3A_112 = arith.constant 1 : i32
    %dma_start3A_113 = arith.constant 0 : i32
    %dma_start3A_114 = tpu.memref_slice %arg9[%dma_start3A_112, %dma_start3A_113] : memref<80x128xi32, #tpu.memory_space<vmem>> -> memref<1x128xi32, #tpu.memory_space<vmem>>
    %dma_start3A_115 = tpu.memref_squeeze %dma_start3A_114 : memref<1x128xi32, #tpu.memory_space<vmem>> -> memref<128xi32, #tpu.memory_space<vmem>>
    %dma_start3A_116 = arith.constant 0 : i32
    %dma_start3A_117 = arith.constant 0 : i32
    %dma_start3A_118 = tpu.memref_slice %arg3[%dma_start3A_116, %dma_start3A_117] : memref<10000x64xf32, #tpu.memory_space<hbm>> -> memref<10000x64xf32, #tpu.memory_space<hbm>>
    tpu.enqueue_indirect_dma source(%dma_start3A_118 : memref<10000x64xf32, #tpu.memory_space<hbm>>) target(%arg12 : memref<128x64xf32, #tpu.memory_space<vmem>>) offsets(%dma_start3A_115 : memref<128xi32, #tpu.memory_space<vmem>>) semaphore(%arg14 : memref<!tpu.dma_semaphore, #tpu.memory_space<semaphore_mem>>)
    %jit3A_119 = arith.constant 2 : i32
    %div3A_120 = arith.divsi %select_n3A, %jit3A_119 : i32
    %sign3A_121 = arith.constant 0 : i32
    %sign3A_122 = arith.cmpi sgt, %select_n3A, %sign3A_121 : i32
    %sign3A_123 = arith.extui %sign3A_122 : i1 to i32
    %sign3A_124 = arith.constant 0 : i32
    %sign3A_125 = arith.cmpi slt, %select_n3A, %sign3A_124 : i32
    %sign3A_126 = arith.extui %sign3A_125 : i1 to i32
    %sign3A_127 = arith.subi %sign3A_123, %sign3A_126 : i32
    %sign3A_128 = arith.constant 0 : i32
    %sign3A_129 = arith.cmpi sgt, %jit3A_119, %sign3A_128 : i32
    %sign3A_130 = arith.extui %sign3A_129 : i1 to i32
    %sign3A_131 = arith.constant 0 : i32
    %sign3A_132 = arith.cmpi slt, %jit3A_119, %sign3A_131 : i32
    %sign3A_133 = arith.extui %sign3A_132 : i1 to i32
    %sign3A_134 = arith.subi %sign3A_130, %sign3A_133 : i32
    %ne3A_135 = arith.cmpi ne, %sign3A_127, %sign3A_134 : i32
    %rem3A_136 = arith.remsi %select_n3A, %jit3A_119 : i32
    %ne3A_137 = arith.constant 0 : i32
    %ne3A_138 = arith.cmpi ne, %rem3A_136, %ne3A_137 : i32
    %and3A_139 = arith.andi %ne3A_135, %ne3A_138 : i1
    %sub3A_140 = arith.constant 1 : i32
    %sub3A_141 = arith.subi %div3A_120, %sub3A_140 : i32
    %select_n3A_142 = arith.select %and3A_139, %sub3A_141, %div3A_120 : i32
    %while3A_143 = arith.constant 0 : i32
    %while3A_144 = arith.constant 0 : i32
    %while3A_145 = arith.subi %select_n3A_142, %while3A_144 : i32
    %while3A_146 = arith.addi %while3A_144, %while3A_145 : i32
    %while3A_147 = arith.constant 1 : i32
    %while3A_148 = arith.divsi %while3A_145, %while3A_147 : i32
    %while3A_149 = arith.muli %while3A_148, %while3A_147 : i32
    %while3A_150 = arith.addi %while3A_144, %while3A_149 : i32
    %while3A_151 = arith.constant 1 : i32
    scf.for %while3A_178 = %while3A_144 to %while3A_150 step %while3A_151  : i32 {
      %mul3A_179 = arith.constant 2 : i32
      %mul3A_180 = arith.muli %mul3A_179, %while3A_178 : i32
      %dma_wait3A_181 = arith.constant 0 : i32
      %dma_wait3A_182 = tpu.memref_slice %arg9[%mul3A_180, %dma_wait3A_181] : memref<80x128xi32, #tpu.memory_space<vmem>> -> memref<1x128xi32, #tpu.memory_space<vmem>>
      %dma_wait3A_183 = tpu.memref_squeeze %dma_wait3A_182 : memref<1x128xi32, #tpu.memory_space<vmem>> -> memref<128xi32, #tpu.memory_space<vmem>>
      %dma_wait3A_184 = arith.constant 0 : i32
      %dma_wait3A_185 = arith.constant 0 : i32
      %dma_wait3A_186 = tpu.memref_slice %arg3[%dma_wait3A_184, %dma_wait3A_185] : memref<10000x64xf32, #tpu.memory_space<hbm>> -> memref<10000x64xf32, #tpu.memory_space<hbm>>
      tpu.wait_indirect_dma semaphore(%arg13 : memref<!tpu.dma_semaphore, #tpu.memory_space<semaphore_mem>>) src(%dma_wait3A_186 : memref<10000x64xf32, #tpu.memory_space<hbm>>) dst(%arg11 : memref<128x64xf32, #tpu.memory_space<vmem>>)
      %dma_start3A_187 = arith.constant 0 : i32
      %dma_start3A_188 = tpu.memref_slice %arg10[%mul3A_180, %dma_start3A_187] : memref<80x128xi32, #tpu.memory_space<vmem>> -> memref<1x128xi32, #tpu.memory_space<vmem>>
      %dma_start3A_189 = tpu.memref_squeeze %dma_start3A_188 : memref<1x128xi32, #tpu.memory_space<vmem>> -> memref<128xi32, #tpu.memory_space<vmem>>
      %dma_start3A_190 = arith.constant 0 : i32
      %dma_start3A_191 = arith.constant 0 : i32
      %dma_start3A_192 = tpu.memref_slice %arg17[%dma_start3A_190, %dma_start3A_191] : memref<10000x64xf32, #tpu.memory_space<vmem_shared>> -> memref<10000x64xf32, #tpu.memory_space<vmem_shared>>
      tpu.enqueue_indirect_dma source(%arg11 : memref<128x64xf32, #tpu.memory_space<vmem>>) target(%dma_start3A_192 : memref<10000x64xf32, #tpu.memory_space<vmem_shared>>) offsets(%dma_start3A_189 : memref<128xi32, #tpu.memory_space<vmem>>) semaphore(%arg15 : memref<!tpu.dma_semaphore, #tpu.memory_space<semaphore_mem>>) {add = true}
      %add3A_193 = arith.constant 1 : i32
      %add3A_194 = arith.addi %mul3A_180, %add3A_193 : i32
      %dma_wait3A_195 = arith.constant 0 : i32
      %dma_wait3A_196 = tpu.memref_slice %arg9[%add3A_194, %dma_wait3A_195] : memref<80x128xi32, #tpu.memory_space<vmem>> -> memref<1x128xi32, #tpu.memory_space<vmem>>
      %dma_wait3A_197 = tpu.memref_squeeze %dma_wait3A_196 : memref<1x128xi32, #tpu.memory_space<vmem>> -> memref<128xi32, #tpu.memory_space<vmem>>
      %dma_wait3A_198 = arith.constant 0 : i32
      %dma_wait3A_199 = arith.constant 0 : i32
      %dma_wait3A_200 = tpu.memref_slice %arg3[%dma_wait3A_198, %dma_wait3A_199] : memref<10000x64xf32, #tpu.memory_space<hbm>> -> memref<10000x64xf32, #tpu.memory_space<hbm>>
      tpu.wait_indirect_dma semaphore(%arg14 : memref<!tpu.dma_semaphore, #tpu.memory_space<semaphore_mem>>) src(%dma_wait3A_200 : memref<10000x64xf32, #tpu.memory_space<hbm>>) dst(%arg12 : memref<128x64xf32, #tpu.memory_space<vmem>>)
      %add3A_201 = arith.constant 1 : i32
      %add3A_202 = arith.addi %mul3A_180, %add3A_201 : i32
      %dma_start3A_203 = arith.constant 0 : i32
      %dma_start3A_204 = tpu.memref_slice %arg10[%add3A_202, %dma_start3A_203] : memref<80x128xi32, #tpu.memory_space<vmem>> -> memref<1x128xi32, #tpu.memory_space<vmem>>
      %dma_start3A_205 = tpu.memref_squeeze %dma_start3A_204 : memref<1x128xi32, #tpu.memory_space<vmem>> -> memref<128xi32, #tpu.memory_space<vmem>>
      %dma_start3A_206 = arith.constant 0 : i32
      %dma_start3A_207 = arith.constant 0 : i32
      %dma_start3A_208 = tpu.memref_slice %arg17[%dma_start3A_206, %dma_start3A_207] : memref<10000x64xf32, #tpu.memory_space<vmem_shared>> -> memref<10000x64xf32, #tpu.memory_space<vmem_shared>>
      tpu.enqueue_indirect_dma source(%arg12 : memref<128x64xf32, #tpu.memory_space<vmem>>) target(%dma_start3A_208 : memref<10000x64xf32, #tpu.memory_space<vmem_shared>>) offsets(%dma_start3A_205 : memref<128xi32, #tpu.memory_space<vmem>>) semaphore(%arg16 : memref<!tpu.dma_semaphore, #tpu.memory_space<semaphore_mem>>) {add = true}
      %add3A_209 = arith.constant 2 : i32
      %add3A_210 = arith.addi %mul3A_180, %add3A_209 : i32
      %sub3A_211 = arith.constant 1 : i32
      %sub3A_212 = arith.subi %select_n3A, %sub3A_211 : i32
      %min3A = arith.minsi %add3A_210, %sub3A_212 : i32
      %add3A_213 = arith.constant 3 : i32
      %add3A_214 = arith.addi %mul3A_180, %add3A_213 : i32
      %sub3A_215 = arith.constant 1 : i32
      %sub3A_216 = arith.subi %select_n3A, %sub3A_215 : i32
      %min3A_217 = arith.minsi %add3A_214, %sub3A_216 : i32
      %dma_wait3A_218 = arith.constant 0 : i32
      %dma_wait3A_219 = tpu.memref_slice %arg10[%mul3A_180, %dma_wait3A_218] : memref<80x128xi32, #tpu.memory_space<vmem>> -> memref<1x128xi32, #tpu.memory_space<vmem>>
      %dma_wait3A_220 = tpu.memref_squeeze %dma_wait3A_219 : memref<1x128xi32, #tpu.memory_space<vmem>> -> memref<128xi32, #tpu.memory_space<vmem>>
      %dma_wait3A_221 = arith.constant 0 : i32
      %dma_wait3A_222 = arith.constant 0 : i32
      %dma_wait3A_223 = tpu.memref_slice %arg17[%dma_wait3A_221, %dma_wait3A_222] : memref<10000x64xf32, #tpu.memory_space<vmem_shared>> -> memref<10000x64xf32, #tpu.memory_space<vmem_shared>>
      tpu.wait_indirect_dma semaphore(%arg15 : memref<!tpu.dma_semaphore, #tpu.memory_space<semaphore_mem>>) src(%arg11 : memref<128x64xf32, #tpu.memory_space<vmem>>) dst(%dma_wait3A_223 : memref<10000x64xf32, #tpu.memory_space<vmem_shared>>)
      %dma_start3A_224 = arith.constant 0 : i32
      %dma_start3A_225 = tpu.memref_slice %arg9[%min3A, %dma_start3A_224] : memref<80x128xi32, #tpu.memory_space<vmem>> -> memref<1x128xi32, #tpu.memory_space<vmem>>
      %dma_start3A_226 = tpu.memref_squeeze %dma_start3A_225 : memref<1x128xi32, #tpu.memory_space<vmem>> -> memref<128xi32, #tpu.memory_space<vmem>>
      %dma_start3A_227 = arith.constant 0 : i32
      %dma_start3A_228 = arith.constant 0 : i32
      %dma_start3A_229 = tpu.memref_slice %arg3[%dma_start3A_227, %dma_start3A_228] : memref<10000x64xf32, #tpu.memory_space<hbm>> -> memref<10000x64xf32, #tpu.memory_space<hbm>>
      tpu.enqueue_indirect_dma source(%dma_start3A_229 : memref<10000x64xf32, #tpu.memory_space<hbm>>) target(%arg11 : memref<128x64xf32, #tpu.memory_space<vmem>>) offsets(%dma_start3A_226 : memref<128xi32, #tpu.memory_space<vmem>>) semaphore(%arg13 : memref<!tpu.dma_semaphore, #tpu.memory_space<semaphore_mem>>)
      %add3A_230 = arith.constant 1 : i32
      %add3A_231 = arith.addi %mul3A_180, %add3A_230 : i32
      %dma_wait3A_232 = arith.constant 0 : i32
      %dma_wait3A_233 = tpu.memref_slice %arg10[%add3A_231, %dma_wait3A_232] : memref<80x128xi32, #tpu.memory_space<vmem>> -> memref<1x128xi32, #tpu.memory_space<vmem>>
      %dma_wait3A_234 = tpu.memref_squeeze %dma_wait3A_233 : memref<1x128xi32, #tpu.memory_space<vmem>> -> memref<128xi32, #tpu.memory_space<vmem>>
      %dma_wait3A_235 = arith.constant 0 : i32
      %dma_wait3A_236 = arith.constant 0 : i32
      %dma_wait3A_237 = tpu.memref_slice %arg17[%dma_wait3A_235, %dma_wait3A_236] : memref<10000x64xf32, #tpu.memory_space<vmem_shared>> -> memref<10000x64xf32, #tpu.memory_space<vmem_shared>>
      tpu.wait_indirect_dma semaphore(%arg16 : memref<!tpu.dma_semaphore, #tpu.memory_space<semaphore_mem>>) src(%arg12 : memref<128x64xf32, #tpu.memory_space<vmem>>) dst(%dma_wait3A_237 : memref<10000x64xf32, #tpu.memory_space<vmem_shared>>)
      %dma_start3A_238 = arith.constant 0 : i32
      %dma_start3A_239 = tpu.memref_slice %arg9[%min3A_217, %dma_start3A_238] : memref<80x128xi32, #tpu.memory_space<vmem>> -> memref<1x128xi32, #tpu.memory_space<vmem>>
      %dma_start3A_240 = tpu.memref_squeeze %dma_start3A_239 : memref<1x128xi32, #tpu.memory_space<vmem>> -> memref<128xi32, #tpu.memory_space<vmem>>
      %dma_start3A_241 = arith.constant 0 : i32
      %dma_start3A_242 = arith.constant 0 : i32
      %dma_start3A_243 = tpu.memref_slice %arg3[%dma_start3A_241, %dma_start3A_242] : memref<10000x64xf32, #tpu.memory_space<hbm>> -> memref<10000x64xf32, #tpu.memory_space<hbm>>
      tpu.enqueue_indirect_dma source(%dma_start3A_243 : memref<10000x64xf32, #tpu.memory_space<hbm>>) target(%arg12 : memref<128x64xf32, #tpu.memory_space<vmem>>) offsets(%dma_start3A_240 : memref<128xi32, #tpu.memory_space<vmem>>) semaphore(%arg14 : memref<!tpu.dma_semaphore, #tpu.memory_space<semaphore_mem>>)
    }
    %while3A_152 = arith.constant 1 : i32
    scf.for %while3A_178 = %while3A_150 to %while3A_146 step %while3A_152  : i32 {
      %mul3A_179 = arith.constant 2 : i32
      %mul3A_180 = arith.muli %mul3A_179, %while3A_178 : i32
      %dma_wait3A_181 = arith.constant 0 : i32
      %dma_wait3A_182 = tpu.memref_slice %arg9[%mul3A_180, %dma_wait3A_181] : memref<80x128xi32, #tpu.memory_space<vmem>> -> memref<1x128xi32, #tpu.memory_space<vmem>>
      %dma_wait3A_183 = tpu.memref_squeeze %dma_wait3A_182 : memref<1x128xi32, #tpu.memory_space<vmem>> -> memref<128xi32, #tpu.memory_space<vmem>>
      %dma_wait3A_184 = arith.constant 0 : i32
      %dma_wait3A_185 = arith.constant 0 : i32
      %dma_wait3A_186 = tpu.memref_slice %arg3[%dma_wait3A_184, %dma_wait3A_185] : memref<10000x64xf32, #tpu.memory_space<hbm>> -> memref<10000x64xf32, #tpu.memory_space<hbm>>
      tpu.wait_indirect_dma semaphore(%arg13 : memref<!tpu.dma_semaphore, #tpu.memory_space<semaphore_mem>>) src(%dma_wait3A_186 : memref<10000x64xf32, #tpu.memory_space<hbm>>) dst(%arg11 : memref<128x64xf32, #tpu.memory_space<vmem>>)
      %dma_start3A_187 = arith.constant 0 : i32
      %dma_start3A_188 = tpu.memref_slice %arg10[%mul3A_180, %dma_start3A_187] : memref<80x128xi32, #tpu.memory_space<vmem>> -> memref<1x128xi32, #tpu.memory_space<vmem>>
      %dma_start3A_189 = tpu.memref_squeeze %dma_start3A_188 : memref<1x128xi32, #tpu.memory_space<vmem>> -> memref<128xi32, #tpu.memory_space<vmem>>
      %dma_start3A_190 = arith.constant 0 : i32
      %dma_start3A_191 = arith.constant 0 : i32
      %dma_start3A_192 = tpu.memref_slice %arg17[%dma_start3A_190, %dma_start3A_191] : memref<10000x64xf32, #tpu.memory_space<vmem_shared>> -> memref<10000x64xf32, #tpu.memory_space<vmem_shared>>
      tpu.enqueue_indirect_dma source(%arg11 : memref<128x64xf32, #tpu.memory_space<vmem>>) target(%dma_start3A_192 : memref<10000x64xf32, #tpu.memory_space<vmem_shared>>) offsets(%dma_start3A_189 : memref<128xi32, #tpu.memory_space<vmem>>) semaphore(%arg15 : memref<!tpu.dma_semaphore, #tpu.memory_space<semaphore_mem>>) {add = true}
      %add3A_193 = arith.constant 1 : i32
      %add3A_194 = arith.addi %mul3A_180, %add3A_193 : i32
      %dma_wait3A_195 = arith.constant 0 : i32
      %dma_wait3A_196 = tpu.memref_slice %arg9[%add3A_194, %dma_wait3A_195] : memref<80x128xi32, #tpu.memory_space<vmem>> -> memref<1x128xi32, #tpu.memory_space<vmem>>
      %dma_wait3A_197 = tpu.memref_squeeze %dma_wait3A_196 : memref<1x128xi32, #tpu.memory_space<vmem>> -> memref<128xi32, #tpu.memory_space<vmem>>
      %dma_wait3A_198 = arith.constant 0 : i32
      %dma_wait3A_199 = arith.constant 0 : i32
      %dma_wait3A_200 = tpu.memref_slice %arg3[%dma_wait3A_198, %dma_wait3A_199] : memref<10000x64xf32, #tpu.memory_space<hbm>> -> memref<10000x64xf32, #tpu.memory_space<hbm>>
      tpu.wait_indirect_dma semaphore(%arg14 : memref<!tpu.dma_semaphore, #tpu.memory_space<semaphore_mem>>) src(%dma_wait3A_200 : memref<10000x64xf32, #tpu.memory_space<hbm>>) dst(%arg12 : memref<128x64xf32, #tpu.memory_space<vmem>>)
      %add3A_201 = arith.constant 1 : i32
      %add3A_202 = arith.addi %mul3A_180, %add3A_201 : i32
      %dma_start3A_203 = arith.constant 0 : i32
      %dma_start3A_204 = tpu.memref_slice %arg10[%add3A_202, %dma_start3A_203] : memref<80x128xi32, #tpu.memory_space<vmem>> -> memref<1x128xi32, #tpu.memory_space<vmem>>
      %dma_start3A_205 = tpu.memref_squeeze %dma_start3A_204 : memref<1x128xi32, #tpu.memory_space<vmem>> -> memref<128xi32, #tpu.memory_space<vmem>>
      %dma_start3A_206 = arith.constant 0 : i32
      %dma_start3A_207 = arith.constant 0 : i32
      %dma_start3A_208 = tpu.memref_slice %arg17[%dma_start3A_206, %dma_start3A_207] : memref<10000x64xf32, #tpu.memory_space<vmem_shared>> -> memref<10000x64xf32, #tpu.memory_space<vmem_shared>>
      tpu.enqueue_indirect_dma source(%arg12 : memref<128x64xf32, #tpu.memory_space<vmem>>) target(%dma_start3A_208 : memref<10000x64xf32, #tpu.memory_space<vmem_shared>>) offsets(%dma_start3A_205 : memref<128xi32, #tpu.memory_space<vmem>>) semaphore(%arg16 : memref<!tpu.dma_semaphore, #tpu.memory_space<semaphore_mem>>) {add = true}
      %add3A_209 = arith.constant 2 : i32
      %add3A_210 = arith.addi %mul3A_180, %add3A_209 : i32
      %sub3A_211 = arith.constant 1 : i32
      %sub3A_212 = arith.subi %select_n3A, %sub3A_211 : i32
      %min3A = arith.minsi %add3A_210, %sub3A_212 : i32
      %add3A_213 = arith.constant 3 : i32
      %add3A_214 = arith.addi %mul3A_180, %add3A_213 : i32
      %sub3A_215 = arith.constant 1 : i32
      %sub3A_216 = arith.subi %select_n3A, %sub3A_215 : i32
      %min3A_217 = arith.minsi %add3A_214, %sub3A_216 : i32
      %dma_wait3A_218 = arith.constant 0 : i32
      %dma_wait3A_219 = tpu.memref_slice %arg10[%mul3A_180, %dma_wait3A_218] : memref<80x128xi32, #tpu.memory_space<vmem>> -> memref<1x128xi32, #tpu.memory_space<vmem>>
      %dma_wait3A_220 = tpu.memref_squeeze %dma_wait3A_219 : memref<1x128xi32, #tpu.memory_space<vmem>> -> memref<128xi32, #tpu.memory_space<vmem>>
      %dma_wait3A_221 = arith.constant 0 : i32
      %dma_wait3A_222 = arith.constant 0 : i32
      %dma_wait3A_223 = tpu.memref_slice %arg17[%dma_wait3A_221, %dma_wait3A_222] : memref<10000x64xf32, #tpu.memory_space<vmem_shared>> -> memref<10000x64xf32, #tpu.memory_space<vmem_shared>>
      tpu.wait_indirect_dma semaphore(%arg15 : memref<!tpu.dma_semaphore, #tpu.memory_space<semaphore_mem>>) src(%arg11 : memref<128x64xf32, #tpu.memory_space<vmem>>) dst(%dma_wait3A_223 : memref<10000x64xf32, #tpu.memory_space<vmem_shared>>)
      %dma_start3A_224 = arith.constant 0 : i32
      %dma_start3A_225 = tpu.memref_slice %arg9[%min3A, %dma_start3A_224] : memref<80x128xi32, #tpu.memory_space<vmem>> -> memref<1x128xi32, #tpu.memory_space<vmem>>
      %dma_start3A_226 = tpu.memref_squeeze %dma_start3A_225 : memref<1x128xi32, #tpu.memory_space<vmem>> -> memref<128xi32, #tpu.memory_space<vmem>>
      %dma_start3A_227 = arith.constant 0 : i32
      %dma_start3A_228 = arith.constant 0 : i32
      %dma_start3A_229 = tpu.memref_slice %arg3[%dma_start3A_227, %dma_start3A_228] : memref<10000x64xf32, #tpu.memory_space<hbm>> -> memref<10000x64xf32, #tpu.memory_space<hbm>>
      tpu.enqueue_indirect_dma source(%dma_start3A_229 : memref<10000x64xf32, #tpu.memory_space<hbm>>) target(%arg11 : memref<128x64xf32, #tpu.memory_space<vmem>>) offsets(%dma_start3A_226 : memref<128xi32, #tpu.memory_space<vmem>>) semaphore(%arg13 : memref<!tpu.dma_semaphore, #tpu.memory_space<semaphore_mem>>)
      %add3A_230 = arith.constant 1 : i32
      %add3A_231 = arith.addi %mul3A_180, %add3A_230 : i32
      %dma_wait3A_232 = arith.constant 0 : i32
      %dma_wait3A_233 = tpu.memref_slice %arg10[%add3A_231, %dma_wait3A_232] : memref<80x128xi32, #tpu.memory_space<vmem>> -> memref<1x128xi32, #tpu.memory_space<vmem>>
      %dma_wait3A_234 = tpu.memref_squeeze %dma_wait3A_233 : memref<1x128xi32, #tpu.memory_space<vmem>> -> memref<128xi32, #tpu.memory_space<vmem>>
      %dma_wait3A_235 = arith.constant 0 : i32
      %dma_wait3A_236 = arith.constant 0 : i32
      %dma_wait3A_237 = tpu.memref_slice %arg17[%dma_wait3A_235, %dma_wait3A_236] : memref<10000x64xf32, #tpu.memory_space<vmem_shared>> -> memref<10000x64xf32, #tpu.memory_space<vmem_shared>>
      tpu.wait_indirect_dma semaphore(%arg16 : memref<!tpu.dma_semaphore, #tpu.memory_space<semaphore_mem>>) src(%arg12 : memref<128x64xf32, #tpu.memory_space<vmem>>) dst(%dma_wait3A_237 : memref<10000x64xf32, #tpu.memory_space<vmem_shared>>)
      %dma_start3A_238 = arith.constant 0 : i32
      %dma_start3A_239 = tpu.memref_slice %arg9[%min3A_217, %dma_start3A_238] : memref<80x128xi32, #tpu.memory_space<vmem>> -> memref<1x128xi32, #tpu.memory_space<vmem>>
      %dma_start3A_240 = tpu.memref_squeeze %dma_start3A_239 : memref<1x128xi32, #tpu.memory_space<vmem>> -> memref<128xi32, #tpu.memory_space<vmem>>
      %dma_start3A_241 = arith.constant 0 : i32
      %dma_start3A_242 = arith.constant 0 : i32
      %dma_start3A_243 = tpu.memref_slice %arg3[%dma_start3A_241, %dma_start3A_242] : memref<10000x64xf32, #tpu.memory_space<hbm>> -> memref<10000x64xf32, #tpu.memory_space<hbm>>
      tpu.enqueue_indirect_dma source(%dma_start3A_243 : memref<10000x64xf32, #tpu.memory_space<hbm>>) target(%arg12 : memref<128x64xf32, #tpu.memory_space<vmem>>) offsets(%dma_start3A_240 : memref<128xi32, #tpu.memory_space<vmem>>) semaphore(%arg14 : memref<!tpu.dma_semaphore, #tpu.memory_space<semaphore_mem>>)
    }
    %dma_wait3A_153 = arith.constant 0 : i32
    %dma_wait3A_154 = arith.constant 0 : i32
    %dma_wait3A_155 = tpu.memref_slice %arg9[%dma_wait3A_153, %dma_wait3A_154] : memref<80x128xi32, #tpu.memory_space<vmem>> -> memref<1x128xi32, #tpu.memory_space<vmem>>
    %dma_wait3A_156 = tpu.memref_squeeze %dma_wait3A_155 : memref<1x128xi32, #tpu.memory_space<vmem>> -> memref<128xi32, #tpu.memory_space<vmem>>
    %dma_wait3A_157 = arith.constant 0 : i32
    %dma_wait3A_158 = arith.constant 0 : i32
    %dma_wait3A_159 = tpu.memref_slice %arg3[%dma_wait3A_157, %dma_wait3A_158] : memref<10000x64xf32, #tpu.memory_space<hbm>> -> memref<10000x64xf32, #tpu.memory_space<hbm>>
    tpu.wait_indirect_dma semaphore(%arg13 : memref<!tpu.dma_semaphore, #tpu.memory_space<semaphore_mem>>) src(%dma_wait3A_159 : memref<10000x64xf32, #tpu.memory_space<hbm>>) dst(%arg11 : memref<128x64xf32, #tpu.memory_space<vmem>>)
    %dma_wait3A_160 = arith.constant 0 : i32
    %dma_wait3A_161 = arith.constant 0 : i32
    %dma_wait3A_162 = tpu.memref_slice %arg9[%dma_wait3A_160, %dma_wait3A_161] : memref<80x128xi32, #tpu.memory_space<vmem>> -> memref<1x128xi32, #tpu.memory_space<vmem>>
    %dma_wait3A_163 = tpu.memref_squeeze %dma_wait3A_162 : memref<1x128xi32, #tpu.memory_space<vmem>> -> memref<128xi32, #tpu.memory_space<vmem>>
    %dma_wait3A_164 = arith.constant 0 : i32
    %dma_wait3A_165 = arith.constant 0 : i32
    %dma_wait3A_166 = tpu.memref_slice %arg3[%dma_wait3A_164, %dma_wait3A_165] : memref<10000x64xf32, #tpu.memory_space<hbm>> -> memref<10000x64xf32, #tpu.memory_space<hbm>>
    tpu.wait_indirect_dma semaphore(%arg14 : memref<!tpu.dma_semaphore, #tpu.memory_space<semaphore_mem>>) src(%dma_wait3A_166 : memref<10000x64xf32, #tpu.memory_space<hbm>>) dst(%arg12 : memref<128x64xf32, #tpu.memory_space<vmem>>)
    %barrier3A_167 = arith.constant 0 : index
    tpu.barrier barrier_id(%barrier3A_167)
    %lt3A_168 = arith.constant 15 : i32
    %lt3A_169 = arith.cmpi slt, %arg1, %lt3A_168 : i32
    %convert_element_type3A_170 = arith.extui %lt3A_169 : i1 to i32
    %cond3A_171 = arith.constant 0 : i32
    %cond3A_172 = arith.cmpi ne, %convert_element_type3A_170, %cond3A_171 : i32
    scf.if %cond3A_172 {
      %mul3A_178 = arith.constant 632 : i32
      %mul3A_179 = arith.muli %arg1, %mul3A_178 : i32
      %mul3A_180 = arith.constant 632 : i32
      %mul3A_181 = arith.muli %arg1, %mul3A_180 : i32
      "tpu.region"() ({
        %run_scoped3A = tpu.sem_alloc : memref<!tpu.dma_semaphore, #tpu.memory_space<semaphore_mem>>
        %dma_start3A_182 = arith.constant 0 : i32
        %dma_start3A_183 = tpu.memref_slice %arg8[%arg0, %mul3A_181, %dma_start3A_182] : memref<2x10000x64xf32, #tpu.memory_space<hbm>> -> memref<1x632x64xf32, #tpu.memory_space<hbm>>
        %dma_start3A_184 = tpu.memref_squeeze %dma_start3A_183 : memref<1x632x64xf32, #tpu.memory_space<hbm>> -> memref<632x64xf32, #tpu.memory_space<hbm>>
        %dma_start3A_185 = arith.constant 0 : i32
        %dma_start3A_186 = tpu.memref_slice %arg17[%mul3A_179, %dma_start3A_185] : memref<10000x64xf32, #tpu.memory_space<vmem_shared>> -> memref<632x64xf32, #tpu.memory_space<vmem_shared>>
        tpu.enqueue_dma source(%dma_start3A_186 : memref<632x64xf32, #tpu.memory_space<vmem_shared>>) target(%dma_start3A_184 : memref<632x64xf32, #tpu.memory_space<hbm>>) target_semaphore(%run_scoped3A : memref<!tpu.dma_semaphore, #tpu.memory_space<semaphore_mem>>)
        %dma_wait3A_187 = arith.constant 0 : i32
        %dma_wait3A_188 = tpu.memref_slice %arg8[%arg0, %mul3A_181, %dma_wait3A_187] : memref<2x10000x64xf32, #tpu.memory_space<hbm>> -> memref<1x632x64xf32, #tpu.memory_space<hbm>>
        %dma_wait3A_189 = tpu.memref_squeeze %dma_wait3A_188 : memref<1x632x64xf32, #tpu.memory_space<hbm>> -> memref<632x64xf32, #tpu.memory_space<hbm>>
        %dma_wait3A_190 = arith.constant 0 : i32
        %dma_wait3A_191 = tpu.memref_slice %arg17[%mul3A_179, %dma_wait3A_190] : memref<10000x64xf32, #tpu.memory_space<vmem_shared>> -> memref<632x64xf32, #tpu.memory_space<vmem_shared>>
        tpu.wait_dma2 semaphore(%run_scoped3A : memref<!tpu.dma_semaphore, #tpu.memory_space<semaphore_mem>>) src(%dma_wait3A_191 : memref<632x64xf32, #tpu.memory_space<vmem_shared>>) dst(%dma_wait3A_189 : memref<632x64xf32, #tpu.memory_space<hbm>>)
        tpu.yield
      }) : () -> ()
    } else {
    }
    %eq3A_173 = arith.constant 15 : i32
    %eq3A_174 = arith.cmpi eq, %arg1, %eq3A_173 : i32
    %convert_element_type3A_175 = arith.extui %eq3A_174 : i1 to i32
    %cond3A_176 = arith.constant 0 : i32
    %cond3A_177 = arith.cmpi ne, %convert_element_type3A_175, %cond3A_176 : i32
    scf.if %cond3A_177 {
      "tpu.region"() ({
        %run_scoped3A = tpu.sem_alloc : memref<!tpu.dma_semaphore, #tpu.memory_space<semaphore_mem>>
        %dma_start3A_178 = arith.constant 9480 : i32
        %dma_start3A_179 = arith.constant 0 : i32
        %dma_start3A_180 = tpu.memref_slice %arg8[%arg0, %dma_start3A_178, %dma_start3A_179] : memref<2x10000x64xf32, #tpu.memory_space<hbm>> -> memref<1x520x64xf32, #tpu.memory_space<hbm>>
        %dma_start3A_181 = tpu.memref_squeeze %dma_start3A_180 : memref<1x520x64xf32, #tpu.memory_space<hbm>> -> memref<520x64xf32, #tpu.memory_space<hbm>>
        %dma_start3A_182 = arith.constant 9480 : i32
        %dma_start3A_183 = arith.constant 0 : i32
        %dma_start3A_184 = tpu.memref_slice %arg17[%dma_start3A_182, %dma_start3A_183] : memref<10000x64xf32, #tpu.memory_space<vmem_shared>> -> memref<520x64xf32, #tpu.memory_space<vmem_shared>>
        tpu.enqueue_dma source(%dma_start3A_184 : memref<520x64xf32, #tpu.memory_space<vmem_shared>>) target(%dma_start3A_181 : memref<520x64xf32, #tpu.memory_space<hbm>>) target_semaphore(%run_scoped3A : memref<!tpu.dma_semaphore, #tpu.memory_space<semaphore_mem>>)
        %dma_wait3A_185 = arith.constant 9480 : i32
        %dma_wait3A_186 = arith.constant 0 : i32
        %dma_wait3A_187 = tpu.memref_slice %arg8[%arg0, %dma_wait3A_185, %dma_wait3A_186] : memref<2x10000x64xf32, #tpu.memory_space<hbm>> -> memref<1x520x64xf32, #tpu.memory_space<hbm>>
        %dma_wait3A_188 = tpu.memref_squeeze %dma_wait3A_187 : memref<1x520x64xf32, #tpu.memory_space<hbm>> -> memref<520x64xf32, #tpu.memory_space<hbm>>
        %dma_wait3A_189 = arith.constant 9480 : i32
        %dma_wait3A_190 = arith.constant 0 : i32
        %dma_wait3A_191 = tpu.memref_slice %arg17[%dma_wait3A_189, %dma_wait3A_190] : memref<10000x64xf32, #tpu.memory_space<vmem_shared>> -> memref<520x64xf32, #tpu.memory_space<vmem_shared>>
        tpu.wait_dma2 semaphore(%run_scoped3A : memref<!tpu.dma_semaphore, #tpu.memory_space<semaphore_mem>>) src(%dma_wait3A_191 : memref<520x64xf32, #tpu.memory_space<vmem_shared>>) dst(%dma_wait3A_188 : memref<520x64xf32, #tpu.memory_space<hbm>>)
        tpu.yield
      }) : () -> ()
    } else {
    }
    return
  }
}

module attributes {stable_mosaic.version = 14 : i64} {
  func.func @_k1_body(%arg0: i32, %arg1: memref<1000x128xf32, #tpu.memory_space<vmem>>, %arg2: memref<128x128xf32, #tpu.memory_space<vmem>>, %arg3: memref<2x1000x16xf32, #tpu.memory_space<vmem>>, %arg4: memref<1000x64xf32, #tpu.memory_space<vmem>>, %arg5: memref<1000x64xf32, #tpu.memory_space<vmem>>) attributes {dimension_semantics = [#tpu.dimension_semantics<arbitrary>], iteration_bounds = array<i64: 10>, scalar_prefetch = 0 : i64, scratch_operands = 0 : i64, tpu.core_type = #tpu.core_type<tc>, window_params = [{transform_indices = @transform_0, window_bounds = array<i64: 1000, 128>}, {pipeline_mode = #tpu.pipeline_mode<synchronous>, transform_indices = @transform_1, window_bounds = array<i64: 128, 128>}, {transform_indices = @transform_2, window_bounds = array<i64: 2, 1000, 16>}, {transform_indices = @transform_3, window_bounds = array<i64: 1000, 64>}, {transform_indices = @transform_4, window_bounds = array<i64: 1000, 64>}]} {
    %get3A = arith.constant 0 : index
    %get3A_0 = arith.constant 0 : index
    %get3A_1 = arith.constant 0 : index
    %get3A_2 = vector.load %arg3[%get3A, %get3A_0, %get3A_1] : memref<2x1000x16xf32, #tpu.memory_space<vmem>>, vector<1x1000x16xf32>
    %get3A_3 = vector.shape_cast %get3A_2 : vector<1x1000x16xf32> to vector<1000x16xf32>
    %get3A_4 = arith.constant 1 : index
    %get3A_5 = arith.constant 0 : index
    %get3A_6 = arith.constant 0 : index
    %get3A_7 = vector.load %arg3[%get3A_4, %get3A_5, %get3A_6] : memref<2x1000x16xf32, #tpu.memory_space<vmem>>, vector<1x1000x16xf32>
    %get3A_8 = vector.shape_cast %get3A_7 : vector<1x1000x16xf32> to vector<1000x16xf32>
    %add3A = arith.addf %get3A_3, %get3A_8 : vector<1000x16xf32>
    %reduce_sum3A = arith.constant dense<0.000000e+00> : vector<1000xf32>
    %reduce_sum3A_9 = vector.multi_reduction <add>, %add3A, %reduce_sum3A [1] : vector<1000x16xf32> to vector<1000xf32>
    %broadcast_in_dim3A = vector.shape_cast %reduce_sum3A_9 : vector<1000xf32> to vector<1000x1xf32>
    %mul3A = arith.constant 6.250000e-02 : f32
    %mul3A_10 = vector.broadcast %mul3A : f32 to vector<1000x1xf32>
    %mul3A_11 = arith.mulf %broadcast_in_dim3A, %mul3A_10 : vector<1000x1xf32>
    %add3A_12 = arith.constant 1.000000e+00 : f32
    %add3A_13 = vector.broadcast %add3A_12 : f32 to vector<1000x1xf32>
    %add3A_14 = arith.addf %mul3A_11, %add3A_13 : vector<1000x1xf32>
    %rsqrt3A = math.rsqrt %add3A_14 : vector<1000x1xf32>
    %get3A_15 = arith.constant 0 : index
    %get3A_16 = arith.constant 0 : index
    %get3A_17 = vector.load %arg1[%get3A_15, %get3A_16] : memref<1000x128xf32, #tpu.memory_space<vmem>>, vector<1000x128xf32>
    %get3A_18 = arith.constant 0 : index
    %get3A_19 = arith.constant 0 : index
    %get3A_20 = vector.load %arg2[%get3A_18, %get3A_19] : memref<128x128xf32, #tpu.memory_space<vmem>>, vector<128x128xf32>
    %dot_general3A = arith.constant dense<0.000000e+00> : vector<1000x128xf32>
    %dot_general3A_21 = tpu.matmul %get3A_17, %get3A_20, %dot_general3A {dimension_numbers = #tpu.dot_dimension_numbers<[1], [0], [0], [1], [0, 0, 1, 1], [], []>, transpose_lhs_hint = false} : vector<1000x128xf32>, vector<128x128xf32>, vector<1000x128xf32> -> vector<1000x128xf32>
    %mul3A_22 = vector.broadcast %rsqrt3A : vector<1000x1xf32> to vector<1000x128xf32>
    %mul3A_23 = arith.mulf %dot_general3A_21, %mul3A_22 : vector<1000x128xf32>
    %slice3A = vector.extract_strided_slice %mul3A_23 {offsets = [0, 0], sizes = [1000, 64], strides = [1, 1]} : vector<1000x128xf32> to vector<1000x64xf32>
    %swap3A = arith.constant 0 : index
    %swap3A_24 = arith.constant 0 : index
    %swap3A_25 = vector.load %arg4[%swap3A, %swap3A_24] : memref<1000x64xf32, #tpu.memory_space<vmem>>, vector<1000x64xf32>
    tpu.vector_store %arg4[%swap3A, %swap3A_24], %slice3A {strides = array<i32>} : memref<1000x64xf32, #tpu.memory_space<vmem>>, vector<1000x64xf32>,
    %slice3A_26 = vector.extract_strided_slice %mul3A_23 {offsets = [0, 64], sizes = [1000, 64], strides = [1, 1]} : vector<1000x128xf32> to vector<1000x64xf32>
    %swap3A_27 = arith.constant 0 : index
    %swap3A_28 = arith.constant 0 : index
    %swap3A_29 = vector.load %arg5[%swap3A_27, %swap3A_28] : memref<1000x64xf32, #tpu.memory_space<vmem>>, vector<1000x64xf32>
    tpu.vector_store %arg5[%swap3A_27, %swap3A_28], %slice3A_26 {strides = array<i32>} : memref<1000x64xf32, #tpu.memory_space<vmem>>, vector<1000x64xf32>,
    return
  }
  func.func @transform_0(%arg0: i32) -> (i32, i32) {
    %c0_i32 = arith.constant 0 : i32
    %c0_i32_0 = arith.constant 0 : i32
    return %arg0, %c0_i32 : i32, i32
  }
  func.func @transform_1(%arg0: i32) -> (i32, i32) {
    %c0_i32 = arith.constant 0 : i32
    %c0_i32_0 = arith.constant 0 : i32
    %c0_i32_1 = arith.constant 0 : i32
    return %c0_i32, %c0_i32_0 : i32, i32
  }
  func.func @transform_2(%arg0: i32) -> (i32, i32, i32) {
    %c0_i32 = arith.constant 0 : i32
    %c0_i32_0 = arith.constant 0 : i32
    %c0_i32_1 = arith.constant 0 : i32
    return %c0_i32, %arg0, %c0_i32_0 : i32, i32, i32
  }
  func.func @transform_3(%arg0: i32) -> (i32, i32) {
    %c0_i32 = arith.constant 0 : i32
    %c0_i32_0 = arith.constant 0 : i32
    return %arg0, %c0_i32 : i32, i32
  }
  func.func @transform_4(%arg0: i32) -> (i32, i32) {
    %c0_i32 = arith.constant 0 : i32
    %c0_i32_0 = arith.constant 0 : i32
    return %arg0, %c0_i32 : i32, i32
  }
}

module attributes {stable_mosaic.version = 14 : i64} {
  func.func @_k3a_body(%arg0: i32, %arg1: memref<2x1000x64xf32, #tpu.memory_space<vmem>>, %arg2: memref<2x1000x64xf32, #tpu.memory_space<vmem>>, %arg3: memref<2x1000x16xf32, #tpu.memory_space<vmem>>, %arg4: memref<1x128xf32, #tpu.memory_space<vmem>>, %arg5: memref<1x128xf32, #tpu.memory_space<vmem>>, %arg6: memref<1x128xf32, #tpu.memory_space<vmem>>, %arg7: memref<2x128xf32, #tpu.memory_space<vmem>>) attributes {dimension_semantics = [#tpu.dimension_semantics<arbitrary>], iteration_bounds = array<i64: 10>, scalar_prefetch = 0 : i64, scratch_operands = 0 : i64, tpu.core_type = #tpu.core_type<tc>, window_params = [{transform_indices = @transform_0, window_bounds = array<i64: 2, 1000, 64>}, {transform_indices = @transform_1, window_bounds = array<i64: 2, 1000, 64>}, {transform_indices = @transform_2, window_bounds = array<i64: 2, 1000, 16>}, {pipeline_mode = #tpu.pipeline_mode<synchronous>, transform_indices = @transform_3, window_bounds = array<i64: 1, 128>}, {pipeline_mode = #tpu.pipeline_mode<synchronous>, transform_indices = @transform_4, window_bounds = array<i64: 1, 128>}, {pipeline_mode = #tpu.pipeline_mode<synchronous>, transform_indices = @transform_5, window_bounds = array<i64: 1, 128>}, {pipeline_mode = #tpu.pipeline_mode<synchronous>, transform_indices = @transform_6, window_bounds = array<i64: 2, 128>}]} {
    %get3A = arith.constant 0 : index
    %get3A_0 = arith.constant 0 : index
    %get3A_1 = arith.constant 0 : index
    %get3A_2 = vector.load %arg3[%get3A, %get3A_0, %get3A_1] : memref<2x1000x16xf32, #tpu.memory_space<vmem>>, vector<1x1000x16xf32>
    %get3A_3 = vector.shape_cast %get3A_2 : vector<1x1000x16xf32> to vector<1000x16xf32>
    %get3A_4 = arith.constant 1 : index
    %get3A_5 = arith.constant 0 : index
    %get3A_6 = arith.constant 0 : index
    %get3A_7 = vector.load %arg3[%get3A_4, %get3A_5, %get3A_6] : memref<2x1000x16xf32, #tpu.memory_space<vmem>>, vector<1x1000x16xf32>
    %get3A_8 = vector.shape_cast %get3A_7 : vector<1x1000x16xf32> to vector<1000x16xf32>
    %add3A = arith.addf %get3A_3, %get3A_8 : vector<1000x16xf32>
    %reduce_sum3A = arith.constant dense<0.000000e+00> : vector<1000xf32>
    %reduce_sum3A_9 = vector.multi_reduction <add>, %add3A, %reduce_sum3A [1] : vector<1000x16xf32> to vector<1000xf32>
    %broadcast_in_dim3A = vector.shape_cast %reduce_sum3A_9 : vector<1000xf32> to vector<1000x1xf32>
    %mul3A = arith.constant 6.250000e-02 : f32
    %mul3A_10 = vector.broadcast %mul3A : f32 to vector<1000x1xf32>
    %mul3A_11 = arith.mulf %broadcast_in_dim3A, %mul3A_10 : vector<1000x1xf32>
    %add3A_12 = arith.constant 1.000000e+00 : f32
    %add3A_13 = vector.broadcast %add3A_12 : f32 to vector<1000x1xf32>
    %add3A_14 = arith.addf %mul3A_11, %add3A_13 : vector<1000x1xf32>
    %rsqrt3A = math.rsqrt %add3A_14 : vector<1000x1xf32>
    %get3A_15 = arith.constant 0 : index
    %get3A_16 = arith.constant 0 : index
    %get3A_17 = arith.constant 0 : index
    %get3A_18 = vector.load %arg1[%get3A_15, %get3A_16, %get3A_17] : memref<2x1000x64xf32, #tpu.memory_space<vmem>>, vector<1x1000x64xf32>
    %get3A_19 = vector.shape_cast %get3A_18 : vector<1x1000x64xf32> to vector<1000x64xf32>
    %get3A_20 = arith.constant 1 : index
    %get3A_21 = arith.constant 0 : index
    %get3A_22 = arith.constant 0 : index
    %get3A_23 = vector.load %arg1[%get3A_20, %get3A_21, %get3A_22] : memref<2x1000x64xf32, #tpu.memory_space<vmem>>, vector<1x1000x64xf32>
    %get3A_24 = vector.shape_cast %get3A_23 : vector<1x1000x64xf32> to vector<1000x64xf32>
    %add3A_25 = arith.addf %get3A_19, %get3A_24 : vector<1000x64xf32>
    %get3A_26 = arith.constant 0 : index
    %get3A_27 = arith.constant 0 : index
    %get3A_28 = arith.constant 0 : index
    %get3A_29 = vector.load %arg2[%get3A_26, %get3A_27, %get3A_28] : memref<2x1000x64xf32, #tpu.memory_space<vmem>>, vector<1x1000x64xf32>
    %get3A_30 = vector.shape_cast %get3A_29 : vector<1x1000x64xf32> to vector<1000x64xf32>
    %get3A_31 = arith.constant 1 : index
    %get3A_32 = arith.constant 0 : index
    %get3A_33 = arith.constant 0 : index
    %get3A_34 = vector.load %arg2[%get3A_31, %get3A_32, %get3A_33] : memref<2x1000x64xf32, #tpu.memory_space<vmem>>, vector<1x1000x64xf32>
    %get3A_35 = vector.shape_cast %get3A_34 : vector<1x1000x64xf32> to vector<1000x64xf32>
    %add3A_36 = arith.addf %get3A_30, %get3A_35 : vector<1000x64xf32>
    %concatenate3A = tpu.concatenate %add3A_25, %add3A_36 in 1 : vector<1000x64xf32>, vector<1000x64xf32> -> vector<1000x128xf32>
    %mul3A_37 = vector.broadcast %rsqrt3A : vector<1000x1xf32> to vector<1000x128xf32>
    %mul3A_38 = arith.mulf %concatenate3A, %mul3A_37 : vector<1000x128xf32>
    %get3A_39 = arith.constant 0 : index
    %get3A_40 = arith.constant 0 : index
    %get3A_41 = vector.load %arg4[%get3A_39, %get3A_40] : memref<1x128xf32, #tpu.memory_space<vmem>>, vector<1x128xf32>
    %add3A_42 = vector.broadcast %get3A_41 : vector<1x128xf32> to vector<1000x128xf32>
    %add3A_43 = arith.addf %mul3A_38, %add3A_42 : vector<1000x128xf32>
    %eq3A = arith.constant 0 : i32
    %eq3A_44 = arith.cmpi eq, %arg0, %eq3A : i32
    %convert_element_type3A = arith.extui %eq3A_44 : i1 to i32
    %cond3A = arith.constant 0 : i32
    %cond3A_45 = arith.cmpi ne, %convert_element_type3A, %cond3A : i32
    scf.if %cond3A_45 {
      %broadcast_in_dim3A_71 = arith.constant 0.000000e+00 : f32
      %broadcast_in_dim3A_72 = vector.broadcast %broadcast_in_dim3A_71 : f32 to vector<2x128xf32>
      %swap3A_73 = arith.constant 0 : index
      %swap3A_74 = arith.constant 0 : index
      %swap3A_75 = vector.load %arg7[%swap3A_73, %swap3A_74] : memref<2x128xf32, #tpu.memory_space<vmem>>, vector<2x128xf32>
      tpu.vector_store %arg7[%swap3A_73, %swap3A_74], %broadcast_in_dim3A_72 {strides = array<i32>} : memref<2x128xf32, #tpu.memory_space<vmem>>, vector<2x128xf32>,
    } else {
    }
    %get3A_46 = arith.constant 0 : index
    %get3A_47 = arith.constant 0 : index
    %get3A_48 = vector.load %arg7[%get3A_46, %get3A_47] : memref<2x128xf32, #tpu.memory_space<vmem>>, vector<1x128xf32>
    %reduce_sum3A_49 = arith.constant dense<0.000000e+00> : vector<128xf32>
    %reduce_sum3A_50 = vector.multi_reduction <add>, %add3A_43, %reduce_sum3A_49 [0] : vector<1000x128xf32> to vector<128xf32>
    %broadcast_in_dim3A_51 = vector.shape_cast %reduce_sum3A_50 : vector<128xf32> to vector<1x128xf32>
    %add3A_52 = arith.addf %get3A_48, %broadcast_in_dim3A_51 : vector<1x128xf32>
    %swap3A = arith.constant 0 : index
    %swap3A_53 = arith.constant 0 : index
    %swap3A_54 = vector.load %arg7[%swap3A, %swap3A_53] : memref<2x128xf32, #tpu.memory_space<vmem>>, vector<1x128xf32>
    tpu.vector_store %arg7[%swap3A, %swap3A_53], %add3A_52 {strides = array<i32>} : memref<2x128xf32, #tpu.memory_space<vmem>>, vector<1x128xf32>,
    %get3A_55 = arith.constant 1 : index
    %get3A_56 = arith.constant 0 : index
    %get3A_57 = vector.load %arg7[%get3A_55, %get3A_56] : memref<2x128xf32, #tpu.memory_space<vmem>>, vector<1x128xf32>
    %mul3A_58 = arith.mulf %add3A_43, %add3A_43 : vector<1000x128xf32>
    %reduce_sum3A_59 = arith.constant dense<0.000000e+00> : vector<128xf32>
    %reduce_sum3A_60 = vector.multi_reduction <add>, %mul3A_58, %reduce_sum3A_59 [0] : vector<1000x128xf32> to vector<128xf32>
    %broadcast_in_dim3A_61 = vector.shape_cast %reduce_sum3A_60 : vector<128xf32> to vector<1x128xf32>
    %add3A_62 = arith.addf %get3A_57, %broadcast_in_dim3A_61 : vector<1x128xf32>
    %swap3A_63 = arith.constant 1 : index
    %swap3A_64 = arith.constant 0 : index
    %swap3A_65 = vector.load %arg7[%swap3A_63, %swap3A_64] : memref<2x128xf32, #tpu.memory_space<vmem>>, vector<1x128xf32>
    tpu.vector_store %arg7[%swap3A_63, %swap3A_64], %add3A_62 {strides = array<i32>} : memref<2x128xf32, #tpu.memory_space<vmem>>, vector<1x128xf32>,
    %eq3A_66 = arith.constant 9 : i32
    %eq3A_67 = arith.cmpi eq, %arg0, %eq3A_66 : i32
    %convert_element_type3A_68 = arith.extui %eq3A_67 : i1 to i32
    %cond3A_69 = arith.constant 0 : i32
    %cond3A_70 = arith.cmpi ne, %convert_element_type3A_68, %cond3A_69 : i32
    scf.if %cond3A_70 {
      %get3A_71 = arith.constant 0 : index
      %get3A_72 = arith.constant 0 : index
      %get3A_73 = vector.load %arg7[%get3A_71, %get3A_72] : memref<2x128xf32, #tpu.memory_space<vmem>>, vector<1x128xf32>
      %mul3A_74 = arith.constant 9.99999974E-5 : f32
      %mul3A_75 = vector.broadcast %mul3A_74 : f32 to vector<1x128xf32>
      %mul3A_76 = arith.mulf %get3A_73, %mul3A_75 : vector<1x128xf32>
      %get3A_77 = arith.constant 1 : index
      %get3A_78 = arith.constant 0 : index
      %get3A_79 = vector.load %arg7[%get3A_77, %get3A_78] : memref<2x128xf32, #tpu.memory_space<vmem>>, vector<1x128xf32>
      %mul3A_80 = arith.constant 9.99999974E-5 : f32
      %mul3A_81 = vector.broadcast %mul3A_80 : f32 to vector<1x128xf32>
      %mul3A_82 = arith.mulf %get3A_79, %mul3A_81 : vector<1x128xf32>
      %mul3A_83 = arith.mulf %mul3A_76, %mul3A_76 : vector<1x128xf32>
      %sub3A = arith.subf %mul3A_82, %mul3A_83 : vector<1x128xf32>
      %get3A_84 = arith.constant 0 : index
      %get3A_85 = arith.constant 0 : index
      %get3A_86 = vector.load %arg5[%get3A_84, %get3A_85] : memref<1x128xf32, #tpu.memory_space<vmem>>, vector<1x128xf32>
      %add3A_87 = arith.constant 9.99999974E-6 : f32
      %add3A_88 = vector.broadcast %add3A_87 : f32 to vector<1x128xf32>
      %add3A_89 = arith.addf %sub3A, %add3A_88 : vector<1x128xf32>
      %rsqrt3A_90 = math.rsqrt %add3A_89 : vector<1x128xf32>
      %mul3A_91 = arith.mulf %get3A_86, %rsqrt3A_90 : vector<1x128xf32>
      %get3A_92 = arith.constant 0 : index
      %get3A_93 = arith.constant 0 : index
      %get3A_94 = vector.load %arg6[%get3A_92, %get3A_93] : memref<1x128xf32, #tpu.memory_space<vmem>>, vector<1x128xf32>
      %mul3A_95 = arith.mulf %mul3A_76, %mul3A_91 : vector<1x128xf32>
      %sub3A_96 = arith.subf %get3A_94, %mul3A_95 : vector<1x128xf32>
      %swap3A_97 = arith.constant 0 : index
      %swap3A_98 = arith.constant 0 : index
      %swap3A_99 = vector.load %arg7[%swap3A_97, %swap3A_98] : memref<2x128xf32, #tpu.memory_space<vmem>>, vector<1x128xf32>
      tpu.vector_store %arg7[%swap3A_97, %swap3A_98], %mul3A_91 {strides = array<i32>} : memref<2x128xf32, #tpu.memory_space<vmem>>, vector<1x128xf32>,
      %swap3A_100 = arith.constant 1 : index
      %swap3A_101 = arith.constant 0 : index
      %swap3A_102 = vector.load %arg7[%swap3A_100, %swap3A_101] : memref<2x128xf32, #tpu.memory_space<vmem>>, vector<1x128xf32>
      tpu.vector_store %arg7[%swap3A_100, %swap3A_101], %sub3A_96 {strides = array<i32>} : memref<2x128xf32, #tpu.memory_space<vmem>>, vector<1x128xf32>,
    } else {
    }
    return
  }
  func.func @transform_0(%arg0: i32) -> (i32, i32, i32) {
    %c0_i32 = arith.constant 0 : i32
    %c0_i32_0 = arith.constant 0 : i32
    %c0_i32_1 = arith.constant 0 : i32
    return %c0_i32, %arg0, %c0_i32_0 : i32, i32, i32
  }
  func.func @transform_1(%arg0: i32) -> (i32, i32, i32) {
    %c0_i32 = arith.constant 0 : i32
    %c0_i32_0 = arith.constant 0 : i32
    %c0_i32_1 = arith.constant 0 : i32
    return %c0_i32, %arg0, %c0_i32_0 : i32, i32, i32
  }
  func.func @transform_2(%arg0: i32) -> (i32, i32, i32) {
    %c0_i32 = arith.constant 0 : i32
    %c0_i32_0 = arith.constant 0 : i32
    %c0_i32_1 = arith.constant 0 : i32
    return %c0_i32, %arg0, %c0_i32_0 : i32, i32, i32
  }
  func.func @transform_3(%arg0: i32) -> (i32, i32) {
    %c0_i32 = arith.constant 0 : i32
    %c0_i32_0 = arith.constant 0 : i32
    %c0_i32_1 = arith.constant 0 : i32
    return %c0_i32, %c0_i32_0 : i32, i32
  }
  func.func @transform_4(%arg0: i32) -> (i32, i32) {
    %c0_i32 = arith.constant 0 : i32
    %c0_i32_0 = arith.constant 0 : i32
    %c0_i32_1 = arith.constant 0 : i32
    return %c0_i32, %c0_i32_0 : i32, i32
  }
  func.func @transform_5(%arg0: i32) -> (i32, i32) {
    %c0_i32 = arith.constant 0 : i32
    %c0_i32_0 = arith.constant 0 : i32
    %c0_i32_1 = arith.constant 0 : i32
    return %c0_i32, %c0_i32_0 : i32, i32
  }
  func.func @transform_6(%arg0: i32) -> (i32, i32) {
    %c0_i32 = arith.constant 0 : i32
    %c0_i32_0 = arith.constant 0 : i32
    %c0_i32_1 = arith.constant 0 : i32
    return %c0_i32, %c0_i32_0 : i32, i32
  }
}

module attributes {stable_mosaic.version = 14 : i64} {
  func.func @_k3b_body(%arg0: i32, %arg1: memref<2x1000x64xf32, #tpu.memory_space<vmem>>, %arg2: memref<2x1000x64xf32, #tpu.memory_space<vmem>>, %arg3: memref<2x1000x16xf32, #tpu.memory_space<vmem>>, %arg4: memref<1x128xf32, #tpu.memory_space<vmem>>, %arg5: memref<2x128xf32, #tpu.memory_space<vmem>>, %arg6: memref<128x128xf32, #tpu.memory_space<vmem>>, %arg7: memref<1000x64xf32, #tpu.memory_space<vmem>>, %arg8: memref<1000x64xf32, #tpu.memory_space<vmem>>) attributes {dimension_semantics = [#tpu.dimension_semantics<arbitrary>], iteration_bounds = array<i64: 10>, scalar_prefetch = 0 : i64, scratch_operands = 0 : i64, tpu.core_type = #tpu.core_type<tc>, window_params = [{transform_indices = @transform_0, window_bounds = array<i64: 2, 1000, 64>}, {transform_indices = @transform_1, window_bounds = array<i64: 2, 1000, 64>}, {transform_indices = @transform_2, window_bounds = array<i64: 2, 1000, 16>}, {pipeline_mode = #tpu.pipeline_mode<synchronous>, transform_indices = @transform_3, window_bounds = array<i64: 1, 128>}, {pipeline_mode = #tpu.pipeline_mode<synchronous>, transform_indices = @transform_4, window_bounds = array<i64: 2, 128>}, {pipeline_mode = #tpu.pipeline_mode<synchronous>, transform_indices = @transform_5, window_bounds = array<i64: 128, 128>}, {transform_indices = @transform_6, window_bounds = array<i64: 1000, 64>}, {transform_indices = @transform_7, window_bounds = array<i64: 1000, 64>}]} {
    %get3A = arith.constant 0 : index
    %get3A_0 = arith.constant 0 : index
    %get3A_1 = arith.constant 0 : index
    %get3A_2 = vector.load %arg3[%get3A, %get3A_0, %get3A_1] : memref<2x1000x16xf32, #tpu.memory_space<vmem>>, vector<1x1000x16xf32>
    %get3A_3 = vector.shape_cast %get3A_2 : vector<1x1000x16xf32> to vector<1000x16xf32>
    %get3A_4 = arith.constant 1 : index
    %get3A_5 = arith.constant 0 : index
    %get3A_6 = arith.constant 0 : index
    %get3A_7 = vector.load %arg3[%get3A_4, %get3A_5, %get3A_6] : memref<2x1000x16xf32, #tpu.memory_space<vmem>>, vector<1x1000x16xf32>
    %get3A_8 = vector.shape_cast %get3A_7 : vector<1x1000x16xf32> to vector<1000x16xf32>
    %add3A = arith.addf %get3A_3, %get3A_8 : vector<1000x16xf32>
    %reduce_sum3A = arith.constant dense<0.000000e+00> : vector<1000xf32>
    %reduce_sum3A_9 = vector.multi_reduction <add>, %add3A, %reduce_sum3A [1] : vector<1000x16xf32> to vector<1000xf32>
    %broadcast_in_dim3A = vector.shape_cast %reduce_sum3A_9 : vector<1000xf32> to vector<1000x1xf32>
    %mul3A = arith.constant 6.250000e-02 : f32
    %mul3A_10 = vector.broadcast %mul3A : f32 to vector<1000x1xf32>
    %mul3A_11 = arith.mulf %broadcast_in_dim3A, %mul3A_10 : vector<1000x1xf32>
    %add3A_12 = arith.constant 1.000000e+00 : f32
    %add3A_13 = vector.broadcast %add3A_12 : f32 to vector<1000x1xf32>
    %add3A_14 = arith.addf %mul3A_11, %add3A_13 : vector<1000x1xf32>
    %rsqrt3A = math.rsqrt %add3A_14 : vector<1000x1xf32>
    %get3A_15 = arith.constant 0 : index
    %get3A_16 = arith.constant 0 : index
    %get3A_17 = arith.constant 0 : index
    %get3A_18 = vector.load %arg1[%get3A_15, %get3A_16, %get3A_17] : memref<2x1000x64xf32, #tpu.memory_space<vmem>>, vector<1x1000x64xf32>
    %get3A_19 = vector.shape_cast %get3A_18 : vector<1x1000x64xf32> to vector<1000x64xf32>
    %get3A_20 = arith.constant 1 : index
    %get3A_21 = arith.constant 0 : index
    %get3A_22 = arith.constant 0 : index
    %get3A_23 = vector.load %arg1[%get3A_20, %get3A_21, %get3A_22] : memref<2x1000x64xf32, #tpu.memory_space<vmem>>, vector<1x1000x64xf32>
    %get3A_24 = vector.shape_cast %get3A_23 : vector<1x1000x64xf32> to vector<1000x64xf32>
    %add3A_25 = arith.addf %get3A_19, %get3A_24 : vector<1000x64xf32>
    %get3A_26 = arith.constant 0 : index
    %get3A_27 = arith.constant 0 : index
    %get3A_28 = arith.constant 0 : index
    %get3A_29 = vector.load %arg2[%get3A_26, %get3A_27, %get3A_28] : memref<2x1000x64xf32, #tpu.memory_space<vmem>>, vector<1x1000x64xf32>
    %get3A_30 = vector.shape_cast %get3A_29 : vector<1x1000x64xf32> to vector<1000x64xf32>
    %get3A_31 = arith.constant 1 : index
    %get3A_32 = arith.constant 0 : index
    %get3A_33 = arith.constant 0 : index
    %get3A_34 = vector.load %arg2[%get3A_31, %get3A_32, %get3A_33] : memref<2x1000x64xf32, #tpu.memory_space<vmem>>, vector<1x1000x64xf32>
    %get3A_35 = vector.shape_cast %get3A_34 : vector<1x1000x64xf32> to vector<1000x64xf32>
    %add3A_36 = arith.addf %get3A_30, %get3A_35 : vector<1000x64xf32>
    %concatenate3A = tpu.concatenate %add3A_25, %add3A_36 in 1 : vector<1000x64xf32>, vector<1000x64xf32> -> vector<1000x128xf32>
    %mul3A_37 = vector.broadcast %rsqrt3A : vector<1000x1xf32> to vector<1000x128xf32>
    %mul3A_38 = arith.mulf %concatenate3A, %mul3A_37 : vector<1000x128xf32>
    %get3A_39 = arith.constant 0 : index
    %get3A_40 = arith.constant 0 : index
    %get3A_41 = vector.load %arg4[%get3A_39, %get3A_40] : memref<1x128xf32, #tpu.memory_space<vmem>>, vector<1x128xf32>
    %add3A_42 = vector.broadcast %get3A_41 : vector<1x128xf32> to vector<1000x128xf32>
    %add3A_43 = arith.addf %mul3A_38, %add3A_42 : vector<1000x128xf32>
    %get3A_44 = arith.constant 0 : index
    %get3A_45 = arith.constant 0 : index
    %get3A_46 = vector.load %arg5[%get3A_44, %get3A_45] : memref<2x128xf32, #tpu.memory_space<vmem>>, vector<1x128xf32>
    %mul3A_47 = vector.broadcast %get3A_46 : vector<1x128xf32> to vector<1000x128xf32>
    %mul3A_48 = arith.mulf %add3A_43, %mul3A_47 : vector<1000x128xf32>
    %get3A_49 = arith.constant 1 : index
    %get3A_50 = arith.constant 0 : index
    %get3A_51 = vector.load %arg5[%get3A_49, %get3A_50] : memref<2x128xf32, #tpu.memory_space<vmem>>, vector<1x128xf32>
    %add3A_52 = vector.broadcast %get3A_51 : vector<1x128xf32> to vector<1000x128xf32>
    %add3A_53 = arith.addf %mul3A_48, %add3A_52 : vector<1000x128xf32>
    %max3A = arith.constant 0.000000e+00 : f32
    %max3A_54 = vector.broadcast %max3A : f32 to vector<1000x128xf32>
    %max3A_55 = arith.maximumf %add3A_53, %max3A_54 : vector<1000x128xf32>
    %get3A_56 = arith.constant 0 : index
    %get3A_57 = arith.constant 0 : index
    %get3A_58 = vector.load %arg6[%get3A_56, %get3A_57] : memref<128x128xf32, #tpu.memory_space<vmem>>, vector<128x128xf32>
    %dot_general3A = arith.constant dense<0.000000e+00> : vector<1000x128xf32>
    %dot_general3A_59 = tpu.matmul %max3A_55, %get3A_58, %dot_general3A {dimension_numbers = #tpu.dot_dimension_numbers<[1], [0], [0], [1], [0, 0, 1, 1], [], []>, transpose_lhs_hint = false} : vector<1000x128xf32>, vector<128x128xf32>, vector<1000x128xf32> -> vector<1000x128xf32>
    %mul3A_60 = vector.broadcast %rsqrt3A : vector<1000x1xf32> to vector<1000x128xf32>
    %mul3A_61 = arith.mulf %dot_general3A_59, %mul3A_60 : vector<1000x128xf32>
    %slice3A = vector.extract_strided_slice %mul3A_61 {offsets = [0, 0], sizes = [1000, 64], strides = [1, 1]} : vector<1000x128xf32> to vector<1000x64xf32>
    %swap3A = arith.constant 0 : index
    %swap3A_62 = arith.constant 0 : index
    %swap3A_63 = vector.load %arg7[%swap3A, %swap3A_62] : memref<1000x64xf32, #tpu.memory_space<vmem>>, vector<1000x64xf32>
    tpu.vector_store %arg7[%swap3A, %swap3A_62], %slice3A {strides = array<i32>} : memref<1000x64xf32, #tpu.memory_space<vmem>>, vector<1000x64xf32>,
    %slice3A_64 = vector.extract_strided_slice %mul3A_61 {offsets = [0, 64], sizes = [1000, 64], strides = [1, 1]} : vector<1000x128xf32> to vector<1000x64xf32>
    %swap3A_65 = arith.constant 0 : index
    %swap3A_66 = arith.constant 0 : index
    %swap3A_67 = vector.load %arg8[%swap3A_65, %swap3A_66] : memref<1000x64xf32, #tpu.memory_space<vmem>>, vector<1000x64xf32>
    tpu.vector_store %arg8[%swap3A_65, %swap3A_66], %slice3A_64 {strides = array<i32>} : memref<1000x64xf32, #tpu.memory_space<vmem>>, vector<1000x64xf32>,
    return
  }
  func.func @transform_0(%arg0: i32) -> (i32, i32, i32) {
    %c0_i32 = arith.constant 0 : i32
    %c0_i32_0 = arith.constant 0 : i32
    %c0_i32_1 = arith.constant 0 : i32
    return %c0_i32, %arg0, %c0_i32_0 : i32, i32, i32
  }
  func.func @transform_1(%arg0: i32) -> (i32, i32, i32) {
    %c0_i32 = arith.constant 0 : i32
    %c0_i32_0 = arith.constant 0 : i32
    %c0_i32_1 = arith.constant 0 : i32
    return %c0_i32, %arg0, %c0_i32_0 : i32, i32, i32
  }
  func.func @transform_2(%arg0: i32) -> (i32, i32, i32) {
    %c0_i32 = arith.constant 0 : i32
    %c0_i32_0 = arith.constant 0 : i32
    %c0_i32_1 = arith.constant 0 : i32
    return %c0_i32, %arg0, %c0_i32_0 : i32, i32, i32
  }
  func.func @transform_3(%arg0: i32) -> (i32, i32) {
    %c0_i32 = arith.constant 0 : i32
    %c0_i32_0 = arith.constant 0 : i32
    %c0_i32_1 = arith.constant 0 : i32
    return %c0_i32, %c0_i32_0 : i32, i32
  }
  func.func @transform_4(%arg0: i32) -> (i32, i32) {
    %c0_i32 = arith.constant 0 : i32
    %c0_i32_0 = arith.constant 0 : i32
    %c0_i32_1 = arith.constant 0 : i32
    return %c0_i32, %c0_i32_0 : i32, i32
  }
  func.func @transform_5(%arg0: i32) -> (i32, i32) {
    %c0_i32 = arith.constant 0 : i32
    %c0_i32_0 = arith.constant 0 : i32
    %c0_i32_1 = arith.constant 0 : i32
    return %c0_i32, %c0_i32_0 : i32, i32
  }
  func.func @transform_6(%arg0: i32) -> (i32, i32) {
    %c0_i32 = arith.constant 0 : i32
    %c0_i32_0 = arith.constant 0 : i32
    return %arg0, %c0_i32 : i32, i32
  }
  func.func @transform_7(%arg0: i32) -> (i32, i32) {
    %c0_i32 = arith.constant 0 : i32
    %c0_i32_0 = arith.constant 0 : i32
    return %arg0, %c0_i32 : i32, i32
  }
}

module attributes {stable_mosaic.version = 14 : i64} {
  func.func @_k5_body(%arg0: i32, %arg1: memref<2x1000x64xf32, #tpu.memory_space<vmem>>, %arg2: memref<2x1000x64xf32, #tpu.memory_space<vmem>>, %arg3: memref<2x1000x16xf32, #tpu.memory_space<vmem>>, %arg4: memref<1x128xf32, #tpu.memory_space<vmem>>, %arg5: memref<1x1x1000xf32, #tpu.memory_space<vmem>>, %arg6: memref<128x10xf32, #tpu.memory_space<vmem>>, %arg7: memref<1x10xf32, #tpu.memory_space<vmem>>, %arg8: memref<128x10xf32, #tpu.memory_space<vmem>>, %arg9: memref<128x128xf32, #tpu.memory_space<vmem>>, %arg10: memref<128x128xf32, #tpu.memory_space<vmem>>, %arg11: memref<128x128xf32, #tpu.memory_space<vmem>>) attributes {dimension_semantics = [#tpu.dimension_semantics<arbitrary>], iteration_bounds = array<i64: 10>, scalar_prefetch = 0 : i64, scratch_operands = 2 : i64, tpu.core_type = #tpu.core_type<tc>, window_params = [{transform_indices = @transform_0, window_bounds = array<i64: 2, 1000, 64>}, {transform_indices = @transform_1, window_bounds = array<i64: 2, 1000, 64>}, {transform_indices = @transform_2, window_bounds = array<i64: 2, 1000, 16>}, {pipeline_mode = #tpu.pipeline_mode<synchronous>, transform_indices = @transform_3, window_bounds = array<i64: 1, 128>}, {transform_indices = @transform_4, window_bounds = array<i64: 1, 1, 1000>}, {pipeline_mode = #tpu.pipeline_mode<synchronous>, transform_indices = @transform_5, window_bounds = array<i64: 128, 10>}, {pipeline_mode = #tpu.pipeline_mode<synchronous>, transform_indices = @transform_6, window_bounds = array<i64: 1, 10>}, {pipeline_mode = #tpu.pipeline_mode<synchronous>, transform_indices = @transform_7, window_bounds = array<i64: 128, 10>}, {pipeline_mode = #tpu.pipeline_mode<synchronous>, transform_indices = @transform_8, window_bounds = array<i64: 128, 128>}]} {
    %get3A = arith.constant 0 : index
    %get3A_0 = arith.constant 0 : index
    %get3A_1 = arith.constant 0 : index
    %get3A_2 = vector.load %arg3[%get3A, %get3A_0, %get3A_1] : memref<2x1000x16xf32, #tpu.memory_space<vmem>>, vector<1x1000x16xf32>
    %get3A_3 = vector.shape_cast %get3A_2 : vector<1x1000x16xf32> to vector<1000x16xf32>
    %get3A_4 = arith.constant 1 : index
    %get3A_5 = arith.constant 0 : index
    %get3A_6 = arith.constant 0 : index
    %get3A_7 = vector.load %arg3[%get3A_4, %get3A_5, %get3A_6] : memref<2x1000x16xf32, #tpu.memory_space<vmem>>, vector<1x1000x16xf32>
    %get3A_8 = vector.shape_cast %get3A_7 : vector<1x1000x16xf32> to vector<1000x16xf32>
    %add3A = arith.addf %get3A_3, %get3A_8 : vector<1000x16xf32>
    %reduce_sum3A = arith.constant dense<0.000000e+00> : vector<1000xf32>
    %reduce_sum3A_9 = vector.multi_reduction <add>, %add3A, %reduce_sum3A [1] : vector<1000x16xf32> to vector<1000xf32>
    %broadcast_in_dim3A = vector.shape_cast %reduce_sum3A_9 : vector<1000xf32> to vector<1000x1xf32>
    %mul3A = arith.constant 6.250000e-02 : f32
    %mul3A_10 = vector.broadcast %mul3A : f32 to vector<1000x1xf32>
    %mul3A_11 = arith.mulf %broadcast_in_dim3A, %mul3A_10 : vector<1000x1xf32>
    %add3A_12 = arith.constant 1.000000e+00 : f32
    %add3A_13 = vector.broadcast %add3A_12 : f32 to vector<1000x1xf32>
    %add3A_14 = arith.addf %mul3A_11, %add3A_13 : vector<1000x1xf32>
    %rsqrt3A = math.rsqrt %add3A_14 : vector<1000x1xf32>
    %get3A_15 = arith.constant 0 : index
    %get3A_16 = arith.constant 0 : index
    %get3A_17 = arith.constant 0 : index
    %get3A_18 = vector.load %arg1[%get3A_15, %get3A_16, %get3A_17] : memref<2x1000x64xf32, #tpu.memory_space<vmem>>, vector<1x1000x64xf32>
    %get3A_19 = vector.shape_cast %get3A_18 : vector<1x1000x64xf32> to vector<1000x64xf32>
    %get3A_20 = arith.constant 1 : index
    %get3A_21 = arith.constant 0 : index
    %get3A_22 = arith.constant 0 : index
    %get3A_23 = vector.load %arg1[%get3A_20, %get3A_21, %get3A_22] : memref<2x1000x64xf32, #tpu.memory_space<vmem>>, vector<1x1000x64xf32>
    %get3A_24 = vector.shape_cast %get3A_23 : vector<1x1000x64xf32> to vector<1000x64xf32>
    %add3A_25 = arith.addf %get3A_19, %get3A_24 : vector<1000x64xf32>
    %get3A_26 = arith.constant 0 : index
    %get3A_27 = arith.constant 0 : index
    %get3A_28 = arith.constant 0 : index
    %get3A_29 = vector.load %arg2[%get3A_26, %get3A_27, %get3A_28] : memref<2x1000x64xf32, #tpu.memory_space<vmem>>, vector<1x1000x64xf32>
    %get3A_30 = vector.shape_cast %get3A_29 : vector<1x1000x64xf32> to vector<1000x64xf32>
    %get3A_31 = arith.constant 1 : index
    %get3A_32 = arith.constant 0 : index
    %get3A_33 = arith.constant 0 : index
    %get3A_34 = vector.load %arg2[%get3A_31, %get3A_32, %get3A_33] : memref<2x1000x64xf32, #tpu.memory_space<vmem>>, vector<1x1000x64xf32>
    %get3A_35 = vector.shape_cast %get3A_34 : vector<1x1000x64xf32> to vector<1000x64xf32>
    %add3A_36 = arith.addf %get3A_30, %get3A_35 : vector<1000x64xf32>
    %concatenate3A = tpu.concatenate %add3A_25, %add3A_36 in 1 : vector<1000x64xf32>, vector<1000x64xf32> -> vector<1000x128xf32>
    %mul3A_37 = vector.broadcast %rsqrt3A : vector<1000x1xf32> to vector<1000x128xf32>
    %mul3A_38 = arith.mulf %concatenate3A, %mul3A_37 : vector<1000x128xf32>
    %get3A_39 = arith.constant 0 : index
    %get3A_40 = arith.constant 0 : index
    %get3A_41 = vector.load %arg4[%get3A_39, %get3A_40] : memref<1x128xf32, #tpu.memory_space<vmem>>, vector<1x128xf32>
    %add3A_42 = vector.broadcast %get3A_41 : vector<1x128xf32> to vector<1000x128xf32>
    %add3A_43 = arith.addf %mul3A_38, %add3A_42 : vector<1000x128xf32>
    %get3A_44 = arith.constant 0 : index
    %get3A_45 = arith.constant 0 : index
    %get3A_46 = arith.constant 0 : index
    %get3A_47 = vector.load %arg5[%get3A_44, %get3A_45, %get3A_46] : memref<1x1x1000xf32, #tpu.memory_space<vmem>>, vector<1x1x1000xf32>
    %get3A_48 = vector.shape_cast %get3A_47 : vector<1x1x1000xf32> to vector<1x1000xf32>
    %iota3A = tpu.iota {dimensions = array<i32: 0>} : vector<128x1000xi32>
    %convert_element_type3A = arith.sitofp %iota3A : vector<128x1000xi32> to vector<128x1000xf32>
    %eq3A = vector.broadcast %get3A_48 : vector<1x1000xf32> to vector<128x1000xf32>
    %eq3A_49 = arith.cmpf oeq, %convert_element_type3A, %eq3A : vector<128x1000xf32>
    %jit3A = arith.constant 1.000000e+00 : f32
    %jit3A_50 = arith.constant 0.000000e+00 : f32
    %broadcast_in_dim3A_51 = vector.broadcast %jit3A : f32 to vector<128x1000xf32>
    %broadcast_in_dim3A_52 = vector.broadcast %jit3A_50 : f32 to vector<128x1000xf32>
    %select_n3A = arith.select %eq3A_49, %broadcast_in_dim3A_51, %broadcast_in_dim3A_52 : vector<128x1000xi1>, vector<128x1000xf32>
    %eq3A_53 = arith.constant 0 : i32
    %eq3A_54 = arith.cmpi eq, %arg0, %eq3A_53 : i32
    %convert_element_type3A_55 = arith.extui %eq3A_54 : i1 to i32
    %cond3A = arith.constant 0 : i32
    %cond3A_56 = arith.cmpi ne, %convert_element_type3A_55, %cond3A : i32
    scf.if %cond3A_56 {
      %broadcast_in_dim3A_80 = arith.constant 0.000000e+00 : f32
      %broadcast_in_dim3A_81 = vector.broadcast %broadcast_in_dim3A_80 : f32 to vector<128x128xf32>
      %swap3A_82 = arith.constant 0 : index
      %swap3A_83 = arith.constant 0 : index
      %swap3A_84 = vector.load %arg10[%swap3A_82, %swap3A_83] : memref<128x128xf32, #tpu.memory_space<vmem>>, vector<128x128xf32>
      tpu.vector_store %arg10[%swap3A_82, %swap3A_83], %broadcast_in_dim3A_81 {strides = array<i32>} : memref<128x128xf32, #tpu.memory_space<vmem>>, vector<128x128xf32>,
      %broadcast_in_dim3A_85 = arith.constant 0.000000e+00 : f32
      %broadcast_in_dim3A_86 = vector.broadcast %broadcast_in_dim3A_85 : f32 to vector<128x128xf32>
      %swap3A_87 = arith.constant 0 : index
      %swap3A_88 = arith.constant 0 : index
      %swap3A_89 = vector.load %arg11[%swap3A_87, %swap3A_88] : memref<128x128xf32, #tpu.memory_space<vmem>>, vector<128x128xf32>
      tpu.vector_store %arg11[%swap3A_87, %swap3A_88], %broadcast_in_dim3A_86 {strides = array<i32>} : memref<128x128xf32, #tpu.memory_space<vmem>>, vector<128x128xf32>,
    } else {
    }
    %get3A_57 = arith.constant 0 : index
    %get3A_58 = arith.constant 0 : index
    %get3A_59 = vector.load %arg10[%get3A_57, %get3A_58] : memref<128x128xf32, #tpu.memory_space<vmem>>, vector<128x128xf32>
    %dot_general3A = arith.constant dense<0.000000e+00> : vector<128x128xf32>
    %dot_general3A_60 = tpu.matmul %select_n3A, %add3A_43, %dot_general3A {dimension_numbers = #tpu.dot_dimension_numbers<[1], [0], [0], [1], [0, 0, 1, 1], [], []>, transpose_lhs_hint = false} : vector<128x1000xf32>, vector<1000x128xf32>, vector<128x128xf32> -> vector<128x128xf32>
    %add3A_61 = arith.addf %get3A_59, %dot_general3A_60 : vector<128x128xf32>
    %swap3A = arith.constant 0 : index
    %swap3A_62 = arith.constant 0 : index
    %swap3A_63 = vector.load %arg10[%swap3A, %swap3A_62] : memref<128x128xf32, #tpu.memory_space<vmem>>, vector<128x128xf32>
    tpu.vector_store %arg10[%swap3A, %swap3A_62], %add3A_61 {strides = array<i32>} : memref<128x128xf32, #tpu.memory_space<vmem>>, vector<128x128xf32>,
    %get3A_64 = arith.constant 0 : index
    %get3A_65 = arith.constant 0 : index
    %get3A_66 = vector.load %arg11[%get3A_64, %get3A_65] : memref<128x128xf32, #tpu.memory_space<vmem>>, vector<128x128xf32>
    %reduce_sum3A_67 = arith.constant dense<0.000000e+00> : vector<128xf32>
    %reduce_sum3A_68 = vector.multi_reduction <add>, %select_n3A, %reduce_sum3A_67 [1] : vector<128x1000xf32> to vector<128xf32>
    %broadcast_in_dim3A_69 = vector.shape_cast %reduce_sum3A_68 : vector<128xf32> to vector<128x1xf32>
    %add3A_70 = vector.broadcast %broadcast_in_dim3A_69 : vector<128x1xf32> to vector<128x128xf32>
    %add3A_71 = arith.addf %get3A_66, %add3A_70 : vector<128x128xf32>
    %swap3A_72 = arith.constant 0 : index
    %swap3A_73 = arith.constant 0 : index
    %swap3A_74 = vector.load %arg11[%swap3A_72, %swap3A_73] : memref<128x128xf32, #tpu.memory_space<vmem>>, vector<128x128xf32>
    tpu.vector_store %arg11[%swap3A_72, %swap3A_73], %add3A_71 {strides = array<i32>} : memref<128x128xf32, #tpu.memory_space<vmem>>, vector<128x128xf32>,
    %eq3A_75 = arith.constant 9 : i32
    %eq3A_76 = arith.cmpi eq, %arg0, %eq3A_75 : i32
    %convert_element_type3A_77 = arith.extui %eq3A_76 : i1 to i32
    %cond3A_78 = arith.constant 0 : i32
    %cond3A_79 = arith.cmpi ne, %convert_element_type3A_77, %cond3A_78 : i32
    scf.if %cond3A_79 {
      %get3A_80 = arith.constant 0 : index
      %get3A_81 = arith.constant 0 : index
      %get3A_82 = vector.load %arg10[%get3A_80, %get3A_81] : memref<128x128xf32, #tpu.memory_space<vmem>>, vector<128x128xf32>
      %get3A_83 = arith.constant 0 : index
      %get3A_84 = arith.constant 0 : index
      %get3A_85 = vector.load %arg11[%get3A_83, %get3A_84] : memref<128x128xf32, #tpu.memory_space<vmem>>, vector<128x128xf32>
      %max3A = arith.constant 1.000000e+00 : f32
      %max3A_86 = vector.broadcast %max3A : f32 to vector<128x128xf32>
      %max3A_87 = arith.maximumf %get3A_85, %max3A_86 : vector<128x128xf32>
      %div3A = arith.divf %get3A_82, %max3A_87 : vector<128x128xf32>
      %swap3A_88 = arith.constant 0 : index
      %swap3A_89 = arith.constant 0 : index
      %swap3A_90 = vector.load %arg9[%swap3A_88, %swap3A_89] : memref<128x128xf32, #tpu.memory_space<vmem>>, vector<128x128xf32>
      tpu.vector_store %arg9[%swap3A_88, %swap3A_89], %div3A {strides = array<i32>} : memref<128x128xf32, #tpu.memory_space<vmem>>, vector<128x128xf32>,
      %get3A_91 = arith.constant 0 : index
      %get3A_92 = arith.constant 0 : index
      %get3A_93 = vector.load %arg6[%get3A_91, %get3A_92] : memref<128x10xf32, #tpu.memory_space<vmem>>, vector<128x10xf32>
      %dot_general3A_94 = arith.constant dense<0.000000e+00> : vector<128x10xf32>
      %dot_general3A_95 = tpu.matmul %div3A, %get3A_93, %dot_general3A_94 {dimension_numbers = #tpu.dot_dimension_numbers<[1], [0], [0], [1], [0, 0, 1, 1], [], []>, transpose_lhs_hint = false} : vector<128x128xf32>, vector<128x10xf32>, vector<128x10xf32> -> vector<128x10xf32>
      %get3A_96 = arith.constant 0 : index
      %get3A_97 = arith.constant 0 : index
      %get3A_98 = vector.load %arg7[%get3A_96, %get3A_97] : memref<1x10xf32, #tpu.memory_space<vmem>>, vector<1x10xf32>
      %add3A_99 = vector.broadcast %get3A_98 : vector<1x10xf32> to vector<128x10xf32>
      %add3A_100 = arith.addf %dot_general3A_95, %add3A_99 : vector<128x10xf32>
      %reduce_max3A = arith.constant dense<0xFF800000> : vector<128xf32>
      %reduce_max3A_101 = vector.multi_reduction <maximumf>, %add3A_100, %reduce_max3A [1] : vector<128x10xf32> to vector<128xf32>
      %broadcast_in_dim3A_102 = vector.shape_cast %reduce_max3A_101 : vector<128xf32> to vector<128x1xf32>
      %sub3A = vector.broadcast %broadcast_in_dim3A_102 : vector<128x1xf32> to vector<128x10xf32>
      %sub3A_103 = arith.subf %add3A_100, %sub3A : vector<128x10xf32>
      %exp3A = math.exp %sub3A_103 : vector<128x10xf32>
      %reduce_sum3A_104 = arith.constant dense<0.000000e+00> : vector<128xf32>
      %reduce_sum3A_105 = vector.multi_reduction <add>, %exp3A, %reduce_sum3A_104 [1] : vector<128x10xf32> to vector<128xf32>
      %broadcast_in_dim3A_106 = vector.shape_cast %reduce_sum3A_105 : vector<128xf32> to vector<128x1xf32>
      %log3A = math.log %broadcast_in_dim3A_106 : vector<128x1xf32>
      %add3A_107 = arith.addf %log3A, %broadcast_in_dim3A_102 : vector<128x1xf32>
      %sub3A_108 = vector.broadcast %add3A_107 : vector<128x1xf32> to vector<128x10xf32>
      %sub3A_109 = arith.subf %add3A_100, %sub3A_108 : vector<128x10xf32>
      %swap3A_110 = arith.constant 0 : index
      %swap3A_111 = arith.constant 0 : index
      %swap3A_112 = vector.load %arg8[%swap3A_110, %swap3A_111] : memref<128x10xf32, #tpu.memory_space<vmem>>, vector<128x10xf32>
      tpu.vector_store %arg8[%swap3A_110, %swap3A_111], %sub3A_109 {strides = array<i32>} : memref<128x10xf32, #tpu.memory_space<vmem>>, vector<128x10xf32>,
    } else {
    }
    return
  }
  func.func @transform_0(%arg0: i32) -> (i32, i32, i32) {
    %c0_i32 = arith.constant 0 : i32
    %c0_i32_0 = arith.constant 0 : i32
    %c0_i32_1 = arith.constant 0 : i32
    return %c0_i32, %arg0, %c0_i32_0 : i32, i32, i32
  }
  func.func @transform_1(%arg0: i32) -> (i32, i32, i32) {
    %c0_i32 = arith.constant 0 : i32
    %c0_i32_0 = arith.constant 0 : i32
    %c0_i32_1 = arith.constant 0 : i32
    return %c0_i32, %arg0, %c0_i32_0 : i32, i32, i32
  }
  func.func @transform_2(%arg0: i32) -> (i32, i32, i32) {
    %c0_i32 = arith.constant 0 : i32
    %c0_i32_0 = arith.constant 0 : i32
    %c0_i32_1 = arith.constant 0 : i32
    return %c0_i32, %arg0, %c0_i32_0 : i32, i32, i32
  }
  func.func @transform_3(%arg0: i32) -> (i32, i32) {
    %c0_i32 = arith.constant 0 : i32
    %c0_i32_0 = arith.constant 0 : i32
    %c0_i32_1 = arith.constant 0 : i32
    return %c0_i32, %c0_i32_0 : i32, i32
  }
  func.func @transform_4(%arg0: i32) -> (i32, i32, i32) {
    %c0_i32 = arith.constant 0 : i32
    %c0_i32_0 = arith.constant 0 : i32
    %c0_i32_1 = arith.constant 0 : i32
    return %arg0, %c0_i32, %c0_i32_0 : i32, i32, i32
  }
  func.func @transform_5(%arg0: i32) -> (i32, i32) {
    %c0_i32 = arith.constant 0 : i32
    %c0_i32_0 = arith.constant 0 : i32
    %c0_i32_1 = arith.constant 0 : i32
    return %c0_i32, %c0_i32_0 : i32, i32
  }
  func.func @transform_6(%arg0: i32) -> (i32, i32) {
    %c0_i32 = arith.constant 0 : i32
    %c0_i32_0 = arith.constant 0 : i32
    %c0_i32_1 = arith.constant 0 : i32
    return %c0_i32, %c0_i32_0 : i32, i32
  }
  func.func @transform_7(%arg0: i32) -> (i32, i32) {
    %c0_i32 = arith.constant 0 : i32
    %c0_i32_0 = arith.constant 0 : i32
    %c0_i32_1 = arith.constant 0 : i32
    return %c0_i32, %c0_i32_0 : i32, i32
  }
  func.func @transform_8(%arg0: i32) -> (i32, i32) {
    %c0_i32 = arith.constant 0 : i32
    %c0_i32_0 = arith.constant 0 : i32
    %c0_i32_1 = arith.constant 0 : i32
    return %c0_i32, %c0_i32_0 : i32, i32
  }
}

</mosaic_0001>

<sc_bundles>
// kernel: kernel.12.cloned.1.call-start
scs
__scs_entry_jumppad:
0x0: {  	(pc) =	sbr.rel $0x88, $3  }
0x1: {  	(tag) =	ssettag $0x0;
	lr =	simm.s32 $0x1  }
0x2: {  	[smem:$0x3F96] =	sst lr;
	_ =	strace $0xD0000000  }
0x3: {  	_ = 	snop  }
0x4: {  	_ = 	snop  }
0x5: {  	_ = 	snop  }
0x6: {  	_ = 	snop  }
0x7: {  	_ = 	snop  }
__scs_overlays_trampoline_lowered:
0x8: {  	[smem:$0x3FA5] =	sst s0  }
0x9: {  	[smem:$0x3FA6] =	sst s1  }
0xa: {  	[smem:$0x3FA7] =	sst s2  }
0xb: {  	[smem:$0x3FA8] =	sst s3  }
0xc: {  	[smem:$0x3FA9] =	sst s4  }
0xd: {  	[smem:$0x3FAA] =	sst s5  }
0xe: {  	[smem:$0x3FAB] =	sst s6  }
0xf: {  	[smem:$0x3FAC] =	sst s7  }
0x10: {  	[smem:$0x3FAD] =	sst s8  }
0x11: {  	[smem:$0x3FAE] =	sst s9;
	s0 =	simm.s32 @!p0 $0x0  }
0x12: {  	s1 =	sld [smem:$0x3F94];
	s0 =	simm.s32 @p0 $0x1  }
0x13: {  	[smem:$0x3FAF] =	sst s0;
	s0 =	simm.s32 @!p1 $0x0  }
0x14: {  	s2 =	sld [smem:$0x3F93];
	s0 =	simm.s32 @p1 $0x1  }
0x15: {  	[smem:$0x3FB0] =	sst s0;
	s0 =	simm.s32 @!p2 $0x0  }
0x16: {  	s3 =	sld [smem:$0x3FDB];
	s0 =	simm.s32 @p2 $0x1  }
0x17: {  	s4 =	simm.s32 $0x1BF5;
	[smem:$0x3FB2] =	sst s0  }
0x18: {  	s0 =	sld [smem:$0x3F95];
	_ =	swait.ge [sflag:s4], $0x0  }
0x19: {  	s7 =	sld [smem:$0x3F96]  }
0x1a: {  	s8 =	sadd.s32 $0xFFFFE003, lr  }
0x1b: {  	s9 =	sadd.s32 $0xFFFFFEF7, lr;
	s5 =	simm.s32 $0xFFFFFFFF;
	p2 =	slt.u32 s8, $0xFFFFF086  }
0x1c: {  	p1 =	slt.u32 s9, $0xF7A;
	s5 =	simm.s32 @!p2 $0x0  }
0x1d: {  	s5 =	simm.s32 @p1 $0x1;
	p0 =	seq.s32 s7, s2  }
0x1e: {  	s7 =	smul.u32 @!p0 $0xF7A, s2;
	p2 =	seq.s32 @!p0 s5, $0x0  }
0x1f: {  	s9 =	smul.u32 $0xF7A, s1;
	s8 =	simm.s32 @!p0 $0x1BF5;
	p2 =	por !p2, p0  }
0x20: {  	[sflag:s8] =	ssyncset.s32 @!p0 $0xFFFFF086;
	s6 =	sadd.s32 @!p0 s3, s7;
	s7 =	simm.s32 @!p0 $0x108  }
0x21: {  	s3 =	sadd.s32 s3, s9;
	s6 =	sadd.s32 @!p0 $0x88, s6;
	s7 =	simm.s32 @p2 $0x1082  }
0x22: {  	[simem:s7], [sflag:s8] =	dma.local @!p0 [hbm:s6], $0xF7A  }
0x23: {  	s9 =	sor.u32 $0xD0000000, s2;
	s6 =	simm.s32 $0x108;
	_ =	swait.ge @!p0 [sflag:s8], $0x0  }
0x24: {  	s3 =	sadd.s32 $0x88, s3;
	s6 =	simm.s32 @!p1 $0x1082;
	[sflag:s4] =	ssyncset.s32 $0xFFFFF086  }
0x25: {  	[simem:s6], [sflag:s4] =	dma.local [hbm:s3], $0xF7A  }
0x26: {  	[smem:$0x3F96] =	sst s1;
	(tag) =	ssettag s2;
	_ =	strace s9  }
0x27: {  	s1 =	sld [smem:$0x3FA6]  }
0x28: {  	s2 =	sld [smem:$0x3FA7]  }
0x29: {  	s4 =	sld [smem:$0x3FA9]  }
0x2a: {  	p0 =	seq.s32 s5, $0x0;
	s5 =	sld [smem:$0x3FAA]  }
0x2b: {  	s6 =	sld [smem:$0x3FAB]  }
0x2c: {  	s7 =	sld [smem:$0x3FAC]  }
0x2d: {  	s3 =	simm.s32 $0x108;
	s8 =	sld [smem:$0x3FAD]  }
0x2e: {  	s3 =	simm.s32 @!p0 $0x1082;
	s9 =	sld [smem:$0x3FAE]  }
0x2f: {  	lr =	sadd.s32 s0, s3;
	s0 =	sld [smem:$0x3FA5]  }
0x30: {  	s3 =	sld [smem:$0x3FA8]  }
0x31: {  	[smem:$0x3FB1] =	sst s10  }
0x32: {  	s10 =	sld [smem:$0x3FAF];
	_ =	sdelay $0x3  }
0x33: {  	p0 =	seq.s32 s10, $0x1;
	s10 =	sld [smem:$0x3FB1];
	_ =	sdelay $0x3  }
0x34: {  	[smem:$0x3FB1] =	sst s10  }
0x35: {  	s10 =	sld [smem:$0x3FB0];
	_ =	sdelay $0x3  }
0x36: {  	p1 =	seq.s32 s10, $0x1;
	s10 =	sld [smem:$0x3FB1];
	_ =	sdelay $0x3  }
0x37: {  	[smem:$0x3FB1] =	sst s10  }
0x38: {  	s10 =	sld [smem:$0x3FB2]  }
0x39: {  	_ = 	snop;
	(pc) =	sbr.ind lr, $3  }
0x3a: {  	_ = 	snop  }
0x3b: {  	_ = 	snop  }
0x3c: {  	p2 =	seq.s32 s10, $0x1;
	s10 =	sld [smem:$0x3FB1]  }
0x3d: {  	_ =	shalt  }
0x3e: {  	_ =	shalt  }
0x3f: {  	_ =	shalt  }
0x40: {  	_ =	shalt  }
0x41: {  	_ =	shalt  }
0x42: {  	_ =	shalt  }
0x43: {  	_ =	shalt  }
0x44: {  	_ =	shalt  }
0x45: {  	_ =	shalt  }
0x46: {  	_ =	shalt  }
0x47: {  	_ =	shalt  }
0x48: {  	_ =	shalt  }
0x49: {  	_ =	shalt  }
0x4a: {  	_ =	shalt  }
0x4b: {  	_ =	shalt  }
0x4c: {  	_ =	shalt  }
0x4d: {  	_ =	shalt  }
0x4e: {  	_ =	shalt  }
0x4f: {  	_ =	shalt  }
0x50: {  	_ =	shalt  }
0x51: {  	_ =	shalt  }
0x52: {  	_ =	shalt  }
0x53: {  	_ =	shalt  }
0x54: {  	_ =	shalt  }
0x55: {  	_ =	shalt  }
0x56: {  	_ =	shalt  }
0x57: {  	_ =	shalt  }
0x58: {  	_ =	shalt  }
0x59: {  	_ =	shalt  }
0x5a: {  	_ =	shalt  }
0x5b: {  	_ =	shalt  }
0x5c: {  	_ =	shalt  }
0x5d: {  	_ =	shalt  }
0x5e: {  	_ =	shalt  }
0x5f: {  	_ =	shalt  }
0x60: {  	_ =	shalt  }
0x61: {  	_ =	shalt  }
0x62: {  	_ =	shalt  }
0x63: {  	_ =	shalt  }
0x64: {  	_ =	shalt  }
0x65: {  	_ =	shalt  }
0x66: {  	_ =	shalt  }
0x67: {  	_ =	shalt  }
0x68: {  	_ =	shalt  }
0x69: {  	_ =	shalt  }
0x6a: {  	_ =	shalt  }
0x6b: {  	_ =	shalt  }
0x6c: {  	_ =	shalt  }
0x6d: {  	_ =	shalt  }
0x6e: {  	_ =	shalt  }
0x6f: {  	_ =	shalt  }
0x70: {  	_ =	shalt  }
0x71: {  	_ =	shalt  }
0x72: {  	_ =	shalt  }
0x73: {  	_ =	shalt  }
0x74: {  	_ =	shalt  }
0x75: {  	_ =	shalt  }
0x76: {  	_ =	shalt  }
0x77: {  	_ =	shalt  }
0x78: {  	_ =	shalt  }
0x79: {  	_ =	shalt  }
0x7a: {  	_ =	shalt  }
0x7b: {  	_ =	shalt  }
0x7c: {  	_ =	shalt  }
0x7d: {  	_ =	shalt  }
0x7e: {  	_ =	shalt  }
0x7f: {  	_ =	shalt  }
0x80: {  	_ =	shalt  }
0x81: {  	_ =	shalt  }
0x82: {  	_ =	shalt  }
0x83: {  	_ =	shalt  }
0x84: {  	_ =	shalt  }
0x85: {  	_ =	shalt  }
0x86: {  	_ =	shalt  }
0x87: {  	_ =	shalt  }
.Lfunc_end0:
.L_simem_size_0:
called_computation.1_lowered:
.L_overlay_start_0:
0x88: {  	s2 =	sld [smem:$0x3FD9]  }
0x89: {  	s3 =	sld [smem:$0x3FFE];
	_ =	sdelay $0x1  }
0x8a: {  	s1 =	srdreg.scid  }
0x8b: {  	s0 =	sand.u32 $0x1, s1  }
0x8c: {  	s16 =	sshll.u32 s0, $0xA;
	s2 =	sadd.s32 s3, s2  }
0x8d: {  	s2 =	sadd.s32 s2, s16  }
0x8e: {  	[smem:$0x3FBD] =	sst s2  }
0x8f: {  	_ = 	snop  }
0x90: {  	(tm) =	ssettm $0x1  }
0x91: {  	s17 =	sld [smem:$0x3FFB];
	_ =	sdelay $0x3  }
0x92: {  	_ =	strace s17  }
0x93: {  	s2 =	sld [smem:$0x3FFC];
	_ =	sdelay $0x3  }
0x94: {  	_ =	strace s2  }
0x95: {  	s2 =	sld [smem:$0x3FFD];
	_ =	sdelay $0x3  }
0x96: {  	_ =	strace s2  }
0x97: {  	_ =	strace $0x8FFFFFFF  }
0x98: {  	s18 =	sld [smem:$0x3FDB];
	_ =	sdelay $0x1  }
0x99: {  	s19 =	simm.s32 $_scs_section_size  }
0x9a: {  	s4 =	simm.s32 $_size__tile_overlayer_lowered;
	s5 =	simm.s32 $_tile_overlayer_lowered  }
0x9b: {  	s22 =	simm.s32 $0x1BFF;
	s21 =	sshll.u32 s5, $0x1;
	s2 =	sadd.s32 s19, s18  }
0x9c: {  	s6 =	simm.s32 $0x0;
	s20 =	sshll.u32 s4, $0x1;
	s4 =	sadd.s32 s21, s2  }
0x9d: {  	[timem:s6], [sflag:s22] =	dma.local [hbm:s4], s20  }
0x9e: {  	_ =	swait.ge [sflag:s22], s20  }
0x9f: {  	s3 =	ssub.s32 $0x0, s20;
	[sflag:s22] =	ssyncset.done $0x0  }
0xa0: {  	[sflag:s22] =	ssyncadd.s32 s3;
	_ =	sdelay $0x1  }
0xa1: {  	s23 =	simm.s32 $0x1B8B  }
0xa2: {  	_ =	swait.ge [sflag:s23], $0x1  }
0xa3: {  	[sflag:s23] =	ssyncset.done $0x0  }
0xa4: {  	s25 =	simm.s32 $0x1B8E;
	s24 =	sld [smem:$0x3FFE];
	[sflag:s23] =	ssyncadd.s32 $0xFFFFFFFF  }
0xa5: {  	s26 =	simm.s32 $execute0_lowered;
	[smem:$0x3FD2] =	sst s25  }
0xa6: {  	s4 =	sshll.u32 s26, $0x1;
	_ =	strace $0x80000049;
	[dreg:$0x1] =	wrdreg $0xFFFFFFFF  }
0xa7: {  	s28 =	simm.s32 $_size_execute0_lowered;
	s2 =	sadd.s32 s2, s4;
	[dreg:$0x0] =	wrdreg $0x0  }
0xa8: {  	s4 =	sshll.u32 s28, $0x1;
	[dreg:$0x2] =	wrdreg s2  }
0xa9: {  	[dreg:$0x3] =	wrdreg s4  }
0xaa: {  	[dreg:$0x4] =	wrdreg $0xC0  }
0xab: {  	_ =	task [dreg:s6], $0x5FFFF  }
0xac: {  	[dreg:$0x1] =	wrdreg $0xFFFFFFFF  }
0xad: {  	[dreg:$0x0] =	wrdreg $0x60  }
0xae: {  	[dreg:$0x2] =	wrdreg s24  }
0xaf: {  	[dreg:$0x3] =	wrdreg $0x90000  }
0xb0: {  	[dreg:$0x4] =	wrdreg $0x9  }
0xb1: {  	_ =	task.clear_ibuf [dreg:s6], $0x5FFFF;
	_ =	strace $0x90000049  }
0xb2: {  	s29 =	simm.s32 $0x9;
	_ =	strace $0x8000004B  }
0xb3: {  	_ =	swait.ge [sflag:s29], $0x1  }
0xb4: {  	[sflag:s29] =	ssyncadd.s32 $0xFFFFFFFF  }
0xb5: {  	_ =	strace $0x9000004B  }
0xb6: {  	_ =	sfence  }
0xb7: {  	s30 =	sld [smem:$0x0];
	_ =	sdelay $0x2  }
0xb8: {  	s31 =	sshll.u32 s1, $0xD;
	s1 =	sshrl.u32 s1, $0x2  }
0xb9: {  	s3 =	sand.u32 $0x4000, s31;
	s1 =	sadd.s32 s1, s30  }
0xba: {  	s0 =	sor.u32 s3, s0;
	s1 =	sshll.u32 s1, $0x11  }
0xbb: {  	s0 =	sor.u32 s1, s0  }
0xbc: {  	s0 =	sadd.s32 $0x8F2B, s0  }
0xbd: {  	[sflag:s0] =	ssyncadd.remote.s32 $0x1  }
0xbe: {  	_ =	sfence.sel $0xFFFF  }
0xbf: {  	[dreg:$0x0] =	wrdreg $0xFFFFFFFF;
	(pc) =	sbr.abs _section_cstart, $3  }
0xc0: {  	[dreg:$0x1] =	wrdreg $0xFFFFFFFF  }
0xc1: {  	_ =	task.clear_ibuf [dreg:s6], $0x2FFFF;
	_ =	strace $0x9FFFFFFF  }
0xc2: {  	(tm) =	ssettm $0x7FFFFFFF  }
0xc3: {  	_ =	shalt  }
tec
execute0_lowered:
.L_overlay_start_1:
0x0: {  	(tag) =	ssettag $0x1  }
0x1: {  	s0 =	srdreg.scid;
	s3 =	rddreg [dreg:$0x0]  }
0x2: {  	s2 =	rddreg [dreg:$0x1];
	s17 =	simm.s32 $0x0;
	s28 =	simm.s32 $0x7000  }
0x3: {  	s29 =	simm.s32 $0x1;
	s30 =	simm.s32 $0x2;
	s31 =	simm.s32 $0x3  }
0x4: {  	s1 =	sand.u32 $0x1, s0;
	s0 =	stileid.u32;
	[smem:$0x7FF] =	sst s17  }
0x5: {  	s5 =	sadd.s32 $0x73E00, s3;
	s14 =	sadd.s32 $0xD5E00, s3;
	s15 =	sadd.s32 $0xAEC00, s3  }
0x6: {  	s21 =	sadd.s32 $0xCD00, s3;
	s22 =	sadd.s32 $0x16B00, s3;
	s13 =	sadd.s32 $0xADA40, s3  }
0x7: {  	s24 =	sadd.s32 $0x9A040, s3;
	_ =	strace $0x8000004A;
	[dreg:$0x5] =	wrdreg s21  }
0x8: {  	s4 =	sshll.u32 s1, $0x4;
	s8 =	smul.u32 $0x9E00, s0;
	[dreg:$0x6] =	wrdreg s22  }
0x9: {  	s10 =	ssub.s32 $0x2, s1;
	s23 =	smul.u32 $0x9C400, s1;
	[dreg:$0x8] =	wrdreg s24  }
0xa: {  	s22 =	sadd.s32 $0x86640, s3;
	p1 =	sne.s32 s1, $0x0;
	p5 =	sne.s32 s0, $0xF  }
0xb: {  	s6 =	sor.u32 s0, s4;
	s4 =	sadd.s32 $0x87800, s3;
	s12 =	sshrl.u32 s10, $0x1  }
0xc: {  	p2 =	seq.s32 @p1 s0, $0xF;
	p4 =	seq.s32 @!p1 s0, $0xF;
	p6 =	seq.s32 @!p5 s1, $0x0  }
0xd: {  	s7 =	smul.u32 $0x500, s6;
	s9 =	sshrl.u32 s8, $0x3;
	p0 =	seq.s32 s6, $0x1F  }
0xe: {  	s6 =	simm.s32 $0x14;
	s16 =	ssub.s32 s10, s12;
	s10 =	sadd.s32 s8, s2  }
0xf: {  	s12 =	sadd.s32 $0x94200, s2;
	s8 =	sadd.s32 s8, s23;
	p3 =	por !p2, !p1  }
0x10: {  	p2 =	por p2, !p1;
	s11 =	sadd.s32 s9, s3;
	s6 =	simm.s32 @!p0 $0x50  }
0x11: {  	s18 =	sadd.s32 s4, s9;
	s8 =	sshrl.u32 s8, $0x3;
	s21 =	sadd.s32 s5, s9  }
0x12: {  	s7 =	sadd.s32 s7, s3;
	s11 =	sadd.s32 $0x9B200, s11;
	[dreg:$0x7] =	wrdreg s18  }
0x13: {  	s25 =	sadd.s32 s14, s8;
	s8 =	sadd.s32 s15, s8;
	s19 =	sadd.s32 $0xFFFFFFFF, s6  }
0x14: {  	s26 =	sshll.u32 s6, $0x9;
	s3 =	simm.s32 @!p3 $0x0;
	[dreg:$0x9] =	wrdreg s25  }
0x15: {  	s20 =	sadd.s32 $0x3200, s7;
	s7 =	sadd.s32 $0xD000, s7;
	[dreg:$0xb] =	wrdreg s8  }
0x16: {  	s24 =	sadd.s32 $0xFFFFF800, s26;
	s3 =	simm.s32 @p3 $0x1;
	p3 =	por !p4, p1  }
0x17: {  	p4 =	por p4, p1;
	p1 =	sne.s32 @p5 s1, $0x0;
	s25 =	simm.s32 $0x80  }
0x18: {  	s26 =	simm.s32 $0x5000;
	[smem:$0x7F8] =	sst s3;
	s3 =	simm.s32 @!p3 $0x0  }
0x19: {  	[dreg:$0x3] =	wrdreg s20;
	s3 =	simm.s32 @p3 $0x1;
	p3 =	por !p1, !p5  }
0x1a: {  	[dreg:$0x4] =	wrdreg s7;
	s7 =	sshrl.u32 s23, $0x3;
	s1 =	simm.s32 @!p3 $0x0  }
0x1b: {  	s23 =	smax.u32 s16, $0x1;
	p1 =	por p1, !p5;
	s1 =	simm.s32 @p3 $0x1  }
0x1c: {  	s7 =	sadd.s32 $0x12840, s7;
	[smem:$0x7FA] =	sst s1;
	s1 =	simm.s32 @!p1 $0x0  }
0x1d: {  	[smem:$0x7F9] =	sst s3;
	s1 =	simm.s32 @p1 $0x1;
	p1 =	por !p6, p5  }
0x1e: {  	s14 =	sadd.s32 s14, s7;
	[smem:$0x7FB] =	sst s1;
	s1 =	simm.s32 @!p1 $0x0  }
0x1f: {  	[dreg:$0xa] =	wrdreg s14;
	s1 =	simm.s32 @p1 $0x1;
	p1 =	por p6, p5  }
0x20: {  	s7 =	sadd.s32 s15, s7;
	[smem:$0x7FC] =	sst s1;
	s1 =	simm.s32 @!p1 $0x0  }
0x21: {  	s3 =	simm.s32 $0x0;
	[dreg:$0xc] =	wrdreg s7;
	s1 =	simm.s32 @p1 $0x1  }
0x22: {  	p6 =	seq.s32 s0, $0xF;
	[smem:$0x7FD] =	sst s1;
	s1 =	simm.s32 $0x4  }
.LBB2_1:
0x23: {  	s6 =	simm.s32 @p0 $0x0;
	s7 =	rddreg [dreg:$0x5]  }
0x24: {  	[tilespmem:s6], [sflag:$0x5] =	stream.linear.gather @p0 [hbm4b:s7+s6], $0xA00, $0x38;
	[tilespmem:$0x12C40] =	vst v63  }
0x25: {  	s7 =	simm.s32 @p0 $0x5  }
0x26: {  	_ =	swait.ge @p0 [sflag:s7], $0xA00  }
0x27: {  	[sflag:s7] =	ssyncset.done @p0 $0x0  }
0x28: {  	s8 =	simm.s32 @p0 $0x2800;
	s9 =	rddreg [dreg:$0x6];
	[sflag:s7] =	ssyncadd.s32 @p0 $0xFFFFF600  }
0x29: {  	[tilespmem:s8], [sflag:$0x5] =	stream.linear.gather @p0 [hbm4b:s9+s6], $0xA00, $0x38;
	[tilespmem:$0x12C40] =	vst v63  }
0x2a: {  	_ =	swait.ge @p0 [sflag:s7], $0xA00  }
0x2b: {  	[sflag:s7] =	ssyncset.done @p0 $0x0  }
0x2c: {  	s6 =	simm.s32 @!p0 $0x0;
	[sflag:s7] =	ssyncadd.s32 @p0 $0xFFFFF600;
	s7 =	rddreg [dreg:$0x3]  }
0x2d: {  	[tilespmem:s6], [sflag:$0x5] =	stream.linear.gather @!p0 [hbm4b:s7+s6], $0x2800, $0x38;
	[tilespmem:$0x12C40] =	vst v63  }
0x2e: {  	s7 =	simm.s32 @!p0 $0x5  }
0x2f: {  	_ =	swait.ge @!p0 [sflag:s7], $0x2800  }
0x30: {  	[sflag:s7] =	ssyncset.done @!p0 $0x0  }
0x31: {  	s8 =	simm.s32 @!p0 $0x2800;
	s9 =	rddreg [dreg:$0x4];
	[sflag:s7] =	ssyncadd.s32 @!p0 $0xFFFFD800  }
0x32: {  	[tilespmem:s8], [sflag:$0x5] =	stream.linear.gather @!p0 [hbm4b:s9+s6], $0x2800, $0x38;
	[tilespmem:$0x12C40] =	vst v63  }
0x33: {  	_ =	swait.ge @!p0 [sflag:s7], $0x2800  }
0x34: {  	s15 =	sld [smem:$0x7F8];
	_ =	sdelay $0x2  }
0x35: {  	[sflag:s7] =	ssyncset.done @!p0 $0x0;
	p1 =	seq.s32 s15, $0x1  }
0x36: {  	[sflag:s7] =	ssyncadd.s32 @!p0 $0xFFFFD800;
	s6 =	sshrl.u32 @!p1 s12, $0x3;
	s7 =	simm.s32 @!p1 $0x1FC5  }
0x37: {  	[spmem:s6], [sflag:s7] =	dma.local @!p1 [hbm:s13], $0x1040  }
0x38: {  	s6 =	simm.s32 @!p1 $0x5  }
0x39: {  	_ =	swait.ge @!p1 [sflag:s6], $0x1040  }
0x3a: {  	s7 =	sshll.u32 @!p2 s0, $0x6;
	[sflag:s6] =	ssyncset.done @!p1 $0x0  }
0x3b: {  	[sflag:s6] =	ssyncadd.s32 @!p1 $0xFFFFEFC0;
	s6 =	sor.u32 @!p2 $0x1C05, s7;
	s7 =	sshrl.u32 @!p2 s10, $0x3  }
0x3c: {  	[spmem:s7], [sflag:s6] =	dma.local @!p2 [hbm:s11], $0x13C0  }
0x3d: {  	s6 =	simm.s32 @!p2 $0x5  }
0x3e: {  	_ =	swait.ge @!p2 [sflag:s6], $0x13C0  }
0x3f: {  	s16 =	sld [smem:$0x7F9];
	_ =	sdelay $0x2  }
0x40: {  	[sflag:s6] =	ssyncset.done @!p2 $0x0;
	s8 =	rddreg [dreg:$0x8];
	p1 =	seq.s32 s16, $0x1  }
0x41: {  	[sflag:s6] =	ssyncadd.s32 @!p2 $0xFFFFEC40;
	s6 =	sshrl.u32 @!p1 s12, $0x3;
	s7 =	simm.s32 @!p1 $0x1FC5  }
0x42: {  	[spmem:s6], [sflag:s7] =	dma.local @!p1 [hbm:s8], $0x1040  }
0x43: {  	s6 =	simm.s32 @!p1 $0x5  }
0x44: {  	_ =	swait.ge @!p1 [sflag:s6], $0x1040  }
0x45: {  	s7 =	sshll.u32 @!p4 s0, $0x6;
	[sflag:s6] =	ssyncset.done @!p1 $0x0;
	s8 =	rddreg [dreg:$0x7]  }
0x46: {  	[sflag:s6] =	ssyncadd.s32 @!p1 $0xFFFFEFC0;
	s6 =	sor.u32 @!p4 $0x1C05, s7;
	s7 =	sshrl.u32 @!p4 s10, $0x3  }
0x47: {  	[spmem:s7], [sflag:s6] =	dma.local @!p4 [hbm:s8], $0x13C0  }
0x48: {  	s6 =	simm.s32 @!p4 $0x5  }
0x49: {  	_ =	swait.ge @!p4 [sflag:s6], $0x13C0  }
0x4a: {  	[sflag:s6] =	ssyncset.done @!p4 $0x0  }
0x4b: {  	[sflag:s6] =	ssyncadd.s32 @!p4 $0xFFFFEC40  }
0x4c: {  	[bflag:$0x0] =	sbarrier.arrive $0xFFFF  }
0x4d: {  	[tilespmem:s26], [sflag:$0x1] =	stream.indirect.gather [hbm4b:s4+s25], $0x40, s17, s25, $0xb8;
	[tilespmem:$0x12C40] =	vst v63  }
0x4e: {  	_ = 	snop  }
0x4f: {  	[tilespmem:s28], [sflag:$0x2] =	stream.indirect.gather [hbm4b:s4+s25], $0x40, s25, s25, $0xb8;
	[tilespmem:$0x12C40] =	vst v63  }
0x50: {  	_ =	swait.ge [sflag:s29], $0x2000  }
0x51: {  	[sflag:s29] =	ssyncset.done $0x0  }
0x52: {  	s18 =	simm.s32 $0x2800;
	[sflag:s29] =	ssyncadd.s32 $0xFFFFE000  }
0x53: {  	[spmem:s2] =	stream.indirect.scatter.add.f32 [tilespmem:s26], [sflag:$0x3], $0x40, s18, s25, $0xb8;
	[tilespmem:$0x12C40] =	vst v63  }
0x54: {  	s20 =	simm.s32 $0x2880;
	p3 =	sgt.s32 s19, $0x3;
	_ =	swait.ge [sflag:s30], $0x2000  }
0x55: {  	s14 =	smov.u32 s19;
	p1 =	sgt.s32 s19, $0x2;
	[sflag:s30] =	ssyncset.done $0x0  }
0x56: {  	s7 =	simm.s32 $0x2;
	s8 =	smov.u32 s19;
	[sflag:s30] =	ssyncadd.s32 $0xFFFFE000  }
0x57: {  	[spmem:s2] =	stream.indirect.scatter.add.f32 [tilespmem:s28], [sflag:$0x4], $0x40, s20, s25, $0xb8;
	[tilespmem:$0x12C40] =	vst v63  }
0x58: {  	s9 =	simm.s32 $0x2;
	s8 =	smov.u32 @p1 s7;
	_ =	swait.ge [sflag:s31], $0x2000  }
0x59: {  	p1 =	sne.s32 s24, $0x400;
	s8 =	sshll.u32 s8, $0x9;
	[sflag:s31] =	ssyncset.done $0x0  }
.Ltmp0:
0x5a: {  	s8 =	sshra.s32 s8, $0x2;
	[sflag:s31] =	ssyncadd.s32 $0xFFFFE000;
	(pc) =	sbr.rel @!p1 .LBB2_3-.Ltmp0, $4  }
0x5b: {  	[tilespmem:s26], [sflag:$0x1] =	stream.indirect.gather [hbm4b:s4+s25], $0x40, s8, s25, $0xb8;
	[tilespmem:$0x12C40] =	vst v63  }
0x5c: {  	s7 =	simm.s32 $0x400;
	s6 =	simm.s32 $0x5;
	s8 =	simm.s32 $0x3  }
0x5d: {  	_ =	swait.ge [sflag:s1], $0x2000;
	s14 =	smov.u32 @p3 s8;
	s8 =	simm.s32 $0x1  }
0x5e: {  	[sflag:s1] =	ssyncset.done $0x0;
	s15 =	sshll.u32 s14, $0x9;
	s14 =	simm.s32 $0x7  }
.LBB2_2:
0x5f: {  	s6 =	smov.u32 s14;
	s8 =	smov.u32 s9;
	s15 =	sshra.s32 s15, $0x2  }
0x60: {  	s16 =	smov.u32 s7;
	s7 =	sadd.s32 $0x400, s7;
	[sflag:s1] =	ssyncadd.s32 $0xFFFFE000  }
0x61: {  	[tilespmem:s28], [sflag:$0x2] =	stream.indirect.gather [hbm4b:s4+s25], $0x40, s15, s25, $0xb8;
	[tilespmem:$0x12C40] =	vst v63  }
0x62: {  	p1 =	sne.s32 s24, s7;
	_ =	swait.ge [sflag:s29], $0x2000  }
0x63: {  	s15 =	sshra.s32 s16, $0x2;
	[sflag:s29] =	ssyncset.done $0x0  }
0x64: {  	s16 =	sadd.s32 $0x2800, s15;
	[sflag:s29] =	ssyncadd.s32 $0xFFFFE000  }
0x65: {  	[spmem:s2] =	stream.indirect.scatter.add.f32 [tilespmem:s26], [sflag:$0x3], $0x40, s16, s25, $0xb8;
	[tilespmem:$0x12C40] =	vst v63  }
0x66: {  	_ =	swait.ge [sflag:s30], $0x2000  }
0x67: {  	[sflag:s30] =	ssyncset.done $0x0  }
0x68: {  	s15 =	sadd.s32 $0x2880, s15;
	s16 =	sadd.s32 $0xFFFFFFFD, s14;
	[sflag:s30] =	ssyncadd.s32 $0xFFFFE000  }
0x69: {  	[spmem:s2] =	stream.indirect.scatter.add.f32 [tilespmem:s28], [sflag:$0x4], $0x40, s15, s25, $0xb8;
	[tilespmem:$0x12C40] =	vst v63  }
0x6a: {  	p3 =	slt.s32 s16, s19;
	s15 =	smov.u32 s19;
	_ =	swait.ge [sflag:s31], $0x2000  }
0x6b: {  	s15 =	smov.u32 @p3 s16;
	[sflag:s31] =	ssyncset.done $0x0  }
0x6c: {  	s16 =	sadd.s32 $0xFFFFFFFE, s14;
	s15 =	sshll.u32 s15, $0x9;
	[sflag:s31] =	ssyncadd.s32 $0xFFFFE000  }
.Ltmp1:
0x6d: {  	p3 =	slt.s32 s16, s19;
	s15 =	sshra.s32 s15, $0x2;
	(pc) =	sbr.rel @p1 .LBB2_2-.Ltmp1, $4  }
0x6e: {  	[tilespmem:s26], [sflag:$0x1] =	stream.indirect.gather [hbm4b:s4+s25], $0x40, s15, s25, $0xb8;
	[tilespmem:$0x12C40] =	vst v63  }
0x6f: {  	s15 =	smov.u32 s19  }
0x70: {  	s9 =	sadd.s32 $0x1, s9;
	s15 =	smov.u32 @p3 s16;
	_ =	swait.ge [sflag:s1], $0x2000  }
0x71: {  	s14 =	sadd.s32 $0x2, s14;
	[sflag:s1] =	ssyncset.done $0x0;
	s15 =	sshll.u32 s15, $0x9  }
.LBB2_3:
0x72: {  	[sflag:s1] =	ssyncadd.s32 $0xFFFFE000;
	s9 =	sshra.s32 s15, $0x2  }
0x73: {  	[tilespmem:s28], [sflag:$0x2] =	stream.indirect.gather [hbm4b:s4+s25], $0x40, s9, s25, $0xb8;
	[tilespmem:$0x12C40] =	vst v63  }
0x74: {  	_ =	swait.ge [sflag:s29], $0x2000  }
0x75: {  	s7 =	sshra.s32 s7, $0x2;
	[sflag:s29] =	ssyncset.done $0x0  }
0x76: {  	s16 =	sadd.s32 $0x2800, s7;
	[sflag:s29] =	ssyncadd.s32 $0xFFFFE000  }
0x77: {  	[spmem:s2] =	stream.indirect.scatter.add.f32 [tilespmem:s26], [sflag:$0x3], $0x40, s16, s25, $0xb8;
	[tilespmem:$0x12C40] =	vst v63  }
0x78: {  	_ =	swait.ge [sflag:s30], $0x2000  }
0x79: {  	s15 =	smov.u32 s19;
	s9 =	sadd.s32 $0xFFFFFFFD, s14;
	[sflag:s30] =	ssyncset.done $0x0  }
0x7a: {  	s18 =	sadd.s32 $0x2880, s7;
	p1 =	slt.s32 s9, s19;
	[sflag:s30] =	ssyncadd.s32 $0xFFFFE000  }
0x7b: {  	[spmem:s2] =	stream.indirect.scatter.add.f32 [tilespmem:s28], [sflag:$0x4], $0x40, s18, s25, $0xb8;
	[tilespmem:$0x12C40] =	vst v63  }
0x7c: {  	s15 =	smov.u32 @p1 s9;
	_ =	swait.ge [sflag:s31], $0x2000  }
0x7d: {  	p1 =	slt.s32 s6, s19;
	s9 =	sshll.u32 s15, $0x9;
	[sflag:s31] =	ssyncset.done $0x0  }
0x7e: {  	s15 =	smov.u32 s19;
	s9 =	sshra.s32 s9, $0x2;
	[sflag:s31] =	ssyncadd.s32 $0xFFFFE000  }
0x7f: {  	[tilespmem:s26], [sflag:$0x1] =	stream.indirect.gather [hbm4b:s4+s25], $0x40, s9, s25, $0xb8;
	[tilespmem:$0x12C40] =	vst v63  }
0x80: {  	s15 =	smov.u32 @p1 s6;
	_ =	swait.ge [sflag:s1], $0x2000  }
0x81: {  	s6 =	sshll.u32 s15, $0x9;
	[sflag:s1] =	ssyncset.done $0x0  }
0x82: {  	s6 =	sshra.s32 s6, $0x2;
	[sflag:s1] =	ssyncadd.s32 $0xFFFFE000  }
0x83: {  	[tilespmem:s28], [sflag:$0x2] =	stream.indirect.gather [hbm4b:s4+s25], $0x40, s6, s25, $0xb8;
	[tilespmem:$0x12C40] =	vst v63  }
0x84: {  	_ =	swait.ge [sflag:s29], $0x2000  }
0x85: {  	[sflag:s29] =	ssyncset.done $0x0  }
0x86: {  	s6 =	sadd.s32 $0x2900, s7;
	[sflag:s29] =	ssyncadd.s32 $0xFFFFE000  }
0x87: {  	[spmem:s2] =	stream.indirect.scatter.add.f32 [tilespmem:s26], [sflag:$0x3], $0x40, s6, s25, $0xb8;
	[tilespmem:$0x12C40] =	vst v63  }
0x88: {  	_ =	swait.ge [sflag:s30], $0x2000  }
0x89: {  	s15 =	smov.u32 s19;
	s9 =	sadd.s32 $0xFFFFFFFF, s14;
	[sflag:s30] =	ssyncset.done $0x0  }
0x8a: {  	p1 =	slt.s32 s9, s19;
	s7 =	sadd.s32 $0x2980, s7;
	[sflag:s30] =	ssyncadd.s32 $0xFFFFE000  }
0x8b: {  	[spmem:s2] =	stream.indirect.scatter.add.f32 [tilespmem:s28], [sflag:$0x4], $0x40, s7, s25, $0xb8;
	[tilespmem:$0x12C40] =	vst v63  }
0x8c: {  	s15 =	smov.u32 @p1 s9;
	_ =	swait.ge [sflag:s31], $0x2000  }
0x8d: {  	p1 =	slt.s32 s14, s19;
	s9 =	sshll.u32 s15, $0x7;
	[sflag:s31] =	ssyncset.done $0x0  }
0x8e: {  	s15 =	smov.u32 s19;
	s9 =	sand.u32 $0x3FFFFF80, s9;
	[sflag:s31] =	ssyncadd.s32 $0xFFFFE000  }
0x8f: {  	[tilespmem:s26], [sflag:$0x1] =	stream.indirect.gather [hbm4b:s4+s25], $0x40, s9, s25, $0xb8;
	[tilespmem:$0x12C40] =	vst v63  }
0x90: {  	s15 =	smov.u32 @p1 s14;
	_ =	swait.ge [sflag:s1], $0x2000  }
0x91: {  	s14 =	sshll.u32 s15, $0x7;
	[sflag:s1] =	ssyncset.done $0x0  }
0x92: {  	s14 =	sand.u32 $0x3FFFFF80, s14;
	[sflag:s1] =	ssyncadd.s32 $0xFFFFE000  }
0x93: {  	[tilespmem:s28], [sflag:$0x2] =	stream.indirect.gather [hbm4b:s4+s25], $0x40, s14, s25, $0xb8;
	[tilespmem:$0x12C40] =	vst v63  }
0x94: {  	_ =	swait.ge [sflag:s29], $0x2000  }
0x95: {  	[sflag:s29] =	ssyncset.done $0x0  }
0x96: {  	[sflag:s29] =	ssyncadd.s32 $0xFFFFE000  }
0x97: {  	_ =	swait.ge [sflag:s30], $0x2000  }
0x98: {  	[sflag:s30] =	ssyncset.done $0x0  }
0x99: {  	[sflag:s30] =	ssyncadd.s32 $0xFFFFE000  }
0x9a: {  	s15 =	sshll.u32 @p5 s0, $0x6;
	[bflag:$0x0] =	sbarrier.arrive $0xFFFF  }
0x9b: {  	s16 =	sshrl.u32 @p5 s10, $0x3;
	s15 =	sor.u32 @p5 $0x1C05, s15;
	s18 =	rddreg [dreg:$0x9]  }
0x9c: {  	[hbm:s18], [sflag:s15] =	dma.local @p5 [spmem:s16], $0x13C0  }
0x9d: {  	s16 =	simm.s32 @p5 $0x5  }
0x9e: {  	_ =	swait.ge @p5 [sflag:s16], $0x13C0  }
0x9f: {  	s20 =	sld [smem:$0x7FA];
	_ =	sdelay $0x2  }
0xa0: {  	[sflag:s16] =	ssyncset.done @p5 $0x0;
	p1 =	seq.s32 s20, $0x1  }
0xa1: {  	[sflag:s16] =	ssyncadd.s32 @p5 $0xFFFFEC40;
	s16 =	sshrl.u32 @!p1 s10, $0x3  }
0xa2: {  	[spmem:s16], [sflag:s15] =	dma.local @!p1 [hbm:s11], $0x13C0  }
0xa3: {  	s16 =	simm.s32 @!p1 $0x5  }
0xa4: {  	_ =	swait.ge @!p1 [sflag:s16], $0x13C0  }
0xa5: {  	s18 =	sld [smem:$0x7FB];
	_ =	sdelay $0x1  }
0xa6: {  	[sflag:s16] =	ssyncset.done @!p1 $0x0  }
0xa7: {  	[sflag:s16] =	ssyncadd.s32 @!p1 $0xFFFFEC40;
	p1 =	seq.s32 s18, $0x1  }
0xa8: {  	s16 =	sshrl.u32 @!p1 s10, $0x3  }
0xa9: {  	[spmem:s16], [sflag:s15] =	dma.local @!p1 [hbm:s21], $0x13C0  }
0xaa: {  	s15 =	simm.s32 @!p1 $0x5  }
0xab: {  	_ =	swait.ge @!p1 [sflag:s15], $0x13C0  }
0xac: {  	s16 =	sshrl.u32 @!p5 s12, $0x3;
	[sflag:s15] =	ssyncset.done @!p1 $0x0  }
0xad: {  	s18 =	rddreg [dreg:$0xa];
	[sflag:s15] =	ssyncadd.s32 @!p1 $0xFFFFEC40;
	s15 =	simm.s32 @!p5 $0x1FC5  }
0xae: {  	[hbm:s18], [sflag:s15] =	dma.local @!p5 [spmem:s16], $0x1040  }
0xaf: {  	s16 =	simm.s32 @!p5 $0x5  }
0xb0: {  	_ =	swait.ge @!p5 [sflag:s16], $0x1040  }
0xb1: {  	s20 =	sld [smem:$0x7FC];
	_ =	sdelay $0x2  }
0xb2: {  	[sflag:s16] =	ssyncset.done @!p5 $0x0;
	p1 =	seq.s32 s20, $0x1  }
0xb3: {  	[sflag:s16] =	ssyncadd.s32 @!p5 $0xFFFFEFC0;
	s16 =	sshrl.u32 @!p1 s12, $0x3  }
0xb4: {  	[spmem:s16], [sflag:s15] =	dma.local @!p1 [hbm:s22], $0x1040  }
0xb5: {  	s16 =	simm.s32 @!p1 $0x5  }
0xb6: {  	_ =	swait.ge @!p1 [sflag:s16], $0x1040  }
0xb7: {  	s18 =	sld [smem:$0x7FD];
	_ =	sdelay $0x1  }
0xb8: {  	[sflag:s16] =	ssyncset.done @!p1 $0x0  }
0xb9: {  	[sflag:s16] =	ssyncadd.s32 @!p1 $0xFFFFEFC0;
	p1 =	seq.s32 s18, $0x1  }
0xba: {  	s16 =	sshrl.u32 @!p1 s12, $0x3  }
0xbb: {  	[spmem:s16], [sflag:s15] =	dma.local @!p1 [hbm:s13], $0x1040  }
0xbc: {  	s15 =	simm.s32 @!p1 $0x5  }
0xbd: {  	_ =	swait.ge @!p1 [sflag:s15], $0x1040  }
0xbe: {  	[sflag:s15] =	ssyncset.done @!p1 $0x0  }
0xbf: {  	[sflag:s15] =	ssyncadd.s32 @!p1 $0xFFFFEFC0  }
0xc0: {  	[bflag:$0x0] =	sbarrier.arrive $0xFFFF  }
0xc1: {  	[tilespmem:s26], [sflag:$0x1] =	stream.indirect.gather [hbm4b:s5+s25], $0x40, s17, s25, $0xb8;
	[tilespmem:$0x12C40] =	vst v63  }
0xc2: {  	_ = 	snop  }
0xc3: {  	[tilespmem:s28], [sflag:$0x2] =	stream.indirect.gather [hbm4b:s5+s25], $0x40, s25, s25, $0xb8;
	[tilespmem:$0x12C40] =	vst v63  }
0xc4: {  	_ =	swait.ge [sflag:s29], $0x2000  }
0xc5: {  	[sflag:s29] =	ssyncset.done $0x0  }
0xc6: {  	p3 =	sgt.s32 s19, $0x3;
	s20 =	simm.s32 $0x2800;
	[sflag:s29] =	ssyncadd.s32 $0xFFFFE000  }
0xc7: {  	[spmem:s2] =	stream.indirect.scatter.add.f32 [tilespmem:s26], [sflag:$0x3], $0x40, s20, s25, $0xb8;
	[tilespmem:$0x12C40] =	vst v63  }
0xc8: {  	s18 =	smov.u32 s19;
	s16 =	simm.s32 $0x3;
	_ =	swait.ge [sflag:s30], $0x2000  }
0xc9: {  	p1 =	sgt.s32 s19, $0x2;
	s17 =	simm.s32 $0x2;
	[sflag:s30] =	ssyncset.done $0x0  }
0xca: {  	s15 =	simm.s32 $0x2880;
	s18 =	smov.u32 @p1 s17;
	[sflag:s30] =	ssyncadd.s32 $0xFFFFE000  }
0xcb: {  	[spmem:s2] =	stream.indirect.scatter.add.f32 [tilespmem:s28], [sflag:$0x4], $0x40, s15, s25, $0xb8;
	[tilespmem:$0x12C40] =	vst v63  }
0xcc: {  	p1 =	sne.s32 s8, $0x1;
	s17 =	sshll.u32 s18, $0x9;
	_ =	swait.ge [sflag:s31], $0x2000  }
.Ltmp2:
0xcd: {  	s18 =	smov.u32 s19;
	[sflag:s31] =	ssyncset.done $0x0;
	(pc) =	sbr.rel @!p1 .LBB2_5-.Ltmp2, $4  }
0xce: {  	s17 =	sshra.s32 s17, $0x2;
	s18 =	smov.u32 @p3 s16;
	[sflag:s31] =	ssyncadd.s32 $0xFFFFE000  }
0xcf: {  	[tilespmem:s26], [sflag:$0x1] =	stream.indirect.gather [hbm4b:s5+s25], $0x40, s17, s25, $0xb8;
	[tilespmem:$0x12C40] =	vst v63  }
0xd0: {  	s18 =	sshll.u32 s18, $0x9;
	_ =	swait.ge [sflag:s1], $0x2000  }
0xd1: {  	s17 =	sadd.s32 $0xFFFFFFFF, s8;
	s8 =	simm.s32 $0x2980;
	[sflag:s1] =	ssyncset.done $0x0  }
.LBB2_4:
0xd2: {  	s15 =	smov.u32 s8  }
0xd3: {  	s18 =	sshra.s32 s18, $0x2;
	s16 =	sadd.s32 $0x2, s16;
	[sflag:s1] =	ssyncadd.s32 $0xFFFFE000  }
0xd4: {  	[tilespmem:s28], [sflag:$0x2] =	stream.indirect.gather [hbm4b:s5+s25], $0x40, s18, s25, $0xb8;
	[tilespmem:$0x12C40] =	vst v63  }
0xd5: {  	p1 =	sne.s32 s17, $0x1;
	s17 =	sadd.s32 $0xFFFFFFFF, s17;
	_ =	swait.ge [sflag:s29], $0x2000  }
0xd6: {  	[sflag:s29] =	ssyncset.done $0x0  }
0xd7: {  	s18 =	sadd.s32 $0xFFFFFF80, s8;
	[sflag:s29] =	ssyncadd.s32 $0xFFFFE000  }
0xd8: {  	[spmem:s2] =	stream.indirect.scatter.add.f32 [tilespmem:s26], [sflag:$0x3], $0x40, s18, s25, $0xb8;
	[tilespmem:$0x12C40] =	vst v63  }
0xd9: {  	_ =	swait.ge [sflag:s30], $0x2000  }
0xda: {  	[sflag:s30] =	ssyncset.done $0x0  }
0xdb: {  	s18 =	sadd.s32 $0xFFFFFFFF, s16;
	[sflag:s30] =	ssyncadd.s32 $0xFFFFE000  }
0xdc: {  	[spmem:s2] =	stream.indirect.scatter.add.f32 [tilespmem:s28], [sflag:$0x4], $0x40, s8, s25, $0xb8;
	[tilespmem:$0x12C40] =	vst v63  }
0xdd: {  	s20 =	smov.u32 s19;
	p3 =	slt.s32 s18, s19;
	_ =	swait.ge [sflag:s31], $0x2000  }
0xde: {  	s20 =	smov.u32 @p3 s18;
	[sflag:s31] =	ssyncset.done $0x0  }
0xdf: {  	s18 =	sshll.u32 s20, $0x9;
	[sflag:s31] =	ssyncadd.s32 $0xFFFFE000  }
.Ltmp3:
0xe0: {  	p3 =	slt.s32 s16, s19;
	s18 =	sshra.s32 s18, $0x2;
	(pc) =	sbr.rel @p1 .LBB2_4-.Ltmp3, $4  }
0xe1: {  	[tilespmem:s26], [sflag:$0x1] =	stream.indirect.gather [hbm4b:s5+s25], $0x40, s18, s25, $0xb8;
	[tilespmem:$0x12C40] =	vst v63  }
0xe2: {  	s18 =	smov.u32 s19  }
0xe3: {  	s18 =	smov.u32 @p3 s16;
	_ =	swait.ge [sflag:s1], $0x2000  }
0xe4: {  	s8 =	sadd.s32 $0x100, s8;
	[sflag:s1] =	ssyncset.done $0x0;
	s18 =	sshll.u32 s18, $0x9  }
.LBB2_5:
0xe5: {  	[sflag:s1] =	ssyncadd.s32 $0xFFFFE000;
	s17 =	sshra.s32 s18, $0x2  }
0xe6: {  	[tilespmem:s28], [sflag:$0x2] =	stream.indirect.gather [hbm4b:s5+s25], $0x40, s17, s25, $0xb8;
	[tilespmem:$0x12C40] =	vst v63  }
0xe7: {  	_ =	swait.ge [sflag:s29], $0x2000  }
0xe8: {  	[sflag:s29] =	ssyncset.done $0x0  }
0xe9: {  	s15 =	sadd.s32 $0x80, s15;
	[sflag:s29] =	ssyncadd.s32 $0xFFFFE000  }
0xea: {  	[spmem:s2] =	stream.indirect.scatter.add.f32 [tilespmem:s26], [sflag:$0x3], $0x40, s15, s25, $0xb8;
	[tilespmem:$0x12C40] =	vst v63  }
0xeb: {  	_ =	swait.ge [sflag:s30], $0x2000  }
0xec: {  	[sflag:s30] =	ssyncset.done $0x0  }
0xed: {  	s15 =	sadd.s32 $0x2, s16;
	[sflag:s30] =	ssyncadd.s32 $0xFFFFE000  }
0xee: {  	[spmem:s2] =	stream.indirect.scatter.add.f32 [tilespmem:s28], [sflag:$0x4], $0x40, s8, s25, $0xb8;
	[tilespmem:$0x12C40] =	vst v63  }
0xef: {  	s8 =	sadd.s32 $0xFFFFFFFF, s15  }
0xf0: {  	s16 =	smov.u32 s19;
	p1 =	slt.s32 s8, s19  }
0xf1: {  	_ =	swait.ge [sflag:s31], $0x2000;
	s16 =	smov.u32 @p1 s8  }
0xf2: {  	[sflag:s31] =	ssyncset.done $0x0;
	p1 =	slt.s32 s15, s19;
	s8 =	sshll.u32 s16, $0x9  }
0xf3: {  	[sflag:s31] =	ssyncadd.s32 $0xFFFFE000;
	s16 =	smov.u32 s19;
	s8 =	sshra.s32 s8, $0x2  }
0xf4: {  	[tilespmem:s26], [sflag:$0x1] =	stream.indirect.gather [hbm4b:s5+s25], $0x40, s8, s25, $0xb8;
	[tilespmem:$0x12C40] =	vst v63  }
0xf5: {  	s16 =	smov.u32 @p1 s15;
	_ =	swait.ge [sflag:s1], $0x2000  }
0xf6: {  	s20 =	sshll.u32 s16, $0x9;
	[sflag:s1] =	ssyncset.done $0x0  }
0xf7: {  	s8 =	sshra.s32 s20, $0x2;
	[sflag:s1] =	ssyncadd.s32 $0xFFFFE000  }
0xf8: {  	[tilespmem:s28], [sflag:$0x2] =	stream.indirect.gather [hbm4b:s5+s25], $0x40, s8, s25, $0xb8;
	[tilespmem:$0x12C40] =	vst v63  }
0xf9: {  	_ =	swait.ge [sflag:s29], $0x2000  }
0xfa: {  	[sflag:s29] =	ssyncset.done $0x0  }
0xfb: {  	[sflag:s29] =	ssyncadd.s32 $0xFFFFE000  }
0xfc: {  	[spmem:s2] =	stream.indirect.scatter.add.f32 [tilespmem:s26], [sflag:$0x3], $0x40, s6, s25, $0xb8;
	[tilespmem:$0x12C40] =	vst v63  }
0xfd: {  	_ =	swait.ge [sflag:s30], $0x2000  }
0xfe: {  	[sflag:s30] =	ssyncset.done $0x0  }
0xff: {  	[sflag:s30] =	ssyncadd.s32 $0xFFFFE000  }
0x100: {  	[spmem:s2] =	stream.indirect.scatter.add.f32 [tilespmem:s28], [sflag:$0x4], $0x40, s7, s25, $0xb8;
	[tilespmem:$0x12C40] =	vst v63  }
0x101: {  	_ =	swait.ge [sflag:s31], $0x2000  }
0x102: {  	[sflag:s31] =	ssyncset.done $0x0  }
0x103: {  	[sflag:s31] =	ssyncadd.s32 $0xFFFFE000  }
0x104: {  	[tilespmem:s26], [sflag:$0x1] =	stream.indirect.gather [hbm4b:s5+s25], $0x40, s9, s25, $0xb8;
	[tilespmem:$0x12C40] =	vst v63  }
0x105: {  	_ =	swait.ge [sflag:s1], $0x2000  }
0x106: {  	[sflag:s1] =	ssyncset.done $0x0  }
0x107: {  	[sflag:s1] =	ssyncadd.s32 $0xFFFFE000  }
0x108: {  	[tilespmem:s28], [sflag:$0x2] =	stream.indirect.gather [hbm4b:s5+s25], $0x40, s14, s25, $0xb8;
	[tilespmem:$0x12C40] =	vst v63  }
0x109: {  	_ =	swait.ge [sflag:s29], $0x2000  }
0x10a: {  	[sflag:s29] =	ssyncset.done $0x0  }
0x10b: {  	[sflag:s29] =	ssyncadd.s32 $0xFFFFE000  }
0x10c: {  	_ =	swait.ge [sflag:s30], $0x2000  }
0x10d: {  	[sflag:s30] =	ssyncset.done $0x0  }
0x10e: {  	[sflag:s30] =	ssyncadd.s32 $0xFFFFE000  }
0x10f: {  	[bflag:$0x0] =	sbarrier.arrive $0xFFFF  }
0x110: {  	s6 =	sshrl.u32 @p6 s12, $0x3;
	s7 =	simm.s32 @p6 $0x1FC5;
	s8 =	rddreg [dreg:$0xc]  }
0x111: {  	[hbm:s8], [sflag:s7] =	dma.local @p6 [spmem:s6], $0x1040  }
0x112: {  	s3 =	sadd.s32 $0x1, s3;
	s6 =	simm.s32 @p6 $0x5  }
0x113: {  	p1 =	sne.s32 s3, s23;
	_ =	swait.ge @p6 [sflag:s6], $0x1040  }
0x114: {  	s7 =	sshll.u32 @!p6 s0, $0x6;
	[sflag:s6] =	ssyncset.done @p6 $0x0;
	s8 =	rddreg [dreg:$0xb]  }
0x115: {  	[sflag:s6] =	ssyncadd.s32 @p6 $0xFFFFEFC0;
	s6 =	sor.u32 @!p6 $0x1C05, s7;
	s7 =	sshrl.u32 @!p6 s10, $0x3  }
0x116: {  	[hbm:s8], [sflag:s6] =	dma.local @!p6 [spmem:s7], $0x13C0  }
.Ltmp4:
0x117: {  	_ = 	snop;
	(pc) =	sbr.rel @p1 .LBB2_1-.Ltmp4, $4  }
0x118: {  	s6 =	simm.s32 @!p6 $0x5  }
0x119: {  	_ =	swait.ge @!p6 [sflag:s6], $0x13C0  }
0x11a: {  	[sflag:s6] =	ssyncset.done @!p6 $0x0  }
0x11b: {  	s17 =	simm.s32 $0x0;
	[sflag:s6] =	ssyncadd.s32 @!p6 $0xFFFFEC40  }
0x11c: {  	_ =	sfence.sel $0x180000  }
0x11d: {  	[bflag:$0x0] =	sbarrier.arrive $0xFFFF  }
0x11e: {  	_ =	strace $0x9000004A  }
0x11f: {  	[bflag:$0x2] =	sbarrier.arrive $0xFFFF  }
0x120: {  	p0 =	sne.s32 s0, $0x0;
	s0 =	rddreg [dreg:$0x2]  }
0x121: {  	s0 =	sadd.s32 @!p0 $0x100000, s0  }
0x122: {  	[sflag:s0] =	ssyncadd.tile.s32 @!p0 $0x1;
	_ =	shalt  }
.Lfunc_end2:
_tile_overlayer_lowered:
.L_overlay_start_2:
0x123: {  	(tag) =	ssettag $0x2  }
0x124: {  	s0 =	rddreg [dreg:$0x0];
	s2 =	stileid.u32  }
0x125: {  	s1 =	rddreg [dreg:$0x1];
	p0 =	sne.s32 s2, $0x0  }
0x126: {  	s3 =	rddreg [dreg:$0x2];
	[bflag:$0x3] =	sbarrier.arrive $0xFFFF;
	s2 =	simm.s32 @!p0 $0x1C05  }
0x127: {  	[timem:s3], [sflag:s2] =	dma.local @!p0 [hbm:s0], s1  }
0x128: {  	s0 =	simm.s32 @!p0 $0x5  }
0x129: {  	_ =	swait.ge @!p0 [sflag:s0], s1  }
0x12a: {  	s1 =	ssub.s32 @!p0 $0x0, s1;
	[sflag:s0] =	ssyncset.done @!p0 $0x0  }
0x12b: {  	[sflag:s0] =	ssyncadd.s32 @!p0 s1  }
0x12c: {  	[bflag:$0x3] =	sbarrier.arrive $0xFFFF  }
0x12d: {  	_ =	shalt  }

// kernel: kernel.15.cloned.1.call-start
scs
__scs_entry_jumppad:
0x0: {  	(pc) =	sbr.rel $0x88, $3  }
0x1: {  	(tag) =	ssettag $0x0;
	lr =	simm.s32 $0x1  }
0x2: {  	[smem:$0x3F96] =	sst lr;
	_ =	strace $0xD0000000  }
0x3: {  	_ = 	snop  }
0x4: {  	_ = 	snop  }
0x5: {  	_ = 	snop  }
0x6: {  	_ = 	snop  }
0x7: {  	_ = 	snop  }
__scs_overlays_trampoline_lowered:
0x8: {  	[smem:$0x3FA5] =	sst s0  }
0x9: {  	[smem:$0x3FA6] =	sst s1  }
0xa: {  	[smem:$0x3FA7] =	sst s2  }
0xb: {  	[smem:$0x3FA8] =	sst s3  }
0xc: {  	[smem:$0x3FA9] =	sst s4  }
0xd: {  	[smem:$0x3FAA] =	sst s5  }
0xe: {  	[smem:$0x3FAB] =	sst s6  }
0xf: {  	[smem:$0x3FAC] =	sst s7  }
0x10: {  	[smem:$0x3FAD] =	sst s8  }
0x11: {  	[smem:$0x3FAE] =	sst s9;
	s0 =	simm.s32 @!p0 $0x0  }
0x12: {  	s1 =	sld [smem:$0x3F94];
	s0 =	simm.s32 @p0 $0x1  }
0x13: {  	[smem:$0x3FAF] =	sst s0;
	s0 =	simm.s32 @!p1 $0x0  }
0x14: {  	s2 =	sld [smem:$0x3F93];
	s0 =	simm.s32 @p1 $0x1  }
0x15: {  	[smem:$0x3FB0] =	sst s0;
	s0 =	simm.s32 @!p2 $0x0  }
0x16: {  	s3 =	sld [smem:$0x3FDB];
	s0 =	simm.s32 @p2 $0x1  }
0x17: {  	s4 =	simm.s32 $0x1BF5;
	[smem:$0x3FB2] =	sst s0  }
0x18: {  	s0 =	sld [smem:$0x3F95];
	_ =	swait.ge [sflag:s4], $0x0  }
0x19: {  	s7 =	sld [smem:$0x3F96]  }
0x1a: {  	s8 =	sadd.s32 $0xFFFFE003, lr  }
0x1b: {  	s9 =	sadd.s32 $0xFFFFFEF7, lr;
	s5 =	simm.s32 $0xFFFFFFFF;
	p2 =	slt.u32 s8, $0xFFFFF086  }
0x1c: {  	p1 =	slt.u32 s9, $0xF7A;
	s5 =	simm.s32 @!p2 $0x0  }
0x1d: {  	s5 =	simm.s32 @p1 $0x1;
	p0 =	seq.s32 s7, s2  }
0x1e: {  	s7 =	smul.u32 @!p0 $0xF7A, s2;
	p2 =	seq.s32 @!p0 s5, $0x0  }
0x1f: {  	s9 =	smul.u32 $0xF7A, s1;
	s8 =	simm.s32 @!p0 $0x1BF5;
	p2 =	por !p2, p0  }
0x20: {  	[sflag:s8] =	ssyncset.s32 @!p0 $0xFFFFF086;
	s6 =	sadd.s32 @!p0 s3, s7;
	s7 =	simm.s32 @!p0 $0x108  }
0x21: {  	s3 =	sadd.s32 s3, s9;
	s6 =	sadd.s32 @!p0 $0x88, s6;
	s7 =	simm.s32 @p2 $0x1082  }
0x22: {  	[simem:s7], [sflag:s8] =	dma.local @!p0 [hbm:s6], $0xF7A  }
0x23: {  	s9 =	sor.u32 $0xD0000000, s2;
	s6 =	simm.s32 $0x108;
	_ =	swait.ge @!p0 [sflag:s8], $0x0  }
0x24: {  	s3 =	sadd.s32 $0x88, s3;
	s6 =	simm.s32 @!p1 $0x1082;
	[sflag:s4] =	ssyncset.s32 $0xFFFFF086  }
0x25: {  	[simem:s6], [sflag:s4] =	dma.local [hbm:s3], $0xF7A  }
0x26: {  	[smem:$0x3F96] =	sst s1;
	(tag) =	ssettag s2;
	_ =	strace s9  }
0x27: {  	s1 =	sld [smem:$0x3FA6]  }
0x28: {  	s2 =	sld [smem:$0x3FA7]  }
0x29: {  	s4 =	sld [smem:$0x3FA9]  }
0x2a: {  	p0 =	seq.s32 s5, $0x0;
	s5 =	sld [smem:$0x3FAA]  }
0x2b: {  	s6 =	sld [smem:$0x3FAB]  }
0x2c: {  	s7 =	sld [smem:$0x3FAC]  }
0x2d: {  	s3 =	simm.s32 $0x108;
	s8 =	sld [smem:$0x3FAD]  }
0x2e: {  	s3 =	simm.s32 @!p0 $0x1082;
	s9 =	sld [smem:$0x3FAE]  }
0x2f: {  	lr =	sadd.s32 s0, s3;
	s0 =	sld [smem:$0x3FA5]  }
0x30: {  	s3 =	sld [smem:$0x3FA8]  }
0x31: {  	[smem:$0x3FB1] =	sst s10  }
0x32: {  	s10 =	sld [smem:$0x3FAF];
	_ =	sdelay $0x3  }
0x33: {  	p0 =	seq.s32 s10, $0x1;
	s10 =	sld [smem:$0x3FB1];
	_ =	sdelay $0x3  }
0x34: {  	[smem:$0x3FB1] =	sst s10  }
0x35: {  	s10 =	sld [smem:$0x3FB0];
	_ =	sdelay $0x3  }
0x36: {  	p1 =	seq.s32 s10, $0x1;
	s10 =	sld [smem:$0x3FB1];
	_ =	sdelay $0x3  }
0x37: {  	[smem:$0x3FB1] =	sst s10  }
0x38: {  	s10 =	sld [smem:$0x3FB2]  }
0x39: {  	_ = 	snop;
	(pc) =	sbr.ind lr, $3  }
0x3a: {  	_ = 	snop  }
0x3b: {  	_ = 	snop  }
0x3c: {  	p2 =	seq.s32 s10, $0x1;
	s10 =	sld [smem:$0x3FB1]  }
0x3d: {  	_ =	shalt  }
0x3e: {  	_ =	shalt  }
0x3f: {  	_ =	shalt  }
0x40: {  	_ =	shalt  }
0x41: {  	_ =	shalt  }
0x42: {  	_ =	shalt  }
0x43: {  	_ =	shalt  }
0x44: {  	_ =	shalt  }
0x45: {  	_ =	shalt  }
0x46: {  	_ =	shalt  }
0x47: {  	_ =	shalt  }
0x48: {  	_ =	shalt  }
0x49: {  	_ =	shalt  }
0x4a: {  	_ =	shalt  }
0x4b: {  	_ =	shalt  }
0x4c: {  	_ =	shalt  }
0x4d: {  	_ =	shalt  }
0x4e: {  	_ =	shalt  }
0x4f: {  	_ =	shalt  }
0x50: {  	_ =	shalt  }
0x51: {  	_ =	shalt  }
0x52: {  	_ =	shalt  }
0x53: {  	_ =	shalt  }
0x54: {  	_ =	shalt  }
0x55: {  	_ =	shalt  }
0x56: {  	_ =	shalt  }
0x57: {  	_ =	shalt  }
0x58: {  	_ =	shalt  }
0x59: {  	_ =	shalt  }
0x5a: {  	_ =	shalt  }
0x5b: {  	_ =	shalt  }
0x5c: {  	_ =	shalt  }
0x5d: {  	_ =	shalt  }
0x5e: {  	_ =	shalt  }
0x5f: {  	_ =	shalt  }
0x60: {  	_ =	shalt  }
0x61: {  	_ =	shalt  }
0x62: {  	_ =	shalt  }
0x63: {  	_ =	shalt  }
0x64: {  	_ =	shalt  }
0x65: {  	_ =	shalt  }
0x66: {  	_ =	shalt  }
0x67: {  	_ =	shalt  }
0x68: {  	_ =	shalt  }
0x69: {  	_ =	shalt  }
0x6a: {  	_ =	shalt  }
0x6b: {  	_ =	shalt  }
0x6c: {  	_ =	shalt  }
0x6d: {  	_ =	shalt  }
0x6e: {  	_ =	shalt  }
0x6f: {  	_ =	shalt  }
0x70: {  	_ =	shalt  }
0x71: {  	_ =	shalt  }
0x72: {  	_ =	shalt  }
0x73: {  	_ =	shalt  }
0x74: {  	_ =	shalt  }
0x75: {  	_ =	shalt  }
0x76: {  	_ =	shalt  }
0x77: {  	_ =	shalt  }
0x78: {  	_ =	shalt  }
0x79: {  	_ =	shalt  }
0x7a: {  	_ =	shalt  }
0x7b: {  	_ =	shalt  }
0x7c: {  	_ =	shalt  }
0x7d: {  	_ =	shalt  }
0x7e: {  	_ =	shalt  }
0x7f: {  	_ =	shalt  }
0x80: {  	_ =	shalt  }
0x81: {  	_ =	shalt  }
0x82: {  	_ =	shalt  }
0x83: {  	_ =	shalt  }
0x84: {  	_ =	shalt  }
0x85: {  	_ =	shalt  }
0x86: {  	_ =	shalt  }
0x87: {  	_ =	shalt  }
.Lfunc_end0:
.L_simem_size_0:
called_computation.2_lowered:
.L_overlay_start_0:
0x88: {  	s2 =	sld [smem:$0x3FD9]  }
0x89: {  	s3 =	sld [smem:$0x3FFE];
	_ =	sdelay $0x1  }
0x8a: {  	s1 =	srdreg.scid  }
0x8b: {  	s0 =	sand.u32 $0x1, s1  }
0x8c: {  	s16 =	sshll.u32 s0, $0xA;
	s2 =	sadd.s32 s3, s2  }
0x8d: {  	s2 =	sadd.s32 s2, s16  }
0x8e: {  	[smem:$0x3FBD] =	sst s2  }
0x8f: {  	_ = 	snop  }
0x90: {  	(tm) =	ssettm $0x1  }
0x91: {  	s17 =	sld [smem:$0x3FFB];
	_ =	sdelay $0x3  }
0x92: {  	_ =	strace s17  }
0x93: {  	s2 =	sld [smem:$0x3FFC];
	_ =	sdelay $0x3  }
0x94: {  	_ =	strace s2  }
0x95: {  	s2 =	sld [smem:$0x3FFD];
	_ =	sdelay $0x3  }
0x96: {  	_ =	strace s2  }
0x97: {  	_ =	strace $0x8FFFFFFF  }
0x98: {  	s18 =	sld [smem:$0x3FDB];
	_ =	sdelay $0x1  }
0x99: {  	s19 =	simm.s32 $_scs_section_size  }
0x9a: {  	s4 =	simm.s32 $_size__tile_overlayer_lowered;
	s5 =	simm.s32 $_tile_overlayer_lowered  }
0x9b: {  	s22 =	simm.s32 $0x1BFF;
	s21 =	sshll.u32 s5, $0x1;
	s2 =	sadd.s32 s19, s18  }
0x9c: {  	s6 =	simm.s32 $0x0;
	s20 =	sshll.u32 s4, $0x1;
	s4 =	sadd.s32 s21, s2  }
0x9d: {  	[timem:s6], [sflag:s22] =	dma.local [hbm:s4], s20  }
0x9e: {  	_ =	swait.ge [sflag:s22], s20  }
0x9f: {  	s3 =	ssub.s32 $0x0, s20;
	[sflag:s22] =	ssyncset.done $0x0  }
0xa0: {  	[sflag:s22] =	ssyncadd.s32 s3;
	_ =	sdelay $0x1  }
0xa1: {  	s23 =	simm.s32 $0x1B8B  }
0xa2: {  	_ =	swait.ge [sflag:s23], $0x1  }
0xa3: {  	[sflag:s23] =	ssyncset.done $0x0  }
0xa4: {  	s25 =	simm.s32 $0x1B8E;
	s24 =	sld [smem:$0x3FFE];
	[sflag:s23] =	ssyncadd.s32 $0xFFFFFFFF  }
0xa5: {  	s26 =	simm.s32 $execute0_lowered;
	[smem:$0x3FD2] =	sst s25  }
0xa6: {  	s4 =	sshll.u32 s26, $0x1;
	_ =	strace $0x8000004C;
	[dreg:$0x1] =	wrdreg $0xFFFFFFFF  }
0xa7: {  	s28 =	simm.s32 $_size_execute0_lowered;
	s2 =	sadd.s32 s2, s4;
	[dreg:$0x0] =	wrdreg $0x0  }
0xa8: {  	s4 =	sshll.u32 s28, $0x1;
	[dreg:$0x2] =	wrdreg s2  }
0xa9: {  	[dreg:$0x3] =	wrdreg s4  }
0xaa: {  	[dreg:$0x4] =	wrdreg $0xC0  }
0xab: {  	_ =	task [dreg:s6], $0x5FFFF  }
0xac: {  	[dreg:$0x1] =	wrdreg $0xFFFFFFFF  }
0xad: {  	[dreg:$0x0] =	wrdreg $0x60  }
0xae: {  	[dreg:$0x2] =	wrdreg s24  }
0xaf: {  	[dreg:$0x3] =	wrdreg $0x90000  }
0xb0: {  	[dreg:$0x4] =	wrdreg $0x9  }
0xb1: {  	_ =	task.clear_ibuf [dreg:s6], $0x5FFFF;
	_ =	strace $0x9000004C  }
0xb2: {  	s29 =	simm.s32 $0x9;
	_ =	strace $0x8000004E  }
0xb3: {  	_ =	swait.ge [sflag:s29], $0x1  }
0xb4: {  	[sflag:s29] =	ssyncadd.s32 $0xFFFFFFFF  }
0xb5: {  	_ =	strace $0x9000004E  }
0xb6: {  	_ =	sfence  }
0xb7: {  	s30 =	sld [smem:$0x0];
	_ =	sdelay $0x2  }
0xb8: {  	s31 =	sshll.u32 s1, $0xD;
	s1 =	sshrl.u32 s1, $0x2  }
0xb9: {  	s3 =	sand.u32 $0x4000, s31;
	s1 =	sadd.s32 s1, s30  }
0xba: {  	s0 =	sor.u32 s3, s0;
	s1 =	sshll.u32 s1, $0x11  }
0xbb: {  	s0 =	sor.u32 s1, s0  }
0xbc: {  	s0 =	sadd.s32 $0x8F2B, s0  }
0xbd: {  	[sflag:s0] =	ssyncadd.remote.s32 $0x1  }
0xbe: {  	_ =	sfence.sel $0xFFFF  }
0xbf: {  	[dreg:$0x0] =	wrdreg $0xFFFFFFFF;
	(pc) =	sbr.abs _section_cstart, $3  }
0xc0: {  	[dreg:$0x1] =	wrdreg $0xFFFFFFFF  }
0xc1: {  	_ =	task.clear_ibuf [dreg:s6], $0x2FFFF;
	_ =	strace $0x9FFFFFFF  }
0xc2: {  	(tm) =	ssettm $0x7FFFFFFF  }
0xc3: {  	_ =	shalt  }
tec
execute0_lowered:
.L_overlay_start_1:
0x0: {  	(tag) =	ssettag $0x1  }
0x1: {  	s0 =	srdreg.scid;
	s3 =	rddreg [dreg:$0x0]  }
0x2: {  	s2 =	rddreg [dreg:$0x1];
	s17 =	simm.s32 $0x0;
	s28 =	simm.s32 $0x7000  }
0x3: {  	s29 =	simm.s32 $0x1;
	s30 =	simm.s32 $0x2;
	s31 =	simm.s32 $0x3  }
0x4: {  	s1 =	sand.u32 $0x1, s0;
	s0 =	stileid.u32;
	[smem:$0x7FF] =	sst s17  }
0x5: {  	s5 =	sadd.s32 $0x73E00, s3;
	s14 =	sadd.s32 $0xD5E00, s3;
	s15 =	sadd.s32 $0xAEC00, s3  }
0x6: {  	s21 =	sadd.s32 $0xCD00, s3;
	s22 =	sadd.s32 $0x16B00, s3;
	s13 =	sadd.s32 $0xADA40, s3  }
0x7: {  	s24 =	sadd.s32 $0x9A040, s3;
	_ =	strace $0x8000004D;
	[dreg:$0x5] =	wrdreg s21  }
0x8: {  	s4 =	sshll.u32 s1, $0x4;
	s8 =	smul.u32 $0x9E00, s0;
	[dreg:$0x6] =	wrdreg s22  }
0x9: {  	s10 =	ssub.s32 $0x2, s1;
	s23 =	smul.u32 $0x9C400, s1;
	[dreg:$0x8] =	wrdreg s24  }
0xa: {  	s22 =	sadd.s32 $0x86640, s3;
	p1 =	sne.s32 s1, $0x0;
	p5 =	sne.s32 s0, $0xF  }
0xb: {  	s6 =	sor.u32 s0, s4;
	s4 =	sadd.s32 $0x87800, s3;
	s12 =	sshrl.u32 s10, $0x1  }
0xc: {  	p2 =	seq.s32 @p1 s0, $0xF;
	p4 =	seq.s32 @!p1 s0, $0xF;
	p6 =	seq.s32 @!p5 s1, $0x0  }
0xd: {  	s7 =	smul.u32 $0x500, s6;
	s9 =	sshrl.u32 s8, $0x3;
	p0 =	seq.s32 s6, $0x1F  }
0xe: {  	s6 =	simm.s32 $0x14;
	s16 =	ssub.s32 s10, s12;
	s10 =	sadd.s32 s8, s2  }
0xf: {  	s12 =	sadd.s32 $0x94200, s2;
	s8 =	sadd.s32 s8, s23;
	p3 =	por !p2, !p1  }
0x10: {  	p2 =	por p2, !p1;
	s11 =	sadd.s32 s9, s3;
	s6 =	simm.s32 @!p0 $0x50  }
0x11: {  	s18 =	sadd.s32 s4, s9;
	s8 =	sshrl.u32 s8, $0x3;
	s21 =	sadd.s32 s5, s9  }
0x12: {  	s7 =	sadd.s32 s7, s3;
	s11 =	sadd.s32 $0x9B200, s11;
	[dreg:$0x7] =	wrdreg s18  }
0x13: {  	s25 =	sadd.s32 s14, s8;
	s8 =	sadd.s32 s15, s8;
	s19 =	sadd.s32 $0xFFFFFFFF, s6  }
0x14: {  	s26 =	sshll.u32 s6, $0x9;
	s3 =	simm.s32 @!p3 $0x0;
	[dreg:$0x9] =	wrdreg s25  }
0x15: {  	s20 =	sadd.s32 $0x3200, s7;
	s7 =	sadd.s32 $0xD000, s7;
	[dreg:$0xb] =	wrdreg s8  }
0x16: {  	s24 =	sadd.s32 $0xFFFFF800, s26;
	s3 =	simm.s32 @p3 $0x1;
	p3 =	por !p4, p1  }
0x17: {  	p4 =	por p4, p1;
	p1 =	sne.s32 @p5 s1, $0x0;
	s25 =	simm.s32 $0x80  }
0x18: {  	s26 =	simm.s32 $0x5000;
	[smem:$0x7F8] =	sst s3;
	s3 =	simm.s32 @!p3 $0x0  }
0x19: {  	[dreg:$0x3] =	wrdreg s20;
	s3 =	simm.s32 @p3 $0x1;
	p3 =	por !p1, !p5  }
0x1a: {  	[dreg:$0x4] =	wrdreg s7;
	s7 =	sshrl.u32 s23, $0x3;
	s1 =	simm.s32 @!p3 $0x0  }
0x1b: {  	s23 =	smax.u32 s16, $0x1;
	p1 =	por p1, !p5;
	s1 =	simm.s32 @p3 $0x1  }
0x1c: {  	s7 =	sadd.s32 $0x12840, s7;
	[smem:$0x7FA] =	sst s1;
	s1 =	simm.s32 @!p1 $0x0  }
0x1d: {  	[smem:$0x7F9] =	sst s3;
	s1 =	simm.s32 @p1 $0x1;
	p1 =	por !p6, p5  }
0x1e: {  	s14 =	sadd.s32 s14, s7;
	[smem:$0x7FB] =	sst s1;
	s1 =	simm.s32 @!p1 $0x0  }
0x1f: {  	[dreg:$0xa] =	wrdreg s14;
	s1 =	simm.s32 @p1 $0x1;
	p1 =	por p6, p5  }
0x20: {  	s7 =	sadd.s32 s15, s7;
	[smem:$0x7FC] =	sst s1;
	s1 =	simm.s32 @!p1 $0x0  }
0x21: {  	s3 =	simm.s32 $0x0;
	[dreg:$0xc] =	wrdreg s7;
	s1 =	simm.s32 @p1 $0x1  }
0x22: {  	p6 =	seq.s32 s0, $0xF;
	[smem:$0x7FD] =	sst s1;
	s1 =	simm.s32 $0x4  }
.LBB2_1:
0x23: {  	s6 =	simm.s32 @p0 $0x0;
	s7 =	rddreg [dreg:$0x5]  }
0x24: {  	[tilespmem:s6], [sflag:$0x5] =	stream.linear.gather @p0 [hbm4b:s7+s6], $0xA00, $0x38;
	[tilespmem:$0x12C40] =	vst v63  }
0x25: {  	s7 =	simm.s32 @p0 $0x5  }
0x26: {  	_ =	swait.ge @p0 [sflag:s7], $0xA00  }
0x27: {  	[sflag:s7] =	ssyncset.done @p0 $0x0  }
0x28: {  	s8 =	simm.s32 @p0 $0x2800;
	s9 =	rddreg [dreg:$0x6];
	[sflag:s7] =	ssyncadd.s32 @p0 $0xFFFFF600  }
0x29: {  	[tilespmem:s8], [sflag:$0x5] =	stream.linear.gather @p0 [hbm4b:s9+s6], $0xA00, $0x38;
	[tilespmem:$0x12C40] =	vst v63  }
0x2a: {  	_ =	swait.ge @p0 [sflag:s7], $0xA00  }
0x2b: {  	[sflag:s7] =	ssyncset.done @p0 $0x0  }
0x2c: {  	s6 =	simm.s32 @!p0 $0x0;
	[sflag:s7] =	ssyncadd.s32 @p0 $0xFFFFF600;
	s7 =	rddreg [dreg:$0x3]  }
0x2d: {  	[tilespmem:s6], [sflag:$0x5] =	stream.linear.gather @!p0 [hbm4b:s7+s6], $0x2800, $0x38;
	[tilespmem:$0x12C40] =	vst v63  }
0x2e: {  	s7 =	simm.s32 @!p0 $0x5  }
0x2f: {  	_ =	swait.ge @!p0 [sflag:s7], $0x2800  }
0x30: {  	[sflag:s7] =	ssyncset.done @!p0 $0x0  }
0x31: {  	s8 =	simm.s32 @!p0 $0x2800;
	s9 =	rddreg [dreg:$0x4];
	[sflag:s7] =	ssyncadd.s32 @!p0 $0xFFFFD800  }
0x32: {  	[tilespmem:s8], [sflag:$0x5] =	stream.linear.gather @!p0 [hbm4b:s9+s6], $0x2800, $0x38;
	[tilespmem:$0x12C40] =	vst v63  }
0x33: {  	_ =	swait.ge @!p0 [sflag:s7], $0x2800  }
0x34: {  	s15 =	sld [smem:$0x7F8];
	_ =	sdelay $0x2  }
0x35: {  	[sflag:s7] =	ssyncset.done @!p0 $0x0;
	p1 =	seq.s32 s15, $0x1  }
0x36: {  	[sflag:s7] =	ssyncadd.s32 @!p0 $0xFFFFD800;
	s6 =	sshrl.u32 @!p1 s12, $0x3;
	s7 =	simm.s32 @!p1 $0x1FC5  }
0x37: {  	[spmem:s6], [sflag:s7] =	dma.local @!p1 [hbm:s13], $0x1040  }
0x38: {  	s6 =	simm.s32 @!p1 $0x5  }
0x39: {  	_ =	swait.ge @!p1 [sflag:s6], $0x1040  }
0x3a: {  	s7 =	sshll.u32 @!p2 s0, $0x6;
	[sflag:s6] =	ssyncset.done @!p1 $0x0  }
0x3b: {  	[sflag:s6] =	ssyncadd.s32 @!p1 $0xFFFFEFC0;
	s6 =	sor.u32 @!p2 $0x1C05, s7;
	s7 =	sshrl.u32 @!p2 s10, $0x3  }
0x3c: {  	[spmem:s7], [sflag:s6] =	dma.local @!p2 [hbm:s11], $0x13C0  }
0x3d: {  	s6 =	simm.s32 @!p2 $0x5  }
0x3e: {  	_ =	swait.ge @!p2 [sflag:s6], $0x13C0  }
0x3f: {  	s16 =	sld [smem:$0x7F9];
	_ =	sdelay $0x2  }
0x40: {  	[sflag:s6] =	ssyncset.done @!p2 $0x0;
	s8 =	rddreg [dreg:$0x8];
	p1 =	seq.s32 s16, $0x1  }
0x41: {  	[sflag:s6] =	ssyncadd.s32 @!p2 $0xFFFFEC40;
	s6 =	sshrl.u32 @!p1 s12, $0x3;
	s7 =	simm.s32 @!p1 $0x1FC5  }
0x42: {  	[spmem:s6], [sflag:s7] =	dma.local @!p1 [hbm:s8], $0x1040  }
0x43: {  	s6 =	simm.s32 @!p1 $0x5  }
0x44: {  	_ =	swait.ge @!p1 [sflag:s6], $0x1040  }
0x45: {  	s7 =	sshll.u32 @!p4 s0, $0x6;
	[sflag:s6] =	ssyncset.done @!p1 $0x0;
	s8 =	rddreg [dreg:$0x7]  }
0x46: {  	[sflag:s6] =	ssyncadd.s32 @!p1 $0xFFFFEFC0;
	s6 =	sor.u32 @!p4 $0x1C05, s7;
	s7 =	sshrl.u32 @!p4 s10, $0x3  }
0x47: {  	[spmem:s7], [sflag:s6] =	dma.local @!p4 [hbm:s8], $0x13C0  }
0x48: {  	s6 =	simm.s32 @!p4 $0x5  }
0x49: {  	_ =	swait.ge @!p4 [sflag:s6], $0x13C0  }
0x4a: {  	[sflag:s6] =	ssyncset.done @!p4 $0x0  }
0x4b: {  	[sflag:s6] =	ssyncadd.s32 @!p4 $0xFFFFEC40  }
0x4c: {  	[bflag:$0x0] =	sbarrier.arrive $0xFFFF  }
0x4d: {  	[tilespmem:s26], [sflag:$0x1] =	stream.indirect.gather [hbm4b:s4+s25], $0x40, s17, s25, $0xb8;
	[tilespmem:$0x12C40] =	vst v63  }
0x4e: {  	_ = 	snop  }
0x4f: {  	[tilespmem:s28], [sflag:$0x2] =	stream.indirect.gather [hbm4b:s4+s25], $0x40, s25, s25, $0xb8;
	[tilespmem:$0x12C40] =	vst v63  }
0x50: {  	_ =	swait.ge [sflag:s29], $0x2000  }
0x51: {  	[sflag:s29] =	ssyncset.done $0x0  }
0x52: {  	s18 =	simm.s32 $0x2800;
	[sflag:s29] =	ssyncadd.s32 $0xFFFFE000  }
0x53: {  	[spmem:s2] =	stream.indirect.scatter.add.f32 [tilespmem:s26], [sflag:$0x3], $0x40, s18, s25, $0xb8;
	[tilespmem:$0x12C40] =	vst v63  }
0x54: {  	s20 =	simm.s32 $0x2880;
	p3 =	sgt.s32 s19, $0x3;
	_ =	swait.ge [sflag:s30], $0x2000  }
0x55: {  	s14 =	smov.u32 s19;
	p1 =	sgt.s32 s19, $0x2;
	[sflag:s30] =	ssyncset.done $0x0  }
0x56: {  	s7 =	simm.s32 $0x2;
	s8 =	smov.u32 s19;
	[sflag:s30] =	ssyncadd.s32 $0xFFFFE000  }
0x57: {  	[spmem:s2] =	stream.indirect.scatter.add.f32 [tilespmem:s28], [sflag:$0x4], $0x40, s20, s25, $0xb8;
	[tilespmem:$0x12C40] =	vst v63  }
0x58: {  	s9 =	simm.s32 $0x2;
	s8 =	smov.u32 @p1 s7;
	_ =	swait.ge [sflag:s31], $0x2000  }
0x59: {  	p1 =	sne.s32 s24, $0x400;
	s8 =	sshll.u32 s8, $0x9;
	[sflag:s31] =	ssyncset.done $0x0  }
.Ltmp0:
0x5a: {  	s8 =	sshra.s32 s8, $0x2;
	[sflag:s31] =	ssyncadd.s32 $0xFFFFE000;
	(pc) =	sbr.rel @!p1 .LBB2_3-.Ltmp0, $4  }
0x5b: {  	[tilespmem:s26], [sflag:$0x1] =	stream.indirect.gather [hbm4b:s4+s25], $0x40, s8, s25, $0xb8;
	[tilespmem:$0x12C40] =	vst v63  }
0x5c: {  	s7 =	simm.s32 $0x400;
	s6 =	simm.s32 $0x5;
	s8 =	simm.s32 $0x3  }
0x5d: {  	_ =	swait.ge [sflag:s1], $0x2000;
	s14 =	smov.u32 @p3 s8;
	s8 =	simm.s32 $0x1  }
0x5e: {  	[sflag:s1] =	ssyncset.done $0x0;
	s15 =	sshll.u32 s14, $0x9;
	s14 =	simm.s32 $0x7  }
.LBB2_2:
0x5f: {  	s6 =	smov.u32 s14;
	s8 =	smov.u32 s9;
	s15 =	sshra.s32 s15, $0x2  }
0x60: {  	s16 =	smov.u32 s7;
	s7 =	sadd.s32 $0x400, s7;
	[sflag:s1] =	ssyncadd.s32 $0xFFFFE000  }
0x61: {  	[tilespmem:s28], [sflag:$0x2] =	stream.indirect.gather [hbm4b:s4+s25], $0x40, s15, s25, $0xb8;
	[tilespmem:$0x12C40] =	vst v63  }
0x62: {  	p1 =	sne.s32 s24, s7;
	_ =	swait.ge [sflag:s29], $0x2000  }
0x63: {  	s15 =	sshra.s32 s16, $0x2;
	[sflag:s29] =	ssyncset.done $0x0  }
0x64: {  	s16 =	sadd.s32 $0x2800, s15;
	[sflag:s29] =	ssyncadd.s32 $0xFFFFE000  }
0x65: {  	[spmem:s2] =	stream.indirect.scatter.add.f32 [tilespmem:s26], [sflag:$0x3], $0x40, s16, s25, $0xb8;
	[tilespmem:$0x12C40] =	vst v63  }
0x66: {  	_ =	swait.ge [sflag:s30], $0x2000  }
0x67: {  	[sflag:s30] =	ssyncset.done $0x0  }
0x68: {  	s15 =	sadd.s32 $0x2880, s15;
	s16 =	sadd.s32 $0xFFFFFFFD, s14;
	[sflag:s30] =	ssyncadd.s32 $0xFFFFE000  }
0x69: {  	[spmem:s2] =	stream.indirect.scatter.add.f32 [tilespmem:s28], [sflag:$0x4], $0x40, s15, s25, $0xb8;
	[tilespmem:$0x12C40] =	vst v63  }
0x6a: {  	p3 =	slt.s32 s16, s19;
	s15 =	smov.u32 s19;
	_ =	swait.ge [sflag:s31], $0x2000  }
0x6b: {  	s15 =	smov.u32 @p3 s16;
	[sflag:s31] =	ssyncset.done $0x0  }
0x6c: {  	s16 =	sadd.s32 $0xFFFFFFFE, s14;
	s15 =	sshll.u32 s15, $0x9;
	[sflag:s31] =	ssyncadd.s32 $0xFFFFE000  }
.Ltmp1:
0x6d: {  	p3 =	slt.s32 s16, s19;
	s15 =	sshra.s32 s15, $0x2;
	(pc) =	sbr.rel @p1 .LBB2_2-.Ltmp1, $4  }
0x6e: {  	[tilespmem:s26], [sflag:$0x1] =	stream.indirect.gather [hbm4b:s4+s25], $0x40, s15, s25, $0xb8;
	[tilespmem:$0x12C40] =	vst v63  }
0x6f: {  	s15 =	smov.u32 s19  }
0x70: {  	s9 =	sadd.s32 $0x1, s9;
	s15 =	smov.u32 @p3 s16;
	_ =	swait.ge [sflag:s1], $0x2000  }
0x71: {  	s14 =	sadd.s32 $0x2, s14;
	[sflag:s1] =	ssyncset.done $0x0;
	s15 =	sshll.u32 s15, $0x9  }
.LBB2_3:
0x72: {  	[sflag:s1] =	ssyncadd.s32 $0xFFFFE000;
	s9 =	sshra.s32 s15, $0x2  }
0x73: {  	[tilespmem:s28], [sflag:$0x2] =	stream.indirect.gather [hbm4b:s4+s25], $0x40, s9, s25, $0xb8;
	[tilespmem:$0x12C40] =	vst v63  }
0x74: {  	_ =	swait.ge [sflag:s29], $0x2000  }
0x75: {  	s7 =	sshra.s32 s7, $0x2;
	[sflag:s29] =	ssyncset.done $0x0  }
0x76: {  	s16 =	sadd.s32 $0x2800, s7;
	[sflag:s29] =	ssyncadd.s32 $0xFFFFE000  }
0x77: {  	[spmem:s2] =	stream.indirect.scatter.add.f32 [tilespmem:s26], [sflag:$0x3], $0x40, s16, s25, $0xb8;
	[tilespmem:$0x12C40] =	vst v63  }
0x78: {  	_ =	swait.ge [sflag:s30], $0x2000  }
0x79: {  	s15 =	smov.u32 s19;
	s9 =	sadd.s32 $0xFFFFFFFD, s14;
	[sflag:s30] =	ssyncset.done $0x0  }
0x7a: {  	s18 =	sadd.s32 $0x2880, s7;
	p1 =	slt.s32 s9, s19;
	[sflag:s30] =	ssyncadd.s32 $0xFFFFE000  }
0x7b: {  	[spmem:s2] =	stream.indirect.scatter.add.f32 [tilespmem:s28], [sflag:$0x4], $0x40, s18, s25, $0xb8;
	[tilespmem:$0x12C40] =	vst v63  }
0x7c: {  	s15 =	smov.u32 @p1 s9;
	_ =	swait.ge [sflag:s31], $0x2000  }
0x7d: {  	p1 =	slt.s32 s6, s19;
	s9 =	sshll.u32 s15, $0x9;
	[sflag:s31] =	ssyncset.done $0x0  }
0x7e: {  	s15 =	smov.u32 s19;
	s9 =	sshra.s32 s9, $0x2;
	[sflag:s31] =	ssyncadd.s32 $0xFFFFE000  }
0x7f: {  	[tilespmem:s26], [sflag:$0x1] =	stream.indirect.gather [hbm4b:s4+s25], $0x40, s9, s25, $0xb8;
	[tilespmem:$0x12C40] =	vst v63  }
0x80: {  	s15 =	smov.u32 @p1 s6;
	_ =	swait.ge [sflag:s1], $0x2000  }
0x81: {  	s6 =	sshll.u32 s15, $0x9;
	[sflag:s1] =	ssyncset.done $0x0  }
0x82: {  	s6 =	sshra.s32 s6, $0x2;
	[sflag:s1] =	ssyncadd.s32 $0xFFFFE000  }
0x83: {  	[tilespmem:s28], [sflag:$0x2] =	stream.indirect.gather [hbm4b:s4+s25], $0x40, s6, s25, $0xb8;
	[tilespmem:$0x12C40] =	vst v63  }
0x84: {  	_ =	swait.ge [sflag:s29], $0x2000  }
0x85: {  	[sflag:s29] =	ssyncset.done $0x0  }
0x86: {  	s6 =	sadd.s32 $0x2900, s7;
	[sflag:s29] =	ssyncadd.s32 $0xFFFFE000  }
0x87: {  	[spmem:s2] =	stream.indirect.scatter.add.f32 [tilespmem:s26], [sflag:$0x3], $0x40, s6, s25, $0xb8;
	[tilespmem:$0x12C40] =	vst v63  }
0x88: {  	_ =	swait.ge [sflag:s30], $0x2000  }
0x89: {  	s15 =	smov.u32 s19;
	s9 =	sadd.s32 $0xFFFFFFFF, s14;
	[sflag:s30] =	ssyncset.done $0x0  }
0x8a: {  	p1 =	slt.s32 s9, s19;
	s7 =	sadd.s32 $0x2980, s7;
	[sflag:s30] =	ssyncadd.s32 $0xFFFFE000  }
0x8b: {  	[spmem:s2] =	stream.indirect.scatter.add.f32 [tilespmem:s28], [sflag:$0x4], $0x40, s7, s25, $0xb8;
	[tilespmem:$0x12C40] =	vst v63  }
0x8c: {  	s15 =	smov.u32 @p1 s9;
	_ =	swait.ge [sflag:s31], $0x2000  }
0x8d: {  	p1 =	slt.s32 s14, s19;
	s9 =	sshll.u32 s15, $0x7;
	[sflag:s31] =	ssyncset.done $0x0  }
0x8e: {  	s15 =	smov.u32 s19;
	s9 =	sand.u32 $0x3FFFFF80, s9;
	[sflag:s31] =	ssyncadd.s32 $0xFFFFE000  }
0x8f: {  	[tilespmem:s26], [sflag:$0x1] =	stream.indirect.gather [hbm4b:s4+s25], $0x40, s9, s25, $0xb8;
	[tilespmem:$0x12C40] =	vst v63  }
0x90: {  	s15 =	smov.u32 @p1 s14;
	_ =	swait.ge [sflag:s1], $0x2000  }
0x91: {  	s14 =	sshll.u32 s15, $0x7;
	[sflag:s1] =	ssyncset.done $0x0  }
0x92: {  	s14 =	sand.u32 $0x3FFFFF80, s14;
	[sflag:s1] =	ssyncadd.s32 $0xFFFFE000  }
0x93: {  	[tilespmem:s28], [sflag:$0x2] =	stream.indirect.gather [hbm4b:s4+s25], $0x40, s14, s25, $0xb8;
	[tilespmem:$0x12C40] =	vst v63  }
0x94: {  	_ =	swait.ge [sflag:s29], $0x2000  }
0x95: {  	[sflag:s29] =	ssyncset.done $0x0  }
0x96: {  	[sflag:s29] =	ssyncadd.s32 $0xFFFFE000  }
0x97: {  	_ =	swait.ge [sflag:s30], $0x2000  }
0x98: {  	[sflag:s30] =	ssyncset.done $0x0  }
0x99: {  	[sflag:s30] =	ssyncadd.s32 $0xFFFFE000  }
0x9a: {  	s15 =	sshll.u32 @p5 s0, $0x6;
	[bflag:$0x0] =	sbarrier.arrive $0xFFFF  }
0x9b: {  	s16 =	sshrl.u32 @p5 s10, $0x3;
	s15 =	sor.u32 @p5 $0x1C05, s15;
	s18 =	rddreg [dreg:$0x9]  }
0x9c: {  	[hbm:s18], [sflag:s15] =	dma.local @p5 [spmem:s16], $0x13C0  }
0x9d: {  	s16 =	simm.s32 @p5 $0x5  }
0x9e: {  	_ =	swait.ge @p5 [sflag:s16], $0x13C0  }
0x9f: {  	s20 =	sld [smem:$0x7FA];
	_ =	sdelay $0x2  }
0xa0: {  	[sflag:s16] =	ssyncset.done @p5 $0x0;
	p1 =	seq.s32 s20, $0x1  }
0xa1: {  	[sflag:s16] =	ssyncadd.s32 @p5 $0xFFFFEC40;
	s16 =	sshrl.u32 @!p1 s10, $0x3  }
0xa2: {  	[spmem:s16], [sflag:s15] =	dma.local @!p1 [hbm:s11], $0x13C0  }
0xa3: {  	s16 =	simm.s32 @!p1 $0x5  }
0xa4: {  	_ =	swait.ge @!p1 [sflag:s16], $0x13C0  }
0xa5: {  	s18 =	sld [smem:$0x7FB];
	_ =	sdelay $0x1  }
0xa6: {  	[sflag:s16] =	ssyncset.done @!p1 $0x0  }
0xa7: {  	[sflag:s16] =	ssyncadd.s32 @!p1 $0xFFFFEC40;
	p1 =	seq.s32 s18, $0x1  }
0xa8: {  	s16 =	sshrl.u32 @!p1 s10, $0x3  }
0xa9: {  	[spmem:s16], [sflag:s15] =	dma.local @!p1 [hbm:s21], $0x13C0  }
0xaa: {  	s15 =	simm.s32 @!p1 $0x5  }
0xab: {  	_ =	swait.ge @!p1 [sflag:s15], $0x13C0  }
0xac: {  	s16 =	sshrl.u32 @!p5 s12, $0x3;
	[sflag:s15] =	ssyncset.done @!p1 $0x0  }
0xad: {  	s18 =	rddreg [dreg:$0xa];
	[sflag:s15] =	ssyncadd.s32 @!p1 $0xFFFFEC40;
	s15 =	simm.s32 @!p5 $0x1FC5  }
0xae: {  	[hbm:s18], [sflag:s15] =	dma.local @!p5 [spmem:s16], $0x1040  }
0xaf: {  	s16 =	simm.s32 @!p5 $0x5  }
0xb0: {  	_ =	swait.ge @!p5 [sflag:s16], $0x1040  }
0xb1: {  	s20 =	sld [smem:$0x7FC];
	_ =	sdelay $0x2  }
0xb2: {  	[sflag:s16] =	ssyncset.done @!p5 $0x0;
	p1 =	seq.s32 s20, $0x1  }
0xb3: {  	[sflag:s16] =	ssyncadd.s32 @!p5 $0xFFFFEFC0;
	s16 =	sshrl.u32 @!p1 s12, $0x3  }
0xb4: {  	[spmem:s16], [sflag:s15] =	dma.local @!p1 [hbm:s22], $0x1040  }
0xb5: {  	s16 =	simm.s32 @!p1 $0x5  }
0xb6: {  	_ =	swait.ge @!p1 [sflag:s16], $0x1040  }
0xb7: {  	s18 =	sld [smem:$0x7FD];
	_ =	sdelay $0x1  }
0xb8: {  	[sflag:s16] =	ssyncset.done @!p1 $0x0  }
0xb9: {  	[sflag:s16] =	ssyncadd.s32 @!p1 $0xFFFFEFC0;
	p1 =	seq.s32 s18, $0x1  }
0xba: {  	s16 =	sshrl.u32 @!p1 s12, $0x3  }
0xbb: {  	[spmem:s16], [sflag:s15] =	dma.local @!p1 [hbm:s13], $0x1040  }
0xbc: {  	s15 =	simm.s32 @!p1 $0x5  }
0xbd: {  	_ =	swait.ge @!p1 [sflag:s15], $0x1040  }
0xbe: {  	[sflag:s15] =	ssyncset.done @!p1 $0x0  }
0xbf: {  	[sflag:s15] =	ssyncadd.s32 @!p1 $0xFFFFEFC0  }
0xc0: {  	[bflag:$0x0] =	sbarrier.arrive $0xFFFF  }
0xc1: {  	[tilespmem:s26], [sflag:$0x1] =	stream.indirect.gather [hbm4b:s5+s25], $0x40, s17, s25, $0xb8;
	[tilespmem:$0x12C40] =	vst v63  }
0xc2: {  	_ = 	snop  }
0xc3: {  	[tilespmem:s28], [sflag:$0x2] =	stream.indirect.gather [hbm4b:s5+s25], $0x40, s25, s25, $0xb8;
	[tilespmem:$0x12C40] =	vst v63  }
0xc4: {  	_ =	swait.ge [sflag:s29], $0x2000  }
0xc5: {  	[sflag:s29] =	ssyncset.done $0x0  }
0xc6: {  	p3 =	sgt.s32 s19, $0x3;
	s20 =	simm.s32 $0x2800;
	[sflag:s29] =	ssyncadd.s32 $0xFFFFE000  }
0xc7: {  	[spmem:s2] =	stream.indirect.scatter.add.f32 [tilespmem:s26], [sflag:$0x3], $0x40, s20, s25, $0xb8;
	[tilespmem:$0x12C40] =	vst v63  }
0xc8: {  	s18 =	smov.u32 s19;
	s16 =	simm.s32 $0x3;
	_ =	swait.ge [sflag:s30], $0x2000  }
0xc9: {  	p1 =	sgt.s32 s19, $0x2;
	s17 =	simm.s32 $0x2;
	[sflag:s30] =	ssyncset.done $0x0  }
0xca: {  	s15 =	simm.s32 $0x2880;
	s18 =	smov.u32 @p1 s17;
	[sflag:s30] =	ssyncadd.s32 $0xFFFFE000  }
0xcb: {  	[spmem:s2] =	stream.indirect.scatter.add.f32 [tilespmem:s28], [sflag:$0x4], $0x40, s15, s25, $0xb8;
	[tilespmem:$0x12C40] =	vst v63  }
0xcc: {  	p1 =	sne.s32 s8, $0x1;
	s17 =	sshll.u32 s18, $0x9;
	_ =	swait.ge [sflag:s31], $0x2000  }
.Ltmp2:
0xcd: {  	s18 =	smov.u32 s19;
	[sflag:s31] =	ssyncset.done $0x0;
	(pc) =	sbr.rel @!p1 .LBB2_5-.Ltmp2, $4  }
0xce: {  	s17 =	sshra.s32 s17, $0x2;
	s18 =	smov.u32 @p3 s16;
	[sflag:s31] =	ssyncadd.s32 $0xFFFFE000  }
0xcf: {  	[tilespmem:s26], [sflag:$0x1] =	stream.indirect.gather [hbm4b:s5+s25], $0x40, s17, s25, $0xb8;
	[tilespmem:$0x12C40] =	vst v63  }
0xd0: {  	s18 =	sshll.u32 s18, $0x9;
	_ =	swait.ge [sflag:s1], $0x2000  }
0xd1: {  	s17 =	sadd.s32 $0xFFFFFFFF, s8;
	s8 =	simm.s32 $0x2980;
	[sflag:s1] =	ssyncset.done $0x0  }
.LBB2_4:
0xd2: {  	s15 =	smov.u32 s8  }
0xd3: {  	s18 =	sshra.s32 s18, $0x2;
	s16 =	sadd.s32 $0x2, s16;
	[sflag:s1] =	ssyncadd.s32 $0xFFFFE000  }
0xd4: {  	[tilespmem:s28], [sflag:$0x2] =	stream.indirect.gather [hbm4b:s5+s25], $0x40, s18, s25, $0xb8;
	[tilespmem:$0x12C40] =	vst v63  }
0xd5: {  	p1 =	sne.s32 s17, $0x1;
	s17 =	sadd.s32 $0xFFFFFFFF, s17;
	_ =	swait.ge [sflag:s29], $0x2000  }
0xd6: {  	[sflag:s29] =	ssyncset.done $0x0  }
0xd7: {  	s18 =	sadd.s32 $0xFFFFFF80, s8;
	[sflag:s29] =	ssyncadd.s32 $0xFFFFE000  }
0xd8: {  	[spmem:s2] =	stream.indirect.scatter.add.f32 [tilespmem:s26], [sflag:$0x3], $0x40, s18, s25, $0xb8;
	[tilespmem:$0x12C40] =	vst v63  }
0xd9: {  	_ =	swait.ge [sflag:s30], $0x2000  }
0xda: {  	[sflag:s30] =	ssyncset.done $0x0  }
0xdb: {  	s18 =	sadd.s32 $0xFFFFFFFF, s16;
	[sflag:s30] =	ssyncadd.s32 $0xFFFFE000  }
0xdc: {  	[spmem:s2] =	stream.indirect.scatter.add.f32 [tilespmem:s28], [sflag:$0x4], $0x40, s8, s25, $0xb8;
	[tilespmem:$0x12C40] =	vst v63  }
0xdd: {  	s20 =	smov.u32 s19;
	p3 =	slt.s32 s18, s19;
	_ =	swait.ge [sflag:s31], $0x2000  }
0xde: {  	s20 =	smov.u32 @p3 s18;
	[sflag:s31] =	ssyncset.done $0x0  }
0xdf: {  	s18 =	sshll.u32 s20, $0x9;
	[sflag:s31] =	ssyncadd.s32 $0xFFFFE000  }
.Ltmp3:
0xe0: {  	p3 =	slt.s32 s16, s19;
	s18 =	sshra.s32 s18, $0x2;
	(pc) =	sbr.rel @p1 .LBB2_4-.Ltmp3, $4  }
0xe1: {  	[tilespmem:s26], [sflag:$0x1] =	stream.indirect.gather [hbm4b:s5+s25], $0x40, s18, s25, $0xb8;
	[tilespmem:$0x12C40] =	vst v63  }
0xe2: {  	s18 =	smov.u32 s19  }
0xe3: {  	s18 =	smov.u32 @p3 s16;
	_ =	swait.ge [sflag:s1], $0x2000  }
0xe4: {  	s8 =	sadd.s32 $0x100, s8;
	[sflag:s1] =	ssyncset.done $0x0;
	s18 =	sshll.u32 s18, $0x9  }
.LBB2_5:
0xe5: {  	[sflag:s1] =	ssyncadd.s32 $0xFFFFE000;
	s17 =	sshra.s32 s18, $0x2  }
0xe6: {  	[tilespmem:s28], [sflag:$0x2] =	stream.indirect.gather [hbm4b:s5+s25], $0x40, s17, s25, $0xb8;
	[tilespmem:$0x12C40] =	vst v63  }
0xe7: {  	_ =	swait.ge [sflag:s29], $0x2000  }
0xe8: {  	[sflag:s29] =	ssyncset.done $0x0  }
0xe9: {  	s15 =	sadd.s32 $0x80, s15;
	[sflag:s29] =	ssyncadd.s32 $0xFFFFE000  }
0xea: {  	[spmem:s2] =	stream.indirect.scatter.add.f32 [tilespmem:s26], [sflag:$0x3], $0x40, s15, s25, $0xb8;
	[tilespmem:$0x12C40] =	vst v63  }
0xeb: {  	_ =	swait.ge [sflag:s30], $0x2000  }
0xec: {  	[sflag:s30] =	ssyncset.done $0x0  }
0xed: {  	s15 =	sadd.s32 $0x2, s16;
	[sflag:s30] =	ssyncadd.s32 $0xFFFFE000  }
0xee: {  	[spmem:s2] =	stream.indirect.scatter.add.f32 [tilespmem:s28], [sflag:$0x4], $0x40, s8, s25, $0xb8;
	[tilespmem:$0x12C40] =	vst v63  }
0xef: {  	s8 =	sadd.s32 $0xFFFFFFFF, s15  }
0xf0: {  	s16 =	smov.u32 s19;
	p1 =	slt.s32 s8, s19  }
0xf1: {  	_ =	swait.ge [sflag:s31], $0x2000;
	s16 =	smov.u32 @p1 s8  }
0xf2: {  	[sflag:s31] =	ssyncset.done $0x0;
	p1 =	slt.s32 s15, s19;
	s8 =	sshll.u32 s16, $0x9  }
0xf3: {  	[sflag:s31] =	ssyncadd.s32 $0xFFFFE000;
	s16 =	smov.u32 s19;
	s8 =	sshra.s32 s8, $0x2  }
0xf4: {  	[tilespmem:s26], [sflag:$0x1] =	stream.indirect.gather [hbm4b:s5+s25], $0x40, s8, s25, $0xb8;
	[tilespmem:$0x12C40] =	vst v63  }
0xf5: {  	s16 =	smov.u32 @p1 s15;
	_ =	swait.ge [sflag:s1], $0x2000  }
0xf6: {  	s20 =	sshll.u32 s16, $0x9;
	[sflag:s1] =	ssyncset.done $0x0  }
0xf7: {  	s8 =	sshra.s32 s20, $0x2;
	[sflag:s1] =	ssyncadd.s32 $0xFFFFE000  }
0xf8: {  	[tilespmem:s28], [sflag:$0x2] =	stream.indirect.gather [hbm4b:s5+s25], $0x40, s8, s25, $0xb8;
	[tilespmem:$0x12C40] =	vst v63  }
0xf9: {  	_ =	swait.ge [sflag:s29], $0x2000  }
0xfa: {  	[sflag:s29] =	ssyncset.done $0x0  }
0xfb: {  	[sflag:s29] =	ssyncadd.s32 $0xFFFFE000  }
0xfc: {  	[spmem:s2] =	stream.indirect.scatter.add.f32 [tilespmem:s26], [sflag:$0x3], $0x40, s6, s25, $0xb8;
	[tilespmem:$0x12C40] =	vst v63  }
0xfd: {  	_ =	swait.ge [sflag:s30], $0x2000  }
0xfe: {  	[sflag:s30] =	ssyncset.done $0x0  }
0xff: {  	[sflag:s30] =	ssyncadd.s32 $0xFFFFE000  }
0x100: {  	[spmem:s2] =	stream.indirect.scatter.add.f32 [tilespmem:s28], [sflag:$0x4], $0x40, s7, s25, $0xb8;
	[tilespmem:$0x12C40] =	vst v63  }
0x101: {  	_ =	swait.ge [sflag:s31], $0x2000  }
0x102: {  	[sflag:s31] =	ssyncset.done $0x0  }
0x103: {  	[sflag:s31] =	ssyncadd.s32 $0xFFFFE000  }
0x104: {  	[tilespmem:s26], [sflag:$0x1] =	stream.indirect.gather [hbm4b:s5+s25], $0x40, s9, s25, $0xb8;
	[tilespmem:$0x12C40] =	vst v63  }
0x105: {  	_ =	swait.ge [sflag:s1], $0x2000  }
0x106: {  	[sflag:s1] =	ssyncset.done $0x0  }
0x107: {  	[sflag:s1] =	ssyncadd.s32 $0xFFFFE000  }
0x108: {  	[tilespmem:s28], [sflag:$0x2] =	stream.indirect.gather [hbm4b:s5+s25], $0x40, s14, s25, $0xb8;
	[tilespmem:$0x12C40] =	vst v63  }
0x109: {  	_ =	swait.ge [sflag:s29], $0x2000  }
0x10a: {  	[sflag:s29] =	ssyncset.done $0x0  }
0x10b: {  	[sflag:s29] =	ssyncadd.s32 $0xFFFFE000  }
0x10c: {  	_ =	swait.ge [sflag:s30], $0x2000  }
0x10d: {  	[sflag:s30] =	ssyncset.done $0x0  }
0x10e: {  	[sflag:s30] =	ssyncadd.s32 $0xFFFFE000  }
0x10f: {  	[bflag:$0x0] =	sbarrier.arrive $0xFFFF  }
0x110: {  	s6 =	sshrl.u32 @p6 s12, $0x3;
	s7 =	simm.s32 @p6 $0x1FC5;
	s8 =	rddreg [dreg:$0xc]  }
0x111: {  	[hbm:s8], [sflag:s7] =	dma.local @p6 [spmem:s6], $0x1040  }
0x112: {  	s3 =	sadd.s32 $0x1, s3;
	s6 =	simm.s32 @p6 $0x5  }
0x113: {  	p1 =	sne.s32 s3, s23;
	_ =	swait.ge @p6 [sflag:s6], $0x1040  }
0x114: {  	s7 =	sshll.u32 @!p6 s0, $0x6;
	[sflag:s6] =	ssyncset.done @p6 $0x0;
	s8 =	rddreg [dreg:$0xb]  }
0x115: {  	[sflag:s6] =	ssyncadd.s32 @p6 $0xFFFFEFC0;
	s6 =	sor.u32 @!p6 $0x1C05, s7;
	s7 =	sshrl.u32 @!p6 s10, $0x3  }
0x116: {  	[hbm:s8], [sflag:s6] =	dma.local @!p6 [spmem:s7], $0x13C0  }
.Ltmp4:
0x117: {  	_ = 	snop;
	(pc) =	sbr.rel @p1 .LBB2_1-.Ltmp4, $4  }
0x118: {  	s6 =	simm.s32 @!p6 $0x5  }
0x119: {  	_ =	swait.ge @!p6 [sflag:s6], $0x13C0  }
0x11a: {  	[sflag:s6] =	ssyncset.done @!p6 $0x0  }
0x11b: {  	s17 =	simm.s32 $0x0;
	[sflag:s6] =	ssyncadd.s32 @!p6 $0xFFFFEC40  }
0x11c: {  	_ =	sfence.sel $0x180000  }
0x11d: {  	[bflag:$0x0] =	sbarrier.arrive $0xFFFF  }
0x11e: {  	_ =	strace $0x9000004D  }
0x11f: {  	[bflag:$0x2] =	sbarrier.arrive $0xFFFF  }
0x120: {  	p0 =	sne.s32 s0, $0x0;
	s0 =	rddreg [dreg:$0x2]  }
0x121: {  	s0 =	sadd.s32 @!p0 $0x100000, s0  }
0x122: {  	[sflag:s0] =	ssyncadd.tile.s32 @!p0 $0x1;
	_ =	shalt  }
.Lfunc_end2:
_tile_overlayer_lowered:
.L_overlay_start_2:
0x123: {  	(tag) =	ssettag $0x2  }
0x124: {  	s0 =	rddreg [dreg:$0x0];
	s2 =	stileid.u32  }
0x125: {  	s1 =	rddreg [dreg:$0x1];
	p0 =	sne.s32 s2, $0x0  }
0x126: {  	s3 =	rddreg [dreg:$0x2];
	[bflag:$0x3] =	sbarrier.arrive $0xFFFF;
	s2 =	simm.s32 @!p0 $0x1C05  }
0x127: {  	[timem:s3], [sflag:s2] =	dma.local @!p0 [hbm:s0], s1  }
0x128: {  	s0 =	simm.s32 @!p0 $0x5  }
0x129: {  	_ =	swait.ge @!p0 [sflag:s0], s1  }
0x12a: {  	s1 =	ssub.s32 @!p0 $0x0, s1;
	[sflag:s0] =	ssyncset.done @!p0 $0x0  }
0x12b: {  	[sflag:s0] =	ssyncadd.s32 @!p0 s1  }
0x12c: {  	[bflag:$0x3] =	sbarrier.arrive $0xFFFF  }
0x12d: {  	_ =	shalt  }

// kernel: kernel.9.cloned.1.call-start
scs
__scs_entry_jumppad:
0x0: {  	(pc) =	sbr.rel $0x88, $3  }
0x1: {  	(tag) =	ssettag $0x0;
	lr =	simm.s32 $0x1  }
0x2: {  	[smem:$0x3F96] =	sst lr;
	_ =	strace $0xD0000000  }
0x3: {  	_ = 	snop  }
0x4: {  	_ = 	snop  }
0x5: {  	_ = 	snop  }
0x6: {  	_ = 	snop  }
0x7: {  	_ = 	snop  }
__scs_overlays_trampoline_lowered:
0x8: {  	[smem:$0x3FA5] =	sst s0  }
0x9: {  	[smem:$0x3FA6] =	sst s1  }
0xa: {  	[smem:$0x3FA7] =	sst s2  }
0xb: {  	[smem:$0x3FA8] =	sst s3  }
0xc: {  	[smem:$0x3FA9] =	sst s4  }
0xd: {  	[smem:$0x3FAA] =	sst s5  }
0xe: {  	[smem:$0x3FAB] =	sst s6  }
0xf: {  	[smem:$0x3FAC] =	sst s7  }
0x10: {  	[smem:$0x3FAD] =	sst s8  }
0x11: {  	[smem:$0x3FAE] =	sst s9;
	s0 =	simm.s32 @!p0 $0x0  }
0x12: {  	s1 =	sld [smem:$0x3F94];
	s0 =	simm.s32 @p0 $0x1  }
0x13: {  	[smem:$0x3FAF] =	sst s0;
	s0 =	simm.s32 @!p1 $0x0  }
0x14: {  	s2 =	sld [smem:$0x3F93];
	s0 =	simm.s32 @p1 $0x1  }
0x15: {  	[smem:$0x3FB0] =	sst s0;
	s0 =	simm.s32 @!p2 $0x0  }
0x16: {  	s3 =	sld [smem:$0x3FDB];
	s0 =	simm.s32 @p2 $0x1  }
0x17: {  	s4 =	simm.s32 $0x1BF5;
	[smem:$0x3FB2] =	sst s0  }
0x18: {  	s0 =	sld [smem:$0x3F95];
	_ =	swait.ge [sflag:s4], $0x0  }
0x19: {  	s7 =	sld [smem:$0x3F96]  }
0x1a: {  	s8 =	sadd.s32 $0xFFFFE003, lr  }
0x1b: {  	s9 =	sadd.s32 $0xFFFFFEF7, lr;
	s5 =	simm.s32 $0xFFFFFFFF;
	p2 =	slt.u32 s8, $0xFFFFF086  }
0x1c: {  	p1 =	slt.u32 s9, $0xF7A;
	s5 =	simm.s32 @!p2 $0x0  }
0x1d: {  	s5 =	simm.s32 @p1 $0x1;
	p0 =	seq.s32 s7, s2  }
0x1e: {  	s7 =	smul.u32 @!p0 $0xF7A, s2;
	p2 =	seq.s32 @!p0 s5, $0x0  }
0x1f: {  	s9 =	smul.u32 $0xF7A, s1;
	s8 =	simm.s32 @!p0 $0x1BF5;
	p2 =	por !p2, p0  }
0x20: {  	[sflag:s8] =	ssyncset.s32 @!p0 $0xFFFFF086;
	s6 =	sadd.s32 @!p0 s3, s7;
	s7 =	simm.s32 @!p0 $0x108  }
0x21: {  	s3 =	sadd.s32 s3, s9;
	s6 =	sadd.s32 @!p0 $0x88, s6;
	s7 =	simm.s32 @p2 $0x1082  }
0x22: {  	[simem:s7], [sflag:s8] =	dma.local @!p0 [hbm:s6], $0xF7A  }
0x23: {  	s9 =	sor.u32 $0xD0000000, s2;
	s6 =	simm.s32 $0x108;
	_ =	swait.ge @!p0 [sflag:s8], $0x0  }
0x24: {  	s3 =	sadd.s32 $0x88, s3;
	s6 =	simm.s32 @!p1 $0x1082;
	[sflag:s4] =	ssyncset.s32 $0xFFFFF086  }
0x25: {  	[simem:s6], [sflag:s4] =	dma.local [hbm:s3], $0xF7A  }
0x26: {  	[smem:$0x3F96] =	sst s1;
	(tag) =	ssettag s2;
	_ =	strace s9  }
0x27: {  	s1 =	sld [smem:$0x3FA6]  }
0x28: {  	s2 =	sld [smem:$0x3FA7]  }
0x29: {  	s4 =	sld [smem:$0x3FA9]  }
0x2a: {  	p0 =	seq.s32 s5, $0x0;
	s5 =	sld [smem:$0x3FAA]  }
0x2b: {  	s6 =	sld [smem:$0x3FAB]  }
0x2c: {  	s7 =	sld [smem:$0x3FAC]  }
0x2d: {  	s3 =	simm.s32 $0x108;
	s8 =	sld [smem:$0x3FAD]  }
0x2e: {  	s3 =	simm.s32 @!p0 $0x1082;
	s9 =	sld [smem:$0x3FAE]  }
0x2f: {  	lr =	sadd.s32 s0, s3;
	s0 =	sld [smem:$0x3FA5]  }
0x30: {  	s3 =	sld [smem:$0x3FA8]  }
0x31: {  	[smem:$0x3FB1] =	sst s10  }
0x32: {  	s10 =	sld [smem:$0x3FAF];
	_ =	sdelay $0x3  }
0x33: {  	p0 =	seq.s32 s10, $0x1;
	s10 =	sld [smem:$0x3FB1];
	_ =	sdelay $0x3  }
0x34: {  	[smem:$0x3FB1] =	sst s10  }
0x35: {  	s10 =	sld [smem:$0x3FB0];
	_ =	sdelay $0x3  }
0x36: {  	p1 =	seq.s32 s10, $0x1;
	s10 =	sld [smem:$0x3FB1];
	_ =	sdelay $0x3  }
0x37: {  	[smem:$0x3FB1] =	sst s10  }
0x38: {  	s10 =	sld [smem:$0x3FB2]  }
0x39: {  	_ = 	snop;
	(pc) =	sbr.ind lr, $3  }
0x3a: {  	_ = 	snop  }
0x3b: {  	_ = 	snop  }
0x3c: {  	p2 =	seq.s32 s10, $0x1;
	s10 =	sld [smem:$0x3FB1]  }
0x3d: {  	_ =	shalt  }
0x3e: {  	_ =	shalt  }
0x3f: {  	_ =	shalt  }
0x40: {  	_ =	shalt  }
0x41: {  	_ =	shalt  }
0x42: {  	_ =	shalt  }
0x43: {  	_ =	shalt  }
0x44: {  	_ =	shalt  }
0x45: {  	_ =	shalt  }
0x46: {  	_ =	shalt  }
0x47: {  	_ =	shalt  }
0x48: {  	_ =	shalt  }
0x49: {  	_ =	shalt  }
0x4a: {  	_ =	shalt  }
0x4b: {  	_ =	shalt  }
0x4c: {  	_ =	shalt  }
0x4d: {  	_ =	shalt  }
0x4e: {  	_ =	shalt  }
0x4f: {  	_ =	shalt  }
0x50: {  	_ =	shalt  }
0x51: {  	_ =	shalt  }
0x52: {  	_ =	shalt  }
0x53: {  	_ =	shalt  }
0x54: {  	_ =	shalt  }
0x55: {  	_ =	shalt  }
0x56: {  	_ =	shalt  }
0x57: {  	_ =	shalt  }
0x58: {  	_ =	shalt  }
0x59: {  	_ =	shalt  }
0x5a: {  	_ =	shalt  }
0x5b: {  	_ =	shalt  }
0x5c: {  	_ =	shalt  }
0x5d: {  	_ =	shalt  }
0x5e: {  	_ =	shalt  }
0x5f: {  	_ =	shalt  }
0x60: {  	_ =	shalt  }
0x61: {  	_ =	shalt  }
0x62: {  	_ =	shalt  }
0x63: {  	_ =	shalt  }
0x64: {  	_ =	shalt  }
0x65: {  	_ =	shalt  }
0x66: {  	_ =	shalt  }
0x67: {  	_ =	shalt  }
0x68: {  	_ =	shalt  }
0x69: {  	_ =	shalt  }
0x6a: {  	_ =	shalt  }
0x6b: {  	_ =	shalt  }
0x6c: {  	_ =	shalt  }
0x6d: {  	_ =	shalt  }
0x6e: {  	_ =	shalt  }
0x6f: {  	_ =	shalt  }
0x70: {  	_ =	shalt  }
0x71: {  	_ =	shalt  }
0x72: {  	_ =	shalt  }
0x73: {  	_ =	shalt  }
0x74: {  	_ =	shalt  }
0x75: {  	_ =	shalt  }
0x76: {  	_ =	shalt  }
0x77: {  	_ =	shalt  }
0x78: {  	_ =	shalt  }
0x79: {  	_ =	shalt  }
0x7a: {  	_ =	shalt  }
0x7b: {  	_ =	shalt  }
0x7c: {  	_ =	shalt  }
0x7d: {  	_ =	shalt  }
0x7e: {  	_ =	shalt  }
0x7f: {  	_ =	shalt  }
0x80: {  	_ =	shalt  }
0x81: {  	_ =	shalt  }
0x82: {  	_ =	shalt  }
0x83: {  	_ =	shalt  }
0x84: {  	_ =	shalt  }
0x85: {  	_ =	shalt  }
0x86: {  	_ =	shalt  }
0x87: {  	_ =	shalt  }
.Lfunc_end0:
.L_simem_size_0:
called_computation_lowered:
.L_overlay_start_0:
0x88: {  	s2 =	sld [smem:$0x3FD9]  }
0x89: {  	s3 =	sld [smem:$0x3FFE];
	_ =	sdelay $0x1  }
0x8a: {  	s1 =	srdreg.scid  }
0x8b: {  	s0 =	sand.u32 $0x1, s1  }
0x8c: {  	s14 =	sshll.u32 s0, $0xA;
	s2 =	sadd.s32 s3, s2  }
0x8d: {  	s2 =	sadd.s32 s2, s14  }
0x8e: {  	[smem:$0x3FBD] =	sst s2  }
0x8f: {  	_ = 	snop  }
0x90: {  	s2 =	sld [smem:$0x3FD0];
	_ =	sdelay $0x2  }
0x91: {  	s15 =	simm.s32 $0xA;
	s4 =	simm.s32 $0x10  }
0x92: {  	[smem:s4], [sflag:s15] =	dma.local [hbm:s2], $0x1  }
0x93: {  	_ =	swait.eq [sflag:s15], $0x1  }
0x94: {  	[sflag:s15] =	ssyncset.done $0x0  }
0x95: {  	[sflag:s15] =	ssyncadd.s32 $0xFFFFFFFF  }
0x96: {  	s16 =	sld [smem:$0x10];
	(tm) =	ssettm $0x1  }
0x97: {  	s17 =	sld [smem:$0x3FFB];
	_ =	sdelay $0x3  }
0x98: {  	_ =	strace s17  }
0x99: {  	s3 =	sld [smem:$0x3FFC];
	_ =	sdelay $0x3  }
0x9a: {  	_ =	strace s3  }
0x9b: {  	s3 =	sld [smem:$0x3FFD];
	_ =	sdelay $0x3  }
0x9c: {  	_ =	strace s3  }
0x9d: {  	_ =	strace $0x8FFFFFFF  }
0x9e: {  	s18 =	sld [smem:$0x3FDB];
	_ =	sdelay $0x1  }
0x9f: {  	s19 =	simm.s32 $_scs_section_size  }
0xa0: {  	s5 =	simm.s32 $_size__tile_overlayer_lowered;
	s6 =	simm.s32 $_tile_overlayer_lowered  }
0xa1: {  	s22 =	simm.s32 $0x1BFF;
	s21 =	sshll.u32 s6, $0x1;
	s3 =	sadd.s32 s19, s18  }
0xa2: {  	s7 =	simm.s32 $0x0;
	s20 =	sshll.u32 s5, $0x1;
	s5 =	sadd.s32 s21, s3  }
0xa3: {  	[timem:s7], [sflag:s22] =	dma.local [hbm:s5], s20  }
0xa4: {  	_ =	swait.ge [sflag:s22], s20  }
0xa5: {  	s4 =	ssub.s32 $0x0, s20;
	[sflag:s22] =	ssyncset.done $0x0  }
0xa6: {  	[sflag:s22] =	ssyncadd.s32 s4;
	_ =	sdelay $0x1  }
0xa7: {  	s23 =	simm.s32 $0x1B8B  }
0xa8: {  	_ =	swait.ge [sflag:s23], $0x1  }
0xa9: {  	[sflag:s23] =	ssyncset.done $0x0  }
0xaa: {  	s25 =	simm.s32 $0x1B8E;
	s24 =	sld [smem:$0x3FFE];
	[sflag:s23] =	ssyncadd.s32 $0xFFFFFFFF  }
0xab: {  	s26 =	simm.s32 $execute0_lowered;
	[smem:$0x3FD2] =	sst s25  }
0xac: {  	s5 =	sshll.u32 s26, $0x1;
	_ =	strace $0x80000046;
	[dreg:$0x1] =	wrdreg $0xFFFFFFFF  }
0xad: {  	s28 =	simm.s32 $_size_execute0_lowered;
	s3 =	sadd.s32 s3, s5;
	[dreg:$0x0] =	wrdreg $0x0  }
0xae: {  	s5 =	sshll.u32 s28, $0x1;
	[dreg:$0x2] =	wrdreg s3  }
0xaf: {  	[dreg:$0x3] =	wrdreg s5  }
0xb0: {  	[dreg:$0x4] =	wrdreg $0xC0  }
0xb1: {  	_ =	task [dreg:s7], $0x5FFFF  }
0xb2: {  	[dreg:$0x1] =	wrdreg $0xFFFFFFFF  }
0xb3: {  	[dreg:$0x0] =	wrdreg $0x60  }
0xb4: {  	[dreg:$0x2] =	wrdreg s24  }
0xb5: {  	[dreg:$0x3] =	wrdreg s16  }
0xb6: {  	[dreg:$0x4] =	wrdreg $0x30000  }
0xb7: {  	[dreg:$0x5] =	wrdreg $0x9  }
0xb8: {  	_ =	task.clear_ibuf [dreg:s7], $0x6FFFF;
	_ =	strace $0x90000046  }
0xb9: {  	s29 =	simm.s32 $0x9;
	_ =	strace $0x80000048  }
0xba: {  	_ =	swait.ge [sflag:s29], $0x1  }
0xbb: {  	[sflag:s29] =	ssyncadd.s32 $0xFFFFFFFF  }
0xbc: {  	_ =	strace $0x90000048  }
0xbd: {  	_ =	sfence  }
0xbe: {  	s30 =	sld [smem:$0x0];
	_ =	sdelay $0x2  }
0xbf: {  	s31 =	sshll.u32 s1, $0xD;
	s1 =	sshrl.u32 s1, $0x2  }
0xc0: {  	s3 =	sand.u32 $0x4000, s31;
	s1 =	sadd.s32 s1, s30  }
0xc1: {  	s0 =	sor.u32 s3, s0;
	s1 =	sshll.u32 s1, $0x11  }
0xc2: {  	s0 =	sor.u32 s1, s0  }
0xc3: {  	s0 =	sadd.s32 $0x8F2B, s0  }
0xc4: {  	[sflag:s0] =	ssyncadd.remote.s32 $0x1  }
0xc5: {  	_ =	sfence.sel $0xFFFF  }
0xc6: {  	[dreg:$0x0] =	wrdreg $0xFFFFFFFF;
	(pc) =	sbr.abs _section_cstart, $3  }
0xc7: {  	[dreg:$0x1] =	wrdreg $0xFFFFFFFF  }
0xc8: {  	_ =	task.clear_ibuf [dreg:s7], $0x2FFFF;
	_ =	strace $0x9FFFFFFF  }
0xc9: {  	(tm) =	ssettm $0x7FFFFFFF  }
tec
execute0_lowered:
.L_overlay_start_1:
0x0: {  	(tag) =	ssettag $0x1  }
0x1: {  	s9 =	rddreg [dreg:$0x0]  }
0x2: {  	s2 =	rddreg [dreg:$0x1]  }
0x3: {  	s0 =	srdreg.scid;
	s3 =	rddreg [dreg:$0x2];
	s4 =	simm.s32 $0x0  }
0x4: {  	s16 =	simm.s32 $0x2800;
	s17 =	simm.s32 $0x1;
	s18 =	simm.s32 $0x80  }
0x5: {  	s19 =	simm.s32 $0x0;
	s6 =	sand.u32 $0x1, s0;
	s0 =	stileid.u32  }
0x6: {  	[smem:$0x7FF] =	sst s4;
	s12 =	sadd.s32 $0x1BE00, s9;
	s14 =	sadd.s32 $0x25080, s3  }
0x7: {  	s1 =	sshll.u32 s6, $0x4;
	s10 =	smul.u32 $0x2780, s0;
	s11 =	ssub.s32 $0x2, s6  }
0x8: {  	s31 =	smul.u32 $0x27100, s6;
	p1 =	seq.s32 s0, $0xF;
	s5 =	sor.u32 s0, s1  }
0x9: {  	s1 =	rddreg [dreg:$0x3];
	_ =	strace $0x80000047;
	s13 =	sshrl.u32 s11, $0x1  }
0xa: {  	s7 =	smul.u32 $0x500, s5;
	s30 =	sshrl.u32 s10, $0x3;
	s13 =	ssub.s32 s11, s13  }
0xb: {  	p0 =	seq.s32 s5, $0x1F;
	s5 =	simm.s32 $0x14;
	s15 =	sadd.s32 s10, s3  }
0xc: {  	s10 =	sadd.s32 s10, s31;
	s11 =	sshrl.u32 s31, $0x3;
	s5 =	simm.s32 @!p0 $0x50  }
0xd: {  	s10 =	sshrl.u32 s10, $0x3;
	s11 =	sadd.s32 s12, s11;
	s15 =	sshrl.u32 @!p1 s15, $0x3  }
0xe: {  	s8 =	sadd.s32 s7, s9;
	s7 =	sadd.s32 s30, s9;
	s10 =	sadd.s32 s12, s10  }
0xf: {  	s11 =	sadd.s32 $0x4A10, s11;
	s12 =	smax.u32 s13, $0x1;
	s13 =	sshrl.u32 @p1 s14, $0x3  }
0x10: {  	s14 =	sshll.u32 @!p1 s0, $0x6;
	s6 =	sadd.s32 $0x16E00, s7;
	s7 =	sadd.s32 $0x1B810, s9  }
0x11: {  	s8 =	sadd.s32 $0xD000, s8;
	s9 =	sadd.s32 $0x16B00, s9;
	s14 =	sor.u32 @!p1 $0x1C01, s14  }
.LBB2_1:
0x12: {  	s22 =	simm.s32 @p1 $0x1FC1;
	s21 =	simm.s32 @p1 $0x1  }
0x13: {  	[spmem:s13], [sflag:s22] =	dma.local @p1 [hbm:s7], $0x410  }
0x14: {  	_ =	swait.ge @p1 [sflag:s21], $0x410  }
0x15: {  	[sflag:s21] =	ssyncset.done @p1 $0x0  }
0x16: {  	s20 =	simm.s32 @!p1 $0x1;
	[sflag:s21] =	ssyncadd.s32 @p1 $0xFFFFFBF0  }
0x17: {  	[spmem:s15], [sflag:s14] =	dma.local @!p1 [hbm:s6], $0x4F0  }
0x18: {  	_ =	swait.ge @!p1 [sflag:s20], $0x4F0  }
0x19: {  	[sflag:s20] =	ssyncset.done @!p1 $0x0  }
0x1a: {  	[sflag:s20] =	ssyncadd.s32 @!p1 $0xFFFFFB10  }
0x1b: {  	[tilespmem:s16], [sflag:$0x1] =	stream.linear.gather [hbm4b:s2+s4], $0x800, $0x38;
	[tilespmem:$0x5710] =	vst v63  }
0x1c: {  	_ =	swait.ge [sflag:s17], $0x800  }
0x1d: {  	[sflag:s17] =	ssyncset.done $0x0  }
0x1e: {  	s23 =	simm.s32 @p0 $0x0;
	[sflag:s17] =	ssyncadd.s32 $0xFFFFF800  }
0x1f: {  	[tilespmem:s23], [sflag:$0x1] =	stream.linear.gather @p0 [hbm4b:s9+s23], $0xA00, $0x38;
	[tilespmem:$0x5710] =	vst v63  }
0x20: {  	s23 =	simm.s32 @p0 $0x1  }
0x21: {  	_ =	swait.ge @p0 [sflag:s23], $0xA00  }
0x22: {  	[sflag:s23] =	ssyncset.done @p0 $0x0  }
0x23: {  	[sflag:s23] =	ssyncadd.s32 @p0 $0xFFFFF600;
	s23 =	simm.s32 @!p0 $0x0  }
0x24: {  	[tilespmem:s23], [sflag:$0x1] =	stream.linear.gather @!p0 [hbm4b:s8+s23], $0x2800, $0x38;
	[tilespmem:$0x5710] =	vst v63  }
0x25: {  	s23 =	simm.s32 @!p0 $0x1  }
0x26: {  	_ =	swait.ge @!p0 [sflag:s23], $0x2800  }
0x27: {  	p2 =	sne.s32 s5, $0x1;
	[sflag:s23] =	ssyncset.done @!p0 $0x0  }
.Ltmp0:
0x28: {  	[sflag:s23] =	ssyncadd.s32 @!p0 $0xFFFFD800;
	(pc) =	sbr.rel @!p2 .LBB2_3-.Ltmp0, $4  }
0x29: {  	[bflag:$0x0] =	sbarrier.arrive $0xFFFF  }
0x2a: {  	[spmem:s3] =	stream.indirect.scatter.add.f32 [tilespmem:s16], [sflag:$0x1], $0x10, s4, s18, $0xb8;
	[tilespmem:$0x5710] =	vst v63  }
0x2b: {  	_ =	swait.ge [sflag:s17], $0x800  }
0x2c: {  	s24 =	simm.s32 $0x0;
	s23 =	sadd.s32 $0xFFFFFFFF, s5;
	[sflag:s17] =	ssyncset.done $0x0  }
.LBB2_2:
0x2d: {  	p2 =	sne.s32 s23, $0x1;
	[sflag:s17] =	ssyncadd.s32 $0xFFFFF800;
	s24 =	sadd.s32 $0x80, s24  }
.Ltmp1:
0x2e: {  	s23 =	sadd.s32 $0xFFFFFFFF, s23;
	(pc) =	sbr.rel @p2 .LBB2_2-.Ltmp1, $4  }
0x2f: {  	_ = 	snop  }
0x30: {  	[spmem:s3] =	stream.indirect.scatter.add.f32 [tilespmem:s16], [sflag:$0x1], $0x10, s24, s18, $0xb8;
	[tilespmem:$0x5710] =	vst v63  }
0x31: {  	_ =	swait.ge [sflag:s17], $0x800  }
0x32: {  	[sflag:s17] =	ssyncset.done $0x0  }
.LBB2_3:
0x33: {  	[sflag:s17] =	ssyncadd.s32 $0xFFFFF800  }
0x34: {  	[bflag:$0x0] =	sbarrier.arrive $0xFFFF  }
0x35: {  	[hbm:s11], [sflag:s22] =	dma.local @p1 [spmem:s13], $0x410  }
0x36: {  	s19 =	sadd.s32 $0x1, s19;
	_ =	swait.ge @p1 [sflag:s21], $0x410  }
0x37: {  	p2 =	sne.s32 s19, s12;
	[sflag:s21] =	ssyncset.done @p1 $0x0  }
.Ltmp2:
0x38: {  	[sflag:s21] =	ssyncadd.s32 @p1 $0xFFFFFBF0;
	(pc) =	sbr.rel @p2 .LBB2_1-.Ltmp2, $4  }
0x39: {  	[hbm:s10], [sflag:s14] =	dma.local @!p1 [spmem:s15], $0x4F0  }
0x3a: {  	_ =	swait.ge @!p1 [sflag:s20], $0x4F0  }
0x3b: {  	[sflag:s20] =	ssyncset.done @!p1 $0x0  }
0x3c: {  	[sflag:s20] =	ssyncadd.s32 @!p1 $0xFFFFFB10  }
0x3d: {  	_ =	sfence.sel $0x180000  }
0x3e: {  	[bflag:$0x0] =	sbarrier.arrive $0xFFFF  }
0x3f: {  	p0 =	sne.s32 s0, $0x0;
	_ =	strace $0x90000047  }
0x40: {  	s0 =	sadd.s32 @!p0 $0x100000, s1;
	[bflag:$0x2] =	sbarrier.arrive $0xFFFF  }
0x41: {  	[sflag:s0] =	ssyncadd.tile.s32 @!p0 $0x1;
	_ =	shalt  }
.Lfunc_end2:
_tile_overlayer_lowered:
.L_overlay_start_2:
0x42: {  	(tag) =	ssettag $0x2  }
0x43: {  	s0 =	rddreg [dreg:$0x0];
	s2 =	stileid.u32  }
0x44: {  	s1 =	rddreg [dreg:$0x1];
	p0 =	sne.s32 s2, $0x0  }
0x45: {  	s3 =	rddreg [dreg:$0x2];
	[bflag:$0x3] =	sbarrier.arrive $0xFFFF;
	s2 =	simm.s32 @!p0 $0x1C01  }
0x46: {  	[timem:s3], [sflag:s2] =	dma.local @!p0 [hbm:s0], s1  }
0x47: {  	s0 =	simm.s32 @!p0 $0x1  }
0x48: {  	_ =	swait.ge @!p0 [sflag:s0], s1  }
0x49: {  	s1 =	ssub.s32 @!p0 $0x0, s1;
	[sflag:s0] =	ssyncset.done @!p0 $0x0  }
0x4a: {  	[sflag:s0] =	ssyncadd.s32 @!p0 s1  }
0x4b: {  	[bflag:$0x3] =	sbarrier.arrive $0xFFFF  }
0x4c: {  	_ =	shalt  }

</sc_bundles>
